<compile_context>
chip_gen: v7x
topology: tpu7x:2x2x1
jax: 0.10.2.dev20260603
libtpu: 0.0.44.dev20260713+nightly
codegen_flags: <defaults>
</compile_context>

<pallas_src>
import functools

import jax
import jax.numpy as jnp
from jax import lax
from jax.experimental import pallas as pl
from jax.experimental.pallas import tpu as pltpu
from jax.experimental.pallas import tpu_sc as plsc

N = 10000
E = 320000
NC, NS = 2, 16
NW = NC * NS
CH = 128
NCHUNK = 80
SLOTS_W = 10240
CH_N = 64
NCHUNK_N = 158
SLOTS_N = 10112
EW = E // NW
AGG_ROWS = 10112
ZR = AGG_ROWS // NS
BR = 1000


def _spmm_sc(D):
    mesh = plsc.VectorSubcoreMesh(core_axis_name="c", subcore_axis_name="s")
    narrow = D >= 128
    nbuf = 2
    if narrow:
        idx_shape = (NCHUNK_N, CH_N)
        buf_rows = CH_N
        nchunk = NCHUNK_N
    else:
        BK = 32768 // D
        nchunk = SLOTS_W // BK
        idx_shape = (nchunk, BK)
        buf_rows = BK

    @functools.partial(
        pl.kernel,
        out_type=jax.ShapeDtypeStruct((NC, AGG_ROWS, D), jnp.float32),
        mesh=mesh,
        scratch_types=[
            pltpu.VMEM(idx_shape, jnp.int32),
            pltpu.VMEM(idx_shape, jnp.int32),
            [pltpu.VMEM((buf_rows, D), jnp.float32) for _ in range(nbuf)],
            pltpu.VMEM_SHARED((AGG_ROWS, D), jnp.float32),
            [pltpu.SemaphoreType.DMA for _ in range(2 * nbuf)],
        ],
        compiler_params=pltpu.CompilerParams(use_tc_tiling_on_sc=False),
    )
    def spmm(y_hbm, srcp_hbm, dstp_hbm, zeros_hbm, out_hbm,
             src_v, dst_v, bufs, agg, sems):
        gs, ss = sems[:nbuf], sems[nbuf:]
        c = lax.axis_index("c")
        s = lax.axis_index("s")
        wid = s * NC + c
        pltpu.sync_copy(zeros_hbm.at[pl.ds(s * ZR, ZR)], agg.at[pl.ds(s * ZR, ZR)])
        pltpu.sync_copy(srcp_hbm.at[wid], src_v)
        pltpu.sync_copy(dstp_hbm.at[wid], dst_v)
        plsc.subcore_barrier()

        def gath(k, b):
            return pltpu.async_copy(y_hbm.at[src_v.at[k]], bufs[b], gs[b])

        def gwait(k, b):
            pltpu.make_async_copy(y_hbm.at[src_v.at[k]], bufs[b], gs[b]).wait()

        def scat(k, b):
            return pltpu.async_copy(bufs[b], agg.at[dst_v.at[k]], ss[b], add=True)

        if narrow:
            half = nchunk // 2
            gath(0, 0)
            gath(1, 1)

            def body(j, carry):
                k = 2 * j
                gwait(k, 0)
                d0 = scat(k, 0)
                gwait(k + 1, 1)
                d1 = scat(k + 1, 1)
                d0.wait()
                gath(k + 2, 0)
                d1.wait()
                gath(k + 3, 1)
                return carry

            lax.fori_loop(0, half - 1, body, 0)
            gwait(nchunk - 2, 0)
            d0 = scat(nchunk - 2, 0)
            gwait(nchunk - 1, 1)
            d1 = scat(nchunk - 1, 1)
            d0.wait()
            d1.wait()
        else:
            gath(0, 0)
            for k in range(nchunk):
                b = k & 1
                if k + 1 < nchunk:
                    gath(k + 1, 1 - b)
                gwait(k, b)
                scat(k, b).wait()
        plsc.subcore_barrier()
        pltpu.sync_copy(agg.at[pl.ds(s * ZR, ZR)], out_hbm.at[c, pl.ds(s * ZR, ZR)])

    return spmm


def _deg_sc():
    mesh = plsc.VectorSubcoreMesh(core_axis_name="c", subcore_axis_name="s")
    D = 16

    @functools.partial(
        pl.kernel,
        out_type=jax.ShapeDtypeStruct((NC, AGG_ROWS, D), jnp.float32),
        mesh=mesh,
        scratch_types=[
            pltpu.VMEM((NCHUNK, CH), jnp.int32),
            pltpu.VMEM((CH, D), jnp.float32),
            pltpu.VMEM_SHARED((AGG_ROWS, D), jnp.float32),
            pltpu.SemaphoreType.DMA,
        ],
        compiler_params=pltpu.CompilerParams(use_tc_tiling_on_sc=False),
    )
    def degk(onescol_hbm, dstp_hbm, zeros_hbm, out_hbm, dst_v, buf, agg, sem):
        c = lax.axis_index("c")
        s = lax.axis_index("s")
        wid = s * NC + c
        pltpu.sync_copy(zeros_hbm.at[pl.ds(s * ZR, ZR)], agg.at[pl.ds(s * ZR, ZR)])
        pltpu.sync_copy(onescol_hbm, buf)
        pltpu.sync_copy(dstp_hbm.at[wid], dst_v)
        plsc.subcore_barrier()

        def body(j, carry):
            ds = [pltpu.async_copy(buf, agg.at[dst_v.at[8 * j + t]], sem, add=True)
                  for t in range(8)]
            for d in ds:
                d.wait()
            return carry

        nfull = NCHUNK // 8
        lax.fori_loop(0, nfull, body, 0)
        tail = [pltpu.async_copy(buf, agg.at[dst_v.at[8 * nfull + t]], sem, add=True)
                for t in range(NCHUNK - 8 * nfull)]
        for d in tail:
            d.wait()
        plsc.subcore_barrier()
        pltpu.sync_copy(agg.at[pl.ds(s * ZR, ZR)], out_hbm.at[c, pl.ds(s * ZR, ZR)])

    return degk


def _dot(a, b):
    return lax.dot_general(a, b, (((1,), (0,)), ((), ())),
                           precision=lax.Precision.HIGHEST,
                           preferred_element_type=jnp.float32)


def _tc_first(din, dout):
    def body(x_ref, w_ref, degs_ref, y_ref, dinv_ref):
        deg = degs_ref[0, :, 0:1] + degs_ref[1, :, 0:1] + 1.0
        dinv = lax.rsqrt(deg)
        y_ref[...] = _dot(x_ref[...], w_ref[...]) * dinv
        dinv_ref[...] = dinv

    return pl.pallas_call(
        body,
        grid=(N // BR,),
        in_specs=[
            pl.BlockSpec((BR, din), lambda i: (i, 0)),
            pl.BlockSpec((din, dout), lambda i: (0, 0)),
            pl.BlockSpec((2, BR, 16), lambda i: (0, i, 0)),
        ],
        out_specs=[
            pl.BlockSpec((BR, dout), lambda i: (i, 0)),
            pl.BlockSpec((BR, 1), lambda i: (i, 0)),
        ],
        out_shape=[
            jax.ShapeDtypeStruct((N, dout), jnp.float32),
            jax.ShapeDtypeStruct((N, 1), jnp.float32),
        ],
    )


def _tc_mid(din, dout):
    def body(raw_ref, y_ref, dinv_ref, b_ref, w_ref, out_ref):
        dinv = dinv_ref[...]
        acc = raw_ref[0] + raw_ref[1] + y_ref[...]
        X = jnp.maximum(acc * dinv + b_ref[...], 0.0)
        out_ref[...] = _dot(X, w_ref[...]) * dinv

    return pl.pallas_call(
        body,
        grid=(N // BR,),
        in_specs=[
            pl.BlockSpec((2, BR, din), lambda i: (0, i, 0)),
            pl.BlockSpec((BR, din), lambda i: (i, 0)),
            pl.BlockSpec((BR, 1), lambda i: (i, 0)),
            pl.BlockSpec((1, din), lambda i: (0, 0)),
            pl.BlockSpec((din, dout), lambda i: (0, 0)),
        ],
        out_specs=pl.BlockSpec((BR, dout), lambda i: (i, 0)),
        out_shape=jax.ShapeDtypeStruct((N, dout), jnp.float32),
    )


def _tc_last(din):
    def body(raw_ref, y_ref, dinv_ref, b_ref, out_ref):
        dinv = dinv_ref[...]
        acc = raw_ref[0] + raw_ref[1] + y_ref[...]
        X = jnp.maximum(acc * dinv + b_ref[...], 0.0)
        m = jnp.max(X, axis=1, keepdims=True)
        lse = jnp.log(jnp.sum(jnp.exp(X - m), axis=1, keepdims=True)) + m
        out_ref[...] = X - lse

    return pl.pallas_call(
        body,
        grid=(N // BR,),
        in_specs=[
            pl.BlockSpec((2, BR, din), lambda i: (0, i, 0)),
            pl.BlockSpec((BR, din), lambda i: (i, 0)),
            pl.BlockSpec((BR, 1), lambda i: (i, 0)),
            pl.BlockSpec((1, din), lambda i: (0, 0)),
        ],
        out_specs=pl.BlockSpec((BR, din), lambda i: (i, 0)),
        out_shape=jax.ShapeDtypeStruct((N, din), jnp.float32),
    )


def kernel(x, edge_index, W0, b0, W1, b1, W2, b2, W3, b3, W4, b4):
    src = edge_index[0]
    dst = edge_index[1]

    def lay(a, is_dst, slots):
        npad = slots - EW
        if is_dst:
            s_idx = (jnp.arange(NW, dtype=jnp.int32) // NC)[:, None]
            padv = N + 7 * s_idx + (jnp.arange(npad, dtype=jnp.int32) % 7)[None, :]
        else:
            padv = jnp.zeros((NW, npad), jnp.int32)
        return jnp.concatenate([a.reshape(NW, EW), padv], axis=1)

    src_w = lay(src, False, SLOTS_W)
    dst_w = lay(dst, True, SLOTS_W)
    src_n = lay(src, False, SLOTS_N)
    dst_n = lay(dst, True, SLOTS_N)
    dstp = dst_w.reshape(NW, NCHUNK, CH)
    srcp_n = src_n.reshape(NW, NCHUNK_N, CH_N)
    dstp_n = dst_n.reshape(NW, NCHUNK_N, CH_N)

    def wide(a, D):
        bk = 32768 // D
        return a.reshape(NW, SLOTS_W // bk, bk)
    onescol = jnp.concatenate(
        [jnp.ones((CH, 1), jnp.float32), jnp.zeros((CH, 15), jnp.float32)], axis=1)
    zeros = {d: jnp.zeros((AGG_ROWS, d), jnp.float32) for d in (128, 64, 32, 16)}

    degp = _deg_sc()(onescol, dstp, zeros[16])
    y, dinv = _tc_first(128, 128)(x, W0, degp)

    params = [(b0, W1, 64), (b1, W2, 32), (b2, W3, 16), (b3, W4, 16)]
    din = 128
    for b, W, dout in params:
        if din >= 128:
            sp, dp = srcp_n, dstp_n
        else:
            sp, dp = wide(src_w, din), wide(dst_w, din)
        raw = _spmm_sc(din)(y, sp, dp, zeros[din])
        y = _tc_mid(din, dout)(raw, y, dinv, b.reshape(1, din), W)
        din = dout
    raw = _spmm_sc(din)(y, wide(src_w, din), wide(dst_w, din), zeros[din])
    return _tc_last(din)(raw, y, dinv, b4.reshape(1, din))

# --- scband reference (transcript-rebuilt; emitter-appended) ---
"""Pipeline reference for scband-gcn-28475633172845 (READ-ONLY COPY).

The authoritative reference and input builder live on the scoring server;
editing this copy changes nothing except your own understanding.
"""

import jax, jax.numpy as jnp
import numpy as np

N = 10000
E = 320000
DIMS = [128, 128, 64, 32, 16, 16]
L = 5


def setup_inputs(seed: int = 0) -> dict:
    key = jax.random.key(seed)
    ks = jax.random.split(key, 2 + 2 * L)
    x = jax.random.normal(ks[0], (N, DIMS[0]), dtype=jnp.float32)
    edge_index = jax.random.randint(ks[1], (2, E), 0, N, dtype=jnp.int32)
    inp = {"x": x, "edge_index": edge_index}
    for i in range(L):
        din, dout = DIMS[i], DIMS[i + 1]
        stdv = 1.0 / float(np.sqrt(dout))
        inp[f"W{i}"] = jax.random.uniform(ks[2 + 2 * i], (din, dout), minval=-stdv, maxval=stdv, dtype=jnp.float32)
        inp[f"b{i}"] = jax.random.uniform(ks[3 + 2 * i], (dout,), minval=-stdv, maxval=stdv, dtype=jnp.float32)
    return inp


def reference(x, edge_index, W0, b0, W1, b1, W2, b2, W3, b3, W4, b4):
    # GCN forward: X -> relu(A_hat @ (X W) + b) per layer, then log_softmax.
    # A_hat is the symmetrically-normalized adjacency with self-loops,
    # applied via gather + scatter-add over the edge list (SpMM).
    src = edge_index[0]
    dst = edge_index[1]
    deg = jnp.zeros((N,), dtype=jnp.float32).at[dst].add(1.0) + 1.0  # +1 self-loop
    dinv = 1.0 / jnp.sqrt(deg)
    enorm = dinv[src] * dinv[dst]
    snorm = dinv * dinv
    params = [(W0, b0), (W1, b1), (W2, b2), (W3, b3), (W4, b4)]
    X = x
    for i, (W, b) in enumerate(params):
        support = X @ W
        msg = support[src] * enorm[:, None]
        agg = jnp.zeros((N, W.shape[1]), dtype=jnp.float32).at[dst].add(msg)
        agg = agg + support * snorm[:, None]
        X = jax.nn.relu(agg + b)
        # dropout is identity in eval mode (training=False)
    return jax.nn.log_softmax(X, axis=1)

if __name__ == "__main__":
    import jax
    _d = setup_inputs()
    print(jax.jit(kernel)(*tuple(_d.values())))

</pallas_src>

<mosaic_0001>
#map = affine_map<(d0, d1) -> (0, 0)>
#map1 = affine_map<(d0, d1) -> (0, 0, 0)>
module attributes {stable_mosaic.version = 14 : i64} {
  func.func @spmm(%arg0: i32, %arg1: i32, %arg2: memref<10000x64xf32, #tpu.memory_space<hbm>>, %arg3: memref<32x20x512xi32, #tpu.memory_space<hbm>>, %arg4: memref<32x20x512xi32, #tpu.memory_space<hbm>>, %arg5: memref<10112x64xf32, #tpu.memory_space<hbm>>, %arg6: memref<2x10112x64xf32, #tpu.memory_space<hbm>>, %arg7: memref<20x512xi32, #tpu.memory_space<vmem>>, %arg8: memref<20x512xi32, #tpu.memory_space<vmem>>, %arg9: memref<512x64xf32, #tpu.memory_space<vmem>>, %arg10: memref<512x64xf32, #tpu.memory_space<vmem>>, %arg11: memref<10112x64xf32, #tpu.memory_space<vmem_shared>>, %arg12: memref<!tpu.dma_semaphore, #tpu.memory_space<semaphore_mem>>, %arg13: memref<!tpu.dma_semaphore, #tpu.memory_space<semaphore_mem>>, %arg14: memref<!tpu.dma_semaphore, #tpu.memory_space<semaphore_mem>>, %arg15: memref<!tpu.dma_semaphore, #tpu.memory_space<semaphore_mem>>) attributes {dimension_semantics = [#tpu.dimension_semantics<core_parallel>, #tpu.dimension_semantics<subcore_parallel>], iteration_bounds = array<i64: 2, 16>, scalar_prefetch = 0 : i64, scratch_operands = 9 : i64, tpu.core_type = #tpu.core_type<sc_vector_subcore>, window_params = [{transform_indices = #map}, {transform_indices = #map1}, {transform_indices = #map1}, {transform_indices = #map}, {transform_indices = #map1}]} {
    %mul3A = arith.constant 2 : i32
    %mul3A_0 = arith.muli %arg1, %mul3A : i32
    %add3A = arith.addi %mul3A_0, %arg0 : i32
    %mul3A_1 = arith.constant 632 : i32
    %mul3A_2 = arith.muli %arg1, %mul3A_1 : i32
    %mul3A_3 = arith.constant 632 : i32
    %mul3A_4 = arith.muli %arg1, %mul3A_3 : i32
    "tpu.region"() ({
      %run_scoped3A = tpu.sem_alloc : memref<!tpu.dma_semaphore, #tpu.memory_space<semaphore_mem>>
      %dma_start3A_568 = arith.constant 0 : i32
      %dma_start3A_569 = tpu.memref_slice %arg11[%mul3A_4, %dma_start3A_568] : memref<10112x64xf32, #tpu.memory_space<vmem_shared>> -> memref<632x64xf32, #tpu.memory_space<vmem_shared>>
      %dma_start3A_570 = arith.constant 0 : i32
      %dma_start3A_571 = tpu.memref_slice %arg5[%mul3A_2, %dma_start3A_570] : memref<10112x64xf32, #tpu.memory_space<hbm>> -> memref<632x64xf32, #tpu.memory_space<hbm>>
      tpu.enqueue_dma source(%dma_start3A_571 : memref<632x64xf32, #tpu.memory_space<hbm>>) target(%dma_start3A_569 : memref<632x64xf32, #tpu.memory_space<vmem_shared>>) target_semaphore(%run_scoped3A : memref<!tpu.dma_semaphore, #tpu.memory_space<semaphore_mem>>)
      %dma_wait3A_572 = arith.constant 0 : i32
      %dma_wait3A_573 = tpu.memref_slice %arg11[%mul3A_4, %dma_wait3A_572] : memref<10112x64xf32, #tpu.memory_space<vmem_shared>> -> memref<632x64xf32, #tpu.memory_space<vmem_shared>>
      %dma_wait3A_574 = arith.constant 0 : i32
      %dma_wait3A_575 = tpu.memref_slice %arg5[%mul3A_2, %dma_wait3A_574] : memref<10112x64xf32, #tpu.memory_space<hbm>> -> memref<632x64xf32, #tpu.memory_space<hbm>>
      tpu.wait_dma2 semaphore(%run_scoped3A : memref<!tpu.dma_semaphore, #tpu.memory_space<semaphore_mem>>) src(%dma_wait3A_575 : memref<632x64xf32, #tpu.memory_space<hbm>>) dst(%dma_wait3A_573 : memref<632x64xf32, #tpu.memory_space<vmem_shared>>)
      tpu.yield
    }) : () -> ()
    "tpu.region"() ({
      %run_scoped3A = tpu.sem_alloc : memref<!tpu.dma_semaphore, #tpu.memory_space<semaphore_mem>>
      %dma_start3A_568 = arith.constant 0 : i32
      %dma_start3A_569 = arith.constant 0 : i32
      %dma_start3A_570 = tpu.memref_slice %arg3[%add3A, %dma_start3A_568, %dma_start3A_569] : memref<32x20x512xi32, #tpu.memory_space<hbm>> -> memref<1x20x512xi32, #tpu.memory_space<hbm>>
      %dma_start3A_571 = tpu.memref_squeeze %dma_start3A_570 : memref<1x20x512xi32, #tpu.memory_space<hbm>> -> memref<20x512xi32, #tpu.memory_space<hbm>>
      %dma_start3A_572 = arith.constant 0 : i32
      %dma_start3A_573 = arith.constant 0 : i32
      %dma_start3A_574 = tpu.memref_slice %arg3[%add3A, %dma_start3A_572, %dma_start3A_573] : memref<32x20x512xi32, #tpu.memory_space<hbm>> -> memref<1x20x512xi32, #tpu.memory_space<hbm>>
      %dma_start3A_575 = tpu.memref_squeeze %dma_start3A_574 : memref<1x20x512xi32, #tpu.memory_space<hbm>> -> memref<20x512xi32, #tpu.memory_space<hbm>>
      tpu.enqueue_dma source(%dma_start3A_575 : memref<20x512xi32, #tpu.memory_space<hbm>>) target(%arg7 : memref<20x512xi32, #tpu.memory_space<vmem>>) target_semaphore(%run_scoped3A : memref<!tpu.dma_semaphore, #tpu.memory_space<semaphore_mem>>)
      %dma_wait3A_576 = arith.constant 0 : i32
      %dma_wait3A_577 = arith.constant 0 : i32
      %dma_wait3A_578 = tpu.memref_slice %arg3[%add3A, %dma_wait3A_576, %dma_wait3A_577] : memref<32x20x512xi32, #tpu.memory_space<hbm>> -> memref<1x20x512xi32, #tpu.memory_space<hbm>>
      %dma_wait3A_579 = tpu.memref_squeeze %dma_wait3A_578 : memref<1x20x512xi32, #tpu.memory_space<hbm>> -> memref<20x512xi32, #tpu.memory_space<hbm>>
      %dma_wait3A_580 = arith.constant 0 : i32
      %dma_wait3A_581 = arith.constant 0 : i32
      %dma_wait3A_582 = tpu.memref_slice %arg3[%add3A, %dma_wait3A_580, %dma_wait3A_581] : memref<32x20x512xi32, #tpu.memory_space<hbm>> -> memref<1x20x512xi32, #tpu.memory_space<hbm>>
      %dma_wait3A_583 = tpu.memref_squeeze %dma_wait3A_582 : memref<1x20x512xi32, #tpu.memory_space<hbm>> -> memref<20x512xi32, #tpu.memory_space<hbm>>
      tpu.wait_dma2 semaphore(%run_scoped3A : memref<!tpu.dma_semaphore, #tpu.memory_space<semaphore_mem>>) src(%dma_wait3A_583 : memref<20x512xi32, #tpu.memory_space<hbm>>) dst(%arg7 : memref<20x512xi32, #tpu.memory_space<vmem>>)
      tpu.yield
    }) : () -> ()
    "tpu.region"() ({
      %run_scoped3A = tpu.sem_alloc : memref<!tpu.dma_semaphore, #tpu.memory_space<semaphore_mem>>
      %dma_start3A_568 = arith.constant 0 : i32
      %dma_start3A_569 = arith.constant 0 : i32
      %dma_start3A_570 = tpu.memref_slice %arg4[%add3A, %dma_start3A_568, %dma_start3A_569] : memref<32x20x512xi32, #tpu.memory_space<hbm>> -> memref<1x20x512xi32, #tpu.memory_space<hbm>>
      %dma_start3A_571 = tpu.memref_squeeze %dma_start3A_570 : memref<1x20x512xi32, #tpu.memory_space<hbm>> -> memref<20x512xi32, #tpu.memory_space<hbm>>
      %dma_start3A_572 = arith.constant 0 : i32
      %dma_start3A_573 = arith.constant 0 : i32
      %dma_start3A_574 = tpu.memref_slice %arg4[%add3A, %dma_start3A_572, %dma_start3A_573] : memref<32x20x512xi32, #tpu.memory_space<hbm>> -> memref<1x20x512xi32, #tpu.memory_space<hbm>>
      %dma_start3A_575 = tpu.memref_squeeze %dma_start3A_574 : memref<1x20x512xi32, #tpu.memory_space<hbm>> -> memref<20x512xi32, #tpu.memory_space<hbm>>
      tpu.enqueue_dma source(%dma_start3A_575 : memref<20x512xi32, #tpu.memory_space<hbm>>) target(%arg8 : memref<20x512xi32, #tpu.memory_space<vmem>>) target_semaphore(%run_scoped3A : memref<!tpu.dma_semaphore, #tpu.memory_space<semaphore_mem>>)
      %dma_wait3A_576 = arith.constant 0 : i32
      %dma_wait3A_577 = arith.constant 0 : i32
      %dma_wait3A_578 = tpu.memref_slice %arg4[%add3A, %dma_wait3A_576, %dma_wait3A_577] : memref<32x20x512xi32, #tpu.memory_space<hbm>> -> memref<1x20x512xi32, #tpu.memory_space<hbm>>
      %dma_wait3A_579 = tpu.memref_squeeze %dma_wait3A_578 : memref<1x20x512xi32, #tpu.memory_space<hbm>> -> memref<20x512xi32, #tpu.memory_space<hbm>>
      %dma_wait3A_580 = arith.constant 0 : i32
      %dma_wait3A_581 = arith.constant 0 : i32
      %dma_wait3A_582 = tpu.memref_slice %arg4[%add3A, %dma_wait3A_580, %dma_wait3A_581] : memref<32x20x512xi32, #tpu.memory_space<hbm>> -> memref<1x20x512xi32, #tpu.memory_space<hbm>>
      %dma_wait3A_583 = tpu.memref_squeeze %dma_wait3A_582 : memref<1x20x512xi32, #tpu.memory_space<hbm>> -> memref<20x512xi32, #tpu.memory_space<hbm>>
      tpu.wait_dma2 semaphore(%run_scoped3A : memref<!tpu.dma_semaphore, #tpu.memory_space<semaphore_mem>>) src(%dma_wait3A_583 : memref<20x512xi32, #tpu.memory_space<hbm>>) dst(%arg8 : memref<20x512xi32, #tpu.memory_space<vmem>>)
      tpu.yield
    }) : () -> ()
    %barrier3A = arith.constant 0 : index
    tpu.barrier barrier_id(%barrier3A)
    %dma_start3A = arith.constant 0 : i32
    %dma_start3A_5 = arith.constant 0 : i32
    %dma_start3A_6 = tpu.memref_slice %arg7[%dma_start3A, %dma_start3A_5] : memref<20x512xi32, #tpu.memory_space<vmem>> -> memref<1x512xi32, #tpu.memory_space<vmem>>
    %dma_start3A_7 = tpu.memref_squeeze %dma_start3A_6 : memref<1x512xi32, #tpu.memory_space<vmem>> -> memref<512xi32, #tpu.memory_space<vmem>>
    %dma_start3A_8 = arith.constant 0 : i32
    %dma_start3A_9 = arith.constant 0 : i32
    %dma_start3A_10 = tpu.memref_slice %arg2[%dma_start3A_8, %dma_start3A_9] : memref<10000x64xf32, #tpu.memory_space<hbm>> -> memref<10000x64xf32, #tpu.memory_space<hbm>>
    tpu.enqueue_indirect_dma source(%dma_start3A_10 : memref<10000x64xf32, #tpu.memory_space<hbm>>) target(%arg9 : memref<512x64xf32, #tpu.memory_space<vmem>>) offsets(%dma_start3A_7 : memref<512xi32, #tpu.memory_space<vmem>>) semaphore(%arg12 : memref<!tpu.dma_semaphore, #tpu.memory_space<semaphore_mem>>)
    %dma_start3A_11 = arith.constant 1 : i32
    %dma_start3A_12 = arith.constant 0 : i32
    %dma_start3A_13 = tpu.memref_slice %arg7[%dma_start3A_11, %dma_start3A_12] : memref<20x512xi32, #tpu.memory_space<vmem>> -> memref<1x512xi32, #tpu.memory_space<vmem>>
    %dma_start3A_14 = tpu.memref_squeeze %dma_start3A_13 : memref<1x512xi32, #tpu.memory_space<vmem>> -> memref<512xi32, #tpu.memory_space<vmem>>
    %dma_start3A_15 = arith.constant 0 : i32
    %dma_start3A_16 = arith.constant 0 : i32
    %dma_start3A_17 = tpu.memref_slice %arg2[%dma_start3A_15, %dma_start3A_16] : memref<10000x64xf32, #tpu.memory_space<hbm>> -> memref<10000x64xf32, #tpu.memory_space<hbm>>
    tpu.enqueue_indirect_dma source(%dma_start3A_17 : memref<10000x64xf32, #tpu.memory_space<hbm>>) target(%arg10 : memref<512x64xf32, #tpu.memory_space<vmem>>) offsets(%dma_start3A_14 : memref<512xi32, #tpu.memory_space<vmem>>) semaphore(%arg13 : memref<!tpu.dma_semaphore, #tpu.memory_space<semaphore_mem>>)
    %dma_wait3A = arith.constant 0 : i32
    %dma_wait3A_18 = arith.constant 0 : i32
    %dma_wait3A_19 = tpu.memref_slice %arg7[%dma_wait3A, %dma_wait3A_18] : memref<20x512xi32, #tpu.memory_space<vmem>> -> memref<1x512xi32, #tpu.memory_space<vmem>>
    %dma_wait3A_20 = tpu.memref_squeeze %dma_wait3A_19 : memref<1x512xi32, #tpu.memory_space<vmem>> -> memref<512xi32, #tpu.memory_space<vmem>>
    %dma_wait3A_21 = arith.constant 0 : i32
    %dma_wait3A_22 = arith.constant 0 : i32
    %dma_wait3A_23 = tpu.memref_slice %arg2[%dma_wait3A_21, %dma_wait3A_22] : memref<10000x64xf32, #tpu.memory_space<hbm>> -> memref<10000x64xf32, #tpu.memory_space<hbm>>
    tpu.wait_indirect_dma semaphore(%arg12 : memref<!tpu.dma_semaphore, #tpu.memory_space<semaphore_mem>>) src(%dma_wait3A_23 : memref<10000x64xf32, #tpu.memory_space<hbm>>) dst(%arg9 : memref<512x64xf32, #tpu.memory_space<vmem>>)
    %dma_start3A_24 = arith.constant 0 : i32
    %dma_start3A_25 = arith.constant 0 : i32
    %dma_start3A_26 = tpu.memref_slice %arg8[%dma_start3A_24, %dma_start3A_25] : memref<20x512xi32, #tpu.memory_space<vmem>> -> memref<1x512xi32, #tpu.memory_space<vmem>>
    %dma_start3A_27 = tpu.memref_squeeze %dma_start3A_26 : memref<1x512xi32, #tpu.memory_space<vmem>> -> memref<512xi32, #tpu.memory_space<vmem>>
    %dma_start3A_28 = arith.constant 0 : i32
    %dma_start3A_29 = arith.constant 0 : i32
    %dma_start3A_30 = tpu.memref_slice %arg11[%dma_start3A_28, %dma_start3A_29] : memref<10112x64xf32, #tpu.memory_space<vmem_shared>> -> memref<10112x64xf32, #tpu.memory_space<vmem_shared>>
    tpu.enqueue_indirect_dma source(%arg9 : memref<512x64xf32, #tpu.memory_space<vmem>>) target(%dma_start3A_30 : memref<10112x64xf32, #tpu.memory_space<vmem_shared>>) offsets(%dma_start3A_27 : memref<512xi32, #tpu.memory_space<vmem>>) semaphore(%arg14 : memref<!tpu.dma_semaphore, #tpu.memory_space<semaphore_mem>>) {add = true}
    %dma_wait3A_31 = arith.constant 0 : i32
    %dma_wait3A_32 = arith.constant 0 : i32
    %dma_wait3A_33 = tpu.memref_slice %arg8[%dma_wait3A_31, %dma_wait3A_32] : memref<20x512xi32, #tpu.memory_space<vmem>> -> memref<1x512xi32, #tpu.memory_space<vmem>>
    %dma_wait3A_34 = tpu.memref_squeeze %dma_wait3A_33 : memref<1x512xi32, #tpu.memory_space<vmem>> -> memref<512xi32, #tpu.memory_space<vmem>>
    %dma_wait3A_35 = arith.constant 0 : i32
    %dma_wait3A_36 = arith.constant 0 : i32
    %dma_wait3A_37 = tpu.memref_slice %arg11[%dma_wait3A_35, %dma_wait3A_36] : memref<10112x64xf32, #tpu.memory_space<vmem_shared>> -> memref<10112x64xf32, #tpu.memory_space<vmem_shared>>
    tpu.wait_indirect_dma semaphore(%arg14 : memref<!tpu.dma_semaphore, #tpu.memory_space<semaphore_mem>>) src(%arg9 : memref<512x64xf32, #tpu.memory_space<vmem>>) dst(%dma_wait3A_37 : memref<10112x64xf32, #tpu.memory_space<vmem_shared>>)
    %dma_start3A_38 = arith.constant 2 : i32
    %dma_start3A_39 = arith.constant 0 : i32
    %dma_start3A_40 = tpu.memref_slice %arg7[%dma_start3A_38, %dma_start3A_39] : memref<20x512xi32, #tpu.memory_space<vmem>> -> memref<1x512xi32, #tpu.memory_space<vmem>>
    %dma_start3A_41 = tpu.memref_squeeze %dma_start3A_40 : memref<1x512xi32, #tpu.memory_space<vmem>> -> memref<512xi32, #tpu.memory_space<vmem>>
    %dma_start3A_42 = arith.constant 0 : i32
    %dma_start3A_43 = arith.constant 0 : i32
    %dma_start3A_44 = tpu.memref_slice %arg2[%dma_start3A_42, %dma_start3A_43] : memref<10000x64xf32, #tpu.memory_space<hbm>> -> memref<10000x64xf32, #tpu.memory_space<hbm>>
    tpu.enqueue_indirect_dma source(%dma_start3A_44 : memref<10000x64xf32, #tpu.memory_space<hbm>>) target(%arg9 : memref<512x64xf32, #tpu.memory_space<vmem>>) offsets(%dma_start3A_41 : memref<512xi32, #tpu.memory_space<vmem>>) semaphore(%arg12 : memref<!tpu.dma_semaphore, #tpu.memory_space<semaphore_mem>>)
    %dma_wait3A_45 = arith.constant 1 : i32
    %dma_wait3A_46 = arith.constant 0 : i32
    %dma_wait3A_47 = tpu.memref_slice %arg7[%dma_wait3A_45, %dma_wait3A_46] : memref<20x512xi32, #tpu.memory_space<vmem>> -> memref<1x512xi32, #tpu.memory_space<vmem>>
    %dma_wait3A_48 = tpu.memref_squeeze %dma_wait3A_47 : memref<1x512xi32, #tpu.memory_space<vmem>> -> memref<512xi32, #tpu.memory_space<vmem>>
    %dma_wait3A_49 = arith.constant 0 : i32
    %dma_wait3A_50 = arith.constant 0 : i32
    %dma_wait3A_51 = tpu.memref_slice %arg2[%dma_wait3A_49, %dma_wait3A_50] : memref<10000x64xf32, #tpu.memory_space<hbm>> -> memref<10000x64xf32, #tpu.memory_space<hbm>>
    tpu.wait_indirect_dma semaphore(%arg13 : memref<!tpu.dma_semaphore, #tpu.memory_space<semaphore_mem>>) src(%dma_wait3A_51 : memref<10000x64xf32, #tpu.memory_space<hbm>>) dst(%arg10 : memref<512x64xf32, #tpu.memory_space<vmem>>)
    %dma_start3A_52 = arith.constant 1 : i32
    %dma_start3A_53 = arith.constant 0 : i32
    %dma_start3A_54 = tpu.memref_slice %arg8[%dma_start3A_52, %dma_start3A_53] : memref<20x512xi32, #tpu.memory_space<vmem>> -> memref<1x512xi32, #tpu.memory_space<vmem>>
    %dma_start3A_55 = tpu.memref_squeeze %dma_start3A_54 : memref<1x512xi32, #tpu.memory_space<vmem>> -> memref<512xi32, #tpu.memory_space<vmem>>
    %dma_start3A_56 = arith.constant 0 : i32
    %dma_start3A_57 = arith.constant 0 : i32
    %dma_start3A_58 = tpu.memref_slice %arg11[%dma_start3A_56, %dma_start3A_57] : memref<10112x64xf32, #tpu.memory_space<vmem_shared>> -> memref<10112x64xf32, #tpu.memory_space<vmem_shared>>
    tpu.enqueue_indirect_dma source(%arg10 : memref<512x64xf32, #tpu.memory_space<vmem>>) target(%dma_start3A_58 : memref<10112x64xf32, #tpu.memory_space<vmem_shared>>) offsets(%dma_start3A_55 : memref<512xi32, #tpu.memory_space<vmem>>) semaphore(%arg15 : memref<!tpu.dma_semaphore, #tpu.memory_space<semaphore_mem>>) {add = true}
    %dma_wait3A_59 = arith.constant 1 : i32
    %dma_wait3A_60 = arith.constant 0 : i32
    %dma_wait3A_61 = tpu.memref_slice %arg8[%dma_wait3A_59, %dma_wait3A_60] : memref<20x512xi32, #tpu.memory_space<vmem>> -> memref<1x512xi32, #tpu.memory_space<vmem>>
    %dma_wait3A_62 = tpu.memref_squeeze %dma_wait3A_61 : memref<1x512xi32, #tpu.memory_space<vmem>> -> memref<512xi32, #tpu.memory_space<vmem>>
    %dma_wait3A_63 = arith.constant 0 : i32
    %dma_wait3A_64 = arith.constant 0 : i32
    %dma_wait3A_65 = tpu.memref_slice %arg11[%dma_wait3A_63, %dma_wait3A_64] : memref<10112x64xf32, #tpu.memory_space<vmem_shared>> -> memref<10112x64xf32, #tpu.memory_space<vmem_shared>>
    tpu.wait_indirect_dma semaphore(%arg15 : memref<!tpu.dma_semaphore, #tpu.memory_space<semaphore_mem>>) src(%arg10 : memref<512x64xf32, #tpu.memory_space<vmem>>) dst(%dma_wait3A_65 : memref<10112x64xf32, #tpu.memory_space<vmem_shared>>)
    %dma_start3A_66 = arith.constant 3 : i32
    %dma_start3A_67 = arith.constant 0 : i32
    %dma_start3A_68 = tpu.memref_slice %arg7[%dma_start3A_66, %dma_start3A_67] : memref<20x512xi32, #tpu.memory_space<vmem>> -> memref<1x512xi32, #tpu.memory_space<vmem>>
    %dma_start3A_69 = tpu.memref_squeeze %dma_start3A_68 : memref<1x512xi32, #tpu.memory_space<vmem>> -> memref<512xi32, #tpu.memory_space<vmem>>
    %dma_start3A_70 = arith.constant 0 : i32
    %dma_start3A_71 = arith.constant 0 : i32
    %dma_start3A_72 = tpu.memref_slice %arg2[%dma_start3A_70, %dma_start3A_71] : memref<10000x64xf32, #tpu.memory_space<hbm>> -> memref<10000x64xf32, #tpu.memory_space<hbm>>
    tpu.enqueue_indirect_dma source(%dma_start3A_72 : memref<10000x64xf32, #tpu.memory_space<hbm>>) target(%arg10 : memref<512x64xf32, #tpu.memory_space<vmem>>) offsets(%dma_start3A_69 : memref<512xi32, #tpu.memory_space<vmem>>) semaphore(%arg13 : memref<!tpu.dma_semaphore, #tpu.memory_space<semaphore_mem>>)
    %dma_wait3A_73 = arith.constant 2 : i32
    %dma_wait3A_74 = arith.constant 0 : i32
    %dma_wait3A_75 = tpu.memref_slice %arg7[%dma_wait3A_73, %dma_wait3A_74] : memref<20x512xi32, #tpu.memory_space<vmem>> -> memref<1x512xi32, #tpu.memory_space<vmem>>
    %dma_wait3A_76 = tpu.memref_squeeze %dma_wait3A_75 : memref<1x512xi32, #tpu.memory_space<vmem>> -> memref<512xi32, #tpu.memory_space<vmem>>
    %dma_wait3A_77 = arith.constant 0 : i32
    %dma_wait3A_78 = arith.constant 0 : i32
    %dma_wait3A_79 = tpu.memref_slice %arg2[%dma_wait3A_77, %dma_wait3A_78] : memref<10000x64xf32, #tpu.memory_space<hbm>> -> memref<10000x64xf32, #tpu.memory_space<hbm>>
    tpu.wait_indirect_dma semaphore(%arg12 : memref<!tpu.dma_semaphore, #tpu.memory_space<semaphore_mem>>) src(%dma_wait3A_79 : memref<10000x64xf32, #tpu.memory_space<hbm>>) dst(%arg9 : memref<512x64xf32, #tpu.memory_space<vmem>>)
    %dma_start3A_80 = arith.constant 2 : i32
    %dma_start3A_81 = arith.constant 0 : i32
    %dma_start3A_82 = tpu.memref_slice %arg8[%dma_start3A_80, %dma_start3A_81] : memref<20x512xi32, #tpu.memory_space<vmem>> -> memref<1x512xi32, #tpu.memory_space<vmem>>
    %dma_start3A_83 = tpu.memref_squeeze %dma_start3A_82 : memref<1x512xi32, #tpu.memory_space<vmem>> -> memref<512xi32, #tpu.memory_space<vmem>>
    %dma_start3A_84 = arith.constant 0 : i32
    %dma_start3A_85 = arith.constant 0 : i32
    %dma_start3A_86 = tpu.memref_slice %arg11[%dma_start3A_84, %dma_start3A_85] : memref<10112x64xf32, #tpu.memory_space<vmem_shared>> -> memref<10112x64xf32, #tpu.memory_space<vmem_shared>>
    tpu.enqueue_indirect_dma source(%arg9 : memref<512x64xf32, #tpu.memory_space<vmem>>) target(%dma_start3A_86 : memref<10112x64xf32, #tpu.memory_space<vmem_shared>>) offsets(%dma_start3A_83 : memref<512xi32, #tpu.memory_space<vmem>>) semaphore(%arg14 : memref<!tpu.dma_semaphore, #tpu.memory_space<semaphore_mem>>) {add = true}
    %dma_wait3A_87 = arith.constant 2 : i32
    %dma_wait3A_88 = arith.constant 0 : i32
    %dma_wait3A_89 = tpu.memref_slice %arg8[%dma_wait3A_87, %dma_wait3A_88] : memref<20x512xi32, #tpu.memory_space<vmem>> -> memref<1x512xi32, #tpu.memory_space<vmem>>
    %dma_wait3A_90 = tpu.memref_squeeze %dma_wait3A_89 : memref<1x512xi32, #tpu.memory_space<vmem>> -> memref<512xi32, #tpu.memory_space<vmem>>
    %dma_wait3A_91 = arith.constant 0 : i32
    %dma_wait3A_92 = arith.constant 0 : i32
    %dma_wait3A_93 = tpu.memref_slice %arg11[%dma_wait3A_91, %dma_wait3A_92] : memref<10112x64xf32, #tpu.memory_space<vmem_shared>> -> memref<10112x64xf32, #tpu.memory_space<vmem_shared>>
    tpu.wait_indirect_dma semaphore(%arg14 : memref<!tpu.dma_semaphore, #tpu.memory_space<semaphore_mem>>) src(%arg9 : memref<512x64xf32, #tpu.memory_space<vmem>>) dst(%dma_wait3A_93 : memref<10112x64xf32, #tpu.memory_space<vmem_shared>>)
    %dma_start3A_94 = arith.constant 4 : i32
    %dma_start3A_95 = arith.constant 0 : i32
    %dma_start3A_96 = tpu.memref_slice %arg7[%dma_start3A_94, %dma_start3A_95] : memref<20x512xi32, #tpu.memory_space<vmem>> -> memref<1x512xi32, #tpu.memory_space<vmem>>
    %dma_start3A_97 = tpu.memref_squeeze %dma_start3A_96 : memref<1x512xi32, #tpu.memory_space<vmem>> -> memref<512xi32, #tpu.memory_space<vmem>>
    %dma_start3A_98 = arith.constant 0 : i32
    %dma_start3A_99 = arith.constant 0 : i32
    %dma_start3A_100 = tpu.memref_slice %arg2[%dma_start3A_98, %dma_start3A_99] : memref<10000x64xf32, #tpu.memory_space<hbm>> -> memref<10000x64xf32, #tpu.memory_space<hbm>>
    tpu.enqueue_indirect_dma source(%dma_start3A_100 : memref<10000x64xf32, #tpu.memory_space<hbm>>) target(%arg9 : memref<512x64xf32, #tpu.memory_space<vmem>>) offsets(%dma_start3A_97 : memref<512xi32, #tpu.memory_space<vmem>>) semaphore(%arg12 : memref<!tpu.dma_semaphore, #tpu.memory_space<semaphore_mem>>)
    %dma_wait3A_101 = arith.constant 3 : i32
    %dma_wait3A_102 = arith.constant 0 : i32
    %dma_wait3A_103 = tpu.memref_slice %arg7[%dma_wait3A_101, %dma_wait3A_102] : memref<20x512xi32, #tpu.memory_space<vmem>> -> memref<1x512xi32, #tpu.memory_space<vmem>>
    %dma_wait3A_104 = tpu.memref_squeeze %dma_wait3A_103 : memref<1x512xi32, #tpu.memory_space<vmem>> -> memref<512xi32, #tpu.memory_space<vmem>>
    %dma_wait3A_105 = arith.constant 0 : i32
    %dma_wait3A_106 = arith.constant 0 : i32
    %dma_wait3A_107 = tpu.memref_slice %arg2[%dma_wait3A_105, %dma_wait3A_106] : memref<10000x64xf32, #tpu.memory_space<hbm>> -> memref<10000x64xf32, #tpu.memory_space<hbm>>
    tpu.wait_indirect_dma semaphore(%arg13 : memref<!tpu.dma_semaphore, #tpu.memory_space<semaphore_mem>>) src(%dma_wait3A_107 : memref<10000x64xf32, #tpu.memory_space<hbm>>) dst(%arg10 : memref<512x64xf32, #tpu.memory_space<vmem>>)
    %dma_start3A_108 = arith.constant 3 : i32
    %dma_start3A_109 = arith.constant 0 : i32
    %dma_start3A_110 = tpu.memref_slice %arg8[%dma_start3A_108, %dma_start3A_109] : memref<20x512xi32, #tpu.memory_space<vmem>> -> memref<1x512xi32, #tpu.memory_space<vmem>>
    %dma_start3A_111 = tpu.memref_squeeze %dma_start3A_110 : memref<1x512xi32, #tpu.memory_space<vmem>> -> memref<512xi32, #tpu.memory_space<vmem>>
    %dma_start3A_112 = arith.constant 0 : i32
    %dma_start3A_113 = arith.constant 0 : i32
    %dma_start3A_114 = tpu.memref_slice %arg11[%dma_start3A_112, %dma_start3A_113] : memref<10112x64xf32, #tpu.memory_space<vmem_shared>> -> memref<10112x64xf32, #tpu.memory_space<vmem_shared>>
    tpu.enqueue_indirect_dma source(%arg10 : memref<512x64xf32, #tpu.memory_space<vmem>>) target(%dma_start3A_114 : memref<10112x64xf32, #tpu.memory_space<vmem_shared>>) offsets(%dma_start3A_111 : memref<512xi32, #tpu.memory_space<vmem>>) semaphore(%arg15 : memref<!tpu.dma_semaphore, #tpu.memory_space<semaphore_mem>>) {add = true}
    %dma_wait3A_115 = arith.constant 3 : i32
    %dma_wait3A_116 = arith.constant 0 : i32
    %dma_wait3A_117 = tpu.memref_slice %arg8[%dma_wait3A_115, %dma_wait3A_116] : memref<20x512xi32, #tpu.memory_space<vmem>> -> memref<1x512xi32, #tpu.memory_space<vmem>>
    %dma_wait3A_118 = tpu.memref_squeeze %dma_wait3A_117 : memref<1x512xi32, #tpu.memory_space<vmem>> -> memref<512xi32, #tpu.memory_space<vmem>>
    %dma_wait3A_119 = arith.constant 0 : i32
    %dma_wait3A_120 = arith.constant 0 : i32
    %dma_wait3A_121 = tpu.memref_slice %arg11[%dma_wait3A_119, %dma_wait3A_120] : memref<10112x64xf32, #tpu.memory_space<vmem_shared>> -> memref<10112x64xf32, #tpu.memory_space<vmem_shared>>
    tpu.wait_indirect_dma semaphore(%arg15 : memref<!tpu.dma_semaphore, #tpu.memory_space<semaphore_mem>>) src(%arg10 : memref<512x64xf32, #tpu.memory_space<vmem>>) dst(%dma_wait3A_121 : memref<10112x64xf32, #tpu.memory_space<vmem_shared>>)
    %dma_start3A_122 = arith.constant 5 : i32
    %dma_start3A_123 = arith.constant 0 : i32
    %dma_start3A_124 = tpu.memref_slice %arg7[%dma_start3A_122, %dma_start3A_123] : memref<20x512xi32, #tpu.memory_space<vmem>> -> memref<1x512xi32, #tpu.memory_space<vmem>>
    %dma_start3A_125 = tpu.memref_squeeze %dma_start3A_124 : memref<1x512xi32, #tpu.memory_space<vmem>> -> memref<512xi32, #tpu.memory_space<vmem>>
    %dma_start3A_126 = arith.constant 0 : i32
    %dma_start3A_127 = arith.constant 0 : i32
    %dma_start3A_128 = tpu.memref_slice %arg2[%dma_start3A_126, %dma_start3A_127] : memref<10000x64xf32, #tpu.memory_space<hbm>> -> memref<10000x64xf32, #tpu.memory_space<hbm>>
    tpu.enqueue_indirect_dma source(%dma_start3A_128 : memref<10000x64xf32, #tpu.memory_space<hbm>>) target(%arg10 : memref<512x64xf32, #tpu.memory_space<vmem>>) offsets(%dma_start3A_125 : memref<512xi32, #tpu.memory_space<vmem>>) semaphore(%arg13 : memref<!tpu.dma_semaphore, #tpu.memory_space<semaphore_mem>>)
    %dma_wait3A_129 = arith.constant 4 : i32
    %dma_wait3A_130 = arith.constant 0 : i32
    %dma_wait3A_131 = tpu.memref_slice %arg7[%dma_wait3A_129, %dma_wait3A_130] : memref<20x512xi32, #tpu.memory_space<vmem>> -> memref<1x512xi32, #tpu.memory_space<vmem>>
    %dma_wait3A_132 = tpu.memref_squeeze %dma_wait3A_131 : memref<1x512xi32, #tpu.memory_space<vmem>> -> memref<512xi32, #tpu.memory_space<vmem>>
    %dma_wait3A_133 = arith.constant 0 : i32
    %dma_wait3A_134 = arith.constant 0 : i32
    %dma_wait3A_135 = tpu.memref_slice %arg2[%dma_wait3A_133, %dma_wait3A_134] : memref<10000x64xf32, #tpu.memory_space<hbm>> -> memref<10000x64xf32, #tpu.memory_space<hbm>>
    tpu.wait_indirect_dma semaphore(%arg12 : memref<!tpu.dma_semaphore, #tpu.memory_space<semaphore_mem>>) src(%dma_wait3A_135 : memref<10000x64xf32, #tpu.memory_space<hbm>>) dst(%arg9 : memref<512x64xf32, #tpu.memory_space<vmem>>)
    %dma_start3A_136 = arith.constant 4 : i32
    %dma_start3A_137 = arith.constant 0 : i32
    %dma_start3A_138 = tpu.memref_slice %arg8[%dma_start3A_136, %dma_start3A_137] : memref<20x512xi32, #tpu.memory_space<vmem>> -> memref<1x512xi32, #tpu.memory_space<vmem>>
    %dma_start3A_139 = tpu.memref_squeeze %dma_start3A_138 : memref<1x512xi32, #tpu.memory_space<vmem>> -> memref<512xi32, #tpu.memory_space<vmem>>
    %dma_start3A_140 = arith.constant 0 : i32
    %dma_start3A_141 = arith.constant 0 : i32
    %dma_start3A_142 = tpu.memref_slice %arg11[%dma_start3A_140, %dma_start3A_141] : memref<10112x64xf32, #tpu.memory_space<vmem_shared>> -> memref<10112x64xf32, #tpu.memory_space<vmem_shared>>
    tpu.enqueue_indirect_dma source(%arg9 : memref<512x64xf32, #tpu.memory_space<vmem>>) target(%dma_start3A_142 : memref<10112x64xf32, #tpu.memory_space<vmem_shared>>) offsets(%dma_start3A_139 : memref<512xi32, #tpu.memory_space<vmem>>) semaphore(%arg14 : memref<!tpu.dma_semaphore, #tpu.memory_space<semaphore_mem>>) {add = true}
    %dma_wait3A_143 = arith.constant 4 : i32
    %dma_wait3A_144 = arith.constant 0 : i32
    %dma_wait3A_145 = tpu.memref_slice %arg8[%dma_wait3A_143, %dma_wait3A_144] : memref<20x512xi32, #tpu.memory_space<vmem>> -> memref<1x512xi32, #tpu.memory_space<vmem>>
    %dma_wait3A_146 = tpu.memref_squeeze %dma_wait3A_145 : memref<1x512xi32, #tpu.memory_space<vmem>> -> memref<512xi32, #tpu.memory_space<vmem>>
    %dma_wait3A_147 = arith.constant 0 : i32
    %dma_wait3A_148 = arith.constant 0 : i32
    %dma_wait3A_149 = tpu.memref_slice %arg11[%dma_wait3A_147, %dma_wait3A_148] : memref<10112x64xf32, #tpu.memory_space<vmem_shared>> -> memref<10112x64xf32, #tpu.memory_space<vmem_shared>>
    tpu.wait_indirect_dma semaphore(%arg14 : memref<!tpu.dma_semaphore, #tpu.memory_space<semaphore_mem>>) src(%arg9 : memref<512x64xf32, #tpu.memory_space<vmem>>) dst(%dma_wait3A_149 : memref<10112x64xf32, #tpu.memory_space<vmem_shared>>)
    %dma_start3A_150 = arith.constant 6 : i32
    %dma_start3A_151 = arith.constant 0 : i32
    %dma_start3A_152 = tpu.memref_slice %arg7[%dma_start3A_150, %dma_start3A_151] : memref<20x512xi32, #tpu.memory_space<vmem>> -> memref<1x512xi32, #tpu.memory_space<vmem>>
    %dma_start3A_153 = tpu.memref_squeeze %dma_start3A_152 : memref<1x512xi32, #tpu.memory_space<vmem>> -> memref<512xi32, #tpu.memory_space<vmem>>
    %dma_start3A_154 = arith.constant 0 : i32
    %dma_start3A_155 = arith.constant 0 : i32
    %dma_start3A_156 = tpu.memref_slice %arg2[%dma_start3A_154, %dma_start3A_155] : memref<10000x64xf32, #tpu.memory_space<hbm>> -> memref<10000x64xf32, #tpu.memory_space<hbm>>
    tpu.enqueue_indirect_dma source(%dma_start3A_156 : memref<10000x64xf32, #tpu.memory_space<hbm>>) target(%arg9 : memref<512x64xf32, #tpu.memory_space<vmem>>) offsets(%dma_start3A_153 : memref<512xi32, #tpu.memory_space<vmem>>) semaphore(%arg12 : memref<!tpu.dma_semaphore, #tpu.memory_space<semaphore_mem>>)
    %dma_wait3A_157 = arith.constant 5 : i32
    %dma_wait3A_158 = arith.constant 0 : i32
    %dma_wait3A_159 = tpu.memref_slice %arg7[%dma_wait3A_157, %dma_wait3A_158] : memref<20x512xi32, #tpu.memory_space<vmem>> -> memref<1x512xi32, #tpu.memory_space<vmem>>
    %dma_wait3A_160 = tpu.memref_squeeze %dma_wait3A_159 : memref<1x512xi32, #tpu.memory_space<vmem>> -> memref<512xi32, #tpu.memory_space<vmem>>
    %dma_wait3A_161 = arith.constant 0 : i32
    %dma_wait3A_162 = arith.constant 0 : i32
    %dma_wait3A_163 = tpu.memref_slice %arg2[%dma_wait3A_161, %dma_wait3A_162] : memref<10000x64xf32, #tpu.memory_space<hbm>> -> memref<10000x64xf32, #tpu.memory_space<hbm>>
    tpu.wait_indirect_dma semaphore(%arg13 : memref<!tpu.dma_semaphore, #tpu.memory_space<semaphore_mem>>) src(%dma_wait3A_163 : memref<10000x64xf32, #tpu.memory_space<hbm>>) dst(%arg10 : memref<512x64xf32, #tpu.memory_space<vmem>>)
    %dma_start3A_164 = arith.constant 5 : i32
    %dma_start3A_165 = arith.constant 0 : i32
    %dma_start3A_166 = tpu.memref_slice %arg8[%dma_start3A_164, %dma_start3A_165] : memref<20x512xi32, #tpu.memory_space<vmem>> -> memref<1x512xi32, #tpu.memory_space<vmem>>
    %dma_start3A_167 = tpu.memref_squeeze %dma_start3A_166 : memref<1x512xi32, #tpu.memory_space<vmem>> -> memref<512xi32, #tpu.memory_space<vmem>>
    %dma_start3A_168 = arith.constant 0 : i32
    %dma_start3A_169 = arith.constant 0 : i32
    %dma_start3A_170 = tpu.memref_slice %arg11[%dma_start3A_168, %dma_start3A_169] : memref<10112x64xf32, #tpu.memory_space<vmem_shared>> -> memref<10112x64xf32, #tpu.memory_space<vmem_shared>>
    tpu.enqueue_indirect_dma source(%arg10 : memref<512x64xf32, #tpu.memory_space<vmem>>) target(%dma_start3A_170 : memref<10112x64xf32, #tpu.memory_space<vmem_shared>>) offsets(%dma_start3A_167 : memref<512xi32, #tpu.memory_space<vmem>>) semaphore(%arg15 : memref<!tpu.dma_semaphore, #tpu.memory_space<semaphore_mem>>) {add = true}
    %dma_wait3A_171 = arith.constant 5 : i32
    %dma_wait3A_172 = arith.constant 0 : i32
    %dma_wait3A_173 = tpu.memref_slice %arg8[%dma_wait3A_171, %dma_wait3A_172] : memref<20x512xi32, #tpu.memory_space<vmem>> -> memref<1x512xi32, #tpu.memory_space<vmem>>
    %dma_wait3A_174 = tpu.memref_squeeze %dma_wait3A_173 : memref<1x512xi32, #tpu.memory_space<vmem>> -> memref<512xi32, #tpu.memory_space<vmem>>
    %dma_wait3A_175 = arith.constant 0 : i32
    %dma_wait3A_176 = arith.constant 0 : i32
    %dma_wait3A_177 = tpu.memref_slice %arg11[%dma_wait3A_175, %dma_wait3A_176] : memref<10112x64xf32, #tpu.memory_space<vmem_shared>> -> memref<10112x64xf32, #tpu.memory_space<vmem_shared>>
    tpu.wait_indirect_dma semaphore(%arg15 : memref<!tpu.dma_semaphore, #tpu.memory_space<semaphore_mem>>) src(%arg10 : memref<512x64xf32, #tpu.memory_space<vmem>>) dst(%dma_wait3A_177 : memref<10112x64xf32, #tpu.memory_space<vmem_shared>>)
    %dma_start3A_178 = arith.constant 7 : i32
    %dma_start3A_179 = arith.constant 0 : i32
    %dma_start3A_180 = tpu.memref_slice %arg7[%dma_start3A_178, %dma_start3A_179] : memref<20x512xi32, #tpu.memory_space<vmem>> -> memref<1x512xi32, #tpu.memory_space<vmem>>
    %dma_start3A_181 = tpu.memref_squeeze %dma_start3A_180 : memref<1x512xi32, #tpu.memory_space<vmem>> -> memref<512xi32, #tpu.memory_space<vmem>>
    %dma_start3A_182 = arith.constant 0 : i32
    %dma_start3A_183 = arith.constant 0 : i32
    %dma_start3A_184 = tpu.memref_slice %arg2[%dma_start3A_182, %dma_start3A_183] : memref<10000x64xf32, #tpu.memory_space<hbm>> -> memref<10000x64xf32, #tpu.memory_space<hbm>>
    tpu.enqueue_indirect_dma source(%dma_start3A_184 : memref<10000x64xf32, #tpu.memory_space<hbm>>) target(%arg10 : memref<512x64xf32, #tpu.memory_space<vmem>>) offsets(%dma_start3A_181 : memref<512xi32, #tpu.memory_space<vmem>>) semaphore(%arg13 : memref<!tpu.dma_semaphore, #tpu.memory_space<semaphore_mem>>)
    %dma_wait3A_185 = arith.constant 6 : i32
    %dma_wait3A_186 = arith.constant 0 : i32
    %dma_wait3A_187 = tpu.memref_slice %arg7[%dma_wait3A_185, %dma_wait3A_186] : memref<20x512xi32, #tpu.memory_space<vmem>> -> memref<1x512xi32, #tpu.memory_space<vmem>>
    %dma_wait3A_188 = tpu.memref_squeeze %dma_wait3A_187 : memref<1x512xi32, #tpu.memory_space<vmem>> -> memref<512xi32, #tpu.memory_space<vmem>>
    %dma_wait3A_189 = arith.constant 0 : i32
    %dma_wait3A_190 = arith.constant 0 : i32
    %dma_wait3A_191 = tpu.memref_slice %arg2[%dma_wait3A_189, %dma_wait3A_190] : memref<10000x64xf32, #tpu.memory_space<hbm>> -> memref<10000x64xf32, #tpu.memory_space<hbm>>
    tpu.wait_indirect_dma semaphore(%arg12 : memref<!tpu.dma_semaphore, #tpu.memory_space<semaphore_mem>>) src(%dma_wait3A_191 : memref<10000x64xf32, #tpu.memory_space<hbm>>) dst(%arg9 : memref<512x64xf32, #tpu.memory_space<vmem>>)
    %dma_start3A_192 = arith.constant 6 : i32
    %dma_start3A_193 = arith.constant 0 : i32
    %dma_start3A_194 = tpu.memref_slice %arg8[%dma_start3A_192, %dma_start3A_193] : memref<20x512xi32, #tpu.memory_space<vmem>> -> memref<1x512xi32, #tpu.memory_space<vmem>>
    %dma_start3A_195 = tpu.memref_squeeze %dma_start3A_194 : memref<1x512xi32, #tpu.memory_space<vmem>> -> memref<512xi32, #tpu.memory_space<vmem>>
    %dma_start3A_196 = arith.constant 0 : i32
    %dma_start3A_197 = arith.constant 0 : i32
    %dma_start3A_198 = tpu.memref_slice %arg11[%dma_start3A_196, %dma_start3A_197] : memref<10112x64xf32, #tpu.memory_space<vmem_shared>> -> memref<10112x64xf32, #tpu.memory_space<vmem_shared>>
    tpu.enqueue_indirect_dma source(%arg9 : memref<512x64xf32, #tpu.memory_space<vmem>>) target(%dma_start3A_198 : memref<10112x64xf32, #tpu.memory_space<vmem_shared>>) offsets(%dma_start3A_195 : memref<512xi32, #tpu.memory_space<vmem>>) semaphore(%arg14 : memref<!tpu.dma_semaphore, #tpu.memory_space<semaphore_mem>>) {add = true}
    %dma_wait3A_199 = arith.constant 6 : i32
    %dma_wait3A_200 = arith.constant 0 : i32
    %dma_wait3A_201 = tpu.memref_slice %arg8[%dma_wait3A_199, %dma_wait3A_200] : memref<20x512xi32, #tpu.memory_space<vmem>> -> memref<1x512xi32, #tpu.memory_space<vmem>>
    %dma_wait3A_202 = tpu.memref_squeeze %dma_wait3A_201 : memref<1x512xi32, #tpu.memory_space<vmem>> -> memref<512xi32, #tpu.memory_space<vmem>>
    %dma_wait3A_203 = arith.constant 0 : i32
    %dma_wait3A_204 = arith.constant 0 : i32
    %dma_wait3A_205 = tpu.memref_slice %arg11[%dma_wait3A_203, %dma_wait3A_204] : memref<10112x64xf32, #tpu.memory_space<vmem_shared>> -> memref<10112x64xf32, #tpu.memory_space<vmem_shared>>
    tpu.wait_indirect_dma semaphore(%arg14 : memref<!tpu.dma_semaphore, #tpu.memory_space<semaphore_mem>>) src(%arg9 : memref<512x64xf32, #tpu.memory_space<vmem>>) dst(%dma_wait3A_205 : memref<10112x64xf32, #tpu.memory_space<vmem_shared>>)
    %dma_start3A_206 = arith.constant 8 : i32
    %dma_start3A_207 = arith.constant 0 : i32
    %dma_start3A_208 = tpu.memref_slice %arg7[%dma_start3A_206, %dma_start3A_207] : memref<20x512xi32, #tpu.memory_space<vmem>> -> memref<1x512xi32, #tpu.memory_space<vmem>>
    %dma_start3A_209 = tpu.memref_squeeze %dma_start3A_208 : memref<1x512xi32, #tpu.memory_space<vmem>> -> memref<512xi32, #tpu.memory_space<vmem>>
    %dma_start3A_210 = arith.constant 0 : i32
    %dma_start3A_211 = arith.constant 0 : i32
    %dma_start3A_212 = tpu.memref_slice %arg2[%dma_start3A_210, %dma_start3A_211] : memref<10000x64xf32, #tpu.memory_space<hbm>> -> memref<10000x64xf32, #tpu.memory_space<hbm>>
    tpu.enqueue_indirect_dma source(%dma_start3A_212 : memref<10000x64xf32, #tpu.memory_space<hbm>>) target(%arg9 : memref<512x64xf32, #tpu.memory_space<vmem>>) offsets(%dma_start3A_209 : memref<512xi32, #tpu.memory_space<vmem>>) semaphore(%arg12 : memref<!tpu.dma_semaphore, #tpu.memory_space<semaphore_mem>>)
    %dma_wait3A_213 = arith.constant 7 : i32
    %dma_wait3A_214 = arith.constant 0 : i32
    %dma_wait3A_215 = tpu.memref_slice %arg7[%dma_wait3A_213, %dma_wait3A_214] : memref<20x512xi32, #tpu.memory_space<vmem>> -> memref<1x512xi32, #tpu.memory_space<vmem>>
    %dma_wait3A_216 = tpu.memref_squeeze %dma_wait3A_215 : memref<1x512xi32, #tpu.memory_space<vmem>> -> memref<512xi32, #tpu.memory_space<vmem>>
    %dma_wait3A_217 = arith.constant 0 : i32
    %dma_wait3A_218 = arith.constant 0 : i32
    %dma_wait3A_219 = tpu.memref_slice %arg2[%dma_wait3A_217, %dma_wait3A_218] : memref<10000x64xf32, #tpu.memory_space<hbm>> -> memref<10000x64xf32, #tpu.memory_space<hbm>>
    tpu.wait_indirect_dma semaphore(%arg13 : memref<!tpu.dma_semaphore, #tpu.memory_space<semaphore_mem>>) src(%dma_wait3A_219 : memref<10000x64xf32, #tpu.memory_space<hbm>>) dst(%arg10 : memref<512x64xf32, #tpu.memory_space<vmem>>)
    %dma_start3A_220 = arith.constant 7 : i32
    %dma_start3A_221 = arith.constant 0 : i32
    %dma_start3A_222 = tpu.memref_slice %arg8[%dma_start3A_220, %dma_start3A_221] : memref<20x512xi32, #tpu.memory_space<vmem>> -> memref<1x512xi32, #tpu.memory_space<vmem>>
    %dma_start3A_223 = tpu.memref_squeeze %dma_start3A_222 : memref<1x512xi32, #tpu.memory_space<vmem>> -> memref<512xi32, #tpu.memory_space<vmem>>
    %dma_start3A_224 = arith.constant 0 : i32
    %dma_start3A_225 = arith.constant 0 : i32
    %dma_start3A_226 = tpu.memref_slice %arg11[%dma_start3A_224, %dma_start3A_225] : memref<10112x64xf32, #tpu.memory_space<vmem_shared>> -> memref<10112x64xf32, #tpu.memory_space<vmem_shared>>
    tpu.enqueue_indirect_dma source(%arg10 : memref<512x64xf32, #tpu.memory_space<vmem>>) target(%dma_start3A_226 : memref<10112x64xf32, #tpu.memory_space<vmem_shared>>) offsets(%dma_start3A_223 : memref<512xi32, #tpu.memory_space<vmem>>) semaphore(%arg15 : memref<!tpu.dma_semaphore, #tpu.memory_space<semaphore_mem>>) {add = true}
    %dma_wait3A_227 = arith.constant 7 : i32
    %dma_wait3A_228 = arith.constant 0 : i32
    %dma_wait3A_229 = tpu.memref_slice %arg8[%dma_wait3A_227, %dma_wait3A_228] : memref<20x512xi32, #tpu.memory_space<vmem>> -> memref<1x512xi32, #tpu.memory_space<vmem>>
    %dma_wait3A_230 = tpu.memref_squeeze %dma_wait3A_229 : memref<1x512xi32, #tpu.memory_space<vmem>> -> memref<512xi32, #tpu.memory_space<vmem>>
    %dma_wait3A_231 = arith.constant 0 : i32
    %dma_wait3A_232 = arith.constant 0 : i32
    %dma_wait3A_233 = tpu.memref_slice %arg11[%dma_wait3A_231, %dma_wait3A_232] : memref<10112x64xf32, #tpu.memory_space<vmem_shared>> -> memref<10112x64xf32, #tpu.memory_space<vmem_shared>>
    tpu.wait_indirect_dma semaphore(%arg15 : memref<!tpu.dma_semaphore, #tpu.memory_space<semaphore_mem>>) src(%arg10 : memref<512x64xf32, #tpu.memory_space<vmem>>) dst(%dma_wait3A_233 : memref<10112x64xf32, #tpu.memory_space<vmem_shared>>)
    %dma_start3A_234 = arith.constant 9 : i32
    %dma_start3A_235 = arith.constant 0 : i32
    %dma_start3A_236 = tpu.memref_slice %arg7[%dma_start3A_234, %dma_start3A_235] : memref<20x512xi32, #tpu.memory_space<vmem>> -> memref<1x512xi32, #tpu.memory_space<vmem>>
    %dma_start3A_237 = tpu.memref_squeeze %dma_start3A_236 : memref<1x512xi32, #tpu.memory_space<vmem>> -> memref<512xi32, #tpu.memory_space<vmem>>
    %dma_start3A_238 = arith.constant 0 : i32
    %dma_start3A_239 = arith.constant 0 : i32
    %dma_start3A_240 = tpu.memref_slice %arg2[%dma_start3A_238, %dma_start3A_239] : memref<10000x64xf32, #tpu.memory_space<hbm>> -> memref<10000x64xf32, #tpu.memory_space<hbm>>
    tpu.enqueue_indirect_dma source(%dma_start3A_240 : memref<10000x64xf32, #tpu.memory_space<hbm>>) target(%arg10 : memref<512x64xf32, #tpu.memory_space<vmem>>) offsets(%dma_start3A_237 : memref<512xi32, #tpu.memory_space<vmem>>) semaphore(%arg13 : memref<!tpu.dma_semaphore, #tpu.memory_space<semaphore_mem>>)
    %dma_wait3A_241 = arith.constant 8 : i32
    %dma_wait3A_242 = arith.constant 0 : i32
    %dma_wait3A_243 = tpu.memref_slice %arg7[%dma_wait3A_241, %dma_wait3A_242] : memref<20x512xi32, #tpu.memory_space<vmem>> -> memref<1x512xi32, #tpu.memory_space<vmem>>
    %dma_wait3A_244 = tpu.memref_squeeze %dma_wait3A_243 : memref<1x512xi32, #tpu.memory_space<vmem>> -> memref<512xi32, #tpu.memory_space<vmem>>
    %dma_wait3A_245 = arith.constant 0 : i32
    %dma_wait3A_246 = arith.constant 0 : i32
    %dma_wait3A_247 = tpu.memref_slice %arg2[%dma_wait3A_245, %dma_wait3A_246] : memref<10000x64xf32, #tpu.memory_space<hbm>> -> memref<10000x64xf32, #tpu.memory_space<hbm>>
    tpu.wait_indirect_dma semaphore(%arg12 : memref<!tpu.dma_semaphore, #tpu.memory_space<semaphore_mem>>) src(%dma_wait3A_247 : memref<10000x64xf32, #tpu.memory_space<hbm>>) dst(%arg9 : memref<512x64xf32, #tpu.memory_space<vmem>>)
    %dma_start3A_248 = arith.constant 8 : i32
    %dma_start3A_249 = arith.constant 0 : i32
    %dma_start3A_250 = tpu.memref_slice %arg8[%dma_start3A_248, %dma_start3A_249] : memref<20x512xi32, #tpu.memory_space<vmem>> -> memref<1x512xi32, #tpu.memory_space<vmem>>
    %dma_start3A_251 = tpu.memref_squeeze %dma_start3A_250 : memref<1x512xi32, #tpu.memory_space<vmem>> -> memref<512xi32, #tpu.memory_space<vmem>>
    %dma_start3A_252 = arith.constant 0 : i32
    %dma_start3A_253 = arith.constant 0 : i32
    %dma_start3A_254 = tpu.memref_slice %arg11[%dma_start3A_252, %dma_start3A_253] : memref<10112x64xf32, #tpu.memory_space<vmem_shared>> -> memref<10112x64xf32, #tpu.memory_space<vmem_shared>>
    tpu.enqueue_indirect_dma source(%arg9 : memref<512x64xf32, #tpu.memory_space<vmem>>) target(%dma_start3A_254 : memref<10112x64xf32, #tpu.memory_space<vmem_shared>>) offsets(%dma_start3A_251 : memref<512xi32, #tpu.memory_space<vmem>>) semaphore(%arg14 : memref<!tpu.dma_semaphore, #tpu.memory_space<semaphore_mem>>) {add = true}
    %dma_wait3A_255 = arith.constant 8 : i32
    %dma_wait3A_256 = arith.constant 0 : i32
    %dma_wait3A_257 = tpu.memref_slice %arg8[%dma_wait3A_255, %dma_wait3A_256] : memref<20x512xi32, #tpu.memory_space<vmem>> -> memref<1x512xi32, #tpu.memory_space<vmem>>
    %dma_wait3A_258 = tpu.memref_squeeze %dma_wait3A_257 : memref<1x512xi32, #tpu.memory_space<vmem>> -> memref<512xi32, #tpu.memory_space<vmem>>
    %dma_wait3A_259 = arith.constant 0 : i32
    %dma_wait3A_260 = arith.constant 0 : i32
    %dma_wait3A_261 = tpu.memref_slice %arg11[%dma_wait3A_259, %dma_wait3A_260] : memref<10112x64xf32, #tpu.memory_space<vmem_shared>> -> memref<10112x64xf32, #tpu.memory_space<vmem_shared>>
    tpu.wait_indirect_dma semaphore(%arg14 : memref<!tpu.dma_semaphore, #tpu.memory_space<semaphore_mem>>) src(%arg9 : memref<512x64xf32, #tpu.memory_space<vmem>>) dst(%dma_wait3A_261 : memref<10112x64xf32, #tpu.memory_space<vmem_shared>>)
    %dma_start3A_262 = arith.constant 10 : i32
    %dma_start3A_263 = arith.constant 0 : i32
    %dma_start3A_264 = tpu.memref_slice %arg7[%dma_start3A_262, %dma_start3A_263] : memref<20x512xi32, #tpu.memory_space<vmem>> -> memref<1x512xi32, #tpu.memory_space<vmem>>
    %dma_start3A_265 = tpu.memref_squeeze %dma_start3A_264 : memref<1x512xi32, #tpu.memory_space<vmem>> -> memref<512xi32, #tpu.memory_space<vmem>>
    %dma_start3A_266 = arith.constant 0 : i32
    %dma_start3A_267 = arith.constant 0 : i32
    %dma_start3A_268 = tpu.memref_slice %arg2[%dma_start3A_266, %dma_start3A_267] : memref<10000x64xf32, #tpu.memory_space<hbm>> -> memref<10000x64xf32, #tpu.memory_space<hbm>>
    tpu.enqueue_indirect_dma source(%dma_start3A_268 : memref<10000x64xf32, #tpu.memory_space<hbm>>) target(%arg9 : memref<512x64xf32, #tpu.memory_space<vmem>>) offsets(%dma_start3A_265 : memref<512xi32, #tpu.memory_space<vmem>>) semaphore(%arg12 : memref<!tpu.dma_semaphore, #tpu.memory_space<semaphore_mem>>)
    %dma_wait3A_269 = arith.constant 9 : i32
    %dma_wait3A_270 = arith.constant 0 : i32
    %dma_wait3A_271 = tpu.memref_slice %arg7[%dma_wait3A_269, %dma_wait3A_270] : memref<20x512xi32, #tpu.memory_space<vmem>> -> memref<1x512xi32, #tpu.memory_space<vmem>>
    %dma_wait3A_272 = tpu.memref_squeeze %dma_wait3A_271 : memref<1x512xi32, #tpu.memory_space<vmem>> -> memref<512xi32, #tpu.memory_space<vmem>>
    %dma_wait3A_273 = arith.constant 0 : i32
    %dma_wait3A_274 = arith.constant 0 : i32
    %dma_wait3A_275 = tpu.memref_slice %arg2[%dma_wait3A_273, %dma_wait3A_274] : memref<10000x64xf32, #tpu.memory_space<hbm>> -> memref<10000x64xf32, #tpu.memory_space<hbm>>
    tpu.wait_indirect_dma semaphore(%arg13 : memref<!tpu.dma_semaphore, #tpu.memory_space<semaphore_mem>>) src(%dma_wait3A_275 : memref<10000x64xf32, #tpu.memory_space<hbm>>) dst(%arg10 : memref<512x64xf32, #tpu.memory_space<vmem>>)
    %dma_start3A_276 = arith.constant 9 : i32
    %dma_start3A_277 = arith.constant 0 : i32
    %dma_start3A_278 = tpu.memref_slice %arg8[%dma_start3A_276, %dma_start3A_277] : memref<20x512xi32, #tpu.memory_space<vmem>> -> memref<1x512xi32, #tpu.memory_space<vmem>>
    %dma_start3A_279 = tpu.memref_squeeze %dma_start3A_278 : memref<1x512xi32, #tpu.memory_space<vmem>> -> memref<512xi32, #tpu.memory_space<vmem>>
    %dma_start3A_280 = arith.constant 0 : i32
    %dma_start3A_281 = arith.constant 0 : i32
    %dma_start3A_282 = tpu.memref_slice %arg11[%dma_start3A_280, %dma_start3A_281] : memref<10112x64xf32, #tpu.memory_space<vmem_shared>> -> memref<10112x64xf32, #tpu.memory_space<vmem_shared>>
    tpu.enqueue_indirect_dma source(%arg10 : memref<512x64xf32, #tpu.memory_space<vmem>>) target(%dma_start3A_282 : memref<10112x64xf32, #tpu.memory_space<vmem_shared>>) offsets(%dma_start3A_279 : memref<512xi32, #tpu.memory_space<vmem>>) semaphore(%arg15 : memref<!tpu.dma_semaphore, #tpu.memory_space<semaphore_mem>>) {add = true}
    %dma_wait3A_283 = arith.constant 9 : i32
    %dma_wait3A_284 = arith.constant 0 : i32
    %dma_wait3A_285 = tpu.memref_slice %arg8[%dma_wait3A_283, %dma_wait3A_284] : memref<20x512xi32, #tpu.memory_space<vmem>> -> memref<1x512xi32, #tpu.memory_space<vmem>>
    %dma_wait3A_286 = tpu.memref_squeeze %dma_wait3A_285 : memref<1x512xi32, #tpu.memory_space<vmem>> -> memref<512xi32, #tpu.memory_space<vmem>>
    %dma_wait3A_287 = arith.constant 0 : i32
    %dma_wait3A_288 = arith.constant 0 : i32
    %dma_wait3A_289 = tpu.memref_slice %arg11[%dma_wait3A_287, %dma_wait3A_288] : memref<10112x64xf32, #tpu.memory_space<vmem_shared>> -> memref<10112x64xf32, #tpu.memory_space<vmem_shared>>
    tpu.wait_indirect_dma semaphore(%arg15 : memref<!tpu.dma_semaphore, #tpu.memory_space<semaphore_mem>>) src(%arg10 : memref<512x64xf32, #tpu.memory_space<vmem>>) dst(%dma_wait3A_289 : memref<10112x64xf32, #tpu.memory_space<vmem_shared>>)
    %dma_start3A_290 = arith.constant 11 : i32
    %dma_start3A_291 = arith.constant 0 : i32
    %dma_start3A_292 = tpu.memref_slice %arg7[%dma_start3A_290, %dma_start3A_291] : memref<20x512xi32, #tpu.memory_space<vmem>> -> memref<1x512xi32, #tpu.memory_space<vmem>>
    %dma_start3A_293 = tpu.memref_squeeze %dma_start3A_292 : memref<1x512xi32, #tpu.memory_space<vmem>> -> memref<512xi32, #tpu.memory_space<vmem>>
    %dma_start3A_294 = arith.constant 0 : i32
    %dma_start3A_295 = arith.constant 0 : i32
    %dma_start3A_296 = tpu.memref_slice %arg2[%dma_start3A_294, %dma_start3A_295] : memref<10000x64xf32, #tpu.memory_space<hbm>> -> memref<10000x64xf32, #tpu.memory_space<hbm>>
    tpu.enqueue_indirect_dma source(%dma_start3A_296 : memref<10000x64xf32, #tpu.memory_space<hbm>>) target(%arg10 : memref<512x64xf32, #tpu.memory_space<vmem>>) offsets(%dma_start3A_293 : memref<512xi32, #tpu.memory_space<vmem>>) semaphore(%arg13 : memref<!tpu.dma_semaphore, #tpu.memory_space<semaphore_mem>>)
    %dma_wait3A_297 = arith.constant 10 : i32
    %dma_wait3A_298 = arith.constant 0 : i32
    %dma_wait3A_299 = tpu.memref_slice %arg7[%dma_wait3A_297, %dma_wait3A_298] : memref<20x512xi32, #tpu.memory_space<vmem>> -> memref<1x512xi32, #tpu.memory_space<vmem>>
    %dma_wait3A_300 = tpu.memref_squeeze %dma_wait3A_299 : memref<1x512xi32, #tpu.memory_space<vmem>> -> memref<512xi32, #tpu.memory_space<vmem>>
    %dma_wait3A_301 = arith.constant 0 : i32
    %dma_wait3A_302 = arith.constant 0 : i32
    %dma_wait3A_303 = tpu.memref_slice %arg2[%dma_wait3A_301, %dma_wait3A_302] : memref<10000x64xf32, #tpu.memory_space<hbm>> -> memref<10000x64xf32, #tpu.memory_space<hbm>>
    tpu.wait_indirect_dma semaphore(%arg12 : memref<!tpu.dma_semaphore, #tpu.memory_space<semaphore_mem>>) src(%dma_wait3A_303 : memref<10000x64xf32, #tpu.memory_space<hbm>>) dst(%arg9 : memref<512x64xf32, #tpu.memory_space<vmem>>)
    %dma_start3A_304 = arith.constant 10 : i32
    %dma_start3A_305 = arith.constant 0 : i32
    %dma_start3A_306 = tpu.memref_slice %arg8[%dma_start3A_304, %dma_start3A_305] : memref<20x512xi32, #tpu.memory_space<vmem>> -> memref<1x512xi32, #tpu.memory_space<vmem>>
    %dma_start3A_307 = tpu.memref_squeeze %dma_start3A_306 : memref<1x512xi32, #tpu.memory_space<vmem>> -> memref<512xi32, #tpu.memory_space<vmem>>
    %dma_start3A_308 = arith.constant 0 : i32
    %dma_start3A_309 = arith.constant 0 : i32
    %dma_start3A_310 = tpu.memref_slice %arg11[%dma_start3A_308, %dma_start3A_309] : memref<10112x64xf32, #tpu.memory_space<vmem_shared>> -> memref<10112x64xf32, #tpu.memory_space<vmem_shared>>
    tpu.enqueue_indirect_dma source(%arg9 : memref<512x64xf32, #tpu.memory_space<vmem>>) target(%dma_start3A_310 : memref<10112x64xf32, #tpu.memory_space<vmem_shared>>) offsets(%dma_start3A_307 : memref<512xi32, #tpu.memory_space<vmem>>) semaphore(%arg14 : memref<!tpu.dma_semaphore, #tpu.memory_space<semaphore_mem>>) {add = true}
    %dma_wait3A_311 = arith.constant 10 : i32
    %dma_wait3A_312 = arith.constant 0 : i32
    %dma_wait3A_313 = tpu.memref_slice %arg8[%dma_wait3A_311, %dma_wait3A_312] : memref<20x512xi32, #tpu.memory_space<vmem>> -> memref<1x512xi32, #tpu.memory_space<vmem>>
    %dma_wait3A_314 = tpu.memref_squeeze %dma_wait3A_313 : memref<1x512xi32, #tpu.memory_space<vmem>> -> memref<512xi32, #tpu.memory_space<vmem>>
    %dma_wait3A_315 = arith.constant 0 : i32
    %dma_wait3A_316 = arith.constant 0 : i32
    %dma_wait3A_317 = tpu.memref_slice %arg11[%dma_wait3A_315, %dma_wait3A_316] : memref<10112x64xf32, #tpu.memory_space<vmem_shared>> -> memref<10112x64xf32, #tpu.memory_space<vmem_shared>>
    tpu.wait_indirect_dma semaphore(%arg14 : memref<!tpu.dma_semaphore, #tpu.memory_space<semaphore_mem>>) src(%arg9 : memref<512x64xf32, #tpu.memory_space<vmem>>) dst(%dma_wait3A_317 : memref<10112x64xf32, #tpu.memory_space<vmem_shared>>)
    %dma_start3A_318 = arith.constant 12 : i32
    %dma_start3A_319 = arith.constant 0 : i32
    %dma_start3A_320 = tpu.memref_slice %arg7[%dma_start3A_318, %dma_start3A_319] : memref<20x512xi32, #tpu.memory_space<vmem>> -> memref<1x512xi32, #tpu.memory_space<vmem>>
    %dma_start3A_321 = tpu.memref_squeeze %dma_start3A_320 : memref<1x512xi32, #tpu.memory_space<vmem>> -> memref<512xi32, #tpu.memory_space<vmem>>
    %dma_start3A_322 = arith.constant 0 : i32
    %dma_start3A_323 = arith.constant 0 : i32
    %dma_start3A_324 = tpu.memref_slice %arg2[%dma_start3A_322, %dma_start3A_323] : memref<10000x64xf32, #tpu.memory_space<hbm>> -> memref<10000x64xf32, #tpu.memory_space<hbm>>
    tpu.enqueue_indirect_dma source(%dma_start3A_324 : memref<10000x64xf32, #tpu.memory_space<hbm>>) target(%arg9 : memref<512x64xf32, #tpu.memory_space<vmem>>) offsets(%dma_start3A_321 : memref<512xi32, #tpu.memory_space<vmem>>) semaphore(%arg12 : memref<!tpu.dma_semaphore, #tpu.memory_space<semaphore_mem>>)
    %dma_wait3A_325 = arith.constant 11 : i32
    %dma_wait3A_326 = arith.constant 0 : i32
    %dma_wait3A_327 = tpu.memref_slice %arg7[%dma_wait3A_325, %dma_wait3A_326] : memref<20x512xi32, #tpu.memory_space<vmem>> -> memref<1x512xi32, #tpu.memory_space<vmem>>
    %dma_wait3A_328 = tpu.memref_squeeze %dma_wait3A_327 : memref<1x512xi32, #tpu.memory_space<vmem>> -> memref<512xi32, #tpu.memory_space<vmem>>
    %dma_wait3A_329 = arith.constant 0 : i32
    %dma_wait3A_330 = arith.constant 0 : i32
    %dma_wait3A_331 = tpu.memref_slice %arg2[%dma_wait3A_329, %dma_wait3A_330] : memref<10000x64xf32, #tpu.memory_space<hbm>> -> memref<10000x64xf32, #tpu.memory_space<hbm>>
    tpu.wait_indirect_dma semaphore(%arg13 : memref<!tpu.dma_semaphore, #tpu.memory_space<semaphore_mem>>) src(%dma_wait3A_331 : memref<10000x64xf32, #tpu.memory_space<hbm>>) dst(%arg10 : memref<512x64xf32, #tpu.memory_space<vmem>>)
    %dma_start3A_332 = arith.constant 11 : i32
    %dma_start3A_333 = arith.constant 0 : i32
    %dma_start3A_334 = tpu.memref_slice %arg8[%dma_start3A_332, %dma_start3A_333] : memref<20x512xi32, #tpu.memory_space<vmem>> -> memref<1x512xi32, #tpu.memory_space<vmem>>
    %dma_start3A_335 = tpu.memref_squeeze %dma_start3A_334 : memref<1x512xi32, #tpu.memory_space<vmem>> -> memref<512xi32, #tpu.memory_space<vmem>>
    %dma_start3A_336 = arith.constant 0 : i32
    %dma_start3A_337 = arith.constant 0 : i32
    %dma_start3A_338 = tpu.memref_slice %arg11[%dma_start3A_336, %dma_start3A_337] : memref<10112x64xf32, #tpu.memory_space<vmem_shared>> -> memref<10112x64xf32, #tpu.memory_space<vmem_shared>>
    tpu.enqueue_indirect_dma source(%arg10 : memref<512x64xf32, #tpu.memory_space<vmem>>) target(%dma_start3A_338 : memref<10112x64xf32, #tpu.memory_space<vmem_shared>>) offsets(%dma_start3A_335 : memref<512xi32, #tpu.memory_space<vmem>>) semaphore(%arg15 : memref<!tpu.dma_semaphore, #tpu.memory_space<semaphore_mem>>) {add = true}
    %dma_wait3A_339 = arith.constant 11 : i32
    %dma_wait3A_340 = arith.constant 0 : i32
    %dma_wait3A_341 = tpu.memref_slice %arg8[%dma_wait3A_339, %dma_wait3A_340] : memref<20x512xi32, #tpu.memory_space<vmem>> -> memref<1x512xi32, #tpu.memory_space<vmem>>
    %dma_wait3A_342 = tpu.memref_squeeze %dma_wait3A_341 : memref<1x512xi32, #tpu.memory_space<vmem>> -> memref<512xi32, #tpu.memory_space<vmem>>
    %dma_wait3A_343 = arith.constant 0 : i32
    %dma_wait3A_344 = arith.constant 0 : i32
    %dma_wait3A_345 = tpu.memref_slice %arg11[%dma_wait3A_343, %dma_wait3A_344] : memref<10112x64xf32, #tpu.memory_space<vmem_shared>> -> memref<10112x64xf32, #tpu.memory_space<vmem_shared>>
    tpu.wait_indirect_dma semaphore(%arg15 : memref<!tpu.dma_semaphore, #tpu.memory_space<semaphore_mem>>) src(%arg10 : memref<512x64xf32, #tpu.memory_space<vmem>>) dst(%dma_wait3A_345 : memref<10112x64xf32, #tpu.memory_space<vmem_shared>>)
    %dma_start3A_346 = arith.constant 13 : i32
    %dma_start3A_347 = arith.constant 0 : i32
    %dma_start3A_348 = tpu.memref_slice %arg7[%dma_start3A_346, %dma_start3A_347] : memref<20x512xi32, #tpu.memory_space<vmem>> -> memref<1x512xi32, #tpu.memory_space<vmem>>
    %dma_start3A_349 = tpu.memref_squeeze %dma_start3A_348 : memref<1x512xi32, #tpu.memory_space<vmem>> -> memref<512xi32, #tpu.memory_space<vmem>>
    %dma_start3A_350 = arith.constant 0 : i32
    %dma_start3A_351 = arith.constant 0 : i32
    %dma_start3A_352 = tpu.memref_slice %arg2[%dma_start3A_350, %dma_start3A_351] : memref<10000x64xf32, #tpu.memory_space<hbm>> -> memref<10000x64xf32, #tpu.memory_space<hbm>>
    tpu.enqueue_indirect_dma source(%dma_start3A_352 : memref<10000x64xf32, #tpu.memory_space<hbm>>) target(%arg10 : memref<512x64xf32, #tpu.memory_space<vmem>>) offsets(%dma_start3A_349 : memref<512xi32, #tpu.memory_space<vmem>>) semaphore(%arg13 : memref<!tpu.dma_semaphore, #tpu.memory_space<semaphore_mem>>)
    %dma_wait3A_353 = arith.constant 12 : i32
    %dma_wait3A_354 = arith.constant 0 : i32
    %dma_wait3A_355 = tpu.memref_slice %arg7[%dma_wait3A_353, %dma_wait3A_354] : memref<20x512xi32, #tpu.memory_space<vmem>> -> memref<1x512xi32, #tpu.memory_space<vmem>>
    %dma_wait3A_356 = tpu.memref_squeeze %dma_wait3A_355 : memref<1x512xi32, #tpu.memory_space<vmem>> -> memref<512xi32, #tpu.memory_space<vmem>>
    %dma_wait3A_357 = arith.constant 0 : i32
    %dma_wait3A_358 = arith.constant 0 : i32
    %dma_wait3A_359 = tpu.memref_slice %arg2[%dma_wait3A_357, %dma_wait3A_358] : memref<10000x64xf32, #tpu.memory_space<hbm>> -> memref<10000x64xf32, #tpu.memory_space<hbm>>
    tpu.wait_indirect_dma semaphore(%arg12 : memref<!tpu.dma_semaphore, #tpu.memory_space<semaphore_mem>>) src(%dma_wait3A_359 : memref<10000x64xf32, #tpu.memory_space<hbm>>) dst(%arg9 : memref<512x64xf32, #tpu.memory_space<vmem>>)
    %dma_start3A_360 = arith.constant 12 : i32
    %dma_start3A_361 = arith.constant 0 : i32
    %dma_start3A_362 = tpu.memref_slice %arg8[%dma_start3A_360, %dma_start3A_361] : memref<20x512xi32, #tpu.memory_space<vmem>> -> memref<1x512xi32, #tpu.memory_space<vmem>>
    %dma_start3A_363 = tpu.memref_squeeze %dma_start3A_362 : memref<1x512xi32, #tpu.memory_space<vmem>> -> memref<512xi32, #tpu.memory_space<vmem>>
    %dma_start3A_364 = arith.constant 0 : i32
    %dma_start3A_365 = arith.constant 0 : i32
    %dma_start3A_366 = tpu.memref_slice %arg11[%dma_start3A_364, %dma_start3A_365] : memref<10112x64xf32, #tpu.memory_space<vmem_shared>> -> memref<10112x64xf32, #tpu.memory_space<vmem_shared>>
    tpu.enqueue_indirect_dma source(%arg9 : memref<512x64xf32, #tpu.memory_space<vmem>>) target(%dma_start3A_366 : memref<10112x64xf32, #tpu.memory_space<vmem_shared>>) offsets(%dma_start3A_363 : memref<512xi32, #tpu.memory_space<vmem>>) semaphore(%arg14 : memref<!tpu.dma_semaphore, #tpu.memory_space<semaphore_mem>>) {add = true}
    %dma_wait3A_367 = arith.constant 12 : i32
    %dma_wait3A_368 = arith.constant 0 : i32
    %dma_wait3A_369 = tpu.memref_slice %arg8[%dma_wait3A_367, %dma_wait3A_368] : memref<20x512xi32, #tpu.memory_space<vmem>> -> memref<1x512xi32, #tpu.memory_space<vmem>>
    %dma_wait3A_370 = tpu.memref_squeeze %dma_wait3A_369 : memref<1x512xi32, #tpu.memory_space<vmem>> -> memref<512xi32, #tpu.memory_space<vmem>>
    %dma_wait3A_371 = arith.constant 0 : i32
    %dma_wait3A_372 = arith.constant 0 : i32
    %dma_wait3A_373 = tpu.memref_slice %arg11[%dma_wait3A_371, %dma_wait3A_372] : memref<10112x64xf32, #tpu.memory_space<vmem_shared>> -> memref<10112x64xf32, #tpu.memory_space<vmem_shared>>
    tpu.wait_indirect_dma semaphore(%arg14 : memref<!tpu.dma_semaphore, #tpu.memory_space<semaphore_mem>>) src(%arg9 : memref<512x64xf32, #tpu.memory_space<vmem>>) dst(%dma_wait3A_373 : memref<10112x64xf32, #tpu.memory_space<vmem_shared>>)
    %dma_start3A_374 = arith.constant 14 : i32
    %dma_start3A_375 = arith.constant 0 : i32
    %dma_start3A_376 = tpu.memref_slice %arg7[%dma_start3A_374, %dma_start3A_375] : memref<20x512xi32, #tpu.memory_space<vmem>> -> memref<1x512xi32, #tpu.memory_space<vmem>>
    %dma_start3A_377 = tpu.memref_squeeze %dma_start3A_376 : memref<1x512xi32, #tpu.memory_space<vmem>> -> memref<512xi32, #tpu.memory_space<vmem>>
    %dma_start3A_378 = arith.constant 0 : i32
    %dma_start3A_379 = arith.constant 0 : i32
    %dma_start3A_380 = tpu.memref_slice %arg2[%dma_start3A_378, %dma_start3A_379] : memref<10000x64xf32, #tpu.memory_space<hbm>> -> memref<10000x64xf32, #tpu.memory_space<hbm>>
    tpu.enqueue_indirect_dma source(%dma_start3A_380 : memref<10000x64xf32, #tpu.memory_space<hbm>>) target(%arg9 : memref<512x64xf32, #tpu.memory_space<vmem>>) offsets(%dma_start3A_377 : memref<512xi32, #tpu.memory_space<vmem>>) semaphore(%arg12 : memref<!tpu.dma_semaphore, #tpu.memory_space<semaphore_mem>>)
    %dma_wait3A_381 = arith.constant 13 : i32
    %dma_wait3A_382 = arith.constant 0 : i32
    %dma_wait3A_383 = tpu.memref_slice %arg7[%dma_wait3A_381, %dma_wait3A_382] : memref<20x512xi32, #tpu.memory_space<vmem>> -> memref<1x512xi32, #tpu.memory_space<vmem>>
    %dma_wait3A_384 = tpu.memref_squeeze %dma_wait3A_383 : memref<1x512xi32, #tpu.memory_space<vmem>> -> memref<512xi32, #tpu.memory_space<vmem>>
    %dma_wait3A_385 = arith.constant 0 : i32
    %dma_wait3A_386 = arith.constant 0 : i32
    %dma_wait3A_387 = tpu.memref_slice %arg2[%dma_wait3A_385, %dma_wait3A_386] : memref<10000x64xf32, #tpu.memory_space<hbm>> -> memref<10000x64xf32, #tpu.memory_space<hbm>>
    tpu.wait_indirect_dma semaphore(%arg13 : memref<!tpu.dma_semaphore, #tpu.memory_space<semaphore_mem>>) src(%dma_wait3A_387 : memref<10000x64xf32, #tpu.memory_space<hbm>>) dst(%arg10 : memref<512x64xf32, #tpu.memory_space<vmem>>)
    %dma_start3A_388 = arith.constant 13 : i32
    %dma_start3A_389 = arith.constant 0 : i32
    %dma_start3A_390 = tpu.memref_slice %arg8[%dma_start3A_388, %dma_start3A_389] : memref<20x512xi32, #tpu.memory_space<vmem>> -> memref<1x512xi32, #tpu.memory_space<vmem>>
    %dma_start3A_391 = tpu.memref_squeeze %dma_start3A_390 : memref<1x512xi32, #tpu.memory_space<vmem>> -> memref<512xi32, #tpu.memory_space<vmem>>
    %dma_start3A_392 = arith.constant 0 : i32
    %dma_start3A_393 = arith.constant 0 : i32
    %dma_start3A_394 = tpu.memref_slice %arg11[%dma_start3A_392, %dma_start3A_393] : memref<10112x64xf32, #tpu.memory_space<vmem_shared>> -> memref<10112x64xf32, #tpu.memory_space<vmem_shared>>
    tpu.enqueue_indirect_dma source(%arg10 : memref<512x64xf32, #tpu.memory_space<vmem>>) target(%dma_start3A_394 : memref<10112x64xf32, #tpu.memory_space<vmem_shared>>) offsets(%dma_start3A_391 : memref<512xi32, #tpu.memory_space<vmem>>) semaphore(%arg15 : memref<!tpu.dma_semaphore, #tpu.memory_space<semaphore_mem>>) {add = true}
    %dma_wait3A_395 = arith.constant 13 : i32
    %dma_wait3A_396 = arith.constant 0 : i32
    %dma_wait3A_397 = tpu.memref_slice %arg8[%dma_wait3A_395, %dma_wait3A_396] : memref<20x512xi32, #tpu.memory_space<vmem>> -> memref<1x512xi32, #tpu.memory_space<vmem>>
    %dma_wait3A_398 = tpu.memref_squeeze %dma_wait3A_397 : memref<1x512xi32, #tpu.memory_space<vmem>> -> memref<512xi32, #tpu.memory_space<vmem>>
    %dma_wait3A_399 = arith.constant 0 : i32
    %dma_wait3A_400 = arith.constant 0 : i32
    %dma_wait3A_401 = tpu.memref_slice %arg11[%dma_wait3A_399, %dma_wait3A_400] : memref<10112x64xf32, #tpu.memory_space<vmem_shared>> -> memref<10112x64xf32, #tpu.memory_space<vmem_shared>>
    tpu.wait_indirect_dma semaphore(%arg15 : memref<!tpu.dma_semaphore, #tpu.memory_space<semaphore_mem>>) src(%arg10 : memref<512x64xf32, #tpu.memory_space<vmem>>) dst(%dma_wait3A_401 : memref<10112x64xf32, #tpu.memory_space<vmem_shared>>)
    %dma_start3A_402 = arith.constant 15 : i32
    %dma_start3A_403 = arith.constant 0 : i32
    %dma_start3A_404 = tpu.memref_slice %arg7[%dma_start3A_402, %dma_start3A_403] : memref<20x512xi32, #tpu.memory_space<vmem>> -> memref<1x512xi32, #tpu.memory_space<vmem>>
    %dma_start3A_405 = tpu.memref_squeeze %dma_start3A_404 : memref<1x512xi32, #tpu.memory_space<vmem>> -> memref<512xi32, #tpu.memory_space<vmem>>
    %dma_start3A_406 = arith.constant 0 : i32
    %dma_start3A_407 = arith.constant 0 : i32
    %dma_start3A_408 = tpu.memref_slice %arg2[%dma_start3A_406, %dma_start3A_407] : memref<10000x64xf32, #tpu.memory_space<hbm>> -> memref<10000x64xf32, #tpu.memory_space<hbm>>
    tpu.enqueue_indirect_dma source(%dma_start3A_408 : memref<10000x64xf32, #tpu.memory_space<hbm>>) target(%arg10 : memref<512x64xf32, #tpu.memory_space<vmem>>) offsets(%dma_start3A_405 : memref<512xi32, #tpu.memory_space<vmem>>) semaphore(%arg13 : memref<!tpu.dma_semaphore, #tpu.memory_space<semaphore_mem>>)
    %dma_wait3A_409 = arith.constant 14 : i32
    %dma_wait3A_410 = arith.constant 0 : i32
    %dma_wait3A_411 = tpu.memref_slice %arg7[%dma_wait3A_409, %dma_wait3A_410] : memref<20x512xi32, #tpu.memory_space<vmem>> -> memref<1x512xi32, #tpu.memory_space<vmem>>
    %dma_wait3A_412 = tpu.memref_squeeze %dma_wait3A_411 : memref<1x512xi32, #tpu.memory_space<vmem>> -> memref<512xi32, #tpu.memory_space<vmem>>
    %dma_wait3A_413 = arith.constant 0 : i32
    %dma_wait3A_414 = arith.constant 0 : i32
    %dma_wait3A_415 = tpu.memref_slice %arg2[%dma_wait3A_413, %dma_wait3A_414] : memref<10000x64xf32, #tpu.memory_space<hbm>> -> memref<10000x64xf32, #tpu.memory_space<hbm>>
    tpu.wait_indirect_dma semaphore(%arg12 : memref<!tpu.dma_semaphore, #tpu.memory_space<semaphore_mem>>) src(%dma_wait3A_415 : memref<10000x64xf32, #tpu.memory_space<hbm>>) dst(%arg9 : memref<512x64xf32, #tpu.memory_space<vmem>>)
    %dma_start3A_416 = arith.constant 14 : i32
    %dma_start3A_417 = arith.constant 0 : i32
    %dma_start3A_418 = tpu.memref_slice %arg8[%dma_start3A_416, %dma_start3A_417] : memref<20x512xi32, #tpu.memory_space<vmem>> -> memref<1x512xi32, #tpu.memory_space<vmem>>
    %dma_start3A_419 = tpu.memref_squeeze %dma_start3A_418 : memref<1x512xi32, #tpu.memory_space<vmem>> -> memref<512xi32, #tpu.memory_space<vmem>>
    %dma_start3A_420 = arith.constant 0 : i32
    %dma_start3A_421 = arith.constant 0 : i32
    %dma_start3A_422 = tpu.memref_slice %arg11[%dma_start3A_420, %dma_start3A_421] : memref<10112x64xf32, #tpu.memory_space<vmem_shared>> -> memref<10112x64xf32, #tpu.memory_space<vmem_shared>>
    tpu.enqueue_indirect_dma source(%arg9 : memref<512x64xf32, #tpu.memory_space<vmem>>) target(%dma_start3A_422 : memref<10112x64xf32, #tpu.memory_space<vmem_shared>>) offsets(%dma_start3A_419 : memref<512xi32, #tpu.memory_space<vmem>>) semaphore(%arg14 : memref<!tpu.dma_semaphore, #tpu.memory_space<semaphore_mem>>) {add = true}
    %dma_wait3A_423 = arith.constant 14 : i32
    %dma_wait3A_424 = arith.constant 0 : i32
    %dma_wait3A_425 = tpu.memref_slice %arg8[%dma_wait3A_423, %dma_wait3A_424] : memref<20x512xi32, #tpu.memory_space<vmem>> -> memref<1x512xi32, #tpu.memory_space<vmem>>
    %dma_wait3A_426 = tpu.memref_squeeze %dma_wait3A_425 : memref<1x512xi32, #tpu.memory_space<vmem>> -> memref<512xi32, #tpu.memory_space<vmem>>
    %dma_wait3A_427 = arith.constant 0 : i32
    %dma_wait3A_428 = arith.constant 0 : i32
    %dma_wait3A_429 = tpu.memref_slice %arg11[%dma_wait3A_427, %dma_wait3A_428] : memref<10112x64xf32, #tpu.memory_space<vmem_shared>> -> memref<10112x64xf32, #tpu.memory_space<vmem_shared>>
    tpu.wait_indirect_dma semaphore(%arg14 : memref<!tpu.dma_semaphore, #tpu.memory_space<semaphore_mem>>) src(%arg9 : memref<512x64xf32, #tpu.memory_space<vmem>>) dst(%dma_wait3A_429 : memref<10112x64xf32, #tpu.memory_space<vmem_shared>>)
    %dma_start3A_430 = arith.constant 16 : i32
    %dma_start3A_431 = arith.constant 0 : i32
    %dma_start3A_432 = tpu.memref_slice %arg7[%dma_start3A_430, %dma_start3A_431] : memref<20x512xi32, #tpu.memory_space<vmem>> -> memref<1x512xi32, #tpu.memory_space<vmem>>
    %dma_start3A_433 = tpu.memref_squeeze %dma_start3A_432 : memref<1x512xi32, #tpu.memory_space<vmem>> -> memref<512xi32, #tpu.memory_space<vmem>>
    %dma_start3A_434 = arith.constant 0 : i32
    %dma_start3A_435 = arith.constant 0 : i32
    %dma_start3A_436 = tpu.memref_slice %arg2[%dma_start3A_434, %dma_start3A_435] : memref<10000x64xf32, #tpu.memory_space<hbm>> -> memref<10000x64xf32, #tpu.memory_space<hbm>>
    tpu.enqueue_indirect_dma source(%dma_start3A_436 : memref<10000x64xf32, #tpu.memory_space<hbm>>) target(%arg9 : memref<512x64xf32, #tpu.memory_space<vmem>>) offsets(%dma_start3A_433 : memref<512xi32, #tpu.memory_space<vmem>>) semaphore(%arg12 : memref<!tpu.dma_semaphore, #tpu.memory_space<semaphore_mem>>)
    %dma_wait3A_437 = arith.constant 15 : i32
    %dma_wait3A_438 = arith.constant 0 : i32
    %dma_wait3A_439 = tpu.memref_slice %arg7[%dma_wait3A_437, %dma_wait3A_438] : memref<20x512xi32, #tpu.memory_space<vmem>> -> memref<1x512xi32, #tpu.memory_space<vmem>>
    %dma_wait3A_440 = tpu.memref_squeeze %dma_wait3A_439 : memref<1x512xi32, #tpu.memory_space<vmem>> -> memref<512xi32, #tpu.memory_space<vmem>>
    %dma_wait3A_441 = arith.constant 0 : i32
    %dma_wait3A_442 = arith.constant 0 : i32
    %dma_wait3A_443 = tpu.memref_slice %arg2[%dma_wait3A_441, %dma_wait3A_442] : memref<10000x64xf32, #tpu.memory_space<hbm>> -> memref<10000x64xf32, #tpu.memory_space<hbm>>
    tpu.wait_indirect_dma semaphore(%arg13 : memref<!tpu.dma_semaphore, #tpu.memory_space<semaphore_mem>>) src(%dma_wait3A_443 : memref<10000x64xf32, #tpu.memory_space<hbm>>) dst(%arg10 : memref<512x64xf32, #tpu.memory_space<vmem>>)
    %dma_start3A_444 = arith.constant 15 : i32
    %dma_start3A_445 = arith.constant 0 : i32
    %dma_start3A_446 = tpu.memref_slice %arg8[%dma_start3A_444, %dma_start3A_445] : memref<20x512xi32, #tpu.memory_space<vmem>> -> memref<1x512xi32, #tpu.memory_space<vmem>>
    %dma_start3A_447 = tpu.memref_squeeze %dma_start3A_446 : memref<1x512xi32, #tpu.memory_space<vmem>> -> memref<512xi32, #tpu.memory_space<vmem>>
    %dma_start3A_448 = arith.constant 0 : i32
    %dma_start3A_449 = arith.constant 0 : i32
    %dma_start3A_450 = tpu.memref_slice %arg11[%dma_start3A_448, %dma_start3A_449] : memref<10112x64xf32, #tpu.memory_space<vmem_shared>> -> memref<10112x64xf32, #tpu.memory_space<vmem_shared>>
    tpu.enqueue_indirect_dma source(%arg10 : memref<512x64xf32, #tpu.memory_space<vmem>>) target(%dma_start3A_450 : memref<10112x64xf32, #tpu.memory_space<vmem_shared>>) offsets(%dma_start3A_447 : memref<512xi32, #tpu.memory_space<vmem>>) semaphore(%arg15 : memref<!tpu.dma_semaphore, #tpu.memory_space<semaphore_mem>>) {add = true}
    %dma_wait3A_451 = arith.constant 15 : i32
    %dma_wait3A_452 = arith.constant 0 : i32
    %dma_wait3A_453 = tpu.memref_slice %arg8[%dma_wait3A_451, %dma_wait3A_452] : memref<20x512xi32, #tpu.memory_space<vmem>> -> memref<1x512xi32, #tpu.memory_space<vmem>>
    %dma_wait3A_454 = tpu.memref_squeeze %dma_wait3A_453 : memref<1x512xi32, #tpu.memory_space<vmem>> -> memref<512xi32, #tpu.memory_space<vmem>>
    %dma_wait3A_455 = arith.constant 0 : i32
    %dma_wait3A_456 = arith.constant 0 : i32
    %dma_wait3A_457 = tpu.memref_slice %arg11[%dma_wait3A_455, %dma_wait3A_456] : memref<10112x64xf32, #tpu.memory_space<vmem_shared>> -> memref<10112x64xf32, #tpu.memory_space<vmem_shared>>
    tpu.wait_indirect_dma semaphore(%arg15 : memref<!tpu.dma_semaphore, #tpu.memory_space<semaphore_mem>>) src(%arg10 : memref<512x64xf32, #tpu.memory_space<vmem>>) dst(%dma_wait3A_457 : memref<10112x64xf32, #tpu.memory_space<vmem_shared>>)
    %dma_start3A_458 = arith.constant 17 : i32
    %dma_start3A_459 = arith.constant 0 : i32
    %dma_start3A_460 = tpu.memref_slice %arg7[%dma_start3A_458, %dma_start3A_459] : memref<20x512xi32, #tpu.memory_space<vmem>> -> memref<1x512xi32, #tpu.memory_space<vmem>>
    %dma_start3A_461 = tpu.memref_squeeze %dma_start3A_460 : memref<1x512xi32, #tpu.memory_space<vmem>> -> memref<512xi32, #tpu.memory_space<vmem>>
    %dma_start3A_462 = arith.constant 0 : i32
    %dma_start3A_463 = arith.constant 0 : i32
    %dma_start3A_464 = tpu.memref_slice %arg2[%dma_start3A_462, %dma_start3A_463] : memref<10000x64xf32, #tpu.memory_space<hbm>> -> memref<10000x64xf32, #tpu.memory_space<hbm>>
    tpu.enqueue_indirect_dma source(%dma_start3A_464 : memref<10000x64xf32, #tpu.memory_space<hbm>>) target(%arg10 : memref<512x64xf32, #tpu.memory_space<vmem>>) offsets(%dma_start3A_461 : memref<512xi32, #tpu.memory_space<vmem>>) semaphore(%arg13 : memref<!tpu.dma_semaphore, #tpu.memory_space<semaphore_mem>>)
    %dma_wait3A_465 = arith.constant 16 : i32
    %dma_wait3A_466 = arith.constant 0 : i32
    %dma_wait3A_467 = tpu.memref_slice %arg7[%dma_wait3A_465, %dma_wait3A_466] : memref<20x512xi32, #tpu.memory_space<vmem>> -> memref<1x512xi32, #tpu.memory_space<vmem>>
    %dma_wait3A_468 = tpu.memref_squeeze %dma_wait3A_467 : memref<1x512xi32, #tpu.memory_space<vmem>> -> memref<512xi32, #tpu.memory_space<vmem>>
    %dma_wait3A_469 = arith.constant 0 : i32
    %dma_wait3A_470 = arith.constant 0 : i32
    %dma_wait3A_471 = tpu.memref_slice %arg2[%dma_wait3A_469, %dma_wait3A_470] : memref<10000x64xf32, #tpu.memory_space<hbm>> -> memref<10000x64xf32, #tpu.memory_space<hbm>>
    tpu.wait_indirect_dma semaphore(%arg12 : memref<!tpu.dma_semaphore, #tpu.memory_space<semaphore_mem>>) src(%dma_wait3A_471 : memref<10000x64xf32, #tpu.memory_space<hbm>>) dst(%arg9 : memref<512x64xf32, #tpu.memory_space<vmem>>)
    %dma_start3A_472 = arith.constant 16 : i32
    %dma_start3A_473 = arith.constant 0 : i32
    %dma_start3A_474 = tpu.memref_slice %arg8[%dma_start3A_472, %dma_start3A_473] : memref<20x512xi32, #tpu.memory_space<vmem>> -> memref<1x512xi32, #tpu.memory_space<vmem>>
    %dma_start3A_475 = tpu.memref_squeeze %dma_start3A_474 : memref<1x512xi32, #tpu.memory_space<vmem>> -> memref<512xi32, #tpu.memory_space<vmem>>
    %dma_start3A_476 = arith.constant 0 : i32
    %dma_start3A_477 = arith.constant 0 : i32
    %dma_start3A_478 = tpu.memref_slice %arg11[%dma_start3A_476, %dma_start3A_477] : memref<10112x64xf32, #tpu.memory_space<vmem_shared>> -> memref<10112x64xf32, #tpu.memory_space<vmem_shared>>
    tpu.enqueue_indirect_dma source(%arg9 : memref<512x64xf32, #tpu.memory_space<vmem>>) target(%dma_start3A_478 : memref<10112x64xf32, #tpu.memory_space<vmem_shared>>) offsets(%dma_start3A_475 : memref<512xi32, #tpu.memory_space<vmem>>) semaphore(%arg14 : memref<!tpu.dma_semaphore, #tpu.memory_space<semaphore_mem>>) {add = true}
    %dma_wait3A_479 = arith.constant 16 : i32
    %dma_wait3A_480 = arith.constant 0 : i32
    %dma_wait3A_481 = tpu.memref_slice %arg8[%dma_wait3A_479, %dma_wait3A_480] : memref<20x512xi32, #tpu.memory_space<vmem>> -> memref<1x512xi32, #tpu.memory_space<vmem>>
    %dma_wait3A_482 = tpu.memref_squeeze %dma_wait3A_481 : memref<1x512xi32, #tpu.memory_space<vmem>> -> memref<512xi32, #tpu.memory_space<vmem>>
    %dma_wait3A_483 = arith.constant 0 : i32
    %dma_wait3A_484 = arith.constant 0 : i32
    %dma_wait3A_485 = tpu.memref_slice %arg11[%dma_wait3A_483, %dma_wait3A_484] : memref<10112x64xf32, #tpu.memory_space<vmem_shared>> -> memref<10112x64xf32, #tpu.memory_space<vmem_shared>>
    tpu.wait_indirect_dma semaphore(%arg14 : memref<!tpu.dma_semaphore, #tpu.memory_space<semaphore_mem>>) src(%arg9 : memref<512x64xf32, #tpu.memory_space<vmem>>) dst(%dma_wait3A_485 : memref<10112x64xf32, #tpu.memory_space<vmem_shared>>)
    %dma_start3A_486 = arith.constant 18 : i32
    %dma_start3A_487 = arith.constant 0 : i32
    %dma_start3A_488 = tpu.memref_slice %arg7[%dma_start3A_486, %dma_start3A_487] : memref<20x512xi32, #tpu.memory_space<vmem>> -> memref<1x512xi32, #tpu.memory_space<vmem>>
    %dma_start3A_489 = tpu.memref_squeeze %dma_start3A_488 : memref<1x512xi32, #tpu.memory_space<vmem>> -> memref<512xi32, #tpu.memory_space<vmem>>
    %dma_start3A_490 = arith.constant 0 : i32
    %dma_start3A_491 = arith.constant 0 : i32
    %dma_start3A_492 = tpu.memref_slice %arg2[%dma_start3A_490, %dma_start3A_491] : memref<10000x64xf32, #tpu.memory_space<hbm>> -> memref<10000x64xf32, #tpu.memory_space<hbm>>
    tpu.enqueue_indirect_dma source(%dma_start3A_492 : memref<10000x64xf32, #tpu.memory_space<hbm>>) target(%arg9 : memref<512x64xf32, #tpu.memory_space<vmem>>) offsets(%dma_start3A_489 : memref<512xi32, #tpu.memory_space<vmem>>) semaphore(%arg12 : memref<!tpu.dma_semaphore, #tpu.memory_space<semaphore_mem>>)
    %dma_wait3A_493 = arith.constant 17 : i32
    %dma_wait3A_494 = arith.constant 0 : i32
    %dma_wait3A_495 = tpu.memref_slice %arg7[%dma_wait3A_493, %dma_wait3A_494] : memref<20x512xi32, #tpu.memory_space<vmem>> -> memref<1x512xi32, #tpu.memory_space<vmem>>
    %dma_wait3A_496 = tpu.memref_squeeze %dma_wait3A_495 : memref<1x512xi32, #tpu.memory_space<vmem>> -> memref<512xi32, #tpu.memory_space<vmem>>
    %dma_wait3A_497 = arith.constant 0 : i32
    %dma_wait3A_498 = arith.constant 0 : i32
    %dma_wait3A_499 = tpu.memref_slice %arg2[%dma_wait3A_497, %dma_wait3A_498] : memref<10000x64xf32, #tpu.memory_space<hbm>> -> memref<10000x64xf32, #tpu.memory_space<hbm>>
    tpu.wait_indirect_dma semaphore(%arg13 : memref<!tpu.dma_semaphore, #tpu.memory_space<semaphore_mem>>) src(%dma_wait3A_499 : memref<10000x64xf32, #tpu.memory_space<hbm>>) dst(%arg10 : memref<512x64xf32, #tpu.memory_space<vmem>>)
    %dma_start3A_500 = arith.constant 17 : i32
    %dma_start3A_501 = arith.constant 0 : i32
    %dma_start3A_502 = tpu.memref_slice %arg8[%dma_start3A_500, %dma_start3A_501] : memref<20x512xi32, #tpu.memory_space<vmem>> -> memref<1x512xi32, #tpu.memory_space<vmem>>
    %dma_start3A_503 = tpu.memref_squeeze %dma_start3A_502 : memref<1x512xi32, #tpu.memory_space<vmem>> -> memref<512xi32, #tpu.memory_space<vmem>>
    %dma_start3A_504 = arith.constant 0 : i32
    %dma_start3A_505 = arith.constant 0 : i32
    %dma_start3A_506 = tpu.memref_slice %arg11[%dma_start3A_504, %dma_start3A_505] : memref<10112x64xf32, #tpu.memory_space<vmem_shared>> -> memref<10112x64xf32, #tpu.memory_space<vmem_shared>>
    tpu.enqueue_indirect_dma source(%arg10 : memref<512x64xf32, #tpu.memory_space<vmem>>) target(%dma_start3A_506 : memref<10112x64xf32, #tpu.memory_space<vmem_shared>>) offsets(%dma_start3A_503 : memref<512xi32, #tpu.memory_space<vmem>>) semaphore(%arg15 : memref<!tpu.dma_semaphore, #tpu.memory_space<semaphore_mem>>) {add = true}
    %dma_wait3A_507 = arith.constant 17 : i32
    %dma_wait3A_508 = arith.constant 0 : i32
    %dma_wait3A_509 = tpu.memref_slice %arg8[%dma_wait3A_507, %dma_wait3A_508] : memref<20x512xi32, #tpu.memory_space<vmem>> -> memref<1x512xi32, #tpu.memory_space<vmem>>
    %dma_wait3A_510 = tpu.memref_squeeze %dma_wait3A_509 : memref<1x512xi32, #tpu.memory_space<vmem>> -> memref<512xi32, #tpu.memory_space<vmem>>
    %dma_wait3A_511 = arith.constant 0 : i32
    %dma_wait3A_512 = arith.constant 0 : i32
    %dma_wait3A_513 = tpu.memref_slice %arg11[%dma_wait3A_511, %dma_wait3A_512] : memref<10112x64xf32, #tpu.memory_space<vmem_shared>> -> memref<10112x64xf32, #tpu.memory_space<vmem_shared>>
    tpu.wait_indirect_dma semaphore(%arg15 : memref<!tpu.dma_semaphore, #tpu.memory_space<semaphore_mem>>) src(%arg10 : memref<512x64xf32, #tpu.memory_space<vmem>>) dst(%dma_wait3A_513 : memref<10112x64xf32, #tpu.memory_space<vmem_shared>>)
    %dma_start3A_514 = arith.constant 19 : i32
    %dma_start3A_515 = arith.constant 0 : i32
    %dma_start3A_516 = tpu.memref_slice %arg7[%dma_start3A_514, %dma_start3A_515] : memref<20x512xi32, #tpu.memory_space<vmem>> -> memref<1x512xi32, #tpu.memory_space<vmem>>
    %dma_start3A_517 = tpu.memref_squeeze %dma_start3A_516 : memref<1x512xi32, #tpu.memory_space<vmem>> -> memref<512xi32, #tpu.memory_space<vmem>>
    %dma_start3A_518 = arith.constant 0 : i32
    %dma_start3A_519 = arith.constant 0 : i32
    %dma_start3A_520 = tpu.memref_slice %arg2[%dma_start3A_518, %dma_start3A_519] : memref<10000x64xf32, #tpu.memory_space<hbm>> -> memref<10000x64xf32, #tpu.memory_space<hbm>>
    tpu.enqueue_indirect_dma source(%dma_start3A_520 : memref<10000x64xf32, #tpu.memory_space<hbm>>) target(%arg10 : memref<512x64xf32, #tpu.memory_space<vmem>>) offsets(%dma_start3A_517 : memref<512xi32, #tpu.memory_space<vmem>>) semaphore(%arg13 : memref<!tpu.dma_semaphore, #tpu.memory_space<semaphore_mem>>)
    %dma_wait3A_521 = arith.constant 18 : i32
    %dma_wait3A_522 = arith.constant 0 : i32
    %dma_wait3A_523 = tpu.memref_slice %arg7[%dma_wait3A_521, %dma_wait3A_522] : memref<20x512xi32, #tpu.memory_space<vmem>> -> memref<1x512xi32, #tpu.memory_space<vmem>>
    %dma_wait3A_524 = tpu.memref_squeeze %dma_wait3A_523 : memref<1x512xi32, #tpu.memory_space<vmem>> -> memref<512xi32, #tpu.memory_space<vmem>>
    %dma_wait3A_525 = arith.constant 0 : i32
    %dma_wait3A_526 = arith.constant 0 : i32
    %dma_wait3A_527 = tpu.memref_slice %arg2[%dma_wait3A_525, %dma_wait3A_526] : memref<10000x64xf32, #tpu.memory_space<hbm>> -> memref<10000x64xf32, #tpu.memory_space<hbm>>
    tpu.wait_indirect_dma semaphore(%arg12 : memref<!tpu.dma_semaphore, #tpu.memory_space<semaphore_mem>>) src(%dma_wait3A_527 : memref<10000x64xf32, #tpu.memory_space<hbm>>) dst(%arg9 : memref<512x64xf32, #tpu.memory_space<vmem>>)
    %dma_start3A_528 = arith.constant 18 : i32
    %dma_start3A_529 = arith.constant 0 : i32
    %dma_start3A_530 = tpu.memref_slice %arg8[%dma_start3A_528, %dma_start3A_529] : memref<20x512xi32, #tpu.memory_space<vmem>> -> memref<1x512xi32, #tpu.memory_space<vmem>>
    %dma_start3A_531 = tpu.memref_squeeze %dma_start3A_530 : memref<1x512xi32, #tpu.memory_space<vmem>> -> memref<512xi32, #tpu.memory_space<vmem>>
    %dma_start3A_532 = arith.constant 0 : i32
    %dma_start3A_533 = arith.constant 0 : i32
    %dma_start3A_534 = tpu.memref_slice %arg11[%dma_start3A_532, %dma_start3A_533] : memref<10112x64xf32, #tpu.memory_space<vmem_shared>> -> memref<10112x64xf32, #tpu.memory_space<vmem_shared>>
    tpu.enqueue_indirect_dma source(%arg9 : memref<512x64xf32, #tpu.memory_space<vmem>>) target(%dma_start3A_534 : memref<10112x64xf32, #tpu.memory_space<vmem_shared>>) offsets(%dma_start3A_531 : memref<512xi32, #tpu.memory_space<vmem>>) semaphore(%arg14 : memref<!tpu.dma_semaphore, #tpu.memory_space<semaphore_mem>>) {add = true}
    %dma_wait3A_535 = arith.constant 18 : i32
    %dma_wait3A_536 = arith.constant 0 : i32
    %dma_wait3A_537 = tpu.memref_slice %arg8[%dma_wait3A_535, %dma_wait3A_536] : memref<20x512xi32, #tpu.memory_space<vmem>> -> memref<1x512xi32, #tpu.memory_space<vmem>>
    %dma_wait3A_538 = tpu.memref_squeeze %dma_wait3A_537 : memref<1x512xi32, #tpu.memory_space<vmem>> -> memref<512xi32, #tpu.memory_space<vmem>>
    %dma_wait3A_539 = arith.constant 0 : i32
    %dma_wait3A_540 = arith.constant 0 : i32
    %dma_wait3A_541 = tpu.memref_slice %arg11[%dma_wait3A_539, %dma_wait3A_540] : memref<10112x64xf32, #tpu.memory_space<vmem_shared>> -> memref<10112x64xf32, #tpu.memory_space<vmem_shared>>
    tpu.wait_indirect_dma semaphore(%arg14 : memref<!tpu.dma_semaphore, #tpu.memory_space<semaphore_mem>>) src(%arg9 : memref<512x64xf32, #tpu.memory_space<vmem>>) dst(%dma_wait3A_541 : memref<10112x64xf32, #tpu.memory_space<vmem_shared>>)
    %dma_wait3A_542 = arith.constant 19 : i32
    %dma_wait3A_543 = arith.constant 0 : i32
    %dma_wait3A_544 = tpu.memref_slice %arg7[%dma_wait3A_542, %dma_wait3A_543] : memref<20x512xi32, #tpu.memory_space<vmem>> -> memref<1x512xi32, #tpu.memory_space<vmem>>
    %dma_wait3A_545 = tpu.memref_squeeze %dma_wait3A_544 : memref<1x512xi32, #tpu.memory_space<vmem>> -> memref<512xi32, #tpu.memory_space<vmem>>
    %dma_wait3A_546 = arith.constant 0 : i32
    %dma_wait3A_547 = arith.constant 0 : i32
    %dma_wait3A_548 = tpu.memref_slice %arg2[%dma_wait3A_546, %dma_wait3A_547] : memref<10000x64xf32, #tpu.memory_space<hbm>> -> memref<10000x64xf32, #tpu.memory_space<hbm>>
    tpu.wait_indirect_dma semaphore(%arg13 : memref<!tpu.dma_semaphore, #tpu.memory_space<semaphore_mem>>) src(%dma_wait3A_548 : memref<10000x64xf32, #tpu.memory_space<hbm>>) dst(%arg10 : memref<512x64xf32, #tpu.memory_space<vmem>>)
    %dma_start3A_549 = arith.constant 19 : i32
    %dma_start3A_550 = arith.constant 0 : i32
    %dma_start3A_551 = tpu.memref_slice %arg8[%dma_start3A_549, %dma_start3A_550] : memref<20x512xi32, #tpu.memory_space<vmem>> -> memref<1x512xi32, #tpu.memory_space<vmem>>
    %dma_start3A_552 = tpu.memref_squeeze %dma_start3A_551 : memref<1x512xi32, #tpu.memory_space<vmem>> -> memref<512xi32, #tpu.memory_space<vmem>>
    %dma_start3A_553 = arith.constant 0 : i32
    %dma_start3A_554 = arith.constant 0 : i32
    %dma_start3A_555 = tpu.memref_slice %arg11[%dma_start3A_553, %dma_start3A_554] : memref<10112x64xf32, #tpu.memory_space<vmem_shared>> -> memref<10112x64xf32, #tpu.memory_space<vmem_shared>>
    tpu.enqueue_indirect_dma source(%arg10 : memref<512x64xf32, #tpu.memory_space<vmem>>) target(%dma_start3A_555 : memref<10112x64xf32, #tpu.memory_space<vmem_shared>>) offsets(%dma_start3A_552 : memref<512xi32, #tpu.memory_space<vmem>>) semaphore(%arg15 : memref<!tpu.dma_semaphore, #tpu.memory_space<semaphore_mem>>) {add = true}
    %dma_wait3A_556 = arith.constant 19 : i32
    %dma_wait3A_557 = arith.constant 0 : i32
    %dma_wait3A_558 = tpu.memref_slice %arg8[%dma_wait3A_556, %dma_wait3A_557] : memref<20x512xi32, #tpu.memory_space<vmem>> -> memref<1x512xi32, #tpu.memory_space<vmem>>
    %dma_wait3A_559 = tpu.memref_squeeze %dma_wait3A_558 : memref<1x512xi32, #tpu.memory_space<vmem>> -> memref<512xi32, #tpu.memory_space<vmem>>
    %dma_wait3A_560 = arith.constant 0 : i32
    %dma_wait3A_561 = arith.constant 0 : i32
    %dma_wait3A_562 = tpu.memref_slice %arg11[%dma_wait3A_560, %dma_wait3A_561] : memref<10112x64xf32, #tpu.memory_space<vmem_shared>> -> memref<10112x64xf32, #tpu.memory_space<vmem_shared>>
    tpu.wait_indirect_dma semaphore(%arg15 : memref<!tpu.dma_semaphore, #tpu.memory_space<semaphore_mem>>) src(%arg10 : memref<512x64xf32, #tpu.memory_space<vmem>>) dst(%dma_wait3A_562 : memref<10112x64xf32, #tpu.memory_space<vmem_shared>>)
    %barrier3A_563 = arith.constant 0 : index
    tpu.barrier barrier_id(%barrier3A_563)
    %mul3A_564 = arith.constant 632 : i32
    %mul3A_565 = arith.muli %arg1, %mul3A_564 : i32
    %mul3A_566 = arith.constant 632 : i32
    %mul3A_567 = arith.muli %arg1, %mul3A_566 : i32
    "tpu.region"() ({
      %run_scoped3A = tpu.sem_alloc : memref<!tpu.dma_semaphore, #tpu.memory_space<semaphore_mem>>
      %dma_start3A_568 = arith.constant 0 : i32
      %dma_start3A_569 = tpu.memref_slice %arg6[%arg0, %mul3A_567, %dma_start3A_568] : memref<2x10112x64xf32, #tpu.memory_space<hbm>> -> memref<1x632x64xf32, #tpu.memory_space<hbm>>
      %dma_start3A_570 = tpu.memref_squeeze %dma_start3A_569 : memref<1x632x64xf32, #tpu.memory_space<hbm>> -> memref<632x64xf32, #tpu.memory_space<hbm>>
      %dma_start3A_571 = arith.constant 0 : i32
      %dma_start3A_572 = tpu.memref_slice %arg11[%mul3A_565, %dma_start3A_571] : memref<10112x64xf32, #tpu.memory_space<vmem_shared>> -> memref<632x64xf32, #tpu.memory_space<vmem_shared>>
      tpu.enqueue_dma source(%dma_start3A_572 : memref<632x64xf32, #tpu.memory_space<vmem_shared>>) target(%dma_start3A_570 : memref<632x64xf32, #tpu.memory_space<hbm>>) target_semaphore(%run_scoped3A : memref<!tpu.dma_semaphore, #tpu.memory_space<semaphore_mem>>)
      %dma_wait3A_573 = arith.constant 0 : i32
      %dma_wait3A_574 = tpu.memref_slice %arg6[%arg0, %mul3A_567, %dma_wait3A_573] : memref<2x10112x64xf32, #tpu.memory_space<hbm>> -> memref<1x632x64xf32, #tpu.memory_space<hbm>>
      %dma_wait3A_575 = tpu.memref_squeeze %dma_wait3A_574 : memref<1x632x64xf32, #tpu.memory_space<hbm>> -> memref<632x64xf32, #tpu.memory_space<hbm>>
      %dma_wait3A_576 = arith.constant 0 : i32
      %dma_wait3A_577 = tpu.memref_slice %arg11[%mul3A_565, %dma_wait3A_576] : memref<10112x64xf32, #tpu.memory_space<vmem_shared>> -> memref<632x64xf32, #tpu.memory_space<vmem_shared>>
      tpu.wait_dma2 semaphore(%run_scoped3A : memref<!tpu.dma_semaphore, #tpu.memory_space<semaphore_mem>>) src(%dma_wait3A_577 : memref<632x64xf32, #tpu.memory_space<vmem_shared>>) dst(%dma_wait3A_575 : memref<632x64xf32, #tpu.memory_space<hbm>>)
      tpu.yield
    }) : () -> ()
    return
  }
}

#map = affine_map<(d0, d1) -> (0, 0)>
#map1 = affine_map<(d0, d1) -> (0, 0, 0)>
module attributes {stable_mosaic.version = 14 : i64} {
  func.func @degk(%arg0: i32, %arg1: i32, %arg2: memref<128x16xf32, #tpu.memory_space<hbm>>, %arg3: memref<32x80x128xi32, #tpu.memory_space<hbm>>, %arg4: memref<10112x16xf32, #tpu.memory_space<hbm>>, %arg5: memref<2x10112x16xf32, #tpu.memory_space<hbm>>, %arg6: memref<80x128xi32, #tpu.memory_space<vmem>>, %arg7: memref<128x16xf32, #tpu.memory_space<vmem>>, %arg8: memref<10112x16xf32, #tpu.memory_space<vmem_shared>>, %arg9: memref<!tpu.dma_semaphore, #tpu.memory_space<semaphore_mem>>) attributes {dimension_semantics = [#tpu.dimension_semantics<core_parallel>, #tpu.dimension_semantics<subcore_parallel>], iteration_bounds = array<i64: 2, 16>, scalar_prefetch = 0 : i64, scratch_operands = 4 : i64, tpu.core_type = #tpu.core_type<sc_vector_subcore>, window_params = [{transform_indices = #map}, {transform_indices = #map1}, {transform_indices = #map}, {transform_indices = #map1}]} {
    %mul3A = arith.constant 2 : i32
    %mul3A_0 = arith.muli %arg1, %mul3A : i32
    %add3A = arith.addi %mul3A_0, %arg0 : i32
    %mul3A_1 = arith.constant 632 : i32
    %mul3A_2 = arith.muli %arg1, %mul3A_1 : i32
    %mul3A_3 = arith.constant 632 : i32
    %mul3A_4 = arith.muli %arg1, %mul3A_3 : i32
    "tpu.region"() ({
      %run_scoped3A = tpu.sem_alloc : memref<!tpu.dma_semaphore, #tpu.memory_space<semaphore_mem>>
      %dma_start3A = arith.constant 0 : i32
      %dma_start3A_15 = tpu.memref_slice %arg8[%mul3A_4, %dma_start3A] : memref<10112x16xf32, #tpu.memory_space<vmem_shared>> -> memref<632x16xf32, #tpu.memory_space<vmem_shared>>
      %dma_start3A_16 = arith.constant 0 : i32
      %dma_start3A_17 = tpu.memref_slice %arg4[%mul3A_2, %dma_start3A_16] : memref<10112x16xf32, #tpu.memory_space<hbm>> -> memref<632x16xf32, #tpu.memory_space<hbm>>
      tpu.enqueue_dma source(%dma_start3A_17 : memref<632x16xf32, #tpu.memory_space<hbm>>) target(%dma_start3A_15 : memref<632x16xf32, #tpu.memory_space<vmem_shared>>) target_semaphore(%run_scoped3A : memref<!tpu.dma_semaphore, #tpu.memory_space<semaphore_mem>>)
      %dma_wait3A = arith.constant 0 : i32
      %dma_wait3A_18 = tpu.memref_slice %arg8[%mul3A_4, %dma_wait3A] : memref<10112x16xf32, #tpu.memory_space<vmem_shared>> -> memref<632x16xf32, #tpu.memory_space<vmem_shared>>
      %dma_wait3A_19 = arith.constant 0 : i32
      %dma_wait3A_20 = tpu.memref_slice %arg4[%mul3A_2, %dma_wait3A_19] : memref<10112x16xf32, #tpu.memory_space<hbm>> -> memref<632x16xf32, #tpu.memory_space<hbm>>
      tpu.wait_dma2 semaphore(%run_scoped3A : memref<!tpu.dma_semaphore, #tpu.memory_space<semaphore_mem>>) src(%dma_wait3A_20 : memref<632x16xf32, #tpu.memory_space<hbm>>) dst(%dma_wait3A_18 : memref<632x16xf32, #tpu.memory_space<vmem_shared>>)
      tpu.yield
    }) : () -> ()
    "tpu.region"() ({
      %run_scoped3A = tpu.sem_alloc : memref<!tpu.dma_semaphore, #tpu.memory_space<semaphore_mem>>
      tpu.enqueue_dma source(%arg2 : memref<128x16xf32, #tpu.memory_space<hbm>>) target(%arg7 : memref<128x16xf32, #tpu.memory_space<vmem>>) target_semaphore(%run_scoped3A : memref<!tpu.dma_semaphore, #tpu.memory_space<semaphore_mem>>)
      tpu.wait_dma2 semaphore(%run_scoped3A : memref<!tpu.dma_semaphore, #tpu.memory_space<semaphore_mem>>) src(%arg2 : memref<128x16xf32, #tpu.memory_space<hbm>>) dst(%arg7 : memref<128x16xf32, #tpu.memory_space<vmem>>)
      tpu.yield
    }) : () -> ()
    "tpu.region"() ({
      %run_scoped3A = tpu.sem_alloc : memref<!tpu.dma_semaphore, #tpu.memory_space<semaphore_mem>>
      %dma_start3A = arith.constant 0 : i32
      %dma_start3A_15 = arith.constant 0 : i32
      %dma_start3A_16 = tpu.memref_slice %arg3[%add3A, %dma_start3A, %dma_start3A_15] : memref<32x80x128xi32, #tpu.memory_space<hbm>> -> memref<1x80x128xi32, #tpu.memory_space<hbm>>
      %dma_start3A_17 = tpu.memref_squeeze %dma_start3A_16 : memref<1x80x128xi32, #tpu.memory_space<hbm>> -> memref<80x128xi32, #tpu.memory_space<hbm>>
      %dma_start3A_18 = arith.constant 0 : i32
      %dma_start3A_19 = arith.constant 0 : i32
      %dma_start3A_20 = tpu.memref_slice %arg3[%add3A, %dma_start3A_18, %dma_start3A_19] : memref<32x80x128xi32, #tpu.memory_space<hbm>> -> memref<1x80x128xi32, #tpu.memory_space<hbm>>
      %dma_start3A_21 = tpu.memref_squeeze %dma_start3A_20 : memref<1x80x128xi32, #tpu.memory_space<hbm>> -> memref<80x128xi32, #tpu.memory_space<hbm>>
      tpu.enqueue_dma source(%dma_start3A_21 : memref<80x128xi32, #tpu.memory_space<hbm>>) target(%arg6 : memref<80x128xi32, #tpu.memory_space<vmem>>) target_semaphore(%run_scoped3A : memref<!tpu.dma_semaphore, #tpu.memory_space<semaphore_mem>>)
      %dma_wait3A = arith.constant 0 : i32
      %dma_wait3A_22 = arith.constant 0 : i32
      %dma_wait3A_23 = tpu.memref_slice %arg3[%add3A, %dma_wait3A, %dma_wait3A_22] : memref<32x80x128xi32, #tpu.memory_space<hbm>> -> memref<1x80x128xi32, #tpu.memory_space<hbm>>
      %dma_wait3A_24 = tpu.memref_squeeze %dma_wait3A_23 : memref<1x80x128xi32, #tpu.memory_space<hbm>> -> memref<80x128xi32, #tpu.memory_space<hbm>>
      %dma_wait3A_25 = arith.constant 0 : i32
      %dma_wait3A_26 = arith.constant 0 : i32
      %dma_wait3A_27 = tpu.memref_slice %arg3[%add3A, %dma_wait3A_25, %dma_wait3A_26] : memref<32x80x128xi32, #tpu.memory_space<hbm>> -> memref<1x80x128xi32, #tpu.memory_space<hbm>>
      %dma_wait3A_28 = tpu.memref_squeeze %dma_wait3A_27 : memref<1x80x128xi32, #tpu.memory_space<hbm>> -> memref<80x128xi32, #tpu.memory_space<hbm>>
      tpu.wait_dma2 semaphore(%run_scoped3A : memref<!tpu.dma_semaphore, #tpu.memory_space<semaphore_mem>>) src(%dma_wait3A_28 : memref<80x128xi32, #tpu.memory_space<hbm>>) dst(%arg6 : memref<80x128xi32, #tpu.memory_space<vmem>>)
      tpu.yield
    }) : () -> ()
    %barrier3A = arith.constant 0 : index
    tpu.barrier barrier_id(%barrier3A)
    %scan3A = arith.constant 0 : i32
    %scan3A_5 = arith.constant 0 : i32
    %scan3A_6 = arith.constant 10 : i32
    %scan3A_7 = arith.addi %scan3A_5, %scan3A_6 : i32
    %scan3A_8 = arith.constant 1 : i32
    scf.for %scan3A_15 = %scan3A_5 to %scan3A_7 step %scan3A_8  : i32 {
      %mul3A_16 = arith.constant 8 : i32
      %mul3A_17 = arith.muli %mul3A_16, %scan3A_15 : i32
      %add3A_18 = arith.constant 0 : i32
      %add3A_19 = arith.addi %mul3A_17, %add3A_18 : i32
      %dma_start3A = arith.constant 0 : i32
      %dma_start3A_20 = tpu.memref_slice %arg6[%add3A_19, %dma_start3A] : memref<80x128xi32, #tpu.memory_space<vmem>> -> memref<1x128xi32, #tpu.memory_space<vmem>>
      %dma_start3A_21 = tpu.memref_squeeze %dma_start3A_20 : memref<1x128xi32, #tpu.memory_space<vmem>> -> memref<128xi32, #tpu.memory_space<vmem>>
      %dma_start3A_22 = arith.constant 0 : i32
      %dma_start3A_23 = arith.constant 0 : i32
      %dma_start3A_24 = tpu.memref_slice %arg8[%dma_start3A_22, %dma_start3A_23] : memref<10112x16xf32, #tpu.memory_space<vmem_shared>> -> memref<10112x16xf32, #tpu.memory_space<vmem_shared>>
      tpu.enqueue_indirect_dma source(%arg7 : memref<128x16xf32, #tpu.memory_space<vmem>>) target(%dma_start3A_24 : memref<10112x16xf32, #tpu.memory_space<vmem_shared>>) offsets(%dma_start3A_21 : memref<128xi32, #tpu.memory_space<vmem>>) semaphore(%arg9 : memref<!tpu.dma_semaphore, #tpu.memory_space<semaphore_mem>>) {add = true}
      %mul3A_25 = arith.constant 8 : i32
      %mul3A_26 = arith.muli %mul3A_25, %scan3A_15 : i32
      %add3A_27 = arith.constant 1 : i32
      %add3A_28 = arith.addi %mul3A_26, %add3A_27 : i32
      %dma_start3A_29 = arith.constant 0 : i32
      %dma_start3A_30 = tpu.memref_slice %arg6[%add3A_28, %dma_start3A_29] : memref<80x128xi32, #tpu.memory_space<vmem>> -> memref<1x128xi32, #tpu.memory_space<vmem>>
      %dma_start3A_31 = tpu.memref_squeeze %dma_start3A_30 : memref<1x128xi32, #tpu.memory_space<vmem>> -> memref<128xi32, #tpu.memory_space<vmem>>
      %dma_start3A_32 = arith.constant 0 : i32
      %dma_start3A_33 = arith.constant 0 : i32
      %dma_start3A_34 = tpu.memref_slice %arg8[%dma_start3A_32, %dma_start3A_33] : memref<10112x16xf32, #tpu.memory_space<vmem_shared>> -> memref<10112x16xf32, #tpu.memory_space<vmem_shared>>
      tpu.enqueue_indirect_dma source(%arg7 : memref<128x16xf32, #tpu.memory_space<vmem>>) target(%dma_start3A_34 : memref<10112x16xf32, #tpu.memory_space<vmem_shared>>) offsets(%dma_start3A_31 : memref<128xi32, #tpu.memory_space<vmem>>) semaphore(%arg9 : memref<!tpu.dma_semaphore, #tpu.memory_space<semaphore_mem>>) {add = true}
      %mul3A_35 = arith.constant 8 : i32
      %mul3A_36 = arith.muli %mul3A_35, %scan3A_15 : i32
      %add3A_37 = arith.constant 2 : i32
      %add3A_38 = arith.addi %mul3A_36, %add3A_37 : i32
      %dma_start3A_39 = arith.constant 0 : i32
      %dma_start3A_40 = tpu.memref_slice %arg6[%add3A_38, %dma_start3A_39] : memref<80x128xi32, #tpu.memory_space<vmem>> -> memref<1x128xi32, #tpu.memory_space<vmem>>
      %dma_start3A_41 = tpu.memref_squeeze %dma_start3A_40 : memref<1x128xi32, #tpu.memory_space<vmem>> -> memref<128xi32, #tpu.memory_space<vmem>>
      %dma_start3A_42 = arith.constant 0 : i32
      %dma_start3A_43 = arith.constant 0 : i32
      %dma_start3A_44 = tpu.memref_slice %arg8[%dma_start3A_42, %dma_start3A_43] : memref<10112x16xf32, #tpu.memory_space<vmem_shared>> -> memref<10112x16xf32, #tpu.memory_space<vmem_shared>>
      tpu.enqueue_indirect_dma source(%arg7 : memref<128x16xf32, #tpu.memory_space<vmem>>) target(%dma_start3A_44 : memref<10112x16xf32, #tpu.memory_space<vmem_shared>>) offsets(%dma_start3A_41 : memref<128xi32, #tpu.memory_space<vmem>>) semaphore(%arg9 : memref<!tpu.dma_semaphore, #tpu.memory_space<semaphore_mem>>) {add = true}
      %mul3A_45 = arith.constant 8 : i32
      %mul3A_46 = arith.muli %mul3A_45, %scan3A_15 : i32
      %add3A_47 = arith.constant 3 : i32
      %add3A_48 = arith.addi %mul3A_46, %add3A_47 : i32
      %dma_start3A_49 = arith.constant 0 : i32
      %dma_start3A_50 = tpu.memref_slice %arg6[%add3A_48, %dma_start3A_49] : memref<80x128xi32, #tpu.memory_space<vmem>> -> memref<1x128xi32, #tpu.memory_space<vmem>>
      %dma_start3A_51 = tpu.memref_squeeze %dma_start3A_50 : memref<1x128xi32, #tpu.memory_space<vmem>> -> memref<128xi32, #tpu.memory_space<vmem>>
      %dma_start3A_52 = arith.constant 0 : i32
      %dma_start3A_53 = arith.constant 0 : i32
      %dma_start3A_54 = tpu.memref_slice %arg8[%dma_start3A_52, %dma_start3A_53] : memref<10112x16xf32, #tpu.memory_space<vmem_shared>> -> memref<10112x16xf32, #tpu.memory_space<vmem_shared>>
      tpu.enqueue_indirect_dma source(%arg7 : memref<128x16xf32, #tpu.memory_space<vmem>>) target(%dma_start3A_54 : memref<10112x16xf32, #tpu.memory_space<vmem_shared>>) offsets(%dma_start3A_51 : memref<128xi32, #tpu.memory_space<vmem>>) semaphore(%arg9 : memref<!tpu.dma_semaphore, #tpu.memory_space<semaphore_mem>>) {add = true}
      %mul3A_55 = arith.constant 8 : i32
      %mul3A_56 = arith.muli %mul3A_55, %scan3A_15 : i32
      %add3A_57 = arith.constant 4 : i32
      %add3A_58 = arith.addi %mul3A_56, %add3A_57 : i32
      %dma_start3A_59 = arith.constant 0 : i32
      %dma_start3A_60 = tpu.memref_slice %arg6[%add3A_58, %dma_start3A_59] : memref<80x128xi32, #tpu.memory_space<vmem>> -> memref<1x128xi32, #tpu.memory_space<vmem>>
      %dma_start3A_61 = tpu.memref_squeeze %dma_start3A_60 : memref<1x128xi32, #tpu.memory_space<vmem>> -> memref<128xi32, #tpu.memory_space<vmem>>
      %dma_start3A_62 = arith.constant 0 : i32
      %dma_start3A_63 = arith.constant 0 : i32
      %dma_start3A_64 = tpu.memref_slice %arg8[%dma_start3A_62, %dma_start3A_63] : memref<10112x16xf32, #tpu.memory_space<vmem_shared>> -> memref<10112x16xf32, #tpu.memory_space<vmem_shared>>
      tpu.enqueue_indirect_dma source(%arg7 : memref<128x16xf32, #tpu.memory_space<vmem>>) target(%dma_start3A_64 : memref<10112x16xf32, #tpu.memory_space<vmem_shared>>) offsets(%dma_start3A_61 : memref<128xi32, #tpu.memory_space<vmem>>) semaphore(%arg9 : memref<!tpu.dma_semaphore, #tpu.memory_space<semaphore_mem>>) {add = true}
      %mul3A_65 = arith.constant 8 : i32
      %mul3A_66 = arith.muli %mul3A_65, %scan3A_15 : i32
      %add3A_67 = arith.constant 5 : i32
      %add3A_68 = arith.addi %mul3A_66, %add3A_67 : i32
      %dma_start3A_69 = arith.constant 0 : i32
      %dma_start3A_70 = tpu.memref_slice %arg6[%add3A_68, %dma_start3A_69] : memref<80x128xi32, #tpu.memory_space<vmem>> -> memref<1x128xi32, #tpu.memory_space<vmem>>
      %dma_start3A_71 = tpu.memref_squeeze %dma_start3A_70 : memref<1x128xi32, #tpu.memory_space<vmem>> -> memref<128xi32, #tpu.memory_space<vmem>>
      %dma_start3A_72 = arith.constant 0 : i32
      %dma_start3A_73 = arith.constant 0 : i32
      %dma_start3A_74 = tpu.memref_slice %arg8[%dma_start3A_72, %dma_start3A_73] : memref<10112x16xf32, #tpu.memory_space<vmem_shared>> -> memref<10112x16xf32, #tpu.memory_space<vmem_shared>>
      tpu.enqueue_indirect_dma source(%arg7 : memref<128x16xf32, #tpu.memory_space<vmem>>) target(%dma_start3A_74 : memref<10112x16xf32, #tpu.memory_space<vmem_shared>>) offsets(%dma_start3A_71 : memref<128xi32, #tpu.memory_space<vmem>>) semaphore(%arg9 : memref<!tpu.dma_semaphore, #tpu.memory_space<semaphore_mem>>) {add = true}
      %mul3A_75 = arith.constant 8 : i32
      %mul3A_76 = arith.muli %mul3A_75, %scan3A_15 : i32
      %add3A_77 = arith.constant 6 : i32
      %add3A_78 = arith.addi %mul3A_76, %add3A_77 : i32
      %dma_start3A_79 = arith.constant 0 : i32
      %dma_start3A_80 = tpu.memref_slice %arg6[%add3A_78, %dma_start3A_79] : memref<80x128xi32, #tpu.memory_space<vmem>> -> memref<1x128xi32, #tpu.memory_space<vmem>>
      %dma_start3A_81 = tpu.memref_squeeze %dma_start3A_80 : memref<1x128xi32, #tpu.memory_space<vmem>> -> memref<128xi32, #tpu.memory_space<vmem>>
      %dma_start3A_82 = arith.constant 0 : i32
      %dma_start3A_83 = arith.constant 0 : i32
      %dma_start3A_84 = tpu.memref_slice %arg8[%dma_start3A_82, %dma_start3A_83] : memref<10112x16xf32, #tpu.memory_space<vmem_shared>> -> memref<10112x16xf32, #tpu.memory_space<vmem_shared>>
      tpu.enqueue_indirect_dma source(%arg7 : memref<128x16xf32, #tpu.memory_space<vmem>>) target(%dma_start3A_84 : memref<10112x16xf32, #tpu.memory_space<vmem_shared>>) offsets(%dma_start3A_81 : memref<128xi32, #tpu.memory_space<vmem>>) semaphore(%arg9 : memref<!tpu.dma_semaphore, #tpu.memory_space<semaphore_mem>>) {add = true}
      %mul3A_85 = arith.constant 8 : i32
      %mul3A_86 = arith.muli %mul3A_85, %scan3A_15 : i32
      %add3A_87 = arith.constant 7 : i32
      %add3A_88 = arith.addi %mul3A_86, %add3A_87 : i32
      %dma_start3A_89 = arith.constant 0 : i32
      %dma_start3A_90 = tpu.memref_slice %arg6[%add3A_88, %dma_start3A_89] : memref<80x128xi32, #tpu.memory_space<vmem>> -> memref<1x128xi32, #tpu.memory_space<vmem>>
      %dma_start3A_91 = tpu.memref_squeeze %dma_start3A_90 : memref<1x128xi32, #tpu.memory_space<vmem>> -> memref<128xi32, #tpu.memory_space<vmem>>
      %dma_start3A_92 = arith.constant 0 : i32
      %dma_start3A_93 = arith.constant 0 : i32
      %dma_start3A_94 = tpu.memref_slice %arg8[%dma_start3A_92, %dma_start3A_93] : memref<10112x16xf32, #tpu.memory_space<vmem_shared>> -> memref<10112x16xf32, #tpu.memory_space<vmem_shared>>
      tpu.enqueue_indirect_dma source(%arg7 : memref<128x16xf32, #tpu.memory_space<vmem>>) target(%dma_start3A_94 : memref<10112x16xf32, #tpu.memory_space<vmem_shared>>) offsets(%dma_start3A_91 : memref<128xi32, #tpu.memory_space<vmem>>) semaphore(%arg9 : memref<!tpu.dma_semaphore, #tpu.memory_space<semaphore_mem>>) {add = true}
      %dma_wait3A = arith.constant 0 : i32
      %dma_wait3A_95 = tpu.memref_slice %arg6[%add3A_19, %dma_wait3A] : memref<80x128xi32, #tpu.memory_space<vmem>> -> memref<1x128xi32, #tpu.memory_space<vmem>>
      %dma_wait3A_96 = tpu.memref_squeeze %dma_wait3A_95 : memref<1x128xi32, #tpu.memory_space<vmem>> -> memref<128xi32, #tpu.memory_space<vmem>>
      %dma_wait3A_97 = arith.constant 0 : i32
      %dma_wait3A_98 = arith.constant 0 : i32
      %dma_wait3A_99 = tpu.memref_slice %arg8[%dma_wait3A_97, %dma_wait3A_98] : memref<10112x16xf32, #tpu.memory_space<vmem_shared>> -> memref<10112x16xf32, #tpu.memory_space<vmem_shared>>
      tpu.wait_indirect_dma semaphore(%arg9 : memref<!tpu.dma_semaphore, #tpu.memory_space<semaphore_mem>>) src(%arg7 : memref<128x16xf32, #tpu.memory_space<vmem>>) dst(%dma_wait3A_99 : memref<10112x16xf32, #tpu.memory_space<vmem_shared>>)
      %dma_wait3A_100 = arith.constant 0 : i32
      %dma_wait3A_101 = tpu.memref_slice %arg6[%add3A_28, %dma_wait3A_100] : memref<80x128xi32, #tpu.memory_space<vmem>> -> memref<1x128xi32, #tpu.memory_space<vmem>>
      %dma_wait3A_102 = tpu.memref_squeeze %dma_wait3A_101 : memref<1x128xi32, #tpu.memory_space<vmem>> -> memref<128xi32, #tpu.memory_space<vmem>>
      %dma_wait3A_103 = arith.constant 0 : i32
      %dma_wait3A_104 = arith.constant 0 : i32
      %dma_wait3A_105 = tpu.memref_slice %arg8[%dma_wait3A_103, %dma_wait3A_104] : memref<10112x16xf32, #tpu.memory_space<vmem_shared>> -> memref<10112x16xf32, #tpu.memory_space<vmem_shared>>
      tpu.wait_indirect_dma semaphore(%arg9 : memref<!tpu.dma_semaphore, #tpu.memory_space<semaphore_mem>>) src(%arg7 : memref<128x16xf32, #tpu.memory_space<vmem>>) dst(%dma_wait3A_105 : memref<10112x16xf32, #tpu.memory_space<vmem_shared>>)
      %dma_wait3A_106 = arith.constant 0 : i32
      %dma_wait3A_107 = tpu.memref_slice %arg6[%add3A_38, %dma_wait3A_106] : memref<80x128xi32, #tpu.memory_space<vmem>> -> memref<1x128xi32, #tpu.memory_space<vmem>>
      %dma_wait3A_108 = tpu.memref_squeeze %dma_wait3A_107 : memref<1x128xi32, #tpu.memory_space<vmem>> -> memref<128xi32, #tpu.memory_space<vmem>>
      %dma_wait3A_109 = arith.constant 0 : i32
      %dma_wait3A_110 = arith.constant 0 : i32
      %dma_wait3A_111 = tpu.memref_slice %arg8[%dma_wait3A_109, %dma_wait3A_110] : memref<10112x16xf32, #tpu.memory_space<vmem_shared>> -> memref<10112x16xf32, #tpu.memory_space<vmem_shared>>
      tpu.wait_indirect_dma semaphore(%arg9 : memref<!tpu.dma_semaphore, #tpu.memory_space<semaphore_mem>>) src(%arg7 : memref<128x16xf32, #tpu.memory_space<vmem>>) dst(%dma_wait3A_111 : memref<10112x16xf32, #tpu.memory_space<vmem_shared>>)
      %dma_wait3A_112 = arith.constant 0 : i32
      %dma_wait3A_113 = tpu.memref_slice %arg6[%add3A_48, %dma_wait3A_112] : memref<80x128xi32, #tpu.memory_space<vmem>> -> memref<1x128xi32, #tpu.memory_space<vmem>>
      %dma_wait3A_114 = tpu.memref_squeeze %dma_wait3A_113 : memref<1x128xi32, #tpu.memory_space<vmem>> -> memref<128xi32, #tpu.memory_space<vmem>>
      %dma_wait3A_115 = arith.constant 0 : i32
      %dma_wait3A_116 = arith.constant 0 : i32
      %dma_wait3A_117 = tpu.memref_slice %arg8[%dma_wait3A_115, %dma_wait3A_116] : memref<10112x16xf32, #tpu.memory_space<vmem_shared>> -> memref<10112x16xf32, #tpu.memory_space<vmem_shared>>
      tpu.wait_indirect_dma semaphore(%arg9 : memref<!tpu.dma_semaphore, #tpu.memory_space<semaphore_mem>>) src(%arg7 : memref<128x16xf32, #tpu.memory_space<vmem>>) dst(%dma_wait3A_117 : memref<10112x16xf32, #tpu.memory_space<vmem_shared>>)
      %dma_wait3A_118 = arith.constant 0 : i32
      %dma_wait3A_119 = tpu.memref_slice %arg6[%add3A_58, %dma_wait3A_118] : memref<80x128xi32, #tpu.memory_space<vmem>> -> memref<1x128xi32, #tpu.memory_space<vmem>>
      %dma_wait3A_120 = tpu.memref_squeeze %dma_wait3A_119 : memref<1x128xi32, #tpu.memory_space<vmem>> -> memref<128xi32, #tpu.memory_space<vmem>>
      %dma_wait3A_121 = arith.constant 0 : i32
      %dma_wait3A_122 = arith.constant 0 : i32
      %dma_wait3A_123 = tpu.memref_slice %arg8[%dma_wait3A_121, %dma_wait3A_122] : memref<10112x16xf32, #tpu.memory_space<vmem_shared>> -> memref<10112x16xf32, #tpu.memory_space<vmem_shared>>
      tpu.wait_indirect_dma semaphore(%arg9 : memref<!tpu.dma_semaphore, #tpu.memory_space<semaphore_mem>>) src(%arg7 : memref<128x16xf32, #tpu.memory_space<vmem>>) dst(%dma_wait3A_123 : memref<10112x16xf32, #tpu.memory_space<vmem_shared>>)
      %dma_wait3A_124 = arith.constant 0 : i32
      %dma_wait3A_125 = tpu.memref_slice %arg6[%add3A_68, %dma_wait3A_124] : memref<80x128xi32, #tpu.memory_space<vmem>> -> memref<1x128xi32, #tpu.memory_space<vmem>>
      %dma_wait3A_126 = tpu.memref_squeeze %dma_wait3A_125 : memref<1x128xi32, #tpu.memory_space<vmem>> -> memref<128xi32, #tpu.memory_space<vmem>>
      %dma_wait3A_127 = arith.constant 0 : i32
      %dma_wait3A_128 = arith.constant 0 : i32
      %dma_wait3A_129 = tpu.memref_slice %arg8[%dma_wait3A_127, %dma_wait3A_128] : memref<10112x16xf32, #tpu.memory_space<vmem_shared>> -> memref<10112x16xf32, #tpu.memory_space<vmem_shared>>
      tpu.wait_indirect_dma semaphore(%arg9 : memref<!tpu.dma_semaphore, #tpu.memory_space<semaphore_mem>>) src(%arg7 : memref<128x16xf32, #tpu.memory_space<vmem>>) dst(%dma_wait3A_129 : memref<10112x16xf32, #tpu.memory_space<vmem_shared>>)
      %dma_wait3A_130 = arith.constant 0 : i32
      %dma_wait3A_131 = tpu.memref_slice %arg6[%add3A_78, %dma_wait3A_130] : memref<80x128xi32, #tpu.memory_space<vmem>> -> memref<1x128xi32, #tpu.memory_space<vmem>>
      %dma_wait3A_132 = tpu.memref_squeeze %dma_wait3A_131 : memref<1x128xi32, #tpu.memory_space<vmem>> -> memref<128xi32, #tpu.memory_space<vmem>>
      %dma_wait3A_133 = arith.constant 0 : i32
      %dma_wait3A_134 = arith.constant 0 : i32
      %dma_wait3A_135 = tpu.memref_slice %arg8[%dma_wait3A_133, %dma_wait3A_134] : memref<10112x16xf32, #tpu.memory_space<vmem_shared>> -> memref<10112x16xf32, #tpu.memory_space<vmem_shared>>
      tpu.wait_indirect_dma semaphore(%arg9 : memref<!tpu.dma_semaphore, #tpu.memory_space<semaphore_mem>>) src(%arg7 : memref<128x16xf32, #tpu.memory_space<vmem>>) dst(%dma_wait3A_135 : memref<10112x16xf32, #tpu.memory_space<vmem_shared>>)
      %dma_wait3A_136 = arith.constant 0 : i32
      %dma_wait3A_137 = tpu.memref_slice %arg6[%add3A_88, %dma_wait3A_136] : memref<80x128xi32, #tpu.memory_space<vmem>> -> memref<1x128xi32, #tpu.memory_space<vmem>>
      %dma_wait3A_138 = tpu.memref_squeeze %dma_wait3A_137 : memref<1x128xi32, #tpu.memory_space<vmem>> -> memref<128xi32, #tpu.memory_space<vmem>>
      %dma_wait3A_139 = arith.constant 0 : i32
      %dma_wait3A_140 = arith.constant 0 : i32
      %dma_wait3A_141 = tpu.memref_slice %arg8[%dma_wait3A_139, %dma_wait3A_140] : memref<10112x16xf32, #tpu.memory_space<vmem_shared>> -> memref<10112x16xf32, #tpu.memory_space<vmem_shared>>
      tpu.wait_indirect_dma semaphore(%arg9 : memref<!tpu.dma_semaphore, #tpu.memory_space<semaphore_mem>>) src(%arg7 : memref<128x16xf32, #tpu.memory_space<vmem>>) dst(%dma_wait3A_141 : memref<10112x16xf32, #tpu.memory_space<vmem_shared>>)
    }
    %scan3A_9 = arith.constant 10 : i32
    %barrier3A_10 = arith.constant 0 : index
    tpu.barrier barrier_id(%barrier3A_10)
    %mul3A_11 = arith.constant 632 : i32
    %mul3A_12 = arith.muli %arg1, %mul3A_11 : i32
    %mul3A_13 = arith.constant 632 : i32
    %mul3A_14 = arith.muli %arg1, %mul3A_13 : i32
    "tpu.region"() ({
      %run_scoped3A = tpu.sem_alloc : memref<!tpu.dma_semaphore, #tpu.memory_space<semaphore_mem>>
      %dma_start3A = arith.constant 0 : i32
      %dma_start3A_15 = tpu.memref_slice %arg5[%arg0, %mul3A_14, %dma_start3A] : memref<2x10112x16xf32, #tpu.memory_space<hbm>> -> memref<1x632x16xf32, #tpu.memory_space<hbm>>
      %dma_start3A_16 = tpu.memref_squeeze %dma_start3A_15 : memref<1x632x16xf32, #tpu.memory_space<hbm>> -> memref<632x16xf32, #tpu.memory_space<hbm>>
      %dma_start3A_17 = arith.constant 0 : i32
      %dma_start3A_18 = tpu.memref_slice %arg8[%mul3A_12, %dma_start3A_17] : memref<10112x16xf32, #tpu.memory_space<vmem_shared>> -> memref<632x16xf32, #tpu.memory_space<vmem_shared>>
      tpu.enqueue_dma source(%dma_start3A_18 : memref<632x16xf32, #tpu.memory_space<vmem_shared>>) target(%dma_start3A_16 : memref<632x16xf32, #tpu.memory_space<hbm>>) target_semaphore(%run_scoped3A : memref<!tpu.dma_semaphore, #tpu.memory_space<semaphore_mem>>)
      %dma_wait3A = arith.constant 0 : i32
      %dma_wait3A_19 = tpu.memref_slice %arg5[%arg0, %mul3A_14, %dma_wait3A] : memref<2x10112x16xf32, #tpu.memory_space<hbm>> -> memref<1x632x16xf32, #tpu.memory_space<hbm>>
      %dma_wait3A_20 = tpu.memref_squeeze %dma_wait3A_19 : memref<1x632x16xf32, #tpu.memory_space<hbm>> -> memref<632x16xf32, #tpu.memory_space<hbm>>
      %dma_wait3A_21 = arith.constant 0 : i32
      %dma_wait3A_22 = tpu.memref_slice %arg8[%mul3A_12, %dma_wait3A_21] : memref<10112x16xf32, #tpu.memory_space<vmem_shared>> -> memref<632x16xf32, #tpu.memory_space<vmem_shared>>
      tpu.wait_dma2 semaphore(%run_scoped3A : memref<!tpu.dma_semaphore, #tpu.memory_space<semaphore_mem>>) src(%dma_wait3A_22 : memref<632x16xf32, #tpu.memory_space<vmem_shared>>) dst(%dma_wait3A_20 : memref<632x16xf32, #tpu.memory_space<hbm>>)
      tpu.yield
    }) : () -> ()
    return
  }
}

#map = affine_map<(d0, d1) -> (0, 0)>
#map1 = affine_map<(d0, d1) -> (0, 0, 0)>
module attributes {stable_mosaic.version = 14 : i64} {
  func.func @spmm(%arg0: i32, %arg1: i32, %arg2: memref<10000x32xf32, #tpu.memory_space<hbm>>, %arg3: memref<32x10x1024xi32, #tpu.memory_space<hbm>>, %arg4: memref<32x10x1024xi32, #tpu.memory_space<hbm>>, %arg5: memref<10112x32xf32, #tpu.memory_space<hbm>>, %arg6: memref<2x10112x32xf32, #tpu.memory_space<hbm>>, %arg7: memref<10x1024xi32, #tpu.memory_space<vmem>>, %arg8: memref<10x1024xi32, #tpu.memory_space<vmem>>, %arg9: memref<1024x32xf32, #tpu.memory_space<vmem>>, %arg10: memref<1024x32xf32, #tpu.memory_space<vmem>>, %arg11: memref<10112x32xf32, #tpu.memory_space<vmem_shared>>, %arg12: memref<!tpu.dma_semaphore, #tpu.memory_space<semaphore_mem>>, %arg13: memref<!tpu.dma_semaphore, #tpu.memory_space<semaphore_mem>>, %arg14: memref<!tpu.dma_semaphore, #tpu.memory_space<semaphore_mem>>, %arg15: memref<!tpu.dma_semaphore, #tpu.memory_space<semaphore_mem>>) attributes {dimension_semantics = [#tpu.dimension_semantics<core_parallel>, #tpu.dimension_semantics<subcore_parallel>], iteration_bounds = array<i64: 2, 16>, scalar_prefetch = 0 : i64, scratch_operands = 9 : i64, tpu.core_type = #tpu.core_type<sc_vector_subcore>, window_params = [{transform_indices = #map}, {transform_indices = #map1}, {transform_indices = #map1}, {transform_indices = #map}, {transform_indices = #map1}]} {
    %mul3A = arith.constant 2 : i32
    %mul3A_0 = arith.muli %arg1, %mul3A : i32
    %add3A = arith.addi %mul3A_0, %arg0 : i32
    %mul3A_1 = arith.constant 632 : i32
    %mul3A_2 = arith.muli %arg1, %mul3A_1 : i32
    %mul3A_3 = arith.constant 632 : i32
    %mul3A_4 = arith.muli %arg1, %mul3A_3 : i32
    "tpu.region"() ({
      %run_scoped3A = tpu.sem_alloc : memref<!tpu.dma_semaphore, #tpu.memory_space<semaphore_mem>>
      %dma_start3A_288 = arith.constant 0 : i32
      %dma_start3A_289 = tpu.memref_slice %arg11[%mul3A_4, %dma_start3A_288] : memref<10112x32xf32, #tpu.memory_space<vmem_shared>> -> memref<632x32xf32, #tpu.memory_space<vmem_shared>>
      %dma_start3A_290 = arith.constant 0 : i32
      %dma_start3A_291 = tpu.memref_slice %arg5[%mul3A_2, %dma_start3A_290] : memref<10112x32xf32, #tpu.memory_space<hbm>> -> memref<632x32xf32, #tpu.memory_space<hbm>>
      tpu.enqueue_dma source(%dma_start3A_291 : memref<632x32xf32, #tpu.memory_space<hbm>>) target(%dma_start3A_289 : memref<632x32xf32, #tpu.memory_space<vmem_shared>>) target_semaphore(%run_scoped3A : memref<!tpu.dma_semaphore, #tpu.memory_space<semaphore_mem>>)
      %dma_wait3A_292 = arith.constant 0 : i32
      %dma_wait3A_293 = tpu.memref_slice %arg11[%mul3A_4, %dma_wait3A_292] : memref<10112x32xf32, #tpu.memory_space<vmem_shared>> -> memref<632x32xf32, #tpu.memory_space<vmem_shared>>
      %dma_wait3A_294 = arith.constant 0 : i32
      %dma_wait3A_295 = tpu.memref_slice %arg5[%mul3A_2, %dma_wait3A_294] : memref<10112x32xf32, #tpu.memory_space<hbm>> -> memref<632x32xf32, #tpu.memory_space<hbm>>
      tpu.wait_dma2 semaphore(%run_scoped3A : memref<!tpu.dma_semaphore, #tpu.memory_space<semaphore_mem>>) src(%dma_wait3A_295 : memref<632x32xf32, #tpu.memory_space<hbm>>) dst(%dma_wait3A_293 : memref<632x32xf32, #tpu.memory_space<vmem_shared>>)
      tpu.yield
    }) : () -> ()
    "tpu.region"() ({
      %run_scoped3A = tpu.sem_alloc : memref<!tpu.dma_semaphore, #tpu.memory_space<semaphore_mem>>
      %dma_start3A_288 = arith.constant 0 : i32
      %dma_start3A_289 = arith.constant 0 : i32
      %dma_start3A_290 = tpu.memref_slice %arg3[%add3A, %dma_start3A_288, %dma_start3A_289] : memref<32x10x1024xi32, #tpu.memory_space<hbm>> -> memref<1x10x1024xi32, #tpu.memory_space<hbm>>
      %dma_start3A_291 = tpu.memref_squeeze %dma_start3A_290 : memref<1x10x1024xi32, #tpu.memory_space<hbm>> -> memref<10x1024xi32, #tpu.memory_space<hbm>>
      %dma_start3A_292 = arith.constant 0 : i32
      %dma_start3A_293 = arith.constant 0 : i32
      %dma_start3A_294 = tpu.memref_slice %arg3[%add3A, %dma_start3A_292, %dma_start3A_293] : memref<32x10x1024xi32, #tpu.memory_space<hbm>> -> memref<1x10x1024xi32, #tpu.memory_space<hbm>>
      %dma_start3A_295 = tpu.memref_squeeze %dma_start3A_294 : memref<1x10x1024xi32, #tpu.memory_space<hbm>> -> memref<10x1024xi32, #tpu.memory_space<hbm>>
      tpu.enqueue_dma source(%dma_start3A_295 : memref<10x1024xi32, #tpu.memory_space<hbm>>) target(%arg7 : memref<10x1024xi32, #tpu.memory_space<vmem>>) target_semaphore(%run_scoped3A : memref<!tpu.dma_semaphore, #tpu.memory_space<semaphore_mem>>)
      %dma_wait3A_296 = arith.constant 0 : i32
      %dma_wait3A_297 = arith.constant 0 : i32
      %dma_wait3A_298 = tpu.memref_slice %arg3[%add3A, %dma_wait3A_296, %dma_wait3A_297] : memref<32x10x1024xi32, #tpu.memory_space<hbm>> -> memref<1x10x1024xi32, #tpu.memory_space<hbm>>
      %dma_wait3A_299 = tpu.memref_squeeze %dma_wait3A_298 : memref<1x10x1024xi32, #tpu.memory_space<hbm>> -> memref<10x1024xi32, #tpu.memory_space<hbm>>
      %dma_wait3A_300 = arith.constant 0 : i32
      %dma_wait3A_301 = arith.constant 0 : i32
      %dma_wait3A_302 = tpu.memref_slice %arg3[%add3A, %dma_wait3A_300, %dma_wait3A_301] : memref<32x10x1024xi32, #tpu.memory_space<hbm>> -> memref<1x10x1024xi32, #tpu.memory_space<hbm>>
      %dma_wait3A_303 = tpu.memref_squeeze %dma_wait3A_302 : memref<1x10x1024xi32, #tpu.memory_space<hbm>> -> memref<10x1024xi32, #tpu.memory_space<hbm>>
      tpu.wait_dma2 semaphore(%run_scoped3A : memref<!tpu.dma_semaphore, #tpu.memory_space<semaphore_mem>>) src(%dma_wait3A_303 : memref<10x1024xi32, #tpu.memory_space<hbm>>) dst(%arg7 : memref<10x1024xi32, #tpu.memory_space<vmem>>)
      tpu.yield
    }) : () -> ()
    "tpu.region"() ({
      %run_scoped3A = tpu.sem_alloc : memref<!tpu.dma_semaphore, #tpu.memory_space<semaphore_mem>>
      %dma_start3A_288 = arith.constant 0 : i32
      %dma_start3A_289 = arith.constant 0 : i32
      %dma_start3A_290 = tpu.memref_slice %arg4[%add3A, %dma_start3A_288, %dma_start3A_289] : memref<32x10x1024xi32, #tpu.memory_space<hbm>> -> memref<1x10x1024xi32, #tpu.memory_space<hbm>>
      %dma_start3A_291 = tpu.memref_squeeze %dma_start3A_290 : memref<1x10x1024xi32, #tpu.memory_space<hbm>> -> memref<10x1024xi32, #tpu.memory_space<hbm>>
      %dma_start3A_292 = arith.constant 0 : i32
      %dma_start3A_293 = arith.constant 0 : i32
      %dma_start3A_294 = tpu.memref_slice %arg4[%add3A, %dma_start3A_292, %dma_start3A_293] : memref<32x10x1024xi32, #tpu.memory_space<hbm>> -> memref<1x10x1024xi32, #tpu.memory_space<hbm>>
      %dma_start3A_295 = tpu.memref_squeeze %dma_start3A_294 : memref<1x10x1024xi32, #tpu.memory_space<hbm>> -> memref<10x1024xi32, #tpu.memory_space<hbm>>
      tpu.enqueue_dma source(%dma_start3A_295 : memref<10x1024xi32, #tpu.memory_space<hbm>>) target(%arg8 : memref<10x1024xi32, #tpu.memory_space<vmem>>) target_semaphore(%run_scoped3A : memref<!tpu.dma_semaphore, #tpu.memory_space<semaphore_mem>>)
      %dma_wait3A_296 = arith.constant 0 : i32
      %dma_wait3A_297 = arith.constant 0 : i32
      %dma_wait3A_298 = tpu.memref_slice %arg4[%add3A, %dma_wait3A_296, %dma_wait3A_297] : memref<32x10x1024xi32, #tpu.memory_space<hbm>> -> memref<1x10x1024xi32, #tpu.memory_space<hbm>>
      %dma_wait3A_299 = tpu.memref_squeeze %dma_wait3A_298 : memref<1x10x1024xi32, #tpu.memory_space<hbm>> -> memref<10x1024xi32, #tpu.memory_space<hbm>>
      %dma_wait3A_300 = arith.constant 0 : i32
      %dma_wait3A_301 = arith.constant 0 : i32
      %dma_wait3A_302 = tpu.memref_slice %arg4[%add3A, %dma_wait3A_300, %dma_wait3A_301] : memref<32x10x1024xi32, #tpu.memory_space<hbm>> -> memref<1x10x1024xi32, #tpu.memory_space<hbm>>
      %dma_wait3A_303 = tpu.memref_squeeze %dma_wait3A_302 : memref<1x10x1024xi32, #tpu.memory_space<hbm>> -> memref<10x1024xi32, #tpu.memory_space<hbm>>
      tpu.wait_dma2 semaphore(%run_scoped3A : memref<!tpu.dma_semaphore, #tpu.memory_space<semaphore_mem>>) src(%dma_wait3A_303 : memref<10x1024xi32, #tpu.memory_space<hbm>>) dst(%arg8 : memref<10x1024xi32, #tpu.memory_space<vmem>>)
      tpu.yield
    }) : () -> ()
    %barrier3A = arith.constant 0 : index
    tpu.barrier barrier_id(%barrier3A)
    %dma_start3A = arith.constant 0 : i32
    %dma_start3A_5 = arith.constant 0 : i32
    %dma_start3A_6 = tpu.memref_slice %arg7[%dma_start3A, %dma_start3A_5] : memref<10x1024xi32, #tpu.memory_space<vmem>> -> memref<1x1024xi32, #tpu.memory_space<vmem>>
    %dma_start3A_7 = tpu.memref_squeeze %dma_start3A_6 : memref<1x1024xi32, #tpu.memory_space<vmem>> -> memref<1024xi32, #tpu.memory_space<vmem>>
    %dma_start3A_8 = arith.constant 0 : i32
    %dma_start3A_9 = arith.constant 0 : i32
    %dma_start3A_10 = tpu.memref_slice %arg2[%dma_start3A_8, %dma_start3A_9] : memref<10000x32xf32, #tpu.memory_space<hbm>> -> memref<10000x32xf32, #tpu.memory_space<hbm>>
    tpu.enqueue_indirect_dma source(%dma_start3A_10 : memref<10000x32xf32, #tpu.memory_space<hbm>>) target(%arg9 : memref<1024x32xf32, #tpu.memory_space<vmem>>) offsets(%dma_start3A_7 : memref<1024xi32, #tpu.memory_space<vmem>>) semaphore(%arg12 : memref<!tpu.dma_semaphore, #tpu.memory_space<semaphore_mem>>)
    %dma_start3A_11 = arith.constant 1 : i32
    %dma_start3A_12 = arith.constant 0 : i32
    %dma_start3A_13 = tpu.memref_slice %arg7[%dma_start3A_11, %dma_start3A_12] : memref<10x1024xi32, #tpu.memory_space<vmem>> -> memref<1x1024xi32, #tpu.memory_space<vmem>>
    %dma_start3A_14 = tpu.memref_squeeze %dma_start3A_13 : memref<1x1024xi32, #tpu.memory_space<vmem>> -> memref<1024xi32, #tpu.memory_space<vmem>>
    %dma_start3A_15 = arith.constant 0 : i32
    %dma_start3A_16 = arith.constant 0 : i32
    %dma_start3A_17 = tpu.memref_slice %arg2[%dma_start3A_15, %dma_start3A_16] : memref<10000x32xf32, #tpu.memory_space<hbm>> -> memref<10000x32xf32, #tpu.memory_space<hbm>>
    tpu.enqueue_indirect_dma source(%dma_start3A_17 : memref<10000x32xf32, #tpu.memory_space<hbm>>) target(%arg10 : memref<1024x32xf32, #tpu.memory_space<vmem>>) offsets(%dma_start3A_14 : memref<1024xi32, #tpu.memory_space<vmem>>) semaphore(%arg13 : memref<!tpu.dma_semaphore, #tpu.memory_space<semaphore_mem>>)
    %dma_wait3A = arith.constant 0 : i32
    %dma_wait3A_18 = arith.constant 0 : i32
    %dma_wait3A_19 = tpu.memref_slice %arg7[%dma_wait3A, %dma_wait3A_18] : memref<10x1024xi32, #tpu.memory_space<vmem>> -> memref<1x1024xi32, #tpu.memory_space<vmem>>
    %dma_wait3A_20 = tpu.memref_squeeze %dma_wait3A_19 : memref<1x1024xi32, #tpu.memory_space<vmem>> -> memref<1024xi32, #tpu.memory_space<vmem>>
    %dma_wait3A_21 = arith.constant 0 : i32
    %dma_wait3A_22 = arith.constant 0 : i32
    %dma_wait3A_23 = tpu.memref_slice %arg2[%dma_wait3A_21, %dma_wait3A_22] : memref<10000x32xf32, #tpu.memory_space<hbm>> -> memref<10000x32xf32, #tpu.memory_space<hbm>>
    tpu.wait_indirect_dma semaphore(%arg12 : memref<!tpu.dma_semaphore, #tpu.memory_space<semaphore_mem>>) src(%dma_wait3A_23 : memref<10000x32xf32, #tpu.memory_space<hbm>>) dst(%arg9 : memref<1024x32xf32, #tpu.memory_space<vmem>>)
    %dma_start3A_24 = arith.constant 0 : i32
    %dma_start3A_25 = arith.constant 0 : i32
    %dma_start3A_26 = tpu.memref_slice %arg8[%dma_start3A_24, %dma_start3A_25] : memref<10x1024xi32, #tpu.memory_space<vmem>> -> memref<1x1024xi32, #tpu.memory_space<vmem>>
    %dma_start3A_27 = tpu.memref_squeeze %dma_start3A_26 : memref<1x1024xi32, #tpu.memory_space<vmem>> -> memref<1024xi32, #tpu.memory_space<vmem>>
    %dma_start3A_28 = arith.constant 0 : i32
    %dma_start3A_29 = arith.constant 0 : i32
    %dma_start3A_30 = tpu.memref_slice %arg11[%dma_start3A_28, %dma_start3A_29] : memref<10112x32xf32, #tpu.memory_space<vmem_shared>> -> memref<10112x32xf32, #tpu.memory_space<vmem_shared>>
    tpu.enqueue_indirect_dma source(%arg9 : memref<1024x32xf32, #tpu.memory_space<vmem>>) target(%dma_start3A_30 : memref<10112x32xf32, #tpu.memory_space<vmem_shared>>) offsets(%dma_start3A_27 : memref<1024xi32, #tpu.memory_space<vmem>>) semaphore(%arg14 : memref<!tpu.dma_semaphore, #tpu.memory_space<semaphore_mem>>) {add = true}
    %dma_wait3A_31 = arith.constant 0 : i32
    %dma_wait3A_32 = arith.constant 0 : i32
    %dma_wait3A_33 = tpu.memref_slice %arg8[%dma_wait3A_31, %dma_wait3A_32] : memref<10x1024xi32, #tpu.memory_space<vmem>> -> memref<1x1024xi32, #tpu.memory_space<vmem>>
    %dma_wait3A_34 = tpu.memref_squeeze %dma_wait3A_33 : memref<1x1024xi32, #tpu.memory_space<vmem>> -> memref<1024xi32, #tpu.memory_space<vmem>>
    %dma_wait3A_35 = arith.constant 0 : i32
    %dma_wait3A_36 = arith.constant 0 : i32
    %dma_wait3A_37 = tpu.memref_slice %arg11[%dma_wait3A_35, %dma_wait3A_36] : memref<10112x32xf32, #tpu.memory_space<vmem_shared>> -> memref<10112x32xf32, #tpu.memory_space<vmem_shared>>
    tpu.wait_indirect_dma semaphore(%arg14 : memref<!tpu.dma_semaphore, #tpu.memory_space<semaphore_mem>>) src(%arg9 : memref<1024x32xf32, #tpu.memory_space<vmem>>) dst(%dma_wait3A_37 : memref<10112x32xf32, #tpu.memory_space<vmem_shared>>)
    %dma_start3A_38 = arith.constant 2 : i32
    %dma_start3A_39 = arith.constant 0 : i32
    %dma_start3A_40 = tpu.memref_slice %arg7[%dma_start3A_38, %dma_start3A_39] : memref<10x1024xi32, #tpu.memory_space<vmem>> -> memref<1x1024xi32, #tpu.memory_space<vmem>>
    %dma_start3A_41 = tpu.memref_squeeze %dma_start3A_40 : memref<1x1024xi32, #tpu.memory_space<vmem>> -> memref<1024xi32, #tpu.memory_space<vmem>>
    %dma_start3A_42 = arith.constant 0 : i32
    %dma_start3A_43 = arith.constant 0 : i32
    %dma_start3A_44 = tpu.memref_slice %arg2[%dma_start3A_42, %dma_start3A_43] : memref<10000x32xf32, #tpu.memory_space<hbm>> -> memref<10000x32xf32, #tpu.memory_space<hbm>>
    tpu.enqueue_indirect_dma source(%dma_start3A_44 : memref<10000x32xf32, #tpu.memory_space<hbm>>) target(%arg9 : memref<1024x32xf32, #tpu.memory_space<vmem>>) offsets(%dma_start3A_41 : memref<1024xi32, #tpu.memory_space<vmem>>) semaphore(%arg12 : memref<!tpu.dma_semaphore, #tpu.memory_space<semaphore_mem>>)
    %dma_wait3A_45 = arith.constant 1 : i32
    %dma_wait3A_46 = arith.constant 0 : i32
    %dma_wait3A_47 = tpu.memref_slice %arg7[%dma_wait3A_45, %dma_wait3A_46] : memref<10x1024xi32, #tpu.memory_space<vmem>> -> memref<1x1024xi32, #tpu.memory_space<vmem>>
    %dma_wait3A_48 = tpu.memref_squeeze %dma_wait3A_47 : memref<1x1024xi32, #tpu.memory_space<vmem>> -> memref<1024xi32, #tpu.memory_space<vmem>>
    %dma_wait3A_49 = arith.constant 0 : i32
    %dma_wait3A_50 = arith.constant 0 : i32
    %dma_wait3A_51 = tpu.memref_slice %arg2[%dma_wait3A_49, %dma_wait3A_50] : memref<10000x32xf32, #tpu.memory_space<hbm>> -> memref<10000x32xf32, #tpu.memory_space<hbm>>
    tpu.wait_indirect_dma semaphore(%arg13 : memref<!tpu.dma_semaphore, #tpu.memory_space<semaphore_mem>>) src(%dma_wait3A_51 : memref<10000x32xf32, #tpu.memory_space<hbm>>) dst(%arg10 : memref<1024x32xf32, #tpu.memory_space<vmem>>)
    %dma_start3A_52 = arith.constant 1 : i32
    %dma_start3A_53 = arith.constant 0 : i32
    %dma_start3A_54 = tpu.memref_slice %arg8[%dma_start3A_52, %dma_start3A_53] : memref<10x1024xi32, #tpu.memory_space<vmem>> -> memref<1x1024xi32, #tpu.memory_space<vmem>>
    %dma_start3A_55 = tpu.memref_squeeze %dma_start3A_54 : memref<1x1024xi32, #tpu.memory_space<vmem>> -> memref<1024xi32, #tpu.memory_space<vmem>>
    %dma_start3A_56 = arith.constant 0 : i32
    %dma_start3A_57 = arith.constant 0 : i32
    %dma_start3A_58 = tpu.memref_slice %arg11[%dma_start3A_56, %dma_start3A_57] : memref<10112x32xf32, #tpu.memory_space<vmem_shared>> -> memref<10112x32xf32, #tpu.memory_space<vmem_shared>>
    tpu.enqueue_indirect_dma source(%arg10 : memref<1024x32xf32, #tpu.memory_space<vmem>>) target(%dma_start3A_58 : memref<10112x32xf32, #tpu.memory_space<vmem_shared>>) offsets(%dma_start3A_55 : memref<1024xi32, #tpu.memory_space<vmem>>) semaphore(%arg15 : memref<!tpu.dma_semaphore, #tpu.memory_space<semaphore_mem>>) {add = true}
    %dma_wait3A_59 = arith.constant 1 : i32
    %dma_wait3A_60 = arith.constant 0 : i32
    %dma_wait3A_61 = tpu.memref_slice %arg8[%dma_wait3A_59, %dma_wait3A_60] : memref<10x1024xi32, #tpu.memory_space<vmem>> -> memref<1x1024xi32, #tpu.memory_space<vmem>>
    %dma_wait3A_62 = tpu.memref_squeeze %dma_wait3A_61 : memref<1x1024xi32, #tpu.memory_space<vmem>> -> memref<1024xi32, #tpu.memory_space<vmem>>
    %dma_wait3A_63 = arith.constant 0 : i32
    %dma_wait3A_64 = arith.constant 0 : i32
    %dma_wait3A_65 = tpu.memref_slice %arg11[%dma_wait3A_63, %dma_wait3A_64] : memref<10112x32xf32, #tpu.memory_space<vmem_shared>> -> memref<10112x32xf32, #tpu.memory_space<vmem_shared>>
    tpu.wait_indirect_dma semaphore(%arg15 : memref<!tpu.dma_semaphore, #tpu.memory_space<semaphore_mem>>) src(%arg10 : memref<1024x32xf32, #tpu.memory_space<vmem>>) dst(%dma_wait3A_65 : memref<10112x32xf32, #tpu.memory_space<vmem_shared>>)
    %dma_start3A_66 = arith.constant 3 : i32
    %dma_start3A_67 = arith.constant 0 : i32
    %dma_start3A_68 = tpu.memref_slice %arg7[%dma_start3A_66, %dma_start3A_67] : memref<10x1024xi32, #tpu.memory_space<vmem>> -> memref<1x1024xi32, #tpu.memory_space<vmem>>
    %dma_start3A_69 = tpu.memref_squeeze %dma_start3A_68 : memref<1x1024xi32, #tpu.memory_space<vmem>> -> memref<1024xi32, #tpu.memory_space<vmem>>
    %dma_start3A_70 = arith.constant 0 : i32
    %dma_start3A_71 = arith.constant 0 : i32
    %dma_start3A_72 = tpu.memref_slice %arg2[%dma_start3A_70, %dma_start3A_71] : memref<10000x32xf32, #tpu.memory_space<hbm>> -> memref<10000x32xf32, #tpu.memory_space<hbm>>
    tpu.enqueue_indirect_dma source(%dma_start3A_72 : memref<10000x32xf32, #tpu.memory_space<hbm>>) target(%arg10 : memref<1024x32xf32, #tpu.memory_space<vmem>>) offsets(%dma_start3A_69 : memref<1024xi32, #tpu.memory_space<vmem>>) semaphore(%arg13 : memref<!tpu.dma_semaphore, #tpu.memory_space<semaphore_mem>>)
    %dma_wait3A_73 = arith.constant 2 : i32
    %dma_wait3A_74 = arith.constant 0 : i32
    %dma_wait3A_75 = tpu.memref_slice %arg7[%dma_wait3A_73, %dma_wait3A_74] : memref<10x1024xi32, #tpu.memory_space<vmem>> -> memref<1x1024xi32, #tpu.memory_space<vmem>>
    %dma_wait3A_76 = tpu.memref_squeeze %dma_wait3A_75 : memref<1x1024xi32, #tpu.memory_space<vmem>> -> memref<1024xi32, #tpu.memory_space<vmem>>
    %dma_wait3A_77 = arith.constant 0 : i32
    %dma_wait3A_78 = arith.constant 0 : i32
    %dma_wait3A_79 = tpu.memref_slice %arg2[%dma_wait3A_77, %dma_wait3A_78] : memref<10000x32xf32, #tpu.memory_space<hbm>> -> memref<10000x32xf32, #tpu.memory_space<hbm>>
    tpu.wait_indirect_dma semaphore(%arg12 : memref<!tpu.dma_semaphore, #tpu.memory_space<semaphore_mem>>) src(%dma_wait3A_79 : memref<10000x32xf32, #tpu.memory_space<hbm>>) dst(%arg9 : memref<1024x32xf32, #tpu.memory_space<vmem>>)
    %dma_start3A_80 = arith.constant 2 : i32
    %dma_start3A_81 = arith.constant 0 : i32
    %dma_start3A_82 = tpu.memref_slice %arg8[%dma_start3A_80, %dma_start3A_81] : memref<10x1024xi32, #tpu.memory_space<vmem>> -> memref<1x1024xi32, #tpu.memory_space<vmem>>
    %dma_start3A_83 = tpu.memref_squeeze %dma_start3A_82 : memref<1x1024xi32, #tpu.memory_space<vmem>> -> memref<1024xi32, #tpu.memory_space<vmem>>
    %dma_start3A_84 = arith.constant 0 : i32
    %dma_start3A_85 = arith.constant 0 : i32
    %dma_start3A_86 = tpu.memref_slice %arg11[%dma_start3A_84, %dma_start3A_85] : memref<10112x32xf32, #tpu.memory_space<vmem_shared>> -> memref<10112x32xf32, #tpu.memory_space<vmem_shared>>
    tpu.enqueue_indirect_dma source(%arg9 : memref<1024x32xf32, #tpu.memory_space<vmem>>) target(%dma_start3A_86 : memref<10112x32xf32, #tpu.memory_space<vmem_shared>>) offsets(%dma_start3A_83 : memref<1024xi32, #tpu.memory_space<vmem>>) semaphore(%arg14 : memref<!tpu.dma_semaphore, #tpu.memory_space<semaphore_mem>>) {add = true}
    %dma_wait3A_87 = arith.constant 2 : i32
    %dma_wait3A_88 = arith.constant 0 : i32
    %dma_wait3A_89 = tpu.memref_slice %arg8[%dma_wait3A_87, %dma_wait3A_88] : memref<10x1024xi32, #tpu.memory_space<vmem>> -> memref<1x1024xi32, #tpu.memory_space<vmem>>
    %dma_wait3A_90 = tpu.memref_squeeze %dma_wait3A_89 : memref<1x1024xi32, #tpu.memory_space<vmem>> -> memref<1024xi32, #tpu.memory_space<vmem>>
    %dma_wait3A_91 = arith.constant 0 : i32
    %dma_wait3A_92 = arith.constant 0 : i32
    %dma_wait3A_93 = tpu.memref_slice %arg11[%dma_wait3A_91, %dma_wait3A_92] : memref<10112x32xf32, #tpu.memory_space<vmem_shared>> -> memref<10112x32xf32, #tpu.memory_space<vmem_shared>>
    tpu.wait_indirect_dma semaphore(%arg14 : memref<!tpu.dma_semaphore, #tpu.memory_space<semaphore_mem>>) src(%arg9 : memref<1024x32xf32, #tpu.memory_space<vmem>>) dst(%dma_wait3A_93 : memref<10112x32xf32, #tpu.memory_space<vmem_shared>>)
    %dma_start3A_94 = arith.constant 4 : i32
    %dma_start3A_95 = arith.constant 0 : i32
    %dma_start3A_96 = tpu.memref_slice %arg7[%dma_start3A_94, %dma_start3A_95] : memref<10x1024xi32, #tpu.memory_space<vmem>> -> memref<1x1024xi32, #tpu.memory_space<vmem>>
    %dma_start3A_97 = tpu.memref_squeeze %dma_start3A_96 : memref<1x1024xi32, #tpu.memory_space<vmem>> -> memref<1024xi32, #tpu.memory_space<vmem>>
    %dma_start3A_98 = arith.constant 0 : i32
    %dma_start3A_99 = arith.constant 0 : i32
    %dma_start3A_100 = tpu.memref_slice %arg2[%dma_start3A_98, %dma_start3A_99] : memref<10000x32xf32, #tpu.memory_space<hbm>> -> memref<10000x32xf32, #tpu.memory_space<hbm>>
    tpu.enqueue_indirect_dma source(%dma_start3A_100 : memref<10000x32xf32, #tpu.memory_space<hbm>>) target(%arg9 : memref<1024x32xf32, #tpu.memory_space<vmem>>) offsets(%dma_start3A_97 : memref<1024xi32, #tpu.memory_space<vmem>>) semaphore(%arg12 : memref<!tpu.dma_semaphore, #tpu.memory_space<semaphore_mem>>)
    %dma_wait3A_101 = arith.constant 3 : i32
    %dma_wait3A_102 = arith.constant 0 : i32
    %dma_wait3A_103 = tpu.memref_slice %arg7[%dma_wait3A_101, %dma_wait3A_102] : memref<10x1024xi32, #tpu.memory_space<vmem>> -> memref<1x1024xi32, #tpu.memory_space<vmem>>
    %dma_wait3A_104 = tpu.memref_squeeze %dma_wait3A_103 : memref<1x1024xi32, #tpu.memory_space<vmem>> -> memref<1024xi32, #tpu.memory_space<vmem>>
    %dma_wait3A_105 = arith.constant 0 : i32
    %dma_wait3A_106 = arith.constant 0 : i32
    %dma_wait3A_107 = tpu.memref_slice %arg2[%dma_wait3A_105, %dma_wait3A_106] : memref<10000x32xf32, #tpu.memory_space<hbm>> -> memref<10000x32xf32, #tpu.memory_space<hbm>>
    tpu.wait_indirect_dma semaphore(%arg13 : memref<!tpu.dma_semaphore, #tpu.memory_space<semaphore_mem>>) src(%dma_wait3A_107 : memref<10000x32xf32, #tpu.memory_space<hbm>>) dst(%arg10 : memref<1024x32xf32, #tpu.memory_space<vmem>>)
    %dma_start3A_108 = arith.constant 3 : i32
    %dma_start3A_109 = arith.constant 0 : i32
    %dma_start3A_110 = tpu.memref_slice %arg8[%dma_start3A_108, %dma_start3A_109] : memref<10x1024xi32, #tpu.memory_space<vmem>> -> memref<1x1024xi32, #tpu.memory_space<vmem>>
    %dma_start3A_111 = tpu.memref_squeeze %dma_start3A_110 : memref<1x1024xi32, #tpu.memory_space<vmem>> -> memref<1024xi32, #tpu.memory_space<vmem>>
    %dma_start3A_112 = arith.constant 0 : i32
    %dma_start3A_113 = arith.constant 0 : i32
    %dma_start3A_114 = tpu.memref_slice %arg11[%dma_start3A_112, %dma_start3A_113] : memref<10112x32xf32, #tpu.memory_space<vmem_shared>> -> memref<10112x32xf32, #tpu.memory_space<vmem_shared>>
    tpu.enqueue_indirect_dma source(%arg10 : memref<1024x32xf32, #tpu.memory_space<vmem>>) target(%dma_start3A_114 : memref<10112x32xf32, #tpu.memory_space<vmem_shared>>) offsets(%dma_start3A_111 : memref<1024xi32, #tpu.memory_space<vmem>>) semaphore(%arg15 : memref<!tpu.dma_semaphore, #tpu.memory_space<semaphore_mem>>) {add = true}
    %dma_wait3A_115 = arith.constant 3 : i32
    %dma_wait3A_116 = arith.constant 0 : i32
    %dma_wait3A_117 = tpu.memref_slice %arg8[%dma_wait3A_115, %dma_wait3A_116] : memref<10x1024xi32, #tpu.memory_space<vmem>> -> memref<1x1024xi32, #tpu.memory_space<vmem>>
    %dma_wait3A_118 = tpu.memref_squeeze %dma_wait3A_117 : memref<1x1024xi32, #tpu.memory_space<vmem>> -> memref<1024xi32, #tpu.memory_space<vmem>>
    %dma_wait3A_119 = arith.constant 0 : i32
    %dma_wait3A_120 = arith.constant 0 : i32
    %dma_wait3A_121 = tpu.memref_slice %arg11[%dma_wait3A_119, %dma_wait3A_120] : memref<10112x32xf32, #tpu.memory_space<vmem_shared>> -> memref<10112x32xf32, #tpu.memory_space<vmem_shared>>
    tpu.wait_indirect_dma semaphore(%arg15 : memref<!tpu.dma_semaphore, #tpu.memory_space<semaphore_mem>>) src(%arg10 : memref<1024x32xf32, #tpu.memory_space<vmem>>) dst(%dma_wait3A_121 : memref<10112x32xf32, #tpu.memory_space<vmem_shared>>)
    %dma_start3A_122 = arith.constant 5 : i32
    %dma_start3A_123 = arith.constant 0 : i32
    %dma_start3A_124 = tpu.memref_slice %arg7[%dma_start3A_122, %dma_start3A_123] : memref<10x1024xi32, #tpu.memory_space<vmem>> -> memref<1x1024xi32, #tpu.memory_space<vmem>>
    %dma_start3A_125 = tpu.memref_squeeze %dma_start3A_124 : memref<1x1024xi32, #tpu.memory_space<vmem>> -> memref<1024xi32, #tpu.memory_space<vmem>>
    %dma_start3A_126 = arith.constant 0 : i32
    %dma_start3A_127 = arith.constant 0 : i32
    %dma_start3A_128 = tpu.memref_slice %arg2[%dma_start3A_126, %dma_start3A_127] : memref<10000x32xf32, #tpu.memory_space<hbm>> -> memref<10000x32xf32, #tpu.memory_space<hbm>>
    tpu.enqueue_indirect_dma source(%dma_start3A_128 : memref<10000x32xf32, #tpu.memory_space<hbm>>) target(%arg10 : memref<1024x32xf32, #tpu.memory_space<vmem>>) offsets(%dma_start3A_125 : memref<1024xi32, #tpu.memory_space<vmem>>) semaphore(%arg13 : memref<!tpu.dma_semaphore, #tpu.memory_space<semaphore_mem>>)
    %dma_wait3A_129 = arith.constant 4 : i32
    %dma_wait3A_130 = arith.constant 0 : i32
    %dma_wait3A_131 = tpu.memref_slice %arg7[%dma_wait3A_129, %dma_wait3A_130] : memref<10x1024xi32, #tpu.memory_space<vmem>> -> memref<1x1024xi32, #tpu.memory_space<vmem>>
    %dma_wait3A_132 = tpu.memref_squeeze %dma_wait3A_131 : memref<1x1024xi32, #tpu.memory_space<vmem>> -> memref<1024xi32, #tpu.memory_space<vmem>>
    %dma_wait3A_133 = arith.constant 0 : i32
    %dma_wait3A_134 = arith.constant 0 : i32
    %dma_wait3A_135 = tpu.memref_slice %arg2[%dma_wait3A_133, %dma_wait3A_134] : memref<10000x32xf32, #tpu.memory_space<hbm>> -> memref<10000x32xf32, #tpu.memory_space<hbm>>
    tpu.wait_indirect_dma semaphore(%arg12 : memref<!tpu.dma_semaphore, #tpu.memory_space<semaphore_mem>>) src(%dma_wait3A_135 : memref<10000x32xf32, #tpu.memory_space<hbm>>) dst(%arg9 : memref<1024x32xf32, #tpu.memory_space<vmem>>)
    %dma_start3A_136 = arith.constant 4 : i32
    %dma_start3A_137 = arith.constant 0 : i32
    %dma_start3A_138 = tpu.memref_slice %arg8[%dma_start3A_136, %dma_start3A_137] : memref<10x1024xi32, #tpu.memory_space<vmem>> -> memref<1x1024xi32, #tpu.memory_space<vmem>>
    %dma_start3A_139 = tpu.memref_squeeze %dma_start3A_138 : memref<1x1024xi32, #tpu.memory_space<vmem>> -> memref<1024xi32, #tpu.memory_space<vmem>>
    %dma_start3A_140 = arith.constant 0 : i32
    %dma_start3A_141 = arith.constant 0 : i32
    %dma_start3A_142 = tpu.memref_slice %arg11[%dma_start3A_140, %dma_start3A_141] : memref<10112x32xf32, #tpu.memory_space<vmem_shared>> -> memref<10112x32xf32, #tpu.memory_space<vmem_shared>>
    tpu.enqueue_indirect_dma source(%arg9 : memref<1024x32xf32, #tpu.memory_space<vmem>>) target(%dma_start3A_142 : memref<10112x32xf32, #tpu.memory_space<vmem_shared>>) offsets(%dma_start3A_139 : memref<1024xi32, #tpu.memory_space<vmem>>) semaphore(%arg14 : memref<!tpu.dma_semaphore, #tpu.memory_space<semaphore_mem>>) {add = true}
    %dma_wait3A_143 = arith.constant 4 : i32
    %dma_wait3A_144 = arith.constant 0 : i32
    %dma_wait3A_145 = tpu.memref_slice %arg8[%dma_wait3A_143, %dma_wait3A_144] : memref<10x1024xi32, #tpu.memory_space<vmem>> -> memref<1x1024xi32, #tpu.memory_space<vmem>>
    %dma_wait3A_146 = tpu.memref_squeeze %dma_wait3A_145 : memref<1x1024xi32, #tpu.memory_space<vmem>> -> memref<1024xi32, #tpu.memory_space<vmem>>
    %dma_wait3A_147 = arith.constant 0 : i32
    %dma_wait3A_148 = arith.constant 0 : i32
    %dma_wait3A_149 = tpu.memref_slice %arg11[%dma_wait3A_147, %dma_wait3A_148] : memref<10112x32xf32, #tpu.memory_space<vmem_shared>> -> memref<10112x32xf32, #tpu.memory_space<vmem_shared>>
    tpu.wait_indirect_dma semaphore(%arg14 : memref<!tpu.dma_semaphore, #tpu.memory_space<semaphore_mem>>) src(%arg9 : memref<1024x32xf32, #tpu.memory_space<vmem>>) dst(%dma_wait3A_149 : memref<10112x32xf32, #tpu.memory_space<vmem_shared>>)
    %dma_start3A_150 = arith.constant 6 : i32
    %dma_start3A_151 = arith.constant 0 : i32
    %dma_start3A_152 = tpu.memref_slice %arg7[%dma_start3A_150, %dma_start3A_151] : memref<10x1024xi32, #tpu.memory_space<vmem>> -> memref<1x1024xi32, #tpu.memory_space<vmem>>
    %dma_start3A_153 = tpu.memref_squeeze %dma_start3A_152 : memref<1x1024xi32, #tpu.memory_space<vmem>> -> memref<1024xi32, #tpu.memory_space<vmem>>
    %dma_start3A_154 = arith.constant 0 : i32
    %dma_start3A_155 = arith.constant 0 : i32
    %dma_start3A_156 = tpu.memref_slice %arg2[%dma_start3A_154, %dma_start3A_155] : memref<10000x32xf32, #tpu.memory_space<hbm>> -> memref<10000x32xf32, #tpu.memory_space<hbm>>
    tpu.enqueue_indirect_dma source(%dma_start3A_156 : memref<10000x32xf32, #tpu.memory_space<hbm>>) target(%arg9 : memref<1024x32xf32, #tpu.memory_space<vmem>>) offsets(%dma_start3A_153 : memref<1024xi32, #tpu.memory_space<vmem>>) semaphore(%arg12 : memref<!tpu.dma_semaphore, #tpu.memory_space<semaphore_mem>>)
    %dma_wait3A_157 = arith.constant 5 : i32
    %dma_wait3A_158 = arith.constant 0 : i32
    %dma_wait3A_159 = tpu.memref_slice %arg7[%dma_wait3A_157, %dma_wait3A_158] : memref<10x1024xi32, #tpu.memory_space<vmem>> -> memref<1x1024xi32, #tpu.memory_space<vmem>>
    %dma_wait3A_160 = tpu.memref_squeeze %dma_wait3A_159 : memref<1x1024xi32, #tpu.memory_space<vmem>> -> memref<1024xi32, #tpu.memory_space<vmem>>
    %dma_wait3A_161 = arith.constant 0 : i32
    %dma_wait3A_162 = arith.constant 0 : i32
    %dma_wait3A_163 = tpu.memref_slice %arg2[%dma_wait3A_161, %dma_wait3A_162] : memref<10000x32xf32, #tpu.memory_space<hbm>> -> memref<10000x32xf32, #tpu.memory_space<hbm>>
    tpu.wait_indirect_dma semaphore(%arg13 : memref<!tpu.dma_semaphore, #tpu.memory_space<semaphore_mem>>) src(%dma_wait3A_163 : memref<10000x32xf32, #tpu.memory_space<hbm>>) dst(%arg10 : memref<1024x32xf32, #tpu.memory_space<vmem>>)
    %dma_start3A_164 = arith.constant 5 : i32
    %dma_start3A_165 = arith.constant 0 : i32
    %dma_start3A_166 = tpu.memref_slice %arg8[%dma_start3A_164, %dma_start3A_165] : memref<10x1024xi32, #tpu.memory_space<vmem>> -> memref<1x1024xi32, #tpu.memory_space<vmem>>
    %dma_start3A_167 = tpu.memref_squeeze %dma_start3A_166 : memref<1x1024xi32, #tpu.memory_space<vmem>> -> memref<1024xi32, #tpu.memory_space<vmem>>
    %dma_start3A_168 = arith.constant 0 : i32
    %dma_start3A_169 = arith.constant 0 : i32
    %dma_start3A_170 = tpu.memref_slice %arg11[%dma_start3A_168, %dma_start3A_169] : memref<10112x32xf32, #tpu.memory_space<vmem_shared>> -> memref<10112x32xf32, #tpu.memory_space<vmem_shared>>
    tpu.enqueue_indirect_dma source(%arg10 : memref<1024x32xf32, #tpu.memory_space<vmem>>) target(%dma_start3A_170 : memref<10112x32xf32, #tpu.memory_space<vmem_shared>>) offsets(%dma_start3A_167 : memref<1024xi32, #tpu.memory_space<vmem>>) semaphore(%arg15 : memref<!tpu.dma_semaphore, #tpu.memory_space<semaphore_mem>>) {add = true}
    %dma_wait3A_171 = arith.constant 5 : i32
    %dma_wait3A_172 = arith.constant 0 : i32
    %dma_wait3A_173 = tpu.memref_slice %arg8[%dma_wait3A_171, %dma_wait3A_172] : memref<10x1024xi32, #tpu.memory_space<vmem>> -> memref<1x1024xi32, #tpu.memory_space<vmem>>
    %dma_wait3A_174 = tpu.memref_squeeze %dma_wait3A_173 : memref<1x1024xi32, #tpu.memory_space<vmem>> -> memref<1024xi32, #tpu.memory_space<vmem>>
    %dma_wait3A_175 = arith.constant 0 : i32
    %dma_wait3A_176 = arith.constant 0 : i32
    %dma_wait3A_177 = tpu.memref_slice %arg11[%dma_wait3A_175, %dma_wait3A_176] : memref<10112x32xf32, #tpu.memory_space<vmem_shared>> -> memref<10112x32xf32, #tpu.memory_space<vmem_shared>>
    tpu.wait_indirect_dma semaphore(%arg15 : memref<!tpu.dma_semaphore, #tpu.memory_space<semaphore_mem>>) src(%arg10 : memref<1024x32xf32, #tpu.memory_space<vmem>>) dst(%dma_wait3A_177 : memref<10112x32xf32, #tpu.memory_space<vmem_shared>>)
    %dma_start3A_178 = arith.constant 7 : i32
    %dma_start3A_179 = arith.constant 0 : i32
    %dma_start3A_180 = tpu.memref_slice %arg7[%dma_start3A_178, %dma_start3A_179] : memref<10x1024xi32, #tpu.memory_space<vmem>> -> memref<1x1024xi32, #tpu.memory_space<vmem>>
    %dma_start3A_181 = tpu.memref_squeeze %dma_start3A_180 : memref<1x1024xi32, #tpu.memory_space<vmem>> -> memref<1024xi32, #tpu.memory_space<vmem>>
    %dma_start3A_182 = arith.constant 0 : i32
    %dma_start3A_183 = arith.constant 0 : i32
    %dma_start3A_184 = tpu.memref_slice %arg2[%dma_start3A_182, %dma_start3A_183] : memref<10000x32xf32, #tpu.memory_space<hbm>> -> memref<10000x32xf32, #tpu.memory_space<hbm>>
    tpu.enqueue_indirect_dma source(%dma_start3A_184 : memref<10000x32xf32, #tpu.memory_space<hbm>>) target(%arg10 : memref<1024x32xf32, #tpu.memory_space<vmem>>) offsets(%dma_start3A_181 : memref<1024xi32, #tpu.memory_space<vmem>>) semaphore(%arg13 : memref<!tpu.dma_semaphore, #tpu.memory_space<semaphore_mem>>)
    %dma_wait3A_185 = arith.constant 6 : i32
    %dma_wait3A_186 = arith.constant 0 : i32
    %dma_wait3A_187 = tpu.memref_slice %arg7[%dma_wait3A_185, %dma_wait3A_186] : memref<10x1024xi32, #tpu.memory_space<vmem>> -> memref<1x1024xi32, #tpu.memory_space<vmem>>
    %dma_wait3A_188 = tpu.memref_squeeze %dma_wait3A_187 : memref<1x1024xi32, #tpu.memory_space<vmem>> -> memref<1024xi32, #tpu.memory_space<vmem>>
    %dma_wait3A_189 = arith.constant 0 : i32
    %dma_wait3A_190 = arith.constant 0 : i32
    %dma_wait3A_191 = tpu.memref_slice %arg2[%dma_wait3A_189, %dma_wait3A_190] : memref<10000x32xf32, #tpu.memory_space<hbm>> -> memref<10000x32xf32, #tpu.memory_space<hbm>>
    tpu.wait_indirect_dma semaphore(%arg12 : memref<!tpu.dma_semaphore, #tpu.memory_space<semaphore_mem>>) src(%dma_wait3A_191 : memref<10000x32xf32, #tpu.memory_space<hbm>>) dst(%arg9 : memref<1024x32xf32, #tpu.memory_space<vmem>>)
    %dma_start3A_192 = arith.constant 6 : i32
    %dma_start3A_193 = arith.constant 0 : i32
    %dma_start3A_194 = tpu.memref_slice %arg8[%dma_start3A_192, %dma_start3A_193] : memref<10x1024xi32, #tpu.memory_space<vmem>> -> memref<1x1024xi32, #tpu.memory_space<vmem>>
    %dma_start3A_195 = tpu.memref_squeeze %dma_start3A_194 : memref<1x1024xi32, #tpu.memory_space<vmem>> -> memref<1024xi32, #tpu.memory_space<vmem>>
    %dma_start3A_196 = arith.constant 0 : i32
    %dma_start3A_197 = arith.constant 0 : i32
    %dma_start3A_198 = tpu.memref_slice %arg11[%dma_start3A_196, %dma_start3A_197] : memref<10112x32xf32, #tpu.memory_space<vmem_shared>> -> memref<10112x32xf32, #tpu.memory_space<vmem_shared>>
    tpu.enqueue_indirect_dma source(%arg9 : memref<1024x32xf32, #tpu.memory_space<vmem>>) target(%dma_start3A_198 : memref<10112x32xf32, #tpu.memory_space<vmem_shared>>) offsets(%dma_start3A_195 : memref<1024xi32, #tpu.memory_space<vmem>>) semaphore(%arg14 : memref<!tpu.dma_semaphore, #tpu.memory_space<semaphore_mem>>) {add = true}
    %dma_wait3A_199 = arith.constant 6 : i32
    %dma_wait3A_200 = arith.constant 0 : i32
    %dma_wait3A_201 = tpu.memref_slice %arg8[%dma_wait3A_199, %dma_wait3A_200] : memref<10x1024xi32, #tpu.memory_space<vmem>> -> memref<1x1024xi32, #tpu.memory_space<vmem>>
    %dma_wait3A_202 = tpu.memref_squeeze %dma_wait3A_201 : memref<1x1024xi32, #tpu.memory_space<vmem>> -> memref<1024xi32, #tpu.memory_space<vmem>>
    %dma_wait3A_203 = arith.constant 0 : i32
    %dma_wait3A_204 = arith.constant 0 : i32
    %dma_wait3A_205 = tpu.memref_slice %arg11[%dma_wait3A_203, %dma_wait3A_204] : memref<10112x32xf32, #tpu.memory_space<vmem_shared>> -> memref<10112x32xf32, #tpu.memory_space<vmem_shared>>
    tpu.wait_indirect_dma semaphore(%arg14 : memref<!tpu.dma_semaphore, #tpu.memory_space<semaphore_mem>>) src(%arg9 : memref<1024x32xf32, #tpu.memory_space<vmem>>) dst(%dma_wait3A_205 : memref<10112x32xf32, #tpu.memory_space<vmem_shared>>)
    %dma_start3A_206 = arith.constant 8 : i32
    %dma_start3A_207 = arith.constant 0 : i32
    %dma_start3A_208 = tpu.memref_slice %arg7[%dma_start3A_206, %dma_start3A_207] : memref<10x1024xi32, #tpu.memory_space<vmem>> -> memref<1x1024xi32, #tpu.memory_space<vmem>>
    %dma_start3A_209 = tpu.memref_squeeze %dma_start3A_208 : memref<1x1024xi32, #tpu.memory_space<vmem>> -> memref<1024xi32, #tpu.memory_space<vmem>>
    %dma_start3A_210 = arith.constant 0 : i32
    %dma_start3A_211 = arith.constant 0 : i32
    %dma_start3A_212 = tpu.memref_slice %arg2[%dma_start3A_210, %dma_start3A_211] : memref<10000x32xf32, #tpu.memory_space<hbm>> -> memref<10000x32xf32, #tpu.memory_space<hbm>>
    tpu.enqueue_indirect_dma source(%dma_start3A_212 : memref<10000x32xf32, #tpu.memory_space<hbm>>) target(%arg9 : memref<1024x32xf32, #tpu.memory_space<vmem>>) offsets(%dma_start3A_209 : memref<1024xi32, #tpu.memory_space<vmem>>) semaphore(%arg12 : memref<!tpu.dma_semaphore, #tpu.memory_space<semaphore_mem>>)
    %dma_wait3A_213 = arith.constant 7 : i32
    %dma_wait3A_214 = arith.constant 0 : i32
    %dma_wait3A_215 = tpu.memref_slice %arg7[%dma_wait3A_213, %dma_wait3A_214] : memref<10x1024xi32, #tpu.memory_space<vmem>> -> memref<1x1024xi32, #tpu.memory_space<vmem>>
    %dma_wait3A_216 = tpu.memref_squeeze %dma_wait3A_215 : memref<1x1024xi32, #tpu.memory_space<vmem>> -> memref<1024xi32, #tpu.memory_space<vmem>>
    %dma_wait3A_217 = arith.constant 0 : i32
    %dma_wait3A_218 = arith.constant 0 : i32
    %dma_wait3A_219 = tpu.memref_slice %arg2[%dma_wait3A_217, %dma_wait3A_218] : memref<10000x32xf32, #tpu.memory_space<hbm>> -> memref<10000x32xf32, #tpu.memory_space<hbm>>
    tpu.wait_indirect_dma semaphore(%arg13 : memref<!tpu.dma_semaphore, #tpu.memory_space<semaphore_mem>>) src(%dma_wait3A_219 : memref<10000x32xf32, #tpu.memory_space<hbm>>) dst(%arg10 : memref<1024x32xf32, #tpu.memory_space<vmem>>)
    %dma_start3A_220 = arith.constant 7 : i32
    %dma_start3A_221 = arith.constant 0 : i32
    %dma_start3A_222 = tpu.memref_slice %arg8[%dma_start3A_220, %dma_start3A_221] : memref<10x1024xi32, #tpu.memory_space<vmem>> -> memref<1x1024xi32, #tpu.memory_space<vmem>>
    %dma_start3A_223 = tpu.memref_squeeze %dma_start3A_222 : memref<1x1024xi32, #tpu.memory_space<vmem>> -> memref<1024xi32, #tpu.memory_space<vmem>>
    %dma_start3A_224 = arith.constant 0 : i32
    %dma_start3A_225 = arith.constant 0 : i32
    %dma_start3A_226 = tpu.memref_slice %arg11[%dma_start3A_224, %dma_start3A_225] : memref<10112x32xf32, #tpu.memory_space<vmem_shared>> -> memref<10112x32xf32, #tpu.memory_space<vmem_shared>>
    tpu.enqueue_indirect_dma source(%arg10 : memref<1024x32xf32, #tpu.memory_space<vmem>>) target(%dma_start3A_226 : memref<10112x32xf32, #tpu.memory_space<vmem_shared>>) offsets(%dma_start3A_223 : memref<1024xi32, #tpu.memory_space<vmem>>) semaphore(%arg15 : memref<!tpu.dma_semaphore, #tpu.memory_space<semaphore_mem>>) {add = true}
    %dma_wait3A_227 = arith.constant 7 : i32
    %dma_wait3A_228 = arith.constant 0 : i32
    %dma_wait3A_229 = tpu.memref_slice %arg8[%dma_wait3A_227, %dma_wait3A_228] : memref<10x1024xi32, #tpu.memory_space<vmem>> -> memref<1x1024xi32, #tpu.memory_space<vmem>>
    %dma_wait3A_230 = tpu.memref_squeeze %dma_wait3A_229 : memref<1x1024xi32, #tpu.memory_space<vmem>> -> memref<1024xi32, #tpu.memory_space<vmem>>
    %dma_wait3A_231 = arith.constant 0 : i32
    %dma_wait3A_232 = arith.constant 0 : i32
    %dma_wait3A_233 = tpu.memref_slice %arg11[%dma_wait3A_231, %dma_wait3A_232] : memref<10112x32xf32, #tpu.memory_space<vmem_shared>> -> memref<10112x32xf32, #tpu.memory_space<vmem_shared>>
    tpu.wait_indirect_dma semaphore(%arg15 : memref<!tpu.dma_semaphore, #tpu.memory_space<semaphore_mem>>) src(%arg10 : memref<1024x32xf32, #tpu.memory_space<vmem>>) dst(%dma_wait3A_233 : memref<10112x32xf32, #tpu.memory_space<vmem_shared>>)
    %dma_start3A_234 = arith.constant 9 : i32
    %dma_start3A_235 = arith.constant 0 : i32
    %dma_start3A_236 = tpu.memref_slice %arg7[%dma_start3A_234, %dma_start3A_235] : memref<10x1024xi32, #tpu.memory_space<vmem>> -> memref<1x1024xi32, #tpu.memory_space<vmem>>
    %dma_start3A_237 = tpu.memref_squeeze %dma_start3A_236 : memref<1x1024xi32, #tpu.memory_space<vmem>> -> memref<1024xi32, #tpu.memory_space<vmem>>
    %dma_start3A_238 = arith.constant 0 : i32
    %dma_start3A_239 = arith.constant 0 : i32
    %dma_start3A_240 = tpu.memref_slice %arg2[%dma_start3A_238, %dma_start3A_239] : memref<10000x32xf32, #tpu.memory_space<hbm>> -> memref<10000x32xf32, #tpu.memory_space<hbm>>
    tpu.enqueue_indirect_dma source(%dma_start3A_240 : memref<10000x32xf32, #tpu.memory_space<hbm>>) target(%arg10 : memref<1024x32xf32, #tpu.memory_space<vmem>>) offsets(%dma_start3A_237 : memref<1024xi32, #tpu.memory_space<vmem>>) semaphore(%arg13 : memref<!tpu.dma_semaphore, #tpu.memory_space<semaphore_mem>>)
    %dma_wait3A_241 = arith.constant 8 : i32
    %dma_wait3A_242 = arith.constant 0 : i32
    %dma_wait3A_243 = tpu.memref_slice %arg7[%dma_wait3A_241, %dma_wait3A_242] : memref<10x1024xi32, #tpu.memory_space<vmem>> -> memref<1x1024xi32, #tpu.memory_space<vmem>>
    %dma_wait3A_244 = tpu.memref_squeeze %dma_wait3A_243 : memref<1x1024xi32, #tpu.memory_space<vmem>> -> memref<1024xi32, #tpu.memory_space<vmem>>
    %dma_wait3A_245 = arith.constant 0 : i32
    %dma_wait3A_246 = arith.constant 0 : i32
    %dma_wait3A_247 = tpu.memref_slice %arg2[%dma_wait3A_245, %dma_wait3A_246] : memref<10000x32xf32, #tpu.memory_space<hbm>> -> memref<10000x32xf32, #tpu.memory_space<hbm>>
    tpu.wait_indirect_dma semaphore(%arg12 : memref<!tpu.dma_semaphore, #tpu.memory_space<semaphore_mem>>) src(%dma_wait3A_247 : memref<10000x32xf32, #tpu.memory_space<hbm>>) dst(%arg9 : memref<1024x32xf32, #tpu.memory_space<vmem>>)
    %dma_start3A_248 = arith.constant 8 : i32
    %dma_start3A_249 = arith.constant 0 : i32
    %dma_start3A_250 = tpu.memref_slice %arg8[%dma_start3A_248, %dma_start3A_249] : memref<10x1024xi32, #tpu.memory_space<vmem>> -> memref<1x1024xi32, #tpu.memory_space<vmem>>
    %dma_start3A_251 = tpu.memref_squeeze %dma_start3A_250 : memref<1x1024xi32, #tpu.memory_space<vmem>> -> memref<1024xi32, #tpu.memory_space<vmem>>
    %dma_start3A_252 = arith.constant 0 : i32
    %dma_start3A_253 = arith.constant 0 : i32
    %dma_start3A_254 = tpu.memref_slice %arg11[%dma_start3A_252, %dma_start3A_253] : memref<10112x32xf32, #tpu.memory_space<vmem_shared>> -> memref<10112x32xf32, #tpu.memory_space<vmem_shared>>
    tpu.enqueue_indirect_dma source(%arg9 : memref<1024x32xf32, #tpu.memory_space<vmem>>) target(%dma_start3A_254 : memref<10112x32xf32, #tpu.memory_space<vmem_shared>>) offsets(%dma_start3A_251 : memref<1024xi32, #tpu.memory_space<vmem>>) semaphore(%arg14 : memref<!tpu.dma_semaphore, #tpu.memory_space<semaphore_mem>>) {add = true}
    %dma_wait3A_255 = arith.constant 8 : i32
    %dma_wait3A_256 = arith.constant 0 : i32
    %dma_wait3A_257 = tpu.memref_slice %arg8[%dma_wait3A_255, %dma_wait3A_256] : memref<10x1024xi32, #tpu.memory_space<vmem>> -> memref<1x1024xi32, #tpu.memory_space<vmem>>
    %dma_wait3A_258 = tpu.memref_squeeze %dma_wait3A_257 : memref<1x1024xi32, #tpu.memory_space<vmem>> -> memref<1024xi32, #tpu.memory_space<vmem>>
    %dma_wait3A_259 = arith.constant 0 : i32
    %dma_wait3A_260 = arith.constant 0 : i32
    %dma_wait3A_261 = tpu.memref_slice %arg11[%dma_wait3A_259, %dma_wait3A_260] : memref<10112x32xf32, #tpu.memory_space<vmem_shared>> -> memref<10112x32xf32, #tpu.memory_space<vmem_shared>>
    tpu.wait_indirect_dma semaphore(%arg14 : memref<!tpu.dma_semaphore, #tpu.memory_space<semaphore_mem>>) src(%arg9 : memref<1024x32xf32, #tpu.memory_space<vmem>>) dst(%dma_wait3A_261 : memref<10112x32xf32, #tpu.memory_space<vmem_shared>>)
    %dma_wait3A_262 = arith.constant 9 : i32
    %dma_wait3A_263 = arith.constant 0 : i32
    %dma_wait3A_264 = tpu.memref_slice %arg7[%dma_wait3A_262, %dma_wait3A_263] : memref<10x1024xi32, #tpu.memory_space<vmem>> -> memref<1x1024xi32, #tpu.memory_space<vmem>>
    %dma_wait3A_265 = tpu.memref_squeeze %dma_wait3A_264 : memref<1x1024xi32, #tpu.memory_space<vmem>> -> memref<1024xi32, #tpu.memory_space<vmem>>
    %dma_wait3A_266 = arith.constant 0 : i32
    %dma_wait3A_267 = arith.constant 0 : i32
    %dma_wait3A_268 = tpu.memref_slice %arg2[%dma_wait3A_266, %dma_wait3A_267] : memref<10000x32xf32, #tpu.memory_space<hbm>> -> memref<10000x32xf32, #tpu.memory_space<hbm>>
    tpu.wait_indirect_dma semaphore(%arg13 : memref<!tpu.dma_semaphore, #tpu.memory_space<semaphore_mem>>) src(%dma_wait3A_268 : memref<10000x32xf32, #tpu.memory_space<hbm>>) dst(%arg10 : memref<1024x32xf32, #tpu.memory_space<vmem>>)
    %dma_start3A_269 = arith.constant 9 : i32
    %dma_start3A_270 = arith.constant 0 : i32
    %dma_start3A_271 = tpu.memref_slice %arg8[%dma_start3A_269, %dma_start3A_270] : memref<10x1024xi32, #tpu.memory_space<vmem>> -> memref<1x1024xi32, #tpu.memory_space<vmem>>
    %dma_start3A_272 = tpu.memref_squeeze %dma_start3A_271 : memref<1x1024xi32, #tpu.memory_space<vmem>> -> memref<1024xi32, #tpu.memory_space<vmem>>
    %dma_start3A_273 = arith.constant 0 : i32
    %dma_start3A_274 = arith.constant 0 : i32
    %dma_start3A_275 = tpu.memref_slice %arg11[%dma_start3A_273, %dma_start3A_274] : memref<10112x32xf32, #tpu.memory_space<vmem_shared>> -> memref<10112x32xf32, #tpu.memory_space<vmem_shared>>
    tpu.enqueue_indirect_dma source(%arg10 : memref<1024x32xf32, #tpu.memory_space<vmem>>) target(%dma_start3A_275 : memref<10112x32xf32, #tpu.memory_space<vmem_shared>>) offsets(%dma_start3A_272 : memref<1024xi32, #tpu.memory_space<vmem>>) semaphore(%arg15 : memref<!tpu.dma_semaphore, #tpu.memory_space<semaphore_mem>>) {add = true}
    %dma_wait3A_276 = arith.constant 9 : i32
    %dma_wait3A_277 = arith.constant 0 : i32
    %dma_wait3A_278 = tpu.memref_slice %arg8[%dma_wait3A_276, %dma_wait3A_277] : memref<10x1024xi32, #tpu.memory_space<vmem>> -> memref<1x1024xi32, #tpu.memory_space<vmem>>
    %dma_wait3A_279 = tpu.memref_squeeze %dma_wait3A_278 : memref<1x1024xi32, #tpu.memory_space<vmem>> -> memref<1024xi32, #tpu.memory_space<vmem>>
    %dma_wait3A_280 = arith.constant 0 : i32
    %dma_wait3A_281 = arith.constant 0 : i32
    %dma_wait3A_282 = tpu.memref_slice %arg11[%dma_wait3A_280, %dma_wait3A_281] : memref<10112x32xf32, #tpu.memory_space<vmem_shared>> -> memref<10112x32xf32, #tpu.memory_space<vmem_shared>>
    tpu.wait_indirect_dma semaphore(%arg15 : memref<!tpu.dma_semaphore, #tpu.memory_space<semaphore_mem>>) src(%arg10 : memref<1024x32xf32, #tpu.memory_space<vmem>>) dst(%dma_wait3A_282 : memref<10112x32xf32, #tpu.memory_space<vmem_shared>>)
    %barrier3A_283 = arith.constant 0 : index
    tpu.barrier barrier_id(%barrier3A_283)
    %mul3A_284 = arith.constant 632 : i32
    %mul3A_285 = arith.muli %arg1, %mul3A_284 : i32
    %mul3A_286 = arith.constant 632 : i32
    %mul3A_287 = arith.muli %arg1, %mul3A_286 : i32
    "tpu.region"() ({
      %run_scoped3A = tpu.sem_alloc : memref<!tpu.dma_semaphore, #tpu.memory_space<semaphore_mem>>
      %dma_start3A_288 = arith.constant 0 : i32
      %dma_start3A_289 = tpu.memref_slice %arg6[%arg0, %mul3A_287, %dma_start3A_288] : memref<2x10112x32xf32, #tpu.memory_space<hbm>> -> memref<1x632x32xf32, #tpu.memory_space<hbm>>
      %dma_start3A_290 = tpu.memref_squeeze %dma_start3A_289 : memref<1x632x32xf32, #tpu.memory_space<hbm>> -> memref<632x32xf32, #tpu.memory_space<hbm>>
      %dma_start3A_291 = arith.constant 0 : i32
      %dma_start3A_292 = tpu.memref_slice %arg11[%mul3A_285, %dma_start3A_291] : memref<10112x32xf32, #tpu.memory_space<vmem_shared>> -> memref<632x32xf32, #tpu.memory_space<vmem_shared>>
      tpu.enqueue_dma source(%dma_start3A_292 : memref<632x32xf32, #tpu.memory_space<vmem_shared>>) target(%dma_start3A_290 : memref<632x32xf32, #tpu.memory_space<hbm>>) target_semaphore(%run_scoped3A : memref<!tpu.dma_semaphore, #tpu.memory_space<semaphore_mem>>)
      %dma_wait3A_293 = arith.constant 0 : i32
      %dma_wait3A_294 = tpu.memref_slice %arg6[%arg0, %mul3A_287, %dma_wait3A_293] : memref<2x10112x32xf32, #tpu.memory_space<hbm>> -> memref<1x632x32xf32, #tpu.memory_space<hbm>>
      %dma_wait3A_295 = tpu.memref_squeeze %dma_wait3A_294 : memref<1x632x32xf32, #tpu.memory_space<hbm>> -> memref<632x32xf32, #tpu.memory_space<hbm>>
      %dma_wait3A_296 = arith.constant 0 : i32
      %dma_wait3A_297 = tpu.memref_slice %arg11[%mul3A_285, %dma_wait3A_296] : memref<10112x32xf32, #tpu.memory_space<vmem_shared>> -> memref<632x32xf32, #tpu.memory_space<vmem_shared>>
      tpu.wait_dma2 semaphore(%run_scoped3A : memref<!tpu.dma_semaphore, #tpu.memory_space<semaphore_mem>>) src(%dma_wait3A_297 : memref<632x32xf32, #tpu.memory_space<vmem_shared>>) dst(%dma_wait3A_295 : memref<632x32xf32, #tpu.memory_space<hbm>>)
      tpu.yield
    }) : () -> ()
    return
  }
}

#map = affine_map<(d0, d1) -> (0, 0)>
#map1 = affine_map<(d0, d1) -> (0, 0, 0)>
module attributes {stable_mosaic.version = 14 : i64} {
  func.func @spmm(%arg0: i32, %arg1: i32, %arg2: memref<10000x128xf32, #tpu.memory_space<hbm>>, %arg3: memref<32x158x64xi32, #tpu.memory_space<hbm>>, %arg4: memref<32x158x64xi32, #tpu.memory_space<hbm>>, %arg5: memref<10112x128xf32, #tpu.memory_space<hbm>>, %arg6: memref<2x10112x128xf32, #tpu.memory_space<hbm>>, %arg7: memref<158x64xi32, #tpu.memory_space<vmem>>, %arg8: memref<158x64xi32, #tpu.memory_space<vmem>>, %arg9: memref<64x128xf32, #tpu.memory_space<vmem>>, %arg10: memref<64x128xf32, #tpu.memory_space<vmem>>, %arg11: memref<10112x128xf32, #tpu.memory_space<vmem_shared>>, %arg12: memref<!tpu.dma_semaphore, #tpu.memory_space<semaphore_mem>>, %arg13: memref<!tpu.dma_semaphore, #tpu.memory_space<semaphore_mem>>, %arg14: memref<!tpu.dma_semaphore, #tpu.memory_space<semaphore_mem>>, %arg15: memref<!tpu.dma_semaphore, #tpu.memory_space<semaphore_mem>>) attributes {dimension_semantics = [#tpu.dimension_semantics<core_parallel>, #tpu.dimension_semantics<subcore_parallel>], iteration_bounds = array<i64: 2, 16>, scalar_prefetch = 0 : i64, scratch_operands = 9 : i64, tpu.core_type = #tpu.core_type<sc_vector_subcore>, window_params = [{transform_indices = #map}, {transform_indices = #map1}, {transform_indices = #map1}, {transform_indices = #map}, {transform_indices = #map1}]} {
    %mul3A = arith.constant 2 : i32
    %mul3A_0 = arith.muli %arg1, %mul3A : i32
    %add3A = arith.addi %mul3A_0, %arg0 : i32
    %mul3A_1 = arith.constant 632 : i32
    %mul3A_2 = arith.muli %arg1, %mul3A_1 : i32
    %mul3A_3 = arith.constant 632 : i32
    %mul3A_4 = arith.muli %arg1, %mul3A_3 : i32
    "tpu.region"() ({
      %run_scoped3A = tpu.sem_alloc : memref<!tpu.dma_semaphore, #tpu.memory_space<semaphore_mem>>
      %dma_start3A_69 = arith.constant 0 : i32
      %dma_start3A_70 = tpu.memref_slice %arg11[%mul3A_4, %dma_start3A_69] : memref<10112x128xf32, #tpu.memory_space<vmem_shared>> -> memref<632x128xf32, #tpu.memory_space<vmem_shared>>
      %dma_start3A_71 = arith.constant 0 : i32
      %dma_start3A_72 = tpu.memref_slice %arg5[%mul3A_2, %dma_start3A_71] : memref<10112x128xf32, #tpu.memory_space<hbm>> -> memref<632x128xf32, #tpu.memory_space<hbm>>
      tpu.enqueue_dma source(%dma_start3A_72 : memref<632x128xf32, #tpu.memory_space<hbm>>) target(%dma_start3A_70 : memref<632x128xf32, #tpu.memory_space<vmem_shared>>) target_semaphore(%run_scoped3A : memref<!tpu.dma_semaphore, #tpu.memory_space<semaphore_mem>>)
      %dma_wait3A_73 = arith.constant 0 : i32
      %dma_wait3A_74 = tpu.memref_slice %arg11[%mul3A_4, %dma_wait3A_73] : memref<10112x128xf32, #tpu.memory_space<vmem_shared>> -> memref<632x128xf32, #tpu.memory_space<vmem_shared>>
      %dma_wait3A_75 = arith.constant 0 : i32
      %dma_wait3A_76 = tpu.memref_slice %arg5[%mul3A_2, %dma_wait3A_75] : memref<10112x128xf32, #tpu.memory_space<hbm>> -> memref<632x128xf32, #tpu.memory_space<hbm>>
      tpu.wait_dma2 semaphore(%run_scoped3A : memref<!tpu.dma_semaphore, #tpu.memory_space<semaphore_mem>>) src(%dma_wait3A_76 : memref<632x128xf32, #tpu.memory_space<hbm>>) dst(%dma_wait3A_74 : memref<632x128xf32, #tpu.memory_space<vmem_shared>>)
      tpu.yield
    }) : () -> ()
    "tpu.region"() ({
      %run_scoped3A = tpu.sem_alloc : memref<!tpu.dma_semaphore, #tpu.memory_space<semaphore_mem>>
      %dma_start3A_69 = arith.constant 0 : i32
      %dma_start3A_70 = arith.constant 0 : i32
      %dma_start3A_71 = tpu.memref_slice %arg3[%add3A, %dma_start3A_69, %dma_start3A_70] : memref<32x158x64xi32, #tpu.memory_space<hbm>> -> memref<1x158x64xi32, #tpu.memory_space<hbm>>
      %dma_start3A_72 = tpu.memref_squeeze %dma_start3A_71 : memref<1x158x64xi32, #tpu.memory_space<hbm>> -> memref<158x64xi32, #tpu.memory_space<hbm>>
      %dma_start3A_73 = arith.constant 0 : i32
      %dma_start3A_74 = arith.constant 0 : i32
      %dma_start3A_75 = tpu.memref_slice %arg3[%add3A, %dma_start3A_73, %dma_start3A_74] : memref<32x158x64xi32, #tpu.memory_space<hbm>> -> memref<1x158x64xi32, #tpu.memory_space<hbm>>
      %dma_start3A_76 = tpu.memref_squeeze %dma_start3A_75 : memref<1x158x64xi32, #tpu.memory_space<hbm>> -> memref<158x64xi32, #tpu.memory_space<hbm>>
      tpu.enqueue_dma source(%dma_start3A_76 : memref<158x64xi32, #tpu.memory_space<hbm>>) target(%arg7 : memref<158x64xi32, #tpu.memory_space<vmem>>) target_semaphore(%run_scoped3A : memref<!tpu.dma_semaphore, #tpu.memory_space<semaphore_mem>>)
      %dma_wait3A_77 = arith.constant 0 : i32
      %dma_wait3A_78 = arith.constant 0 : i32
      %dma_wait3A_79 = tpu.memref_slice %arg3[%add3A, %dma_wait3A_77, %dma_wait3A_78] : memref<32x158x64xi32, #tpu.memory_space<hbm>> -> memref<1x158x64xi32, #tpu.memory_space<hbm>>
      %dma_wait3A_80 = tpu.memref_squeeze %dma_wait3A_79 : memref<1x158x64xi32, #tpu.memory_space<hbm>> -> memref<158x64xi32, #tpu.memory_space<hbm>>
      %dma_wait3A_81 = arith.constant 0 : i32
      %dma_wait3A_82 = arith.constant 0 : i32
      %dma_wait3A_83 = tpu.memref_slice %arg3[%add3A, %dma_wait3A_81, %dma_wait3A_82] : memref<32x158x64xi32, #tpu.memory_space<hbm>> -> memref<1x158x64xi32, #tpu.memory_space<hbm>>
      %dma_wait3A_84 = tpu.memref_squeeze %dma_wait3A_83 : memref<1x158x64xi32, #tpu.memory_space<hbm>> -> memref<158x64xi32, #tpu.memory_space<hbm>>
      tpu.wait_dma2 semaphore(%run_scoped3A : memref<!tpu.dma_semaphore, #tpu.memory_space<semaphore_mem>>) src(%dma_wait3A_84 : memref<158x64xi32, #tpu.memory_space<hbm>>) dst(%arg7 : memref<158x64xi32, #tpu.memory_space<vmem>>)
      tpu.yield
    }) : () -> ()
    "tpu.region"() ({
      %run_scoped3A = tpu.sem_alloc : memref<!tpu.dma_semaphore, #tpu.memory_space<semaphore_mem>>
      %dma_start3A_69 = arith.constant 0 : i32
      %dma_start3A_70 = arith.constant 0 : i32
      %dma_start3A_71 = tpu.memref_slice %arg4[%add3A, %dma_start3A_69, %dma_start3A_70] : memref<32x158x64xi32, #tpu.memory_space<hbm>> -> memref<1x158x64xi32, #tpu.memory_space<hbm>>
      %dma_start3A_72 = tpu.memref_squeeze %dma_start3A_71 : memref<1x158x64xi32, #tpu.memory_space<hbm>> -> memref<158x64xi32, #tpu.memory_space<hbm>>
      %dma_start3A_73 = arith.constant 0 : i32
      %dma_start3A_74 = arith.constant 0 : i32
      %dma_start3A_75 = tpu.memref_slice %arg4[%add3A, %dma_start3A_73, %dma_start3A_74] : memref<32x158x64xi32, #tpu.memory_space<hbm>> -> memref<1x158x64xi32, #tpu.memory_space<hbm>>
      %dma_start3A_76 = tpu.memref_squeeze %dma_start3A_75 : memref<1x158x64xi32, #tpu.memory_space<hbm>> -> memref<158x64xi32, #tpu.memory_space<hbm>>
      tpu.enqueue_dma source(%dma_start3A_76 : memref<158x64xi32, #tpu.memory_space<hbm>>) target(%arg8 : memref<158x64xi32, #tpu.memory_space<vmem>>) target_semaphore(%run_scoped3A : memref<!tpu.dma_semaphore, #tpu.memory_space<semaphore_mem>>)
      %dma_wait3A_77 = arith.constant 0 : i32
      %dma_wait3A_78 = arith.constant 0 : i32
      %dma_wait3A_79 = tpu.memref_slice %arg4[%add3A, %dma_wait3A_77, %dma_wait3A_78] : memref<32x158x64xi32, #tpu.memory_space<hbm>> -> memref<1x158x64xi32, #tpu.memory_space<hbm>>
      %dma_wait3A_80 = tpu.memref_squeeze %dma_wait3A_79 : memref<1x158x64xi32, #tpu.memory_space<hbm>> -> memref<158x64xi32, #tpu.memory_space<hbm>>
      %dma_wait3A_81 = arith.constant 0 : i32
      %dma_wait3A_82 = arith.constant 0 : i32
      %dma_wait3A_83 = tpu.memref_slice %arg4[%add3A, %dma_wait3A_81, %dma_wait3A_82] : memref<32x158x64xi32, #tpu.memory_space<hbm>> -> memref<1x158x64xi32, #tpu.memory_space<hbm>>
      %dma_wait3A_84 = tpu.memref_squeeze %dma_wait3A_83 : memref<1x158x64xi32, #tpu.memory_space<hbm>> -> memref<158x64xi32, #tpu.memory_space<hbm>>
      tpu.wait_dma2 semaphore(%run_scoped3A : memref<!tpu.dma_semaphore, #tpu.memory_space<semaphore_mem>>) src(%dma_wait3A_84 : memref<158x64xi32, #tpu.memory_space<hbm>>) dst(%arg8 : memref<158x64xi32, #tpu.memory_space<vmem>>)
      tpu.yield
    }) : () -> ()
    %barrier3A = arith.constant 0 : index
    tpu.barrier barrier_id(%barrier3A)
    %dma_start3A = arith.constant 0 : i32
    %dma_start3A_5 = arith.constant 0 : i32
    %dma_start3A_6 = tpu.memref_slice %arg7[%dma_start3A, %dma_start3A_5] : memref<158x64xi32, #tpu.memory_space<vmem>> -> memref<1x64xi32, #tpu.memory_space<vmem>>
    %dma_start3A_7 = tpu.memref_squeeze %dma_start3A_6 : memref<1x64xi32, #tpu.memory_space<vmem>> -> memref<64xi32, #tpu.memory_space<vmem>>
    %dma_start3A_8 = arith.constant 0 : i32
    %dma_start3A_9 = arith.constant 0 : i32
    %dma_start3A_10 = tpu.memref_slice %arg2[%dma_start3A_8, %dma_start3A_9] : memref<10000x128xf32, #tpu.memory_space<hbm>> -> memref<10000x128xf32, #tpu.memory_space<hbm>>
    tpu.enqueue_indirect_dma source(%dma_start3A_10 : memref<10000x128xf32, #tpu.memory_space<hbm>>) target(%arg9 : memref<64x128xf32, #tpu.memory_space<vmem>>) offsets(%dma_start3A_7 : memref<64xi32, #tpu.memory_space<vmem>>) semaphore(%arg12 : memref<!tpu.dma_semaphore, #tpu.memory_space<semaphore_mem>>)
    %dma_start3A_11 = arith.constant 1 : i32
    %dma_start3A_12 = arith.constant 0 : i32
    %dma_start3A_13 = tpu.memref_slice %arg7[%dma_start3A_11, %dma_start3A_12] : memref<158x64xi32, #tpu.memory_space<vmem>> -> memref<1x64xi32, #tpu.memory_space<vmem>>
    %dma_start3A_14 = tpu.memref_squeeze %dma_start3A_13 : memref<1x64xi32, #tpu.memory_space<vmem>> -> memref<64xi32, #tpu.memory_space<vmem>>
    %dma_start3A_15 = arith.constant 0 : i32
    %dma_start3A_16 = arith.constant 0 : i32
    %dma_start3A_17 = tpu.memref_slice %arg2[%dma_start3A_15, %dma_start3A_16] : memref<10000x128xf32, #tpu.memory_space<hbm>> -> memref<10000x128xf32, #tpu.memory_space<hbm>>
    tpu.enqueue_indirect_dma source(%dma_start3A_17 : memref<10000x128xf32, #tpu.memory_space<hbm>>) target(%arg10 : memref<64x128xf32, #tpu.memory_space<vmem>>) offsets(%dma_start3A_14 : memref<64xi32, #tpu.memory_space<vmem>>) semaphore(%arg13 : memref<!tpu.dma_semaphore, #tpu.memory_space<semaphore_mem>>)
    %scan3A = arith.constant 0 : i32
    %scan3A_18 = arith.constant 0 : i32
    %scan3A_19 = arith.constant 78 : i32
    %scan3A_20 = arith.addi %scan3A_18, %scan3A_19 : i32
    %scan3A_21 = arith.constant 1 : i32
    scf.for %scan3A_69 = %scan3A_18 to %scan3A_20 step %scan3A_21  : i32 {
      %mul3A_70 = arith.constant 2 : i32
      %mul3A_71 = arith.muli %mul3A_70, %scan3A_69 : i32
      %dma_wait3A_72 = arith.constant 0 : i32
      %dma_wait3A_73 = tpu.memref_slice %arg7[%mul3A_71, %dma_wait3A_72] : memref<158x64xi32, #tpu.memory_space<vmem>> -> memref<1x64xi32, #tpu.memory_space<vmem>>
      %dma_wait3A_74 = tpu.memref_squeeze %dma_wait3A_73 : memref<1x64xi32, #tpu.memory_space<vmem>> -> memref<64xi32, #tpu.memory_space<vmem>>
      %dma_wait3A_75 = arith.constant 0 : i32
      %dma_wait3A_76 = arith.constant 0 : i32
      %dma_wait3A_77 = tpu.memref_slice %arg2[%dma_wait3A_75, %dma_wait3A_76] : memref<10000x128xf32, #tpu.memory_space<hbm>> -> memref<10000x128xf32, #tpu.memory_space<hbm>>
      tpu.wait_indirect_dma semaphore(%arg12 : memref<!tpu.dma_semaphore, #tpu.memory_space<semaphore_mem>>) src(%dma_wait3A_77 : memref<10000x128xf32, #tpu.memory_space<hbm>>) dst(%arg9 : memref<64x128xf32, #tpu.memory_space<vmem>>)
      %dma_start3A_78 = arith.constant 0 : i32
      %dma_start3A_79 = tpu.memref_slice %arg8[%mul3A_71, %dma_start3A_78] : memref<158x64xi32, #tpu.memory_space<vmem>> -> memref<1x64xi32, #tpu.memory_space<vmem>>
      %dma_start3A_80 = tpu.memref_squeeze %dma_start3A_79 : memref<1x64xi32, #tpu.memory_space<vmem>> -> memref<64xi32, #tpu.memory_space<vmem>>
      %dma_start3A_81 = arith.constant 0 : i32
      %dma_start3A_82 = arith.constant 0 : i32
      %dma_start3A_83 = tpu.memref_slice %arg11[%dma_start3A_81, %dma_start3A_82] : memref<10112x128xf32, #tpu.memory_space<vmem_shared>> -> memref<10112x128xf32, #tpu.memory_space<vmem_shared>>
      tpu.enqueue_indirect_dma source(%arg9 : memref<64x128xf32, #tpu.memory_space<vmem>>) target(%dma_start3A_83 : memref<10112x128xf32, #tpu.memory_space<vmem_shared>>) offsets(%dma_start3A_80 : memref<64xi32, #tpu.memory_space<vmem>>) semaphore(%arg14 : memref<!tpu.dma_semaphore, #tpu.memory_space<semaphore_mem>>) {add = true}
      %add3A_84 = arith.constant 1 : i32
      %add3A_85 = arith.addi %mul3A_71, %add3A_84 : i32
      %dma_wait3A_86 = arith.constant 0 : i32
      %dma_wait3A_87 = tpu.memref_slice %arg7[%add3A_85, %dma_wait3A_86] : memref<158x64xi32, #tpu.memory_space<vmem>> -> memref<1x64xi32, #tpu.memory_space<vmem>>
      %dma_wait3A_88 = tpu.memref_squeeze %dma_wait3A_87 : memref<1x64xi32, #tpu.memory_space<vmem>> -> memref<64xi32, #tpu.memory_space<vmem>>
      %dma_wait3A_89 = arith.constant 0 : i32
      %dma_wait3A_90 = arith.constant 0 : i32
      %dma_wait3A_91 = tpu.memref_slice %arg2[%dma_wait3A_89, %dma_wait3A_90] : memref<10000x128xf32, #tpu.memory_space<hbm>> -> memref<10000x128xf32, #tpu.memory_space<hbm>>
      tpu.wait_indirect_dma semaphore(%arg13 : memref<!tpu.dma_semaphore, #tpu.memory_space<semaphore_mem>>) src(%dma_wait3A_91 : memref<10000x128xf32, #tpu.memory_space<hbm>>) dst(%arg10 : memref<64x128xf32, #tpu.memory_space<vmem>>)
      %add3A_92 = arith.constant 1 : i32
      %add3A_93 = arith.addi %mul3A_71, %add3A_92 : i32
      %dma_start3A_94 = arith.constant 0 : i32
      %dma_start3A_95 = tpu.memref_slice %arg8[%add3A_93, %dma_start3A_94] : memref<158x64xi32, #tpu.memory_space<vmem>> -> memref<1x64xi32, #tpu.memory_space<vmem>>
      %dma_start3A_96 = tpu.memref_squeeze %dma_start3A_95 : memref<1x64xi32, #tpu.memory_space<vmem>> -> memref<64xi32, #tpu.memory_space<vmem>>
      %dma_start3A_97 = arith.constant 0 : i32
      %dma_start3A_98 = arith.constant 0 : i32
      %dma_start3A_99 = tpu.memref_slice %arg11[%dma_start3A_97, %dma_start3A_98] : memref<10112x128xf32, #tpu.memory_space<vmem_shared>> -> memref<10112x128xf32, #tpu.memory_space<vmem_shared>>
      tpu.enqueue_indirect_dma source(%arg10 : memref<64x128xf32, #tpu.memory_space<vmem>>) target(%dma_start3A_99 : memref<10112x128xf32, #tpu.memory_space<vmem_shared>>) offsets(%dma_start3A_96 : memref<64xi32, #tpu.memory_space<vmem>>) semaphore(%arg15 : memref<!tpu.dma_semaphore, #tpu.memory_space<semaphore_mem>>) {add = true}
      %dma_wait3A_100 = arith.constant 0 : i32
      %dma_wait3A_101 = tpu.memref_slice %arg8[%mul3A_71, %dma_wait3A_100] : memref<158x64xi32, #tpu.memory_space<vmem>> -> memref<1x64xi32, #tpu.memory_space<vmem>>
      %dma_wait3A_102 = tpu.memref_squeeze %dma_wait3A_101 : memref<1x64xi32, #tpu.memory_space<vmem>> -> memref<64xi32, #tpu.memory_space<vmem>>
      %dma_wait3A_103 = arith.constant 0 : i32
      %dma_wait3A_104 = arith.constant 0 : i32
      %dma_wait3A_105 = tpu.memref_slice %arg11[%dma_wait3A_103, %dma_wait3A_104] : memref<10112x128xf32, #tpu.memory_space<vmem_shared>> -> memref<10112x128xf32, #tpu.memory_space<vmem_shared>>
      tpu.wait_indirect_dma semaphore(%arg14 : memref<!tpu.dma_semaphore, #tpu.memory_space<semaphore_mem>>) src(%arg9 : memref<64x128xf32, #tpu.memory_space<vmem>>) dst(%dma_wait3A_105 : memref<10112x128xf32, #tpu.memory_space<vmem_shared>>)
      %add3A_106 = arith.constant 2 : i32
      %add3A_107 = arith.addi %mul3A_71, %add3A_106 : i32
      %dma_start3A_108 = arith.constant 0 : i32
      %dma_start3A_109 = tpu.memref_slice %arg7[%add3A_107, %dma_start3A_108] : memref<158x64xi32, #tpu.memory_space<vmem>> -> memref<1x64xi32, #tpu.memory_space<vmem>>
      %dma_start3A_110 = tpu.memref_squeeze %dma_start3A_109 : memref<1x64xi32, #tpu.memory_space<vmem>> -> memref<64xi32, #tpu.memory_space<vmem>>
      %dma_start3A_111 = arith.constant 0 : i32
      %dma_start3A_112 = arith.constant 0 : i32
      %dma_start3A_113 = tpu.memref_slice %arg2[%dma_start3A_111, %dma_start3A_112] : memref<10000x128xf32, #tpu.memory_space<hbm>> -> memref<10000x128xf32, #tpu.memory_space<hbm>>
      tpu.enqueue_indirect_dma source(%dma_start3A_113 : memref<10000x128xf32, #tpu.memory_space<hbm>>) target(%arg9 : memref<64x128xf32, #tpu.memory_space<vmem>>) offsets(%dma_start3A_110 : memref<64xi32, #tpu.memory_space<vmem>>) semaphore(%arg12 : memref<!tpu.dma_semaphore, #tpu.memory_space<semaphore_mem>>)
      %dma_wait3A_114 = arith.constant 0 : i32
      %dma_wait3A_115 = tpu.memref_slice %arg8[%add3A_93, %dma_wait3A_114] : memref<158x64xi32, #tpu.memory_space<vmem>> -> memref<1x64xi32, #tpu.memory_space<vmem>>
      %dma_wait3A_116 = tpu.memref_squeeze %dma_wait3A_115 : memref<1x64xi32, #tpu.memory_space<vmem>> -> memref<64xi32, #tpu.memory_space<vmem>>
      %dma_wait3A_117 = arith.constant 0 : i32
      %dma_wait3A_118 = arith.constant 0 : i32
      %dma_wait3A_119 = tpu.memref_slice %arg11[%dma_wait3A_117, %dma_wait3A_118] : memref<10112x128xf32, #tpu.memory_space<vmem_shared>> -> memref<10112x128xf32, #tpu.memory_space<vmem_shared>>
      tpu.wait_indirect_dma semaphore(%arg15 : memref<!tpu.dma_semaphore, #tpu.memory_space<semaphore_mem>>) src(%arg10 : memref<64x128xf32, #tpu.memory_space<vmem>>) dst(%dma_wait3A_119 : memref<10112x128xf32, #tpu.memory_space<vmem_shared>>)
      %add3A_120 = arith.constant 3 : i32
      %add3A_121 = arith.addi %mul3A_71, %add3A_120 : i32
      %dma_start3A_122 = arith.constant 0 : i32
      %dma_start3A_123 = tpu.memref_slice %arg7[%add3A_121, %dma_start3A_122] : memref<158x64xi32, #tpu.memory_space<vmem>> -> memref<1x64xi32, #tpu.memory_space<vmem>>
      %dma_start3A_124 = tpu.memref_squeeze %dma_start3A_123 : memref<1x64xi32, #tpu.memory_space<vmem>> -> memref<64xi32, #tpu.memory_space<vmem>>
      %dma_start3A_125 = arith.constant 0 : i32
      %dma_start3A_126 = arith.constant 0 : i32
      %dma_start3A_127 = tpu.memref_slice %arg2[%dma_start3A_125, %dma_start3A_126] : memref<10000x128xf32, #tpu.memory_space<hbm>> -> memref<10000x128xf32, #tpu.memory_space<hbm>>
      tpu.enqueue_indirect_dma source(%dma_start3A_127 : memref<10000x128xf32, #tpu.memory_space<hbm>>) target(%arg10 : memref<64x128xf32, #tpu.memory_space<vmem>>) offsets(%dma_start3A_124 : memref<64xi32, #tpu.memory_space<vmem>>) semaphore(%arg13 : memref<!tpu.dma_semaphore, #tpu.memory_space<semaphore_mem>>)
    }
    %scan3A_22 = arith.constant 78 : i32
    %dma_wait3A = arith.constant 156 : i32
    %dma_wait3A_23 = arith.constant 0 : i32
    %dma_wait3A_24 = tpu.memref_slice %arg7[%dma_wait3A, %dma_wait3A_23] : memref<158x64xi32, #tpu.memory_space<vmem>> -> memref<1x64xi32, #tpu.memory_space<vmem>>
    %dma_wait3A_25 = tpu.memref_squeeze %dma_wait3A_24 : memref<1x64xi32, #tpu.memory_space<vmem>> -> memref<64xi32, #tpu.memory_space<vmem>>
    %dma_wait3A_26 = arith.constant 0 : i32
    %dma_wait3A_27 = arith.constant 0 : i32
    %dma_wait3A_28 = tpu.memref_slice %arg2[%dma_wait3A_26, %dma_wait3A_27] : memref<10000x128xf32, #tpu.memory_space<hbm>> -> memref<10000x128xf32, #tpu.memory_space<hbm>>
    tpu.wait_indirect_dma semaphore(%arg12 : memref<!tpu.dma_semaphore, #tpu.memory_space<semaphore_mem>>) src(%dma_wait3A_28 : memref<10000x128xf32, #tpu.memory_space<hbm>>) dst(%arg9 : memref<64x128xf32, #tpu.memory_space<vmem>>)
    %dma_start3A_29 = arith.constant 156 : i32
    %dma_start3A_30 = arith.constant 0 : i32
    %dma_start3A_31 = tpu.memref_slice %arg8[%dma_start3A_29, %dma_start3A_30] : memref<158x64xi32, #tpu.memory_space<vmem>> -> memref<1x64xi32, #tpu.memory_space<vmem>>
    %dma_start3A_32 = tpu.memref_squeeze %dma_start3A_31 : memref<1x64xi32, #tpu.memory_space<vmem>> -> memref<64xi32, #tpu.memory_space<vmem>>
    %dma_start3A_33 = arith.constant 0 : i32
    %dma_start3A_34 = arith.constant 0 : i32
    %dma_start3A_35 = tpu.memref_slice %arg11[%dma_start3A_33, %dma_start3A_34] : memref<10112x128xf32, #tpu.memory_space<vmem_shared>> -> memref<10112x128xf32, #tpu.memory_space<vmem_shared>>
    tpu.enqueue_indirect_dma source(%arg9 : memref<64x128xf32, #tpu.memory_space<vmem>>) target(%dma_start3A_35 : memref<10112x128xf32, #tpu.memory_space<vmem_shared>>) offsets(%dma_start3A_32 : memref<64xi32, #tpu.memory_space<vmem>>) semaphore(%arg14 : memref<!tpu.dma_semaphore, #tpu.memory_space<semaphore_mem>>) {add = true}
    %dma_wait3A_36 = arith.constant 157 : i32
    %dma_wait3A_37 = arith.constant 0 : i32
    %dma_wait3A_38 = tpu.memref_slice %arg7[%dma_wait3A_36, %dma_wait3A_37] : memref<158x64xi32, #tpu.memory_space<vmem>> -> memref<1x64xi32, #tpu.memory_space<vmem>>
    %dma_wait3A_39 = tpu.memref_squeeze %dma_wait3A_38 : memref<1x64xi32, #tpu.memory_space<vmem>> -> memref<64xi32, #tpu.memory_space<vmem>>
    %dma_wait3A_40 = arith.constant 0 : i32
    %dma_wait3A_41 = arith.constant 0 : i32
    %dma_wait3A_42 = tpu.memref_slice %arg2[%dma_wait3A_40, %dma_wait3A_41] : memref<10000x128xf32, #tpu.memory_space<hbm>> -> memref<10000x128xf32, #tpu.memory_space<hbm>>
    tpu.wait_indirect_dma semaphore(%arg13 : memref<!tpu.dma_semaphore, #tpu.memory_space<semaphore_mem>>) src(%dma_wait3A_42 : memref<10000x128xf32, #tpu.memory_space<hbm>>) dst(%arg10 : memref<64x128xf32, #tpu.memory_space<vmem>>)
    %dma_start3A_43 = arith.constant 157 : i32
    %dma_start3A_44 = arith.constant 0 : i32
    %dma_start3A_45 = tpu.memref_slice %arg8[%dma_start3A_43, %dma_start3A_44] : memref<158x64xi32, #tpu.memory_space<vmem>> -> memref<1x64xi32, #tpu.memory_space<vmem>>
    %dma_start3A_46 = tpu.memref_squeeze %dma_start3A_45 : memref<1x64xi32, #tpu.memory_space<vmem>> -> memref<64xi32, #tpu.memory_space<vmem>>
    %dma_start3A_47 = arith.constant 0 : i32
    %dma_start3A_48 = arith.constant 0 : i32
    %dma_start3A_49 = tpu.memref_slice %arg11[%dma_start3A_47, %dma_start3A_48] : memref<10112x128xf32, #tpu.memory_space<vmem_shared>> -> memref<10112x128xf32, #tpu.memory_space<vmem_shared>>
    tpu.enqueue_indirect_dma source(%arg10 : memref<64x128xf32, #tpu.memory_space<vmem>>) target(%dma_start3A_49 : memref<10112x128xf32, #tpu.memory_space<vmem_shared>>) offsets(%dma_start3A_46 : memref<64xi32, #tpu.memory_space<vmem>>) semaphore(%arg15 : memref<!tpu.dma_semaphore, #tpu.memory_space<semaphore_mem>>) {add = true}
    %dma_wait3A_50 = arith.constant 156 : i32
    %dma_wait3A_51 = arith.constant 0 : i32
    %dma_wait3A_52 = tpu.memref_slice %arg8[%dma_wait3A_50, %dma_wait3A_51] : memref<158x64xi32, #tpu.memory_space<vmem>> -> memref<1x64xi32, #tpu.memory_space<vmem>>
    %dma_wait3A_53 = tpu.memref_squeeze %dma_wait3A_52 : memref<1x64xi32, #tpu.memory_space<vmem>> -> memref<64xi32, #tpu.memory_space<vmem>>
    %dma_wait3A_54 = arith.constant 0 : i32
    %dma_wait3A_55 = arith.constant 0 : i32
    %dma_wait3A_56 = tpu.memref_slice %arg11[%dma_wait3A_54, %dma_wait3A_55] : memref<10112x128xf32, #tpu.memory_space<vmem_shared>> -> memref<10112x128xf32, #tpu.memory_space<vmem_shared>>
    tpu.wait_indirect_dma semaphore(%arg14 : memref<!tpu.dma_semaphore, #tpu.memory_space<semaphore_mem>>) src(%arg9 : memref<64x128xf32, #tpu.memory_space<vmem>>) dst(%dma_wait3A_56 : memref<10112x128xf32, #tpu.memory_space<vmem_shared>>)
    %dma_wait3A_57 = arith.constant 157 : i32
    %dma_wait3A_58 = arith.constant 0 : i32
    %dma_wait3A_59 = tpu.memref_slice %arg8[%dma_wait3A_57, %dma_wait3A_58] : memref<158x64xi32, #tpu.memory_space<vmem>> -> memref<1x64xi32, #tpu.memory_space<vmem>>
    %dma_wait3A_60 = tpu.memref_squeeze %dma_wait3A_59 : memref<1x64xi32, #tpu.memory_space<vmem>> -> memref<64xi32, #tpu.memory_space<vmem>>
    %dma_wait3A_61 = arith.constant 0 : i32
    %dma_wait3A_62 = arith.constant 0 : i32
    %dma_wait3A_63 = tpu.memref_slice %arg11[%dma_wait3A_61, %dma_wait3A_62] : memref<10112x128xf32, #tpu.memory_space<vmem_shared>> -> memref<10112x128xf32, #tpu.memory_space<vmem_shared>>
    tpu.wait_indirect_dma semaphore(%arg15 : memref<!tpu.dma_semaphore, #tpu.memory_space<semaphore_mem>>) src(%arg10 : memref<64x128xf32, #tpu.memory_space<vmem>>) dst(%dma_wait3A_63 : memref<10112x128xf32, #tpu.memory_space<vmem_shared>>)
    %barrier3A_64 = arith.constant 0 : index
    tpu.barrier barrier_id(%barrier3A_64)
    %mul3A_65 = arith.constant 632 : i32
    %mul3A_66 = arith.muli %arg1, %mul3A_65 : i32
    %mul3A_67 = arith.constant 632 : i32
    %mul3A_68 = arith.muli %arg1, %mul3A_67 : i32
    "tpu.region"() ({
      %run_scoped3A = tpu.sem_alloc : memref<!tpu.dma_semaphore, #tpu.memory_space<semaphore_mem>>
      %dma_start3A_69 = arith.constant 0 : i32
      %dma_start3A_70 = tpu.memref_slice %arg6[%arg0, %mul3A_68, %dma_start3A_69] : memref<2x10112x128xf32, #tpu.memory_space<hbm>> -> memref<1x632x128xf32, #tpu.memory_space<hbm>>
      %dma_start3A_71 = tpu.memref_squeeze %dma_start3A_70 : memref<1x632x128xf32, #tpu.memory_space<hbm>> -> memref<632x128xf32, #tpu.memory_space<hbm>>
      %dma_start3A_72 = arith.constant 0 : i32
      %dma_start3A_73 = tpu.memref_slice %arg11[%mul3A_66, %dma_start3A_72] : memref<10112x128xf32, #tpu.memory_space<vmem_shared>> -> memref<632x128xf32, #tpu.memory_space<vmem_shared>>
      tpu.enqueue_dma source(%dma_start3A_73 : memref<632x128xf32, #tpu.memory_space<vmem_shared>>) target(%dma_start3A_71 : memref<632x128xf32, #tpu.memory_space<hbm>>) target_semaphore(%run_scoped3A : memref<!tpu.dma_semaphore, #tpu.memory_space<semaphore_mem>>)
      %dma_wait3A_74 = arith.constant 0 : i32
      %dma_wait3A_75 = tpu.memref_slice %arg6[%arg0, %mul3A_68, %dma_wait3A_74] : memref<2x10112x128xf32, #tpu.memory_space<hbm>> -> memref<1x632x128xf32, #tpu.memory_space<hbm>>
      %dma_wait3A_76 = tpu.memref_squeeze %dma_wait3A_75 : memref<1x632x128xf32, #tpu.memory_space<hbm>> -> memref<632x128xf32, #tpu.memory_space<hbm>>
      %dma_wait3A_77 = arith.constant 0 : i32
      %dma_wait3A_78 = tpu.memref_slice %arg11[%mul3A_66, %dma_wait3A_77] : memref<10112x128xf32, #tpu.memory_space<vmem_shared>> -> memref<632x128xf32, #tpu.memory_space<vmem_shared>>
      tpu.wait_dma2 semaphore(%run_scoped3A : memref<!tpu.dma_semaphore, #tpu.memory_space<semaphore_mem>>) src(%dma_wait3A_78 : memref<632x128xf32, #tpu.memory_space<vmem_shared>>) dst(%dma_wait3A_76 : memref<632x128xf32, #tpu.memory_space<hbm>>)
      tpu.yield
    }) : () -> ()
    return
  }
}

#map = affine_map<(d0, d1) -> (0, 0)>
#map1 = affine_map<(d0, d1) -> (0, 0, 0)>
module attributes {stable_mosaic.version = 14 : i64} {
  func.func @spmm(%arg0: i32, %arg1: i32, %arg2: memref<10000x16xf32, #tpu.memory_space<hbm>>, %arg3: memref<32x5x2048xi32, #tpu.memory_space<hbm>>, %arg4: memref<32x5x2048xi32, #tpu.memory_space<hbm>>, %arg5: memref<10112x16xf32, #tpu.memory_space<hbm>>, %arg6: memref<2x10112x16xf32, #tpu.memory_space<hbm>>, %arg7: memref<5x2048xi32, #tpu.memory_space<vmem>>, %arg8: memref<5x2048xi32, #tpu.memory_space<vmem>>, %arg9: memref<2048x16xf32, #tpu.memory_space<vmem>>, %arg10: memref<2048x16xf32, #tpu.memory_space<vmem>>, %arg11: memref<10112x16xf32, #tpu.memory_space<vmem_shared>>, %arg12: memref<!tpu.dma_semaphore, #tpu.memory_space<semaphore_mem>>, %arg13: memref<!tpu.dma_semaphore, #tpu.memory_space<semaphore_mem>>, %arg14: memref<!tpu.dma_semaphore, #tpu.memory_space<semaphore_mem>>, %arg15: memref<!tpu.dma_semaphore, #tpu.memory_space<semaphore_mem>>) attributes {dimension_semantics = [#tpu.dimension_semantics<core_parallel>, #tpu.dimension_semantics<subcore_parallel>], iteration_bounds = array<i64: 2, 16>, scalar_prefetch = 0 : i64, scratch_operands = 9 : i64, tpu.core_type = #tpu.core_type<sc_vector_subcore>, window_params = [{transform_indices = #map}, {transform_indices = #map1}, {transform_indices = #map1}, {transform_indices = #map}, {transform_indices = #map1}]} {
    %mul3A = arith.constant 2 : i32
    %mul3A_0 = arith.muli %arg1, %mul3A : i32
    %add3A = arith.addi %mul3A_0, %arg0 : i32
    %mul3A_1 = arith.constant 632 : i32
    %mul3A_2 = arith.muli %arg1, %mul3A_1 : i32
    %mul3A_3 = arith.constant 632 : i32
    %mul3A_4 = arith.muli %arg1, %mul3A_3 : i32
    "tpu.region"() ({
      %run_scoped3A = tpu.sem_alloc : memref<!tpu.dma_semaphore, #tpu.memory_space<semaphore_mem>>
      %dma_start3A_148 = arith.constant 0 : i32
      %dma_start3A_149 = tpu.memref_slice %arg11[%mul3A_4, %dma_start3A_148] : memref<10112x16xf32, #tpu.memory_space<vmem_shared>> -> memref<632x16xf32, #tpu.memory_space<vmem_shared>>
      %dma_start3A_150 = arith.constant 0 : i32
      %dma_start3A_151 = tpu.memref_slice %arg5[%mul3A_2, %dma_start3A_150] : memref<10112x16xf32, #tpu.memory_space<hbm>> -> memref<632x16xf32, #tpu.memory_space<hbm>>
      tpu.enqueue_dma source(%dma_start3A_151 : memref<632x16xf32, #tpu.memory_space<hbm>>) target(%dma_start3A_149 : memref<632x16xf32, #tpu.memory_space<vmem_shared>>) target_semaphore(%run_scoped3A : memref<!tpu.dma_semaphore, #tpu.memory_space<semaphore_mem>>)
      %dma_wait3A_152 = arith.constant 0 : i32
      %dma_wait3A_153 = tpu.memref_slice %arg11[%mul3A_4, %dma_wait3A_152] : memref<10112x16xf32, #tpu.memory_space<vmem_shared>> -> memref<632x16xf32, #tpu.memory_space<vmem_shared>>
      %dma_wait3A_154 = arith.constant 0 : i32
      %dma_wait3A_155 = tpu.memref_slice %arg5[%mul3A_2, %dma_wait3A_154] : memref<10112x16xf32, #tpu.memory_space<hbm>> -> memref<632x16xf32, #tpu.memory_space<hbm>>
      tpu.wait_dma2 semaphore(%run_scoped3A : memref<!tpu.dma_semaphore, #tpu.memory_space<semaphore_mem>>) src(%dma_wait3A_155 : memref<632x16xf32, #tpu.memory_space<hbm>>) dst(%dma_wait3A_153 : memref<632x16xf32, #tpu.memory_space<vmem_shared>>)
      tpu.yield
    }) : () -> ()
    "tpu.region"() ({
      %run_scoped3A = tpu.sem_alloc : memref<!tpu.dma_semaphore, #tpu.memory_space<semaphore_mem>>
      %dma_start3A_148 = arith.constant 0 : i32
      %dma_start3A_149 = arith.constant 0 : i32
      %dma_start3A_150 = tpu.memref_slice %arg3[%add3A, %dma_start3A_148, %dma_start3A_149] : memref<32x5x2048xi32, #tpu.memory_space<hbm>> -> memref<1x5x2048xi32, #tpu.memory_space<hbm>>
      %dma_start3A_151 = tpu.memref_squeeze %dma_start3A_150 : memref<1x5x2048xi32, #tpu.memory_space<hbm>> -> memref<5x2048xi32, #tpu.memory_space<hbm>>
      %dma_start3A_152 = arith.constant 0 : i32
      %dma_start3A_153 = arith.constant 0 : i32
      %dma_start3A_154 = tpu.memref_slice %arg3[%add3A, %dma_start3A_152, %dma_start3A_153] : memref<32x5x2048xi32, #tpu.memory_space<hbm>> -> memref<1x5x2048xi32, #tpu.memory_space<hbm>>
      %dma_start3A_155 = tpu.memref_squeeze %dma_start3A_154 : memref<1x5x2048xi32, #tpu.memory_space<hbm>> -> memref<5x2048xi32, #tpu.memory_space<hbm>>
      tpu.enqueue_dma source(%dma_start3A_155 : memref<5x2048xi32, #tpu.memory_space<hbm>>) target(%arg7 : memref<5x2048xi32, #tpu.memory_space<vmem>>) target_semaphore(%run_scoped3A : memref<!tpu.dma_semaphore, #tpu.memory_space<semaphore_mem>>)
      %dma_wait3A_156 = arith.constant 0 : i32
      %dma_wait3A_157 = arith.constant 0 : i32
      %dma_wait3A_158 = tpu.memref_slice %arg3[%add3A, %dma_wait3A_156, %dma_wait3A_157] : memref<32x5x2048xi32, #tpu.memory_space<hbm>> -> memref<1x5x2048xi32, #tpu.memory_space<hbm>>
      %dma_wait3A_159 = tpu.memref_squeeze %dma_wait3A_158 : memref<1x5x2048xi32, #tpu.memory_space<hbm>> -> memref<5x2048xi32, #tpu.memory_space<hbm>>
      %dma_wait3A_160 = arith.constant 0 : i32
      %dma_wait3A_161 = arith.constant 0 : i32
      %dma_wait3A_162 = tpu.memref_slice %arg3[%add3A, %dma_wait3A_160, %dma_wait3A_161] : memref<32x5x2048xi32, #tpu.memory_space<hbm>> -> memref<1x5x2048xi32, #tpu.memory_space<hbm>>
      %dma_wait3A_163 = tpu.memref_squeeze %dma_wait3A_162 : memref<1x5x2048xi32, #tpu.memory_space<hbm>> -> memref<5x2048xi32, #tpu.memory_space<hbm>>
      tpu.wait_dma2 semaphore(%run_scoped3A : memref<!tpu.dma_semaphore, #tpu.memory_space<semaphore_mem>>) src(%dma_wait3A_163 : memref<5x2048xi32, #tpu.memory_space<hbm>>) dst(%arg7 : memref<5x2048xi32, #tpu.memory_space<vmem>>)
      tpu.yield
    }) : () -> ()
    "tpu.region"() ({
      %run_scoped3A = tpu.sem_alloc : memref<!tpu.dma_semaphore, #tpu.memory_space<semaphore_mem>>
      %dma_start3A_148 = arith.constant 0 : i32
      %dma_start3A_149 = arith.constant 0 : i32
      %dma_start3A_150 = tpu.memref_slice %arg4[%add3A, %dma_start3A_148, %dma_start3A_149] : memref<32x5x2048xi32, #tpu.memory_space<hbm>> -> memref<1x5x2048xi32, #tpu.memory_space<hbm>>
      %dma_start3A_151 = tpu.memref_squeeze %dma_start3A_150 : memref<1x5x2048xi32, #tpu.memory_space<hbm>> -> memref<5x2048xi32, #tpu.memory_space<hbm>>
      %dma_start3A_152 = arith.constant 0 : i32
      %dma_start3A_153 = arith.constant 0 : i32
      %dma_start3A_154 = tpu.memref_slice %arg4[%add3A, %dma_start3A_152, %dma_start3A_153] : memref<32x5x2048xi32, #tpu.memory_space<hbm>> -> memref<1x5x2048xi32, #tpu.memory_space<hbm>>
      %dma_start3A_155 = tpu.memref_squeeze %dma_start3A_154 : memref<1x5x2048xi32, #tpu.memory_space<hbm>> -> memref<5x2048xi32, #tpu.memory_space<hbm>>
      tpu.enqueue_dma source(%dma_start3A_155 : memref<5x2048xi32, #tpu.memory_space<hbm>>) target(%arg8 : memref<5x2048xi32, #tpu.memory_space<vmem>>) target_semaphore(%run_scoped3A : memref<!tpu.dma_semaphore, #tpu.memory_space<semaphore_mem>>)
      %dma_wait3A_156 = arith.constant 0 : i32
      %dma_wait3A_157 = arith.constant 0 : i32
      %dma_wait3A_158 = tpu.memref_slice %arg4[%add3A, %dma_wait3A_156, %dma_wait3A_157] : memref<32x5x2048xi32, #tpu.memory_space<hbm>> -> memref<1x5x2048xi32, #tpu.memory_space<hbm>>
      %dma_wait3A_159 = tpu.memref_squeeze %dma_wait3A_158 : memref<1x5x2048xi32, #tpu.memory_space<hbm>> -> memref<5x2048xi32, #tpu.memory_space<hbm>>
      %dma_wait3A_160 = arith.constant 0 : i32
      %dma_wait3A_161 = arith.constant 0 : i32
      %dma_wait3A_162 = tpu.memref_slice %arg4[%add3A, %dma_wait3A_160, %dma_wait3A_161] : memref<32x5x2048xi32, #tpu.memory_space<hbm>> -> memref<1x5x2048xi32, #tpu.memory_space<hbm>>
      %dma_wait3A_163 = tpu.memref_squeeze %dma_wait3A_162 : memref<1x5x2048xi32, #tpu.memory_space<hbm>> -> memref<5x2048xi32, #tpu.memory_space<hbm>>
      tpu.wait_dma2 semaphore(%run_scoped3A : memref<!tpu.dma_semaphore, #tpu.memory_space<semaphore_mem>>) src(%dma_wait3A_163 : memref<5x2048xi32, #tpu.memory_space<hbm>>) dst(%arg8 : memref<5x2048xi32, #tpu.memory_space<vmem>>)
      tpu.yield
    }) : () -> ()
    %barrier3A = arith.constant 0 : index
    tpu.barrier barrier_id(%barrier3A)
    %dma_start3A = arith.constant 0 : i32
    %dma_start3A_5 = arith.constant 0 : i32
    %dma_start3A_6 = tpu.memref_slice %arg7[%dma_start3A, %dma_start3A_5] : memref<5x2048xi32, #tpu.memory_space<vmem>> -> memref<1x2048xi32, #tpu.memory_space<vmem>>
    %dma_start3A_7 = tpu.memref_squeeze %dma_start3A_6 : memref<1x2048xi32, #tpu.memory_space<vmem>> -> memref<2048xi32, #tpu.memory_space<vmem>>
    %dma_start3A_8 = arith.constant 0 : i32
    %dma_start3A_9 = arith.constant 0 : i32
    %dma_start3A_10 = tpu.memref_slice %arg2[%dma_start3A_8, %dma_start3A_9] : memref<10000x16xf32, #tpu.memory_space<hbm>> -> memref<10000x16xf32, #tpu.memory_space<hbm>>
    tpu.enqueue_indirect_dma source(%dma_start3A_10 : memref<10000x16xf32, #tpu.memory_space<hbm>>) target(%arg9 : memref<2048x16xf32, #tpu.memory_space<vmem>>) offsets(%dma_start3A_7 : memref<2048xi32, #tpu.memory_space<vmem>>) semaphore(%arg12 : memref<!tpu.dma_semaphore, #tpu.memory_space<semaphore_mem>>)
    %dma_start3A_11 = arith.constant 1 : i32
    %dma_start3A_12 = arith.constant 0 : i32
    %dma_start3A_13 = tpu.memref_slice %arg7[%dma_start3A_11, %dma_start3A_12] : memref<5x2048xi32, #tpu.memory_space<vmem>> -> memref<1x2048xi32, #tpu.memory_space<vmem>>
    %dma_start3A_14 = tpu.memref_squeeze %dma_start3A_13 : memref<1x2048xi32, #tpu.memory_space<vmem>> -> memref<2048xi32, #tpu.memory_space<vmem>>
    %dma_start3A_15 = arith.constant 0 : i32
    %dma_start3A_16 = arith.constant 0 : i32
    %dma_start3A_17 = tpu.memref_slice %arg2[%dma_start3A_15, %dma_start3A_16] : memref<10000x16xf32, #tpu.memory_space<hbm>> -> memref<10000x16xf32, #tpu.memory_space<hbm>>
    tpu.enqueue_indirect_dma source(%dma_start3A_17 : memref<10000x16xf32, #tpu.memory_space<hbm>>) target(%arg10 : memref<2048x16xf32, #tpu.memory_space<vmem>>) offsets(%dma_start3A_14 : memref<2048xi32, #tpu.memory_space<vmem>>) semaphore(%arg13 : memref<!tpu.dma_semaphore, #tpu.memory_space<semaphore_mem>>)
    %dma_wait3A = arith.constant 0 : i32
    %dma_wait3A_18 = arith.constant 0 : i32
    %dma_wait3A_19 = tpu.memref_slice %arg7[%dma_wait3A, %dma_wait3A_18] : memref<5x2048xi32, #tpu.memory_space<vmem>> -> memref<1x2048xi32, #tpu.memory_space<vmem>>
    %dma_wait3A_20 = tpu.memref_squeeze %dma_wait3A_19 : memref<1x2048xi32, #tpu.memory_space<vmem>> -> memref<2048xi32, #tpu.memory_space<vmem>>
    %dma_wait3A_21 = arith.constant 0 : i32
    %dma_wait3A_22 = arith.constant 0 : i32
    %dma_wait3A_23 = tpu.memref_slice %arg2[%dma_wait3A_21, %dma_wait3A_22] : memref<10000x16xf32, #tpu.memory_space<hbm>> -> memref<10000x16xf32, #tpu.memory_space<hbm>>
    tpu.wait_indirect_dma semaphore(%arg12 : memref<!tpu.dma_semaphore, #tpu.memory_space<semaphore_mem>>) src(%dma_wait3A_23 : memref<10000x16xf32, #tpu.memory_space<hbm>>) dst(%arg9 : memref<2048x16xf32, #tpu.memory_space<vmem>>)
    %dma_start3A_24 = arith.constant 0 : i32
    %dma_start3A_25 = arith.constant 0 : i32
    %dma_start3A_26 = tpu.memref_slice %arg8[%dma_start3A_24, %dma_start3A_25] : memref<5x2048xi32, #tpu.memory_space<vmem>> -> memref<1x2048xi32, #tpu.memory_space<vmem>>
    %dma_start3A_27 = tpu.memref_squeeze %dma_start3A_26 : memref<1x2048xi32, #tpu.memory_space<vmem>> -> memref<2048xi32, #tpu.memory_space<vmem>>
    %dma_start3A_28 = arith.constant 0 : i32
    %dma_start3A_29 = arith.constant 0 : i32
    %dma_start3A_30 = tpu.memref_slice %arg11[%dma_start3A_28, %dma_start3A_29] : memref<10112x16xf32, #tpu.memory_space<vmem_shared>> -> memref<10112x16xf32, #tpu.memory_space<vmem_shared>>
    tpu.enqueue_indirect_dma source(%arg9 : memref<2048x16xf32, #tpu.memory_space<vmem>>) target(%dma_start3A_30 : memref<10112x16xf32, #tpu.memory_space<vmem_shared>>) offsets(%dma_start3A_27 : memref<2048xi32, #tpu.memory_space<vmem>>) semaphore(%arg14 : memref<!tpu.dma_semaphore, #tpu.memory_space<semaphore_mem>>) {add = true}
    %dma_wait3A_31 = arith.constant 0 : i32
    %dma_wait3A_32 = arith.constant 0 : i32
    %dma_wait3A_33 = tpu.memref_slice %arg8[%dma_wait3A_31, %dma_wait3A_32] : memref<5x2048xi32, #tpu.memory_space<vmem>> -> memref<1x2048xi32, #tpu.memory_space<vmem>>
    %dma_wait3A_34 = tpu.memref_squeeze %dma_wait3A_33 : memref<1x2048xi32, #tpu.memory_space<vmem>> -> memref<2048xi32, #tpu.memory_space<vmem>>
    %dma_wait3A_35 = arith.constant 0 : i32
    %dma_wait3A_36 = arith.constant 0 : i32
    %dma_wait3A_37 = tpu.memref_slice %arg11[%dma_wait3A_35, %dma_wait3A_36] : memref<10112x16xf32, #tpu.memory_space<vmem_shared>> -> memref<10112x16xf32, #tpu.memory_space<vmem_shared>>
    tpu.wait_indirect_dma semaphore(%arg14 : memref<!tpu.dma_semaphore, #tpu.memory_space<semaphore_mem>>) src(%arg9 : memref<2048x16xf32, #tpu.memory_space<vmem>>) dst(%dma_wait3A_37 : memref<10112x16xf32, #tpu.memory_space<vmem_shared>>)
    %dma_start3A_38 = arith.constant 2 : i32
    %dma_start3A_39 = arith.constant 0 : i32
    %dma_start3A_40 = tpu.memref_slice %arg7[%dma_start3A_38, %dma_start3A_39] : memref<5x2048xi32, #tpu.memory_space<vmem>> -> memref<1x2048xi32, #tpu.memory_space<vmem>>
    %dma_start3A_41 = tpu.memref_squeeze %dma_start3A_40 : memref<1x2048xi32, #tpu.memory_space<vmem>> -> memref<2048xi32, #tpu.memory_space<vmem>>
    %dma_start3A_42 = arith.constant 0 : i32
    %dma_start3A_43 = arith.constant 0 : i32
    %dma_start3A_44 = tpu.memref_slice %arg2[%dma_start3A_42, %dma_start3A_43] : memref<10000x16xf32, #tpu.memory_space<hbm>> -> memref<10000x16xf32, #tpu.memory_space<hbm>>
    tpu.enqueue_indirect_dma source(%dma_start3A_44 : memref<10000x16xf32, #tpu.memory_space<hbm>>) target(%arg9 : memref<2048x16xf32, #tpu.memory_space<vmem>>) offsets(%dma_start3A_41 : memref<2048xi32, #tpu.memory_space<vmem>>) semaphore(%arg12 : memref<!tpu.dma_semaphore, #tpu.memory_space<semaphore_mem>>)
    %dma_wait3A_45 = arith.constant 1 : i32
    %dma_wait3A_46 = arith.constant 0 : i32
    %dma_wait3A_47 = tpu.memref_slice %arg7[%dma_wait3A_45, %dma_wait3A_46] : memref<5x2048xi32, #tpu.memory_space<vmem>> -> memref<1x2048xi32, #tpu.memory_space<vmem>>
    %dma_wait3A_48 = tpu.memref_squeeze %dma_wait3A_47 : memref<1x2048xi32, #tpu.memory_space<vmem>> -> memref<2048xi32, #tpu.memory_space<vmem>>
    %dma_wait3A_49 = arith.constant 0 : i32
    %dma_wait3A_50 = arith.constant 0 : i32
    %dma_wait3A_51 = tpu.memref_slice %arg2[%dma_wait3A_49, %dma_wait3A_50] : memref<10000x16xf32, #tpu.memory_space<hbm>> -> memref<10000x16xf32, #tpu.memory_space<hbm>>
    tpu.wait_indirect_dma semaphore(%arg13 : memref<!tpu.dma_semaphore, #tpu.memory_space<semaphore_mem>>) src(%dma_wait3A_51 : memref<10000x16xf32, #tpu.memory_space<hbm>>) dst(%arg10 : memref<2048x16xf32, #tpu.memory_space<vmem>>)
    %dma_start3A_52 = arith.constant 1 : i32
    %dma_start3A_53 = arith.constant 0 : i32
    %dma_start3A_54 = tpu.memref_slice %arg8[%dma_start3A_52, %dma_start3A_53] : memref<5x2048xi32, #tpu.memory_space<vmem>> -> memref<1x2048xi32, #tpu.memory_space<vmem>>
    %dma_start3A_55 = tpu.memref_squeeze %dma_start3A_54 : memref<1x2048xi32, #tpu.memory_space<vmem>> -> memref<2048xi32, #tpu.memory_space<vmem>>
    %dma_start3A_56 = arith.constant 0 : i32
    %dma_start3A_57 = arith.constant 0 : i32
    %dma_start3A_58 = tpu.memref_slice %arg11[%dma_start3A_56, %dma_start3A_57] : memref<10112x16xf32, #tpu.memory_space<vmem_shared>> -> memref<10112x16xf32, #tpu.memory_space<vmem_shared>>
    tpu.enqueue_indirect_dma source(%arg10 : memref<2048x16xf32, #tpu.memory_space<vmem>>) target(%dma_start3A_58 : memref<10112x16xf32, #tpu.memory_space<vmem_shared>>) offsets(%dma_start3A_55 : memref<2048xi32, #tpu.memory_space<vmem>>) semaphore(%arg15 : memref<!tpu.dma_semaphore, #tpu.memory_space<semaphore_mem>>) {add = true}
    %dma_wait3A_59 = arith.constant 1 : i32
    %dma_wait3A_60 = arith.constant 0 : i32
    %dma_wait3A_61 = tpu.memref_slice %arg8[%dma_wait3A_59, %dma_wait3A_60] : memref<5x2048xi32, #tpu.memory_space<vmem>> -> memref<1x2048xi32, #tpu.memory_space<vmem>>
    %dma_wait3A_62 = tpu.memref_squeeze %dma_wait3A_61 : memref<1x2048xi32, #tpu.memory_space<vmem>> -> memref<2048xi32, #tpu.memory_space<vmem>>
    %dma_wait3A_63 = arith.constant 0 : i32
    %dma_wait3A_64 = arith.constant 0 : i32
    %dma_wait3A_65 = tpu.memref_slice %arg11[%dma_wait3A_63, %dma_wait3A_64] : memref<10112x16xf32, #tpu.memory_space<vmem_shared>> -> memref<10112x16xf32, #tpu.memory_space<vmem_shared>>
    tpu.wait_indirect_dma semaphore(%arg15 : memref<!tpu.dma_semaphore, #tpu.memory_space<semaphore_mem>>) src(%arg10 : memref<2048x16xf32, #tpu.memory_space<vmem>>) dst(%dma_wait3A_65 : memref<10112x16xf32, #tpu.memory_space<vmem_shared>>)
    %dma_start3A_66 = arith.constant 3 : i32
    %dma_start3A_67 = arith.constant 0 : i32
    %dma_start3A_68 = tpu.memref_slice %arg7[%dma_start3A_66, %dma_start3A_67] : memref<5x2048xi32, #tpu.memory_space<vmem>> -> memref<1x2048xi32, #tpu.memory_space<vmem>>
    %dma_start3A_69 = tpu.memref_squeeze %dma_start3A_68 : memref<1x2048xi32, #tpu.memory_space<vmem>> -> memref<2048xi32, #tpu.memory_space<vmem>>
    %dma_start3A_70 = arith.constant 0 : i32
    %dma_start3A_71 = arith.constant 0 : i32
    %dma_start3A_72 = tpu.memref_slice %arg2[%dma_start3A_70, %dma_start3A_71] : memref<10000x16xf32, #tpu.memory_space<hbm>> -> memref<10000x16xf32, #tpu.memory_space<hbm>>
    tpu.enqueue_indirect_dma source(%dma_start3A_72 : memref<10000x16xf32, #tpu.memory_space<hbm>>) target(%arg10 : memref<2048x16xf32, #tpu.memory_space<vmem>>) offsets(%dma_start3A_69 : memref<2048xi32, #tpu.memory_space<vmem>>) semaphore(%arg13 : memref<!tpu.dma_semaphore, #tpu.memory_space<semaphore_mem>>)
    %dma_wait3A_73 = arith.constant 2 : i32
    %dma_wait3A_74 = arith.constant 0 : i32
    %dma_wait3A_75 = tpu.memref_slice %arg7[%dma_wait3A_73, %dma_wait3A_74] : memref<5x2048xi32, #tpu.memory_space<vmem>> -> memref<1x2048xi32, #tpu.memory_space<vmem>>
    %dma_wait3A_76 = tpu.memref_squeeze %dma_wait3A_75 : memref<1x2048xi32, #tpu.memory_space<vmem>> -> memref<2048xi32, #tpu.memory_space<vmem>>
    %dma_wait3A_77 = arith.constant 0 : i32
    %dma_wait3A_78 = arith.constant 0 : i32
    %dma_wait3A_79 = tpu.memref_slice %arg2[%dma_wait3A_77, %dma_wait3A_78] : memref<10000x16xf32, #tpu.memory_space<hbm>> -> memref<10000x16xf32, #tpu.memory_space<hbm>>
    tpu.wait_indirect_dma semaphore(%arg12 : memref<!tpu.dma_semaphore, #tpu.memory_space<semaphore_mem>>) src(%dma_wait3A_79 : memref<10000x16xf32, #tpu.memory_space<hbm>>) dst(%arg9 : memref<2048x16xf32, #tpu.memory_space<vmem>>)
    %dma_start3A_80 = arith.constant 2 : i32
    %dma_start3A_81 = arith.constant 0 : i32
    %dma_start3A_82 = tpu.memref_slice %arg8[%dma_start3A_80, %dma_start3A_81] : memref<5x2048xi32, #tpu.memory_space<vmem>> -> memref<1x2048xi32, #tpu.memory_space<vmem>>
    %dma_start3A_83 = tpu.memref_squeeze %dma_start3A_82 : memref<1x2048xi32, #tpu.memory_space<vmem>> -> memref<2048xi32, #tpu.memory_space<vmem>>
    %dma_start3A_84 = arith.constant 0 : i32
    %dma_start3A_85 = arith.constant 0 : i32
    %dma_start3A_86 = tpu.memref_slice %arg11[%dma_start3A_84, %dma_start3A_85] : memref<10112x16xf32, #tpu.memory_space<vmem_shared>> -> memref<10112x16xf32, #tpu.memory_space<vmem_shared>>
    tpu.enqueue_indirect_dma source(%arg9 : memref<2048x16xf32, #tpu.memory_space<vmem>>) target(%dma_start3A_86 : memref<10112x16xf32, #tpu.memory_space<vmem_shared>>) offsets(%dma_start3A_83 : memref<2048xi32, #tpu.memory_space<vmem>>) semaphore(%arg14 : memref<!tpu.dma_semaphore, #tpu.memory_space<semaphore_mem>>) {add = true}
    %dma_wait3A_87 = arith.constant 2 : i32
    %dma_wait3A_88 = arith.constant 0 : i32
    %dma_wait3A_89 = tpu.memref_slice %arg8[%dma_wait3A_87, %dma_wait3A_88] : memref<5x2048xi32, #tpu.memory_space<vmem>> -> memref<1x2048xi32, #tpu.memory_space<vmem>>
    %dma_wait3A_90 = tpu.memref_squeeze %dma_wait3A_89 : memref<1x2048xi32, #tpu.memory_space<vmem>> -> memref<2048xi32, #tpu.memory_space<vmem>>
    %dma_wait3A_91 = arith.constant 0 : i32
    %dma_wait3A_92 = arith.constant 0 : i32
    %dma_wait3A_93 = tpu.memref_slice %arg11[%dma_wait3A_91, %dma_wait3A_92] : memref<10112x16xf32, #tpu.memory_space<vmem_shared>> -> memref<10112x16xf32, #tpu.memory_space<vmem_shared>>
    tpu.wait_indirect_dma semaphore(%arg14 : memref<!tpu.dma_semaphore, #tpu.memory_space<semaphore_mem>>) src(%arg9 : memref<2048x16xf32, #tpu.memory_space<vmem>>) dst(%dma_wait3A_93 : memref<10112x16xf32, #tpu.memory_space<vmem_shared>>)
    %dma_start3A_94 = arith.constant 4 : i32
    %dma_start3A_95 = arith.constant 0 : i32
    %dma_start3A_96 = tpu.memref_slice %arg7[%dma_start3A_94, %dma_start3A_95] : memref<5x2048xi32, #tpu.memory_space<vmem>> -> memref<1x2048xi32, #tpu.memory_space<vmem>>
    %dma_start3A_97 = tpu.memref_squeeze %dma_start3A_96 : memref<1x2048xi32, #tpu.memory_space<vmem>> -> memref<2048xi32, #tpu.memory_space<vmem>>
    %dma_start3A_98 = arith.constant 0 : i32
    %dma_start3A_99 = arith.constant 0 : i32
    %dma_start3A_100 = tpu.memref_slice %arg2[%dma_start3A_98, %dma_start3A_99] : memref<10000x16xf32, #tpu.memory_space<hbm>> -> memref<10000x16xf32, #tpu.memory_space<hbm>>
    tpu.enqueue_indirect_dma source(%dma_start3A_100 : memref<10000x16xf32, #tpu.memory_space<hbm>>) target(%arg9 : memref<2048x16xf32, #tpu.memory_space<vmem>>) offsets(%dma_start3A_97 : memref<2048xi32, #tpu.memory_space<vmem>>) semaphore(%arg12 : memref<!tpu.dma_semaphore, #tpu.memory_space<semaphore_mem>>)
    %dma_wait3A_101 = arith.constant 3 : i32
    %dma_wait3A_102 = arith.constant 0 : i32
    %dma_wait3A_103 = tpu.memref_slice %arg7[%dma_wait3A_101, %dma_wait3A_102] : memref<5x2048xi32, #tpu.memory_space<vmem>> -> memref<1x2048xi32, #tpu.memory_space<vmem>>
    %dma_wait3A_104 = tpu.memref_squeeze %dma_wait3A_103 : memref<1x2048xi32, #tpu.memory_space<vmem>> -> memref<2048xi32, #tpu.memory_space<vmem>>
    %dma_wait3A_105 = arith.constant 0 : i32
    %dma_wait3A_106 = arith.constant 0 : i32
    %dma_wait3A_107 = tpu.memref_slice %arg2[%dma_wait3A_105, %dma_wait3A_106] : memref<10000x16xf32, #tpu.memory_space<hbm>> -> memref<10000x16xf32, #tpu.memory_space<hbm>>
    tpu.wait_indirect_dma semaphore(%arg13 : memref<!tpu.dma_semaphore, #tpu.memory_space<semaphore_mem>>) src(%dma_wait3A_107 : memref<10000x16xf32, #tpu.memory_space<hbm>>) dst(%arg10 : memref<2048x16xf32, #tpu.memory_space<vmem>>)
    %dma_start3A_108 = arith.constant 3 : i32
    %dma_start3A_109 = arith.constant 0 : i32
    %dma_start3A_110 = tpu.memref_slice %arg8[%dma_start3A_108, %dma_start3A_109] : memref<5x2048xi32, #tpu.memory_space<vmem>> -> memref<1x2048xi32, #tpu.memory_space<vmem>>
    %dma_start3A_111 = tpu.memref_squeeze %dma_start3A_110 : memref<1x2048xi32, #tpu.memory_space<vmem>> -> memref<2048xi32, #tpu.memory_space<vmem>>
    %dma_start3A_112 = arith.constant 0 : i32
    %dma_start3A_113 = arith.constant 0 : i32
    %dma_start3A_114 = tpu.memref_slice %arg11[%dma_start3A_112, %dma_start3A_113] : memref<10112x16xf32, #tpu.memory_space<vmem_shared>> -> memref<10112x16xf32, #tpu.memory_space<vmem_shared>>
    tpu.enqueue_indirect_dma source(%arg10 : memref<2048x16xf32, #tpu.memory_space<vmem>>) target(%dma_start3A_114 : memref<10112x16xf32, #tpu.memory_space<vmem_shared>>) offsets(%dma_start3A_111 : memref<2048xi32, #tpu.memory_space<vmem>>) semaphore(%arg15 : memref<!tpu.dma_semaphore, #tpu.memory_space<semaphore_mem>>) {add = true}
    %dma_wait3A_115 = arith.constant 3 : i32
    %dma_wait3A_116 = arith.constant 0 : i32
    %dma_wait3A_117 = tpu.memref_slice %arg8[%dma_wait3A_115, %dma_wait3A_116] : memref<5x2048xi32, #tpu.memory_space<vmem>> -> memref<1x2048xi32, #tpu.memory_space<vmem>>
    %dma_wait3A_118 = tpu.memref_squeeze %dma_wait3A_117 : memref<1x2048xi32, #tpu.memory_space<vmem>> -> memref<2048xi32, #tpu.memory_space<vmem>>
    %dma_wait3A_119 = arith.constant 0 : i32
    %dma_wait3A_120 = arith.constant 0 : i32
    %dma_wait3A_121 = tpu.memref_slice %arg11[%dma_wait3A_119, %dma_wait3A_120] : memref<10112x16xf32, #tpu.memory_space<vmem_shared>> -> memref<10112x16xf32, #tpu.memory_space<vmem_shared>>
    tpu.wait_indirect_dma semaphore(%arg15 : memref<!tpu.dma_semaphore, #tpu.memory_space<semaphore_mem>>) src(%arg10 : memref<2048x16xf32, #tpu.memory_space<vmem>>) dst(%dma_wait3A_121 : memref<10112x16xf32, #tpu.memory_space<vmem_shared>>)
    %dma_wait3A_122 = arith.constant 4 : i32
    %dma_wait3A_123 = arith.constant 0 : i32
    %dma_wait3A_124 = tpu.memref_slice %arg7[%dma_wait3A_122, %dma_wait3A_123] : memref<5x2048xi32, #tpu.memory_space<vmem>> -> memref<1x2048xi32, #tpu.memory_space<vmem>>
    %dma_wait3A_125 = tpu.memref_squeeze %dma_wait3A_124 : memref<1x2048xi32, #tpu.memory_space<vmem>> -> memref<2048xi32, #tpu.memory_space<vmem>>
    %dma_wait3A_126 = arith.constant 0 : i32
    %dma_wait3A_127 = arith.constant 0 : i32
    %dma_wait3A_128 = tpu.memref_slice %arg2[%dma_wait3A_126, %dma_wait3A_127] : memref<10000x16xf32, #tpu.memory_space<hbm>> -> memref<10000x16xf32, #tpu.memory_space<hbm>>
    tpu.wait_indirect_dma semaphore(%arg12 : memref<!tpu.dma_semaphore, #tpu.memory_space<semaphore_mem>>) src(%dma_wait3A_128 : memref<10000x16xf32, #tpu.memory_space<hbm>>) dst(%arg9 : memref<2048x16xf32, #tpu.memory_space<vmem>>)
    %dma_start3A_129 = arith.constant 4 : i32
    %dma_start3A_130 = arith.constant 0 : i32
    %dma_start3A_131 = tpu.memref_slice %arg8[%dma_start3A_129, %dma_start3A_130] : memref<5x2048xi32, #tpu.memory_space<vmem>> -> memref<1x2048xi32, #tpu.memory_space<vmem>>
    %dma_start3A_132 = tpu.memref_squeeze %dma_start3A_131 : memref<1x2048xi32, #tpu.memory_space<vmem>> -> memref<2048xi32, #tpu.memory_space<vmem>>
    %dma_start3A_133 = arith.constant 0 : i32
    %dma_start3A_134 = arith.constant 0 : i32
    %dma_start3A_135 = tpu.memref_slice %arg11[%dma_start3A_133, %dma_start3A_134] : memref<10112x16xf32, #tpu.memory_space<vmem_shared>> -> memref<10112x16xf32, #tpu.memory_space<vmem_shared>>
    tpu.enqueue_indirect_dma source(%arg9 : memref<2048x16xf32, #tpu.memory_space<vmem>>) target(%dma_start3A_135 : memref<10112x16xf32, #tpu.memory_space<vmem_shared>>) offsets(%dma_start3A_132 : memref<2048xi32, #tpu.memory_space<vmem>>) semaphore(%arg14 : memref<!tpu.dma_semaphore, #tpu.memory_space<semaphore_mem>>) {add = true}
    %dma_wait3A_136 = arith.constant 4 : i32
    %dma_wait3A_137 = arith.constant 0 : i32
    %dma_wait3A_138 = tpu.memref_slice %arg8[%dma_wait3A_136, %dma_wait3A_137] : memref<5x2048xi32, #tpu.memory_space<vmem>> -> memref<1x2048xi32, #tpu.memory_space<vmem>>
    %dma_wait3A_139 = tpu.memref_squeeze %dma_wait3A_138 : memref<1x2048xi32, #tpu.memory_space<vmem>> -> memref<2048xi32, #tpu.memory_space<vmem>>
    %dma_wait3A_140 = arith.constant 0 : i32
    %dma_wait3A_141 = arith.constant 0 : i32
    %dma_wait3A_142 = tpu.memref_slice %arg11[%dma_wait3A_140, %dma_wait3A_141] : memref<10112x16xf32, #tpu.memory_space<vmem_shared>> -> memref<10112x16xf32, #tpu.memory_space<vmem_shared>>
    tpu.wait_indirect_dma semaphore(%arg14 : memref<!tpu.dma_semaphore, #tpu.memory_space<semaphore_mem>>) src(%arg9 : memref<2048x16xf32, #tpu.memory_space<vmem>>) dst(%dma_wait3A_142 : memref<10112x16xf32, #tpu.memory_space<vmem_shared>>)
    %barrier3A_143 = arith.constant 0 : index
    tpu.barrier barrier_id(%barrier3A_143)
    %mul3A_144 = arith.constant 632 : i32
    %mul3A_145 = arith.muli %arg1, %mul3A_144 : i32
    %mul3A_146 = arith.constant 632 : i32
    %mul3A_147 = arith.muli %arg1, %mul3A_146 : i32
    "tpu.region"() ({
      %run_scoped3A = tpu.sem_alloc : memref<!tpu.dma_semaphore, #tpu.memory_space<semaphore_mem>>
      %dma_start3A_148 = arith.constant 0 : i32
      %dma_start3A_149 = tpu.memref_slice %arg6[%arg0, %mul3A_147, %dma_start3A_148] : memref<2x10112x16xf32, #tpu.memory_space<hbm>> -> memref<1x632x16xf32, #tpu.memory_space<hbm>>
      %dma_start3A_150 = tpu.memref_squeeze %dma_start3A_149 : memref<1x632x16xf32, #tpu.memory_space<hbm>> -> memref<632x16xf32, #tpu.memory_space<hbm>>
      %dma_start3A_151 = arith.constant 0 : i32
      %dma_start3A_152 = tpu.memref_slice %arg11[%mul3A_145, %dma_start3A_151] : memref<10112x16xf32, #tpu.memory_space<vmem_shared>> -> memref<632x16xf32, #tpu.memory_space<vmem_shared>>
      tpu.enqueue_dma source(%dma_start3A_152 : memref<632x16xf32, #tpu.memory_space<vmem_shared>>) target(%dma_start3A_150 : memref<632x16xf32, #tpu.memory_space<hbm>>) target_semaphore(%run_scoped3A : memref<!tpu.dma_semaphore, #tpu.memory_space<semaphore_mem>>)
      %dma_wait3A_153 = arith.constant 0 : i32
      %dma_wait3A_154 = tpu.memref_slice %arg6[%arg0, %mul3A_147, %dma_wait3A_153] : memref<2x10112x16xf32, #tpu.memory_space<hbm>> -> memref<1x632x16xf32, #tpu.memory_space<hbm>>
      %dma_wait3A_155 = tpu.memref_squeeze %dma_wait3A_154 : memref<1x632x16xf32, #tpu.memory_space<hbm>> -> memref<632x16xf32, #tpu.memory_space<hbm>>
      %dma_wait3A_156 = arith.constant 0 : i32
      %dma_wait3A_157 = tpu.memref_slice %arg11[%mul3A_145, %dma_wait3A_156] : memref<10112x16xf32, #tpu.memory_space<vmem_shared>> -> memref<632x16xf32, #tpu.memory_space<vmem_shared>>
      tpu.wait_dma2 semaphore(%run_scoped3A : memref<!tpu.dma_semaphore, #tpu.memory_space<semaphore_mem>>) src(%dma_wait3A_157 : memref<632x16xf32, #tpu.memory_space<vmem_shared>>) dst(%dma_wait3A_155 : memref<632x16xf32, #tpu.memory_space<hbm>>)
      tpu.yield
    }) : () -> ()
    return
  }
}

#map = affine_map<(d0, d1) -> (0, 0)>
#map1 = affine_map<(d0, d1) -> (0, 0, 0)>
module attributes {stable_mosaic.version = 14 : i64} {
  func.func @spmm(%arg0: i32, %arg1: i32, %arg2: memref<10000x16xf32, #tpu.memory_space<hbm>>, %arg3: memref<32x5x2048xi32, #tpu.memory_space<hbm>>, %arg4: memref<32x5x2048xi32, #tpu.memory_space<hbm>>, %arg5: memref<10112x16xf32, #tpu.memory_space<hbm>>, %arg6: memref<2x10112x16xf32, #tpu.memory_space<hbm>>, %arg7: memref<5x2048xi32, #tpu.memory_space<vmem>>, %arg8: memref<5x2048xi32, #tpu.memory_space<vmem>>, %arg9: memref<2048x16xf32, #tpu.memory_space<vmem>>, %arg10: memref<2048x16xf32, #tpu.memory_space<vmem>>, %arg11: memref<10112x16xf32, #tpu.memory_space<vmem_shared>>, %arg12: memref<!tpu.dma_semaphore, #tpu.memory_space<semaphore_mem>>, %arg13: memref<!tpu.dma_semaphore, #tpu.memory_space<semaphore_mem>>, %arg14: memref<!tpu.dma_semaphore, #tpu.memory_space<semaphore_mem>>, %arg15: memref<!tpu.dma_semaphore, #tpu.memory_space<semaphore_mem>>) attributes {dimension_semantics = [#tpu.dimension_semantics<core_parallel>, #tpu.dimension_semantics<subcore_parallel>], iteration_bounds = array<i64: 2, 16>, scalar_prefetch = 0 : i64, scratch_operands = 9 : i64, tpu.core_type = #tpu.core_type<sc_vector_subcore>, window_params = [{transform_indices = #map}, {transform_indices = #map1}, {transform_indices = #map1}, {transform_indices = #map}, {transform_indices = #map1}]} {
    %mul3A = arith.constant 2 : i32
    %mul3A_0 = arith.muli %arg1, %mul3A : i32
    %add3A = arith.addi %mul3A_0, %arg0 : i32
    %mul3A_1 = arith.constant 632 : i32
    %mul3A_2 = arith.muli %arg1, %mul3A_1 : i32
    %mul3A_3 = arith.constant 632 : i32
    %mul3A_4 = arith.muli %arg1, %mul3A_3 : i32
    "tpu.region"() ({
      %run_scoped3A = tpu.sem_alloc : memref<!tpu.dma_semaphore, #tpu.memory_space<semaphore_mem>>
      %dma_start3A_148 = arith.constant 0 : i32
      %dma_start3A_149 = tpu.memref_slice %arg11[%mul3A_4, %dma_start3A_148] : memref<10112x16xf32, #tpu.memory_space<vmem_shared>> -> memref<632x16xf32, #tpu.memory_space<vmem_shared>>
      %dma_start3A_150 = arith.constant 0 : i32
      %dma_start3A_151 = tpu.memref_slice %arg5[%mul3A_2, %dma_start3A_150] : memref<10112x16xf32, #tpu.memory_space<hbm>> -> memref<632x16xf32, #tpu.memory_space<hbm>>
      tpu.enqueue_dma source(%dma_start3A_151 : memref<632x16xf32, #tpu.memory_space<hbm>>) target(%dma_start3A_149 : memref<632x16xf32, #tpu.memory_space<vmem_shared>>) target_semaphore(%run_scoped3A : memref<!tpu.dma_semaphore, #tpu.memory_space<semaphore_mem>>)
      %dma_wait3A_152 = arith.constant 0 : i32
      %dma_wait3A_153 = tpu.memref_slice %arg11[%mul3A_4, %dma_wait3A_152] : memref<10112x16xf32, #tpu.memory_space<vmem_shared>> -> memref<632x16xf32, #tpu.memory_space<vmem_shared>>
      %dma_wait3A_154 = arith.constant 0 : i32
      %dma_wait3A_155 = tpu.memref_slice %arg5[%mul3A_2, %dma_wait3A_154] : memref<10112x16xf32, #tpu.memory_space<hbm>> -> memref<632x16xf32, #tpu.memory_space<hbm>>
      tpu.wait_dma2 semaphore(%run_scoped3A : memref<!tpu.dma_semaphore, #tpu.memory_space<semaphore_mem>>) src(%dma_wait3A_155 : memref<632x16xf32, #tpu.memory_space<hbm>>) dst(%dma_wait3A_153 : memref<632x16xf32, #tpu.memory_space<vmem_shared>>)
      tpu.yield
    }) : () -> ()
    "tpu.region"() ({
      %run_scoped3A = tpu.sem_alloc : memref<!tpu.dma_semaphore, #tpu.memory_space<semaphore_mem>>
      %dma_start3A_148 = arith.constant 0 : i32
      %dma_start3A_149 = arith.constant 0 : i32
      %dma_start3A_150 = tpu.memref_slice %arg3[%add3A, %dma_start3A_148, %dma_start3A_149] : memref<32x5x2048xi32, #tpu.memory_space<hbm>> -> memref<1x5x2048xi32, #tpu.memory_space<hbm>>
      %dma_start3A_151 = tpu.memref_squeeze %dma_start3A_150 : memref<1x5x2048xi32, #tpu.memory_space<hbm>> -> memref<5x2048xi32, #tpu.memory_space<hbm>>
      %dma_start3A_152 = arith.constant 0 : i32
      %dma_start3A_153 = arith.constant 0 : i32
      %dma_start3A_154 = tpu.memref_slice %arg3[%add3A, %dma_start3A_152, %dma_start3A_153] : memref<32x5x2048xi32, #tpu.memory_space<hbm>> -> memref<1x5x2048xi32, #tpu.memory_space<hbm>>
      %dma_start3A_155 = tpu.memref_squeeze %dma_start3A_154 : memref<1x5x2048xi32, #tpu.memory_space<hbm>> -> memref<5x2048xi32, #tpu.memory_space<hbm>>
      tpu.enqueue_dma source(%dma_start3A_155 : memref<5x2048xi32, #tpu.memory_space<hbm>>) target(%arg7 : memref<5x2048xi32, #tpu.memory_space<vmem>>) target_semaphore(%run_scoped3A : memref<!tpu.dma_semaphore, #tpu.memory_space<semaphore_mem>>)
      %dma_wait3A_156 = arith.constant 0 : i32
      %dma_wait3A_157 = arith.constant 0 : i32
      %dma_wait3A_158 = tpu.memref_slice %arg3[%add3A, %dma_wait3A_156, %dma_wait3A_157] : memref<32x5x2048xi32, #tpu.memory_space<hbm>> -> memref<1x5x2048xi32, #tpu.memory_space<hbm>>
      %dma_wait3A_159 = tpu.memref_squeeze %dma_wait3A_158 : memref<1x5x2048xi32, #tpu.memory_space<hbm>> -> memref<5x2048xi32, #tpu.memory_space<hbm>>
      %dma_wait3A_160 = arith.constant 0 : i32
      %dma_wait3A_161 = arith.constant 0 : i32
      %dma_wait3A_162 = tpu.memref_slice %arg3[%add3A, %dma_wait3A_160, %dma_wait3A_161] : memref<32x5x2048xi32, #tpu.memory_space<hbm>> -> memref<1x5x2048xi32, #tpu.memory_space<hbm>>
      %dma_wait3A_163 = tpu.memref_squeeze %dma_wait3A_162 : memref<1x5x2048xi32, #tpu.memory_space<hbm>> -> memref<5x2048xi32, #tpu.memory_space<hbm>>
      tpu.wait_dma2 semaphore(%run_scoped3A : memref<!tpu.dma_semaphore, #tpu.memory_space<semaphore_mem>>) src(%dma_wait3A_163 : memref<5x2048xi32, #tpu.memory_space<hbm>>) dst(%arg7 : memref<5x2048xi32, #tpu.memory_space<vmem>>)
      tpu.yield
    }) : () -> ()
    "tpu.region"() ({
      %run_scoped3A = tpu.sem_alloc : memref<!tpu.dma_semaphore, #tpu.memory_space<semaphore_mem>>
      %dma_start3A_148 = arith.constant 0 : i32
      %dma_start3A_149 = arith.constant 0 : i32
      %dma_start3A_150 = tpu.memref_slice %arg4[%add3A, %dma_start3A_148, %dma_start3A_149] : memref<32x5x2048xi32, #tpu.memory_space<hbm>> -> memref<1x5x2048xi32, #tpu.memory_space<hbm>>
      %dma_start3A_151 = tpu.memref_squeeze %dma_start3A_150 : memref<1x5x2048xi32, #tpu.memory_space<hbm>> -> memref<5x2048xi32, #tpu.memory_space<hbm>>
      %dma_start3A_152 = arith.constant 0 : i32
      %dma_start3A_153 = arith.constant 0 : i32
      %dma_start3A_154 = tpu.memref_slice %arg4[%add3A, %dma_start3A_152, %dma_start3A_153] : memref<32x5x2048xi32, #tpu.memory_space<hbm>> -> memref<1x5x2048xi32, #tpu.memory_space<hbm>>
      %dma_start3A_155 = tpu.memref_squeeze %dma_start3A_154 : memref<1x5x2048xi32, #tpu.memory_space<hbm>> -> memref<5x2048xi32, #tpu.memory_space<hbm>>
      tpu.enqueue_dma source(%dma_start3A_155 : memref<5x2048xi32, #tpu.memory_space<hbm>>) target(%arg8 : memref<5x2048xi32, #tpu.memory_space<vmem>>) target_semaphore(%run_scoped3A : memref<!tpu.dma_semaphore, #tpu.memory_space<semaphore_mem>>)
      %dma_wait3A_156 = arith.constant 0 : i32
      %dma_wait3A_157 = arith.constant 0 : i32
      %dma_wait3A_158 = tpu.memref_slice %arg4[%add3A, %dma_wait3A_156, %dma_wait3A_157] : memref<32x5x2048xi32, #tpu.memory_space<hbm>> -> memref<1x5x2048xi32, #tpu.memory_space<hbm>>
      %dma_wait3A_159 = tpu.memref_squeeze %dma_wait3A_158 : memref<1x5x2048xi32, #tpu.memory_space<hbm>> -> memref<5x2048xi32, #tpu.memory_space<hbm>>
      %dma_wait3A_160 = arith.constant 0 : i32
      %dma_wait3A_161 = arith.constant 0 : i32
      %dma_wait3A_162 = tpu.memref_slice %arg4[%add3A, %dma_wait3A_160, %dma_wait3A_161] : memref<32x5x2048xi32, #tpu.memory_space<hbm>> -> memref<1x5x2048xi32, #tpu.memory_space<hbm>>
      %dma_wait3A_163 = tpu.memref_squeeze %dma_wait3A_162 : memref<1x5x2048xi32, #tpu.memory_space<hbm>> -> memref<5x2048xi32, #tpu.memory_space<hbm>>
      tpu.wait_dma2 semaphore(%run_scoped3A : memref<!tpu.dma_semaphore, #tpu.memory_space<semaphore_mem>>) src(%dma_wait3A_163 : memref<5x2048xi32, #tpu.memory_space<hbm>>) dst(%arg8 : memref<5x2048xi32, #tpu.memory_space<vmem>>)
      tpu.yield
    }) : () -> ()
    %barrier3A = arith.constant 0 : index
    tpu.barrier barrier_id(%barrier3A)
    %dma_start3A = arith.constant 0 : i32
    %dma_start3A_5 = arith.constant 0 : i32
    %dma_start3A_6 = tpu.memref_slice %arg7[%dma_start3A, %dma_start3A_5] : memref<5x2048xi32, #tpu.memory_space<vmem>> -> memref<1x2048xi32, #tpu.memory_space<vmem>>
    %dma_start3A_7 = tpu.memref_squeeze %dma_start3A_6 : memref<1x2048xi32, #tpu.memory_space<vmem>> -> memref<2048xi32, #tpu.memory_space<vmem>>
    %dma_start3A_8 = arith.constant 0 : i32
    %dma_start3A_9 = arith.constant 0 : i32
    %dma_start3A_10 = tpu.memref_slice %arg2[%dma_start3A_8, %dma_start3A_9] : memref<10000x16xf32, #tpu.memory_space<hbm>> -> memref<10000x16xf32, #tpu.memory_space<hbm>>
    tpu.enqueue_indirect_dma source(%dma_start3A_10 : memref<10000x16xf32, #tpu.memory_space<hbm>>) target(%arg9 : memref<2048x16xf32, #tpu.memory_space<vmem>>) offsets(%dma_start3A_7 : memref<2048xi32, #tpu.memory_space<vmem>>) semaphore(%arg12 : memref<!tpu.dma_semaphore, #tpu.memory_space<semaphore_mem>>)
    %dma_start3A_11 = arith.constant 1 : i32
    %dma_start3A_12 = arith.constant 0 : i32
    %dma_start3A_13 = tpu.memref_slice %arg7[%dma_start3A_11, %dma_start3A_12] : memref<5x2048xi32, #tpu.memory_space<vmem>> -> memref<1x2048xi32, #tpu.memory_space<vmem>>
    %dma_start3A_14 = tpu.memref_squeeze %dma_start3A_13 : memref<1x2048xi32, #tpu.memory_space<vmem>> -> memref<2048xi32, #tpu.memory_space<vmem>>
    %dma_start3A_15 = arith.constant 0 : i32
    %dma_start3A_16 = arith.constant 0 : i32
    %dma_start3A_17 = tpu.memref_slice %arg2[%dma_start3A_15, %dma_start3A_16] : memref<10000x16xf32, #tpu.memory_space<hbm>> -> memref<10000x16xf32, #tpu.memory_space<hbm>>
    tpu.enqueue_indirect_dma source(%dma_start3A_17 : memref<10000x16xf32, #tpu.memory_space<hbm>>) target(%arg10 : memref<2048x16xf32, #tpu.memory_space<vmem>>) offsets(%dma_start3A_14 : memref<2048xi32, #tpu.memory_space<vmem>>) semaphore(%arg13 : memref<!tpu.dma_semaphore, #tpu.memory_space<semaphore_mem>>)
    %dma_wait3A = arith.constant 0 : i32
    %dma_wait3A_18 = arith.constant 0 : i32
    %dma_wait3A_19 = tpu.memref_slice %arg7[%dma_wait3A, %dma_wait3A_18] : memref<5x2048xi32, #tpu.memory_space<vmem>> -> memref<1x2048xi32, #tpu.memory_space<vmem>>
    %dma_wait3A_20 = tpu.memref_squeeze %dma_wait3A_19 : memref<1x2048xi32, #tpu.memory_space<vmem>> -> memref<2048xi32, #tpu.memory_space<vmem>>
    %dma_wait3A_21 = arith.constant 0 : i32
    %dma_wait3A_22 = arith.constant 0 : i32
    %dma_wait3A_23 = tpu.memref_slice %arg2[%dma_wait3A_21, %dma_wait3A_22] : memref<10000x16xf32, #tpu.memory_space<hbm>> -> memref<10000x16xf32, #tpu.memory_space<hbm>>
    tpu.wait_indirect_dma semaphore(%arg12 : memref<!tpu.dma_semaphore, #tpu.memory_space<semaphore_mem>>) src(%dma_wait3A_23 : memref<10000x16xf32, #tpu.memory_space<hbm>>) dst(%arg9 : memref<2048x16xf32, #tpu.memory_space<vmem>>)
    %dma_start3A_24 = arith.constant 0 : i32
    %dma_start3A_25 = arith.constant 0 : i32
    %dma_start3A_26 = tpu.memref_slice %arg8[%dma_start3A_24, %dma_start3A_25] : memref<5x2048xi32, #tpu.memory_space<vmem>> -> memref<1x2048xi32, #tpu.memory_space<vmem>>
    %dma_start3A_27 = tpu.memref_squeeze %dma_start3A_26 : memref<1x2048xi32, #tpu.memory_space<vmem>> -> memref<2048xi32, #tpu.memory_space<vmem>>
    %dma_start3A_28 = arith.constant 0 : i32
    %dma_start3A_29 = arith.constant 0 : i32
    %dma_start3A_30 = tpu.memref_slice %arg11[%dma_start3A_28, %dma_start3A_29] : memref<10112x16xf32, #tpu.memory_space<vmem_shared>> -> memref<10112x16xf32, #tpu.memory_space<vmem_shared>>
    tpu.enqueue_indirect_dma source(%arg9 : memref<2048x16xf32, #tpu.memory_space<vmem>>) target(%dma_start3A_30 : memref<10112x16xf32, #tpu.memory_space<vmem_shared>>) offsets(%dma_start3A_27 : memref<2048xi32, #tpu.memory_space<vmem>>) semaphore(%arg14 : memref<!tpu.dma_semaphore, #tpu.memory_space<semaphore_mem>>) {add = true}
    %dma_wait3A_31 = arith.constant 0 : i32
    %dma_wait3A_32 = arith.constant 0 : i32
    %dma_wait3A_33 = tpu.memref_slice %arg8[%dma_wait3A_31, %dma_wait3A_32] : memref<5x2048xi32, #tpu.memory_space<vmem>> -> memref<1x2048xi32, #tpu.memory_space<vmem>>
    %dma_wait3A_34 = tpu.memref_squeeze %dma_wait3A_33 : memref<1x2048xi32, #tpu.memory_space<vmem>> -> memref<2048xi32, #tpu.memory_space<vmem>>
    %dma_wait3A_35 = arith.constant 0 : i32
    %dma_wait3A_36 = arith.constant 0 : i32
    %dma_wait3A_37 = tpu.memref_slice %arg11[%dma_wait3A_35, %dma_wait3A_36] : memref<10112x16xf32, #tpu.memory_space<vmem_shared>> -> memref<10112x16xf32, #tpu.memory_space<vmem_shared>>
    tpu.wait_indirect_dma semaphore(%arg14 : memref<!tpu.dma_semaphore, #tpu.memory_space<semaphore_mem>>) src(%arg9 : memref<2048x16xf32, #tpu.memory_space<vmem>>) dst(%dma_wait3A_37 : memref<10112x16xf32, #tpu.memory_space<vmem_shared>>)
    %dma_start3A_38 = arith.constant 2 : i32
    %dma_start3A_39 = arith.constant 0 : i32
    %dma_start3A_40 = tpu.memref_slice %arg7[%dma_start3A_38, %dma_start3A_39] : memref<5x2048xi32, #tpu.memory_space<vmem>> -> memref<1x2048xi32, #tpu.memory_space<vmem>>
    %dma_start3A_41 = tpu.memref_squeeze %dma_start3A_40 : memref<1x2048xi32, #tpu.memory_space<vmem>> -> memref<2048xi32, #tpu.memory_space<vmem>>
    %dma_start3A_42 = arith.constant 0 : i32
    %dma_start3A_43 = arith.constant 0 : i32
    %dma_start3A_44 = tpu.memref_slice %arg2[%dma_start3A_42, %dma_start3A_43] : memref<10000x16xf32, #tpu.memory_space<hbm>> -> memref<10000x16xf32, #tpu.memory_space<hbm>>
    tpu.enqueue_indirect_dma source(%dma_start3A_44 : memref<10000x16xf32, #tpu.memory_space<hbm>>) target(%arg9 : memref<2048x16xf32, #tpu.memory_space<vmem>>) offsets(%dma_start3A_41 : memref<2048xi32, #tpu.memory_space<vmem>>) semaphore(%arg12 : memref<!tpu.dma_semaphore, #tpu.memory_space<semaphore_mem>>)
    %dma_wait3A_45 = arith.constant 1 : i32
    %dma_wait3A_46 = arith.constant 0 : i32
    %dma_wait3A_47 = tpu.memref_slice %arg7[%dma_wait3A_45, %dma_wait3A_46] : memref<5x2048xi32, #tpu.memory_space<vmem>> -> memref<1x2048xi32, #tpu.memory_space<vmem>>
    %dma_wait3A_48 = tpu.memref_squeeze %dma_wait3A_47 : memref<1x2048xi32, #tpu.memory_space<vmem>> -> memref<2048xi32, #tpu.memory_space<vmem>>
    %dma_wait3A_49 = arith.constant 0 : i32
    %dma_wait3A_50 = arith.constant 0 : i32
    %dma_wait3A_51 = tpu.memref_slice %arg2[%dma_wait3A_49, %dma_wait3A_50] : memref<10000x16xf32, #tpu.memory_space<hbm>> -> memref<10000x16xf32, #tpu.memory_space<hbm>>
    tpu.wait_indirect_dma semaphore(%arg13 : memref<!tpu.dma_semaphore, #tpu.memory_space<semaphore_mem>>) src(%dma_wait3A_51 : memref<10000x16xf32, #tpu.memory_space<hbm>>) dst(%arg10 : memref<2048x16xf32, #tpu.memory_space<vmem>>)
    %dma_start3A_52 = arith.constant 1 : i32
    %dma_start3A_53 = arith.constant 0 : i32
    %dma_start3A_54 = tpu.memref_slice %arg8[%dma_start3A_52, %dma_start3A_53] : memref<5x2048xi32, #tpu.memory_space<vmem>> -> memref<1x2048xi32, #tpu.memory_space<vmem>>
    %dma_start3A_55 = tpu.memref_squeeze %dma_start3A_54 : memref<1x2048xi32, #tpu.memory_space<vmem>> -> memref<2048xi32, #tpu.memory_space<vmem>>
    %dma_start3A_56 = arith.constant 0 : i32
    %dma_start3A_57 = arith.constant 0 : i32
    %dma_start3A_58 = tpu.memref_slice %arg11[%dma_start3A_56, %dma_start3A_57] : memref<10112x16xf32, #tpu.memory_space<vmem_shared>> -> memref<10112x16xf32, #tpu.memory_space<vmem_shared>>
    tpu.enqueue_indirect_dma source(%arg10 : memref<2048x16xf32, #tpu.memory_space<vmem>>) target(%dma_start3A_58 : memref<10112x16xf32, #tpu.memory_space<vmem_shared>>) offsets(%dma_start3A_55 : memref<2048xi32, #tpu.memory_space<vmem>>) semaphore(%arg15 : memref<!tpu.dma_semaphore, #tpu.memory_space<semaphore_mem>>) {add = true}
    %dma_wait3A_59 = arith.constant 1 : i32
    %dma_wait3A_60 = arith.constant 0 : i32
    %dma_wait3A_61 = tpu.memref_slice %arg8[%dma_wait3A_59, %dma_wait3A_60] : memref<5x2048xi32, #tpu.memory_space<vmem>> -> memref<1x2048xi32, #tpu.memory_space<vmem>>
    %dma_wait3A_62 = tpu.memref_squeeze %dma_wait3A_61 : memref<1x2048xi32, #tpu.memory_space<vmem>> -> memref<2048xi32, #tpu.memory_space<vmem>>
    %dma_wait3A_63 = arith.constant 0 : i32
    %dma_wait3A_64 = arith.constant 0 : i32
    %dma_wait3A_65 = tpu.memref_slice %arg11[%dma_wait3A_63, %dma_wait3A_64] : memref<10112x16xf32, #tpu.memory_space<vmem_shared>> -> memref<10112x16xf32, #tpu.memory_space<vmem_shared>>
    tpu.wait_indirect_dma semaphore(%arg15 : memref<!tpu.dma_semaphore, #tpu.memory_space<semaphore_mem>>) src(%arg10 : memref<2048x16xf32, #tpu.memory_space<vmem>>) dst(%dma_wait3A_65 : memref<10112x16xf32, #tpu.memory_space<vmem_shared>>)
    %dma_start3A_66 = arith.constant 3 : i32
    %dma_start3A_67 = arith.constant 0 : i32
    %dma_start3A_68 = tpu.memref_slice %arg7[%dma_start3A_66, %dma_start3A_67] : memref<5x2048xi32, #tpu.memory_space<vmem>> -> memref<1x2048xi32, #tpu.memory_space<vmem>>
    %dma_start3A_69 = tpu.memref_squeeze %dma_start3A_68 : memref<1x2048xi32, #tpu.memory_space<vmem>> -> memref<2048xi32, #tpu.memory_space<vmem>>
    %dma_start3A_70 = arith.constant 0 : i32
    %dma_start3A_71 = arith.constant 0 : i32
    %dma_start3A_72 = tpu.memref_slice %arg2[%dma_start3A_70, %dma_start3A_71] : memref<10000x16xf32, #tpu.memory_space<hbm>> -> memref<10000x16xf32, #tpu.memory_space<hbm>>
    tpu.enqueue_indirect_dma source(%dma_start3A_72 : memref<10000x16xf32, #tpu.memory_space<hbm>>) target(%arg10 : memref<2048x16xf32, #tpu.memory_space<vmem>>) offsets(%dma_start3A_69 : memref<2048xi32, #tpu.memory_space<vmem>>) semaphore(%arg13 : memref<!tpu.dma_semaphore, #tpu.memory_space<semaphore_mem>>)
    %dma_wait3A_73 = arith.constant 2 : i32
    %dma_wait3A_74 = arith.constant 0 : i32
    %dma_wait3A_75 = tpu.memref_slice %arg7[%dma_wait3A_73, %dma_wait3A_74] : memref<5x2048xi32, #tpu.memory_space<vmem>> -> memref<1x2048xi32, #tpu.memory_space<vmem>>
    %dma_wait3A_76 = tpu.memref_squeeze %dma_wait3A_75 : memref<1x2048xi32, #tpu.memory_space<vmem>> -> memref<2048xi32, #tpu.memory_space<vmem>>
    %dma_wait3A_77 = arith.constant 0 : i32
    %dma_wait3A_78 = arith.constant 0 : i32
    %dma_wait3A_79 = tpu.memref_slice %arg2[%dma_wait3A_77, %dma_wait3A_78] : memref<10000x16xf32, #tpu.memory_space<hbm>> -> memref<10000x16xf32, #tpu.memory_space<hbm>>
    tpu.wait_indirect_dma semaphore(%arg12 : memref<!tpu.dma_semaphore, #tpu.memory_space<semaphore_mem>>) src(%dma_wait3A_79 : memref<10000x16xf32, #tpu.memory_space<hbm>>) dst(%arg9 : memref<2048x16xf32, #tpu.memory_space<vmem>>)
    %dma_start3A_80 = arith.constant 2 : i32
    %dma_start3A_81 = arith.constant 0 : i32
    %dma_start3A_82 = tpu.memref_slice %arg8[%dma_start3A_80, %dma_start3A_81] : memref<5x2048xi32, #tpu.memory_space<vmem>> -> memref<1x2048xi32, #tpu.memory_space<vmem>>
    %dma_start3A_83 = tpu.memref_squeeze %dma_start3A_82 : memref<1x2048xi32, #tpu.memory_space<vmem>> -> memref<2048xi32, #tpu.memory_space<vmem>>
    %dma_start3A_84 = arith.constant 0 : i32
    %dma_start3A_85 = arith.constant 0 : i32
    %dma_start3A_86 = tpu.memref_slice %arg11[%dma_start3A_84, %dma_start3A_85] : memref<10112x16xf32, #tpu.memory_space<vmem_shared>> -> memref<10112x16xf32, #tpu.memory_space<vmem_shared>>
    tpu.enqueue_indirect_dma source(%arg9 : memref<2048x16xf32, #tpu.memory_space<vmem>>) target(%dma_start3A_86 : memref<10112x16xf32, #tpu.memory_space<vmem_shared>>) offsets(%dma_start3A_83 : memref<2048xi32, #tpu.memory_space<vmem>>) semaphore(%arg14 : memref<!tpu.dma_semaphore, #tpu.memory_space<semaphore_mem>>) {add = true}
    %dma_wait3A_87 = arith.constant 2 : i32
    %dma_wait3A_88 = arith.constant 0 : i32
    %dma_wait3A_89 = tpu.memref_slice %arg8[%dma_wait3A_87, %dma_wait3A_88] : memref<5x2048xi32, #tpu.memory_space<vmem>> -> memref<1x2048xi32, #tpu.memory_space<vmem>>
    %dma_wait3A_90 = tpu.memref_squeeze %dma_wait3A_89 : memref<1x2048xi32, #tpu.memory_space<vmem>> -> memref<2048xi32, #tpu.memory_space<vmem>>
    %dma_wait3A_91 = arith.constant 0 : i32
    %dma_wait3A_92 = arith.constant 0 : i32
    %dma_wait3A_93 = tpu.memref_slice %arg11[%dma_wait3A_91, %dma_wait3A_92] : memref<10112x16xf32, #tpu.memory_space<vmem_shared>> -> memref<10112x16xf32, #tpu.memory_space<vmem_shared>>
    tpu.wait_indirect_dma semaphore(%arg14 : memref<!tpu.dma_semaphore, #tpu.memory_space<semaphore_mem>>) src(%arg9 : memref<2048x16xf32, #tpu.memory_space<vmem>>) dst(%dma_wait3A_93 : memref<10112x16xf32, #tpu.memory_space<vmem_shared>>)
    %dma_start3A_94 = arith.constant 4 : i32
    %dma_start3A_95 = arith.constant 0 : i32
    %dma_start3A_96 = tpu.memref_slice %arg7[%dma_start3A_94, %dma_start3A_95] : memref<5x2048xi32, #tpu.memory_space<vmem>> -> memref<1x2048xi32, #tpu.memory_space<vmem>>
    %dma_start3A_97 = tpu.memref_squeeze %dma_start3A_96 : memref<1x2048xi32, #tpu.memory_space<vmem>> -> memref<2048xi32, #tpu.memory_space<vmem>>
    %dma_start3A_98 = arith.constant 0 : i32
    %dma_start3A_99 = arith.constant 0 : i32
    %dma_start3A_100 = tpu.memref_slice %arg2[%dma_start3A_98, %dma_start3A_99] : memref<10000x16xf32, #tpu.memory_space<hbm>> -> memref<10000x16xf32, #tpu.memory_space<hbm>>
    tpu.enqueue_indirect_dma source(%dma_start3A_100 : memref<10000x16xf32, #tpu.memory_space<hbm>>) target(%arg9 : memref<2048x16xf32, #tpu.memory_space<vmem>>) offsets(%dma_start3A_97 : memref<2048xi32, #tpu.memory_space<vmem>>) semaphore(%arg12 : memref<!tpu.dma_semaphore, #tpu.memory_space<semaphore_mem>>)
    %dma_wait3A_101 = arith.constant 3 : i32
    %dma_wait3A_102 = arith.constant 0 : i32
    %dma_wait3A_103 = tpu.memref_slice %arg7[%dma_wait3A_101, %dma_wait3A_102] : memref<5x2048xi32, #tpu.memory_space<vmem>> -> memref<1x2048xi32, #tpu.memory_space<vmem>>
    %dma_wait3A_104 = tpu.memref_squeeze %dma_wait3A_103 : memref<1x2048xi32, #tpu.memory_space<vmem>> -> memref<2048xi32, #tpu.memory_space<vmem>>
    %dma_wait3A_105 = arith.constant 0 : i32
    %dma_wait3A_106 = arith.constant 0 : i32
    %dma_wait3A_107 = tpu.memref_slice %arg2[%dma_wait3A_105, %dma_wait3A_106] : memref<10000x16xf32, #tpu.memory_space<hbm>> -> memref<10000x16xf32, #tpu.memory_space<hbm>>
    tpu.wait_indirect_dma semaphore(%arg13 : memref<!tpu.dma_semaphore, #tpu.memory_space<semaphore_mem>>) src(%dma_wait3A_107 : memref<10000x16xf32, #tpu.memory_space<hbm>>) dst(%arg10 : memref<2048x16xf32, #tpu.memory_space<vmem>>)
    %dma_start3A_108 = arith.constant 3 : i32
    %dma_start3A_109 = arith.constant 0 : i32
    %dma_start3A_110 = tpu.memref_slice %arg8[%dma_start3A_108, %dma_start3A_109] : memref<5x2048xi32, #tpu.memory_space<vmem>> -> memref<1x2048xi32, #tpu.memory_space<vmem>>
    %dma_start3A_111 = tpu.memref_squeeze %dma_start3A_110 : memref<1x2048xi32, #tpu.memory_space<vmem>> -> memref<2048xi32, #tpu.memory_space<vmem>>
    %dma_start3A_112 = arith.constant 0 : i32
    %dma_start3A_113 = arith.constant 0 : i32
    %dma_start3A_114 = tpu.memref_slice %arg11[%dma_start3A_112, %dma_start3A_113] : memref<10112x16xf32, #tpu.memory_space<vmem_shared>> -> memref<10112x16xf32, #tpu.memory_space<vmem_shared>>
    tpu.enqueue_indirect_dma source(%arg10 : memref<2048x16xf32, #tpu.memory_space<vmem>>) target(%dma_start3A_114 : memref<10112x16xf32, #tpu.memory_space<vmem_shared>>) offsets(%dma_start3A_111 : memref<2048xi32, #tpu.memory_space<vmem>>) semaphore(%arg15 : memref<!tpu.dma_semaphore, #tpu.memory_space<semaphore_mem>>) {add = true}
    %dma_wait3A_115 = arith.constant 3 : i32
    %dma_wait3A_116 = arith.constant 0 : i32
    %dma_wait3A_117 = tpu.memref_slice %arg8[%dma_wait3A_115, %dma_wait3A_116] : memref<5x2048xi32, #tpu.memory_space<vmem>> -> memref<1x2048xi32, #tpu.memory_space<vmem>>
    %dma_wait3A_118 = tpu.memref_squeeze %dma_wait3A_117 : memref<1x2048xi32, #tpu.memory_space<vmem>> -> memref<2048xi32, #tpu.memory_space<vmem>>
    %dma_wait3A_119 = arith.constant 0 : i32
    %dma_wait3A_120 = arith.constant 0 : i32
    %dma_wait3A_121 = tpu.memref_slice %arg11[%dma_wait3A_119, %dma_wait3A_120] : memref<10112x16xf32, #tpu.memory_space<vmem_shared>> -> memref<10112x16xf32, #tpu.memory_space<vmem_shared>>
    tpu.wait_indirect_dma semaphore(%arg15 : memref<!tpu.dma_semaphore, #tpu.memory_space<semaphore_mem>>) src(%arg10 : memref<2048x16xf32, #tpu.memory_space<vmem>>) dst(%dma_wait3A_121 : memref<10112x16xf32, #tpu.memory_space<vmem_shared>>)
    %dma_wait3A_122 = arith.constant 4 : i32
    %dma_wait3A_123 = arith.constant 0 : i32
    %dma_wait3A_124 = tpu.memref_slice %arg7[%dma_wait3A_122, %dma_wait3A_123] : memref<5x2048xi32, #tpu.memory_space<vmem>> -> memref<1x2048xi32, #tpu.memory_space<vmem>>
    %dma_wait3A_125 = tpu.memref_squeeze %dma_wait3A_124 : memref<1x2048xi32, #tpu.memory_space<vmem>> -> memref<2048xi32, #tpu.memory_space<vmem>>
    %dma_wait3A_126 = arith.constant 0 : i32
    %dma_wait3A_127 = arith.constant 0 : i32
    %dma_wait3A_128 = tpu.memref_slice %arg2[%dma_wait3A_126, %dma_wait3A_127] : memref<10000x16xf32, #tpu.memory_space<hbm>> -> memref<10000x16xf32, #tpu.memory_space<hbm>>
    tpu.wait_indirect_dma semaphore(%arg12 : memref<!tpu.dma_semaphore, #tpu.memory_space<semaphore_mem>>) src(%dma_wait3A_128 : memref<10000x16xf32, #tpu.memory_space<hbm>>) dst(%arg9 : memref<2048x16xf32, #tpu.memory_space<vmem>>)
    %dma_start3A_129 = arith.constant 4 : i32
    %dma_start3A_130 = arith.constant 0 : i32
    %dma_start3A_131 = tpu.memref_slice %arg8[%dma_start3A_129, %dma_start3A_130] : memref<5x2048xi32, #tpu.memory_space<vmem>> -> memref<1x2048xi32, #tpu.memory_space<vmem>>
    %dma_start3A_132 = tpu.memref_squeeze %dma_start3A_131 : memref<1x2048xi32, #tpu.memory_space<vmem>> -> memref<2048xi32, #tpu.memory_space<vmem>>
    %dma_start3A_133 = arith.constant 0 : i32
    %dma_start3A_134 = arith.constant 0 : i32
    %dma_start3A_135 = tpu.memref_slice %arg11[%dma_start3A_133, %dma_start3A_134] : memref<10112x16xf32, #tpu.memory_space<vmem_shared>> -> memref<10112x16xf32, #tpu.memory_space<vmem_shared>>
    tpu.enqueue_indirect_dma source(%arg9 : memref<2048x16xf32, #tpu.memory_space<vmem>>) target(%dma_start3A_135 : memref<10112x16xf32, #tpu.memory_space<vmem_shared>>) offsets(%dma_start3A_132 : memref<2048xi32, #tpu.memory_space<vmem>>) semaphore(%arg14 : memref<!tpu.dma_semaphore, #tpu.memory_space<semaphore_mem>>) {add = true}
    %dma_wait3A_136 = arith.constant 4 : i32
    %dma_wait3A_137 = arith.constant 0 : i32
    %dma_wait3A_138 = tpu.memref_slice %arg8[%dma_wait3A_136, %dma_wait3A_137] : memref<5x2048xi32, #tpu.memory_space<vmem>> -> memref<1x2048xi32, #tpu.memory_space<vmem>>
    %dma_wait3A_139 = tpu.memref_squeeze %dma_wait3A_138 : memref<1x2048xi32, #tpu.memory_space<vmem>> -> memref<2048xi32, #tpu.memory_space<vmem>>
    %dma_wait3A_140 = arith.constant 0 : i32
    %dma_wait3A_141 = arith.constant 0 : i32
    %dma_wait3A_142 = tpu.memref_slice %arg11[%dma_wait3A_140, %dma_wait3A_141] : memref<10112x16xf32, #tpu.memory_space<vmem_shared>> -> memref<10112x16xf32, #tpu.memory_space<vmem_shared>>
    tpu.wait_indirect_dma semaphore(%arg14 : memref<!tpu.dma_semaphore, #tpu.memory_space<semaphore_mem>>) src(%arg9 : memref<2048x16xf32, #tpu.memory_space<vmem>>) dst(%dma_wait3A_142 : memref<10112x16xf32, #tpu.memory_space<vmem_shared>>)
    %barrier3A_143 = arith.constant 0 : index
    tpu.barrier barrier_id(%barrier3A_143)
    %mul3A_144 = arith.constant 632 : i32
    %mul3A_145 = arith.muli %arg1, %mul3A_144 : i32
    %mul3A_146 = arith.constant 632 : i32
    %mul3A_147 = arith.muli %arg1, %mul3A_146 : i32
    "tpu.region"() ({
      %run_scoped3A = tpu.sem_alloc : memref<!tpu.dma_semaphore, #tpu.memory_space<semaphore_mem>>
      %dma_start3A_148 = arith.constant 0 : i32
      %dma_start3A_149 = tpu.memref_slice %arg6[%arg0, %mul3A_147, %dma_start3A_148] : memref<2x10112x16xf32, #tpu.memory_space<hbm>> -> memref<1x632x16xf32, #tpu.memory_space<hbm>>
      %dma_start3A_150 = tpu.memref_squeeze %dma_start3A_149 : memref<1x632x16xf32, #tpu.memory_space<hbm>> -> memref<632x16xf32, #tpu.memory_space<hbm>>
      %dma_start3A_151 = arith.constant 0 : i32
      %dma_start3A_152 = tpu.memref_slice %arg11[%mul3A_145, %dma_start3A_151] : memref<10112x16xf32, #tpu.memory_space<vmem_shared>> -> memref<632x16xf32, #tpu.memory_space<vmem_shared>>
      tpu.enqueue_dma source(%dma_start3A_152 : memref<632x16xf32, #tpu.memory_space<vmem_shared>>) target(%dma_start3A_150 : memref<632x16xf32, #tpu.memory_space<hbm>>) target_semaphore(%run_scoped3A : memref<!tpu.dma_semaphore, #tpu.memory_space<semaphore_mem>>)
      %dma_wait3A_153 = arith.constant 0 : i32
      %dma_wait3A_154 = tpu.memref_slice %arg6[%arg0, %mul3A_147, %dma_wait3A_153] : memref<2x10112x16xf32, #tpu.memory_space<hbm>> -> memref<1x632x16xf32, #tpu.memory_space<hbm>>
      %dma_wait3A_155 = tpu.memref_squeeze %dma_wait3A_154 : memref<1x632x16xf32, #tpu.memory_space<hbm>> -> memref<632x16xf32, #tpu.memory_space<hbm>>
      %dma_wait3A_156 = arith.constant 0 : i32
      %dma_wait3A_157 = tpu.memref_slice %arg11[%mul3A_145, %dma_wait3A_156] : memref<10112x16xf32, #tpu.memory_space<vmem_shared>> -> memref<632x16xf32, #tpu.memory_space<vmem_shared>>
      tpu.wait_dma2 semaphore(%run_scoped3A : memref<!tpu.dma_semaphore, #tpu.memory_space<semaphore_mem>>) src(%dma_wait3A_157 : memref<632x16xf32, #tpu.memory_space<vmem_shared>>) dst(%dma_wait3A_155 : memref<632x16xf32, #tpu.memory_space<hbm>>)
      tpu.yield
    }) : () -> ()
    return
  }
}

module attributes {stable_mosaic.version = 14 : i64} {
  func.func @body(%arg0: i32, %arg1: memref<1000x128xf32, #tpu.memory_space<vmem>>, %arg2: memref<128x128xf32, #tpu.memory_space<vmem>>, %arg3: memref<2x1000x16xf32, #tpu.memory_space<vmem>>, %arg4: memref<1000x128xf32, #tpu.memory_space<vmem>>, %arg5: memref<1000x1xf32, #tpu.memory_space<vmem>>) attributes {dimension_semantics = [#tpu.dimension_semantics<arbitrary>], iteration_bounds = array<i64: 10>, scalar_prefetch = 0 : i64, scratch_operands = 0 : i64, tpu.core_type = #tpu.core_type<tc>, window_params = [{transform_indices = @transform_0, window_bounds = array<i64: 1000, 128>}, {pipeline_mode = #tpu.pipeline_mode<synchronous>, transform_indices = @transform_1, window_bounds = array<i64: 128, 128>}, {transform_indices = @transform_2, window_bounds = array<i64: 2, 1000, 16>}, {transform_indices = @transform_3, window_bounds = array<i64: 1000, 128>}, {transform_indices = @transform_4, window_bounds = array<i64: 1000, 1>}]} {
    %get3A = arith.constant 0 : index
    %get3A_0 = arith.constant 0 : index
    %get3A_1 = arith.constant 0 : index
    %get3A_2 = vector.load %arg3[%get3A, %get3A_0, %get3A_1] : memref<2x1000x16xf32, #tpu.memory_space<vmem>>, vector<1x1000x1xf32>
    %get3A_3 = vector.shape_cast %get3A_2 : vector<1x1000x1xf32> to vector<1000x1xf32>
    %get3A_4 = arith.constant 1 : index
    %get3A_5 = arith.constant 0 : index
    %get3A_6 = arith.constant 0 : index
    %get3A_7 = vector.load %arg3[%get3A_4, %get3A_5, %get3A_6] : memref<2x1000x16xf32, #tpu.memory_space<vmem>>, vector<1x1000x1xf32>
    %get3A_8 = vector.shape_cast %get3A_7 : vector<1x1000x1xf32> to vector<1000x1xf32>
    %add3A = arith.addf %get3A_3, %get3A_8 : vector<1000x1xf32>
    %add3A_9 = arith.constant 1.000000e+00 : f32
    %add3A_10 = vector.broadcast %add3A_9 : f32 to vector<1000x1xf32>
    %add3A_11 = arith.addf %add3A, %add3A_10 : vector<1000x1xf32>
    %rsqrt3A = math.rsqrt %add3A_11 : vector<1000x1xf32>
    %get3A_12 = arith.constant 0 : index
    %get3A_13 = arith.constant 0 : index
    %get3A_14 = vector.load %arg1[%get3A_12, %get3A_13] : memref<1000x128xf32, #tpu.memory_space<vmem>>, vector<1000x128xf32>
    %get3A_15 = arith.constant 0 : index
    %get3A_16 = arith.constant 0 : index
    %get3A_17 = vector.load %arg2[%get3A_15, %get3A_16] : memref<128x128xf32, #tpu.memory_space<vmem>>, vector<128x128xf32>
    %dot_general3A = arith.constant dense<0.000000e+00> : vector<1000x128xf32>
    %dot_general3A_18 = tpu.matmul %get3A_14, %get3A_17, %dot_general3A {dimension_numbers = #tpu.dot_dimension_numbers<[1], [0], [0], [1], [0, 0, 1, 1], [], []>, precision = #tpu.contract_precision<fp32>, transpose_lhs_hint = false} : vector<1000x128xf32>, vector<128x128xf32>, vector<1000x128xf32> -> vector<1000x128xf32>
    %mul3A = vector.broadcast %rsqrt3A : vector<1000x1xf32> to vector<1000x128xf32>
    %mul3A_19 = arith.mulf %dot_general3A_18, %mul3A : vector<1000x128xf32>
    %swap3A = arith.constant 0 : index
    %swap3A_20 = arith.constant 0 : index
    %swap3A_21 = vector.load %arg4[%swap3A, %swap3A_20] : memref<1000x128xf32, #tpu.memory_space<vmem>>, vector<1000x128xf32>
    tpu.vector_store %arg4[%swap3A, %swap3A_20], %mul3A_19 {strides = array<i32>} : memref<1000x128xf32, #tpu.memory_space<vmem>>, vector<1000x128xf32>,
    %swap3A_22 = arith.constant 0 : index
    %swap3A_23 = arith.constant 0 : index
    %swap3A_24 = vector.load %arg5[%swap3A_22, %swap3A_23] : memref<1000x1xf32, #tpu.memory_space<vmem>>, vector<1000x1xf32>
    tpu.vector_store %arg5[%swap3A_22, %swap3A_23], %rsqrt3A {strides = array<i32>} : memref<1000x1xf32, #tpu.memory_space<vmem>>, vector<1000x1xf32>,
    return
  }
  func.func @transform_0(%arg0: i32) -> (i32, i32) {
    %c0_i32 = arith.constant 0 : i32
    %c0_i32_0 = arith.constant 0 : i32
    return %arg0, %c0_i32 : i32, i32
  }
  func.func @transform_1(%arg0: i32) -> (i32, i32) {
    %c0_i32 = arith.constant 0 : i32
    %c0_i32_0 = arith.constant 0 : i32
    %c0_i32_1 = arith.constant 0 : i32
    return %c0_i32, %c0_i32_0 : i32, i32
  }
  func.func @transform_2(%arg0: i32) -> (i32, i32, i32) {
    %c0_i32 = arith.constant 0 : i32
    %c0_i32_0 = arith.constant 0 : i32
    %c0_i32_1 = arith.constant 0 : i32
    return %c0_i32, %arg0, %c0_i32_0 : i32, i32, i32
  }
  func.func @transform_3(%arg0: i32) -> (i32, i32) {
    %c0_i32 = arith.constant 0 : i32
    %c0_i32_0 = arith.constant 0 : i32
    return %arg0, %c0_i32 : i32, i32
  }
  func.func @transform_4(%arg0: i32) -> (i32, i32) {
    %c0_i32 = arith.constant 0 : i32
    %c0_i32_0 = arith.constant 0 : i32
    return %arg0, %c0_i32 : i32, i32
  }
}

module attributes {stable_mosaic.version = 14 : i64} {
  func.func @body(%arg0: i32, %arg1: memref<2x1000x128xf32, #tpu.memory_space<vmem>>, %arg2: memref<1000x128xf32, #tpu.memory_space<vmem>>, %arg3: memref<1000x1xf32, #tpu.memory_space<vmem>>, %arg4: memref<1x128xf32, #tpu.memory_space<vmem>>, %arg5: memref<128x64xf32, #tpu.memory_space<vmem>>, %arg6: memref<1000x64xf32, #tpu.memory_space<vmem>>) attributes {dimension_semantics = [#tpu.dimension_semantics<arbitrary>], iteration_bounds = array<i64: 10>, scalar_prefetch = 0 : i64, scratch_operands = 0 : i64, tpu.core_type = #tpu.core_type<tc>, window_params = [{transform_indices = @transform_0, window_bounds = array<i64: 2, 1000, 128>}, {transform_indices = @transform_1, window_bounds = array<i64: 1000, 128>}, {transform_indices = @transform_2, window_bounds = array<i64: 1000, 1>}, {pipeline_mode = #tpu.pipeline_mode<synchronous>, transform_indices = @transform_3, window_bounds = array<i64: 1, 128>}, {pipeline_mode = #tpu.pipeline_mode<synchronous>, transform_indices = @transform_4, window_bounds = array<i64: 128, 64>}, {transform_indices = @transform_5, window_bounds = array<i64: 1000, 64>}]} {
    %get3A = arith.constant 0 : index
    %get3A_0 = arith.constant 0 : index
    %get3A_1 = vector.load %arg3[%get3A, %get3A_0] : memref<1000x1xf32, #tpu.memory_space<vmem>>, vector<1000x1xf32>
    %get3A_2 = arith.constant 0 : index
    %get3A_3 = arith.constant 0 : index
    %get3A_4 = arith.constant 0 : index
    %get3A_5 = vector.load %arg1[%get3A_2, %get3A_3, %get3A_4] : memref<2x1000x128xf32, #tpu.memory_space<vmem>>, vector<1x1000x128xf32>
    %get3A_6 = vector.shape_cast %get3A_5 : vector<1x1000x128xf32> to vector<1000x128xf32>
    %get3A_7 = arith.constant 1 : index
    %get3A_8 = arith.constant 0 : index
    %get3A_9 = arith.constant 0 : index
    %get3A_10 = vector.load %arg1[%get3A_7, %get3A_8, %get3A_9] : memref<2x1000x128xf32, #tpu.memory_space<vmem>>, vector<1x1000x128xf32>
    %get3A_11 = vector.shape_cast %get3A_10 : vector<1x1000x128xf32> to vector<1000x128xf32>
    %add3A = arith.addf %get3A_6, %get3A_11 : vector<1000x128xf32>
    %get3A_12 = arith.constant 0 : index
    %get3A_13 = arith.constant 0 : index
    %get3A_14 = vector.load %arg2[%get3A_12, %get3A_13] : memref<1000x128xf32, #tpu.memory_space<vmem>>, vector<1000x128xf32>
    %add3A_15 = arith.addf %add3A, %get3A_14 : vector<1000x128xf32>
    %mul3A = vector.broadcast %get3A_1 : vector<1000x1xf32> to vector<1000x128xf32>
    %mul3A_16 = arith.mulf %add3A_15, %mul3A : vector<1000x128xf32>
    %get3A_17 = arith.constant 0 : index
    %get3A_18 = arith.constant 0 : index
    %get3A_19 = vector.load %arg4[%get3A_17, %get3A_18] : memref<1x128xf32, #tpu.memory_space<vmem>>, vector<1x128xf32>
    %add3A_20 = vector.broadcast %get3A_19 : vector<1x128xf32> to vector<1000x128xf32>
    %add3A_21 = arith.addf %mul3A_16, %add3A_20 : vector<1000x128xf32>
    %max3A = arith.constant 0.000000e+00 : f32
    %max3A_22 = vector.broadcast %max3A : f32 to vector<1000x128xf32>
    %max3A_23 = arith.maximumf %add3A_21, %max3A_22 : vector<1000x128xf32>
    %get3A_24 = arith.constant 0 : index
    %get3A_25 = arith.constant 0 : index
    %get3A_26 = vector.load %arg5[%get3A_24, %get3A_25] : memref<128x64xf32, #tpu.memory_space<vmem>>, vector<128x64xf32>
    %dot_general3A = arith.constant dense<0.000000e+00> : vector<1000x64xf32>
    %dot_general3A_27 = tpu.matmul %max3A_23, %get3A_26, %dot_general3A {dimension_numbers = #tpu.dot_dimension_numbers<[1], [0], [0], [1], [0, 0, 1, 1], [], []>, precision = #tpu.contract_precision<fp32>, transpose_lhs_hint = false} : vector<1000x128xf32>, vector<128x64xf32>, vector<1000x64xf32> -> vector<1000x64xf32>
    %mul3A_28 = vector.broadcast %get3A_1 : vector<1000x1xf32> to vector<1000x64xf32>
    %mul3A_29 = arith.mulf %dot_general3A_27, %mul3A_28 : vector<1000x64xf32>
    %swap3A = arith.constant 0 : index
    %swap3A_30 = arith.constant 0 : index
    %swap3A_31 = vector.load %arg6[%swap3A, %swap3A_30] : memref<1000x64xf32, #tpu.memory_space<vmem>>, vector<1000x64xf32>
    tpu.vector_store %arg6[%swap3A, %swap3A_30], %mul3A_29 {strides = array<i32>} : memref<1000x64xf32, #tpu.memory_space<vmem>>, vector<1000x64xf32>,
    return
  }
  func.func @transform_0(%arg0: i32) -> (i32, i32, i32) {
    %c0_i32 = arith.constant 0 : i32
    %c0_i32_0 = arith.constant 0 : i32
    %c0_i32_1 = arith.constant 0 : i32
    return %c0_i32, %arg0, %c0_i32_0 : i32, i32, i32
  }
  func.func @transform_1(%arg0: i32) -> (i32, i32) {
    %c0_i32 = arith.constant 0 : i32
    %c0_i32_0 = arith.constant 0 : i32
    return %arg0, %c0_i32 : i32, i32
  }
  func.func @transform_2(%arg0: i32) -> (i32, i32) {
    %c0_i32 = arith.constant 0 : i32
    %c0_i32_0 = arith.constant 0 : i32
    return %arg0, %c0_i32 : i32, i32
  }
  func.func @transform_3(%arg0: i32) -> (i32, i32) {
    %c0_i32 = arith.constant 0 : i32
    %c0_i32_0 = arith.constant 0 : i32
    %c0_i32_1 = arith.constant 0 : i32
    return %c0_i32, %c0_i32_0 : i32, i32
  }
  func.func @transform_4(%arg0: i32) -> (i32, i32) {
    %c0_i32 = arith.constant 0 : i32
    %c0_i32_0 = arith.constant 0 : i32
    %c0_i32_1 = arith.constant 0 : i32
    return %c0_i32, %c0_i32_0 : i32, i32
  }
  func.func @transform_5(%arg0: i32) -> (i32, i32) {
    %c0_i32 = arith.constant 0 : i32
    %c0_i32_0 = arith.constant 0 : i32
    return %arg0, %c0_i32 : i32, i32
  }
}

module attributes {stable_mosaic.version = 14 : i64} {
  func.func @body(%arg0: i32, %arg1: memref<2x1000x64xf32, #tpu.memory_space<vmem>>, %arg2: memref<1000x64xf32, #tpu.memory_space<vmem>>, %arg3: memref<1000x1xf32, #tpu.memory_space<vmem>>, %arg4: memref<1x64xf32, #tpu.memory_space<vmem>>, %arg5: memref<64x32xf32, #tpu.memory_space<vmem>>, %arg6: memref<1000x32xf32, #tpu.memory_space<vmem>>) attributes {dimension_semantics = [#tpu.dimension_semantics<arbitrary>], iteration_bounds = array<i64: 10>, scalar_prefetch = 0 : i64, scratch_operands = 0 : i64, tpu.core_type = #tpu.core_type<tc>, window_params = [{transform_indices = @transform_0, window_bounds = array<i64: 2, 1000, 64>}, {transform_indices = @transform_1, window_bounds = array<i64: 1000, 64>}, {transform_indices = @transform_2, window_bounds = array<i64: 1000, 1>}, {pipeline_mode = #tpu.pipeline_mode<synchronous>, transform_indices = @transform_3, window_bounds = array<i64: 1, 64>}, {pipeline_mode = #tpu.pipeline_mode<synchronous>, transform_indices = @transform_4, window_bounds = array<i64: 64, 32>}, {transform_indices = @transform_5, window_bounds = array<i64: 1000, 32>}]} {
    %get3A = arith.constant 0 : index
    %get3A_0 = arith.constant 0 : index
    %get3A_1 = vector.load %arg3[%get3A, %get3A_0] : memref<1000x1xf32, #tpu.memory_space<vmem>>, vector<1000x1xf32>
    %get3A_2 = arith.constant 0 : index
    %get3A_3 = arith.constant 0 : index
    %get3A_4 = arith.constant 0 : index
    %get3A_5 = vector.load %arg1[%get3A_2, %get3A_3, %get3A_4] : memref<2x1000x64xf32, #tpu.memory_space<vmem>>, vector<1x1000x64xf32>
    %get3A_6 = vector.shape_cast %get3A_5 : vector<1x1000x64xf32> to vector<1000x64xf32>
    %get3A_7 = arith.constant 1 : index
    %get3A_8 = arith.constant 0 : index
    %get3A_9 = arith.constant 0 : index
    %get3A_10 = vector.load %arg1[%get3A_7, %get3A_8, %get3A_9] : memref<2x1000x64xf32, #tpu.memory_space<vmem>>, vector<1x1000x64xf32>
    %get3A_11 = vector.shape_cast %get3A_10 : vector<1x1000x64xf32> to vector<1000x64xf32>
    %add3A = arith.addf %get3A_6, %get3A_11 : vector<1000x64xf32>
    %get3A_12 = arith.constant 0 : index
    %get3A_13 = arith.constant 0 : index
    %get3A_14 = vector.load %arg2[%get3A_12, %get3A_13] : memref<1000x64xf32, #tpu.memory_space<vmem>>, vector<1000x64xf32>
    %add3A_15 = arith.addf %add3A, %get3A_14 : vector<1000x64xf32>
    %mul3A = vector.broadcast %get3A_1 : vector<1000x1xf32> to vector<1000x64xf32>
    %mul3A_16 = arith.mulf %add3A_15, %mul3A : vector<1000x64xf32>
    %get3A_17 = arith.constant 0 : index
    %get3A_18 = arith.constant 0 : index
    %get3A_19 = vector.load %arg4[%get3A_17, %get3A_18] : memref<1x64xf32, #tpu.memory_space<vmem>>, vector<1x64xf32>
    %add3A_20 = vector.broadcast %get3A_19 : vector<1x64xf32> to vector<1000x64xf32>
    %add3A_21 = arith.addf %mul3A_16, %add3A_20 : vector<1000x64xf32>
    %max3A = arith.constant 0.000000e+00 : f32
    %max3A_22 = vector.broadcast %max3A : f32 to vector<1000x64xf32>
    %max3A_23 = arith.maximumf %add3A_21, %max3A_22 : vector<1000x64xf32>
    %get3A_24 = arith.constant 0 : index
    %get3A_25 = arith.constant 0 : index
    %get3A_26 = vector.load %arg5[%get3A_24, %get3A_25] : memref<64x32xf32, #tpu.memory_space<vmem>>, vector<64x32xf32>
    %dot_general3A = arith.constant dense<0.000000e+00> : vector<1000x32xf32>
    %dot_general3A_27 = tpu.matmul %max3A_23, %get3A_26, %dot_general3A {dimension_numbers = #tpu.dot_dimension_numbers<[1], [0], [0], [1], [0, 0, 1, 1], [], []>, precision = #tpu.contract_precision<fp32>, transpose_lhs_hint = false} : vector<1000x64xf32>, vector<64x32xf32>, vector<1000x32xf32> -> vector<1000x32xf32>
    %mul3A_28 = vector.broadcast %get3A_1 : vector<1000x1xf32> to vector<1000x32xf32>
    %mul3A_29 = arith.mulf %dot_general3A_27, %mul3A_28 : vector<1000x32xf32>
    %swap3A = arith.constant 0 : index
    %swap3A_30 = arith.constant 0 : index
    %swap3A_31 = vector.load %arg6[%swap3A, %swap3A_30] : memref<1000x32xf32, #tpu.memory_space<vmem>>, vector<1000x32xf32>
    tpu.vector_store %arg6[%swap3A, %swap3A_30], %mul3A_29 {strides = array<i32>} : memref<1000x32xf32, #tpu.memory_space<vmem>>, vector<1000x32xf32>,
    return
  }
  func.func @transform_0(%arg0: i32) -> (i32, i32, i32) {
    %c0_i32 = arith.constant 0 : i32
    %c0_i32_0 = arith.constant 0 : i32
    %c0_i32_1 = arith.constant 0 : i32
    return %c0_i32, %arg0, %c0_i32_0 : i32, i32, i32
  }
  func.func @transform_1(%arg0: i32) -> (i32, i32) {
    %c0_i32 = arith.constant 0 : i32
    %c0_i32_0 = arith.constant 0 : i32
    return %arg0, %c0_i32 : i32, i32
  }
  func.func @transform_2(%arg0: i32) -> (i32, i32) {
    %c0_i32 = arith.constant 0 : i32
    %c0_i32_0 = arith.constant 0 : i32
    return %arg0, %c0_i32 : i32, i32
  }
  func.func @transform_3(%arg0: i32) -> (i32, i32) {
    %c0_i32 = arith.constant 0 : i32
    %c0_i32_0 = arith.constant 0 : i32
    %c0_i32_1 = arith.constant 0 : i32
    return %c0_i32, %c0_i32_0 : i32, i32
  }
  func.func @transform_4(%arg0: i32) -> (i32, i32) {
    %c0_i32 = arith.constant 0 : i32
    %c0_i32_0 = arith.constant 0 : i32
    %c0_i32_1 = arith.constant 0 : i32
    return %c0_i32, %c0_i32_0 : i32, i32
  }
  func.func @transform_5(%arg0: i32) -> (i32, i32) {
    %c0_i32 = arith.constant 0 : i32
    %c0_i32_0 = arith.constant 0 : i32
    return %arg0, %c0_i32 : i32, i32
  }
}

module attributes {stable_mosaic.version = 14 : i64} {
  func.func @body(%arg0: i32, %arg1: memref<2x1000x32xf32, #tpu.memory_space<vmem>>, %arg2: memref<1000x32xf32, #tpu.memory_space<vmem>>, %arg3: memref<1000x1xf32, #tpu.memory_space<vmem>>, %arg4: memref<1x32xf32, #tpu.memory_space<vmem>>, %arg5: memref<32x16xf32, #tpu.memory_space<vmem>>, %arg6: memref<1000x16xf32, #tpu.memory_space<vmem>>) attributes {dimension_semantics = [#tpu.dimension_semantics<arbitrary>], iteration_bounds = array<i64: 10>, scalar_prefetch = 0 : i64, scratch_operands = 0 : i64, tpu.core_type = #tpu.core_type<tc>, window_params = [{transform_indices = @transform_0, window_bounds = array<i64: 2, 1000, 32>}, {transform_indices = @transform_1, window_bounds = array<i64: 1000, 32>}, {transform_indices = @transform_2, window_bounds = array<i64: 1000, 1>}, {pipeline_mode = #tpu.pipeline_mode<synchronous>, transform_indices = @transform_3, window_bounds = array<i64: 1, 32>}, {pipeline_mode = #tpu.pipeline_mode<synchronous>, transform_indices = @transform_4, window_bounds = array<i64: 32, 16>}, {transform_indices = @transform_5, window_bounds = array<i64: 1000, 16>}]} {
    %get3A = arith.constant 0 : index
    %get3A_0 = arith.constant 0 : index
    %get3A_1 = vector.load %arg3[%get3A, %get3A_0] : memref<1000x1xf32, #tpu.memory_space<vmem>>, vector<1000x1xf32>
    %get3A_2 = arith.constant 0 : index
    %get3A_3 = arith.constant 0 : index
    %get3A_4 = arith.constant 0 : index
    %get3A_5 = vector.load %arg1[%get3A_2, %get3A_3, %get3A_4] : memref<2x1000x32xf32, #tpu.memory_space<vmem>>, vector<1x1000x32xf32>
    %get3A_6 = vector.shape_cast %get3A_5 : vector<1x1000x32xf32> to vector<1000x32xf32>
    %get3A_7 = arith.constant 1 : index
    %get3A_8 = arith.constant 0 : index
    %get3A_9 = arith.constant 0 : index
    %get3A_10 = vector.load %arg1[%get3A_7, %get3A_8, %get3A_9] : memref<2x1000x32xf32, #tpu.memory_space<vmem>>, vector<1x1000x32xf32>
    %get3A_11 = vector.shape_cast %get3A_10 : vector<1x1000x32xf32> to vector<1000x32xf32>
    %add3A = arith.addf %get3A_6, %get3A_11 : vector<1000x32xf32>
    %get3A_12 = arith.constant 0 : index
    %get3A_13 = arith.constant 0 : index
    %get3A_14 = vector.load %arg2[%get3A_12, %get3A_13] : memref<1000x32xf32, #tpu.memory_space<vmem>>, vector<1000x32xf32>
    %add3A_15 = arith.addf %add3A, %get3A_14 : vector<1000x32xf32>
    %mul3A = vector.broadcast %get3A_1 : vector<1000x1xf32> to vector<1000x32xf32>
    %mul3A_16 = arith.mulf %add3A_15, %mul3A : vector<1000x32xf32>
    %get3A_17 = arith.constant 0 : index
    %get3A_18 = arith.constant 0 : index
    %get3A_19 = vector.load %arg4[%get3A_17, %get3A_18] : memref<1x32xf32, #tpu.memory_space<vmem>>, vector<1x32xf32>
    %add3A_20 = vector.broadcast %get3A_19 : vector<1x32xf32> to vector<1000x32xf32>
    %add3A_21 = arith.addf %mul3A_16, %add3A_20 : vector<1000x32xf32>
    %max3A = arith.constant 0.000000e+00 : f32
    %max3A_22 = vector.broadcast %max3A : f32 to vector<1000x32xf32>
    %max3A_23 = arith.maximumf %add3A_21, %max3A_22 : vector<1000x32xf32>
    %get3A_24 = arith.constant 0 : index
    %get3A_25 = arith.constant 0 : index
    %get3A_26 = vector.load %arg5[%get3A_24, %get3A_25] : memref<32x16xf32, #tpu.memory_space<vmem>>, vector<32x16xf32>
    %dot_general3A = arith.constant dense<0.000000e+00> : vector<1000x16xf32>
    %dot_general3A_27 = tpu.matmul %max3A_23, %get3A_26, %dot_general3A {dimension_numbers = #tpu.dot_dimension_numbers<[1], [0], [0], [1], [0, 0, 1, 1], [], []>, precision = #tpu.contract_precision<fp32>, transpose_lhs_hint = false} : vector<1000x32xf32>, vector<32x16xf32>, vector<1000x16xf32> -> vector<1000x16xf32>
    %mul3A_28 = vector.broadcast %get3A_1 : vector<1000x1xf32> to vector<1000x16xf32>
    %mul3A_29 = arith.mulf %dot_general3A_27, %mul3A_28 : vector<1000x16xf32>
    %swap3A = arith.constant 0 : index
    %swap3A_30 = arith.constant 0 : index
    %swap3A_31 = vector.load %arg6[%swap3A, %swap3A_30] : memref<1000x16xf32, #tpu.memory_space<vmem>>, vector<1000x16xf32>
    tpu.vector_store %arg6[%swap3A, %swap3A_30], %mul3A_29 {strides = array<i32>} : memref<1000x16xf32, #tpu.memory_space<vmem>>, vector<1000x16xf32>,
    return
  }
  func.func @transform_0(%arg0: i32) -> (i32, i32, i32) {
    %c0_i32 = arith.constant 0 : i32
    %c0_i32_0 = arith.constant 0 : i32
    %c0_i32_1 = arith.constant 0 : i32
    return %c0_i32, %arg0, %c0_i32_0 : i32, i32, i32
  }
  func.func @transform_1(%arg0: i32) -> (i32, i32) {
    %c0_i32 = arith.constant 0 : i32
    %c0_i32_0 = arith.constant 0 : i32
    return %arg0, %c0_i32 : i32, i32
  }
  func.func @transform_2(%arg0: i32) -> (i32, i32) {
    %c0_i32 = arith.constant 0 : i32
    %c0_i32_0 = arith.constant 0 : i32
    return %arg0, %c0_i32 : i32, i32
  }
  func.func @transform_3(%arg0: i32) -> (i32, i32) {
    %c0_i32 = arith.constant 0 : i32
    %c0_i32_0 = arith.constant 0 : i32
    %c0_i32_1 = arith.constant 0 : i32
    return %c0_i32, %c0_i32_0 : i32, i32
  }
  func.func @transform_4(%arg0: i32) -> (i32, i32) {
    %c0_i32 = arith.constant 0 : i32
    %c0_i32_0 = arith.constant 0 : i32
    %c0_i32_1 = arith.constant 0 : i32
    return %c0_i32, %c0_i32_0 : i32, i32
  }
  func.func @transform_5(%arg0: i32) -> (i32, i32) {
    %c0_i32 = arith.constant 0 : i32
    %c0_i32_0 = arith.constant 0 : i32
    return %arg0, %c0_i32 : i32, i32
  }
}

module attributes {stable_mosaic.version = 14 : i64} {
  func.func @body(%arg0: i32, %arg1: memref<2x1000x16xf32, #tpu.memory_space<vmem>>, %arg2: memref<1000x16xf32, #tpu.memory_space<vmem>>, %arg3: memref<1000x1xf32, #tpu.memory_space<vmem>>, %arg4: memref<1x16xf32, #tpu.memory_space<vmem>>, %arg5: memref<16x16xf32, #tpu.memory_space<vmem>>, %arg6: memref<1000x16xf32, #tpu.memory_space<vmem>>) attributes {dimension_semantics = [#tpu.dimension_semantics<arbitrary>], iteration_bounds = array<i64: 10>, scalar_prefetch = 0 : i64, scratch_operands = 0 : i64, tpu.core_type = #tpu.core_type<tc>, window_params = [{transform_indices = @transform_0, window_bounds = array<i64: 2, 1000, 16>}, {transform_indices = @transform_1, window_bounds = array<i64: 1000, 16>}, {transform_indices = @transform_2, window_bounds = array<i64: 1000, 1>}, {pipeline_mode = #tpu.pipeline_mode<synchronous>, transform_indices = @transform_3, window_bounds = array<i64: 1, 16>}, {pipeline_mode = #tpu.pipeline_mode<synchronous>, transform_indices = @transform_4, window_bounds = array<i64: 16, 16>}, {transform_indices = @transform_5, window_bounds = array<i64: 1000, 16>}]} {
    %get3A = arith.constant 0 : index
    %get3A_0 = arith.constant 0 : index
    %get3A_1 = vector.load %arg3[%get3A, %get3A_0] : memref<1000x1xf32, #tpu.memory_space<vmem>>, vector<1000x1xf32>
    %get3A_2 = arith.constant 0 : index
    %get3A_3 = arith.constant 0 : index
    %get3A_4 = arith.constant 0 : index
    %get3A_5 = vector.load %arg1[%get3A_2, %get3A_3, %get3A_4] : memref<2x1000x16xf32, #tpu.memory_space<vmem>>, vector<1x1000x16xf32>
    %get3A_6 = vector.shape_cast %get3A_5 : vector<1x1000x16xf32> to vector<1000x16xf32>
    %get3A_7 = arith.constant 1 : index
    %get3A_8 = arith.constant 0 : index
    %get3A_9 = arith.constant 0 : index
    %get3A_10 = vector.load %arg1[%get3A_7, %get3A_8, %get3A_9] : memref<2x1000x16xf32, #tpu.memory_space<vmem>>, vector<1x1000x16xf32>
    %get3A_11 = vector.shape_cast %get3A_10 : vector<1x1000x16xf32> to vector<1000x16xf32>
    %add3A = arith.addf %get3A_6, %get3A_11 : vector<1000x16xf32>
    %get3A_12 = arith.constant 0 : index
    %get3A_13 = arith.constant 0 : index
    %get3A_14 = vector.load %arg2[%get3A_12, %get3A_13] : memref<1000x16xf32, #tpu.memory_space<vmem>>, vector<1000x16xf32>
    %add3A_15 = arith.addf %add3A, %get3A_14 : vector<1000x16xf32>
    %mul3A = vector.broadcast %get3A_1 : vector<1000x1xf32> to vector<1000x16xf32>
    %mul3A_16 = arith.mulf %add3A_15, %mul3A : vector<1000x16xf32>
    %get3A_17 = arith.constant 0 : index
    %get3A_18 = arith.constant 0 : index
    %get3A_19 = vector.load %arg4[%get3A_17, %get3A_18] : memref<1x16xf32, #tpu.memory_space<vmem>>, vector<1x16xf32>
    %add3A_20 = vector.broadcast %get3A_19 : vector<1x16xf32> to vector<1000x16xf32>
    %add3A_21 = arith.addf %mul3A_16, %add3A_20 : vector<1000x16xf32>
    %max3A = arith.constant 0.000000e+00 : f32
    %max3A_22 = vector.broadcast %max3A : f32 to vector<1000x16xf32>
    %max3A_23 = arith.maximumf %add3A_21, %max3A_22 : vector<1000x16xf32>
    %get3A_24 = arith.constant 0 : index
    %get3A_25 = arith.constant 0 : index
    %get3A_26 = vector.load %arg5[%get3A_24, %get3A_25] : memref<16x16xf32, #tpu.memory_space<vmem>>, vector<16x16xf32>
    %dot_general3A = arith.constant dense<0.000000e+00> : vector<1000x16xf32>
    %dot_general3A_27 = tpu.matmul %max3A_23, %get3A_26, %dot_general3A {dimension_numbers = #tpu.dot_dimension_numbers<[1], [0], [0], [1], [0, 0, 1, 1], [], []>, precision = #tpu.contract_precision<fp32>, transpose_lhs_hint = false} : vector<1000x16xf32>, vector<16x16xf32>, vector<1000x16xf32> -> vector<1000x16xf32>
    %mul3A_28 = vector.broadcast %get3A_1 : vector<1000x1xf32> to vector<1000x16xf32>
    %mul3A_29 = arith.mulf %dot_general3A_27, %mul3A_28 : vector<1000x16xf32>
    %swap3A = arith.constant 0 : index
    %swap3A_30 = arith.constant 0 : index
    %swap3A_31 = vector.load %arg6[%swap3A, %swap3A_30] : memref<1000x16xf32, #tpu.memory_space<vmem>>, vector<1000x16xf32>
    tpu.vector_store %arg6[%swap3A, %swap3A_30], %mul3A_29 {strides = array<i32>} : memref<1000x16xf32, #tpu.memory_space<vmem>>, vector<1000x16xf32>,
    return
  }
  func.func @transform_0(%arg0: i32) -> (i32, i32, i32) {
    %c0_i32 = arith.constant 0 : i32
    %c0_i32_0 = arith.constant 0 : i32
    %c0_i32_1 = arith.constant 0 : i32
    return %c0_i32, %arg0, %c0_i32_0 : i32, i32, i32
  }
  func.func @transform_1(%arg0: i32) -> (i32, i32) {
    %c0_i32 = arith.constant 0 : i32
    %c0_i32_0 = arith.constant 0 : i32
    return %arg0, %c0_i32 : i32, i32
  }
  func.func @transform_2(%arg0: i32) -> (i32, i32) {
    %c0_i32 = arith.constant 0 : i32
    %c0_i32_0 = arith.constant 0 : i32
    return %arg0, %c0_i32 : i32, i32
  }
  func.func @transform_3(%arg0: i32) -> (i32, i32) {
    %c0_i32 = arith.constant 0 : i32
    %c0_i32_0 = arith.constant 0 : i32
    %c0_i32_1 = arith.constant 0 : i32
    return %c0_i32, %c0_i32_0 : i32, i32
  }
  func.func @transform_4(%arg0: i32) -> (i32, i32) {
    %c0_i32 = arith.constant 0 : i32
    %c0_i32_0 = arith.constant 0 : i32
    %c0_i32_1 = arith.constant 0 : i32
    return %c0_i32, %c0_i32_0 : i32, i32
  }
  func.func @transform_5(%arg0: i32) -> (i32, i32) {
    %c0_i32 = arith.constant 0 : i32
    %c0_i32_0 = arith.constant 0 : i32
    return %arg0, %c0_i32 : i32, i32
  }
}

module attributes {stable_mosaic.version = 14 : i64} {
  func.func @body(%arg0: i32, %arg1: memref<2x1000x16xf32, #tpu.memory_space<vmem>>, %arg2: memref<1000x16xf32, #tpu.memory_space<vmem>>, %arg3: memref<1000x1xf32, #tpu.memory_space<vmem>>, %arg4: memref<1x16xf32, #tpu.memory_space<vmem>>, %arg5: memref<1000x16xf32, #tpu.memory_space<vmem>>) attributes {dimension_semantics = [#tpu.dimension_semantics<arbitrary>], iteration_bounds = array<i64: 10>, scalar_prefetch = 0 : i64, scratch_operands = 0 : i64, tpu.core_type = #tpu.core_type<tc>, window_params = [{transform_indices = @transform_0, window_bounds = array<i64: 2, 1000, 16>}, {transform_indices = @transform_1, window_bounds = array<i64: 1000, 16>}, {transform_indices = @transform_2, window_bounds = array<i64: 1000, 1>}, {pipeline_mode = #tpu.pipeline_mode<synchronous>, transform_indices = @transform_3, window_bounds = array<i64: 1, 16>}, {transform_indices = @transform_4, window_bounds = array<i64: 1000, 16>}]} {
    %get3A = arith.constant 0 : index
    %get3A_0 = arith.constant 0 : index
    %get3A_1 = vector.load %arg3[%get3A, %get3A_0] : memref<1000x1xf32, #tpu.memory_space<vmem>>, vector<1000x1xf32>
    %get3A_2 = arith.constant 0 : index
    %get3A_3 = arith.constant 0 : index
    %get3A_4 = arith.constant 0 : index
    %get3A_5 = vector.load %arg1[%get3A_2, %get3A_3, %get3A_4] : memref<2x1000x16xf32, #tpu.memory_space<vmem>>, vector<1x1000x16xf32>
    %get3A_6 = vector.shape_cast %get3A_5 : vector<1x1000x16xf32> to vector<1000x16xf32>
    %get3A_7 = arith.constant 1 : index
    %get3A_8 = arith.constant 0 : index
    %get3A_9 = arith.constant 0 : index
    %get3A_10 = vector.load %arg1[%get3A_7, %get3A_8, %get3A_9] : memref<2x1000x16xf32, #tpu.memory_space<vmem>>, vector<1x1000x16xf32>
    %get3A_11 = vector.shape_cast %get3A_10 : vector<1x1000x16xf32> to vector<1000x16xf32>
    %add3A = arith.addf %get3A_6, %get3A_11 : vector<1000x16xf32>
    %get3A_12 = arith.constant 0 : index
    %get3A_13 = arith.constant 0 : index
    %get3A_14 = vector.load %arg2[%get3A_12, %get3A_13] : memref<1000x16xf32, #tpu.memory_space<vmem>>, vector<1000x16xf32>
    %add3A_15 = arith.addf %add3A, %get3A_14 : vector<1000x16xf32>
    %mul3A = vector.broadcast %get3A_1 : vector<1000x1xf32> to vector<1000x16xf32>
    %mul3A_16 = arith.mulf %add3A_15, %mul3A : vector<1000x16xf32>
    %get3A_17 = arith.constant 0 : index
    %get3A_18 = arith.constant 0 : index
    %get3A_19 = vector.load %arg4[%get3A_17, %get3A_18] : memref<1x16xf32, #tpu.memory_space<vmem>>, vector<1x16xf32>
    %add3A_20 = vector.broadcast %get3A_19 : vector<1x16xf32> to vector<1000x16xf32>
    %add3A_21 = arith.addf %mul3A_16, %add3A_20 : vector<1000x16xf32>
    %max3A = arith.constant 0.000000e+00 : f32
    %max3A_22 = vector.broadcast %max3A : f32 to vector<1000x16xf32>
    %max3A_23 = arith.maximumf %add3A_21, %max3A_22 : vector<1000x16xf32>
    %reduce_max3A = arith.constant dense<0xFF800000> : vector<1000xf32>
    %reduce_max3A_24 = vector.multi_reduction <maximumf>, %max3A_23, %reduce_max3A [1] : vector<1000x16xf32> to vector<1000xf32>
    %broadcast_in_dim3A = vector.shape_cast %reduce_max3A_24 : vector<1000xf32> to vector<1000x1xf32>
    %sub3A = vector.broadcast %broadcast_in_dim3A : vector<1000x1xf32> to vector<1000x16xf32>
    %sub3A_25 = arith.subf %max3A_23, %sub3A : vector<1000x16xf32>
    %exp3A = math.exp %sub3A_25 : vector<1000x16xf32>
    %reduce_sum3A = arith.constant dense<0.000000e+00> : vector<1000xf32>
    %reduce_sum3A_26 = vector.multi_reduction <add>, %exp3A, %reduce_sum3A [1] : vector<1000x16xf32> to vector<1000xf32>
    %broadcast_in_dim3A_27 = vector.shape_cast %reduce_sum3A_26 : vector<1000xf32> to vector<1000x1xf32>
    %log3A = math.log %broadcast_in_dim3A_27 : vector<1000x1xf32>
    %add3A_28 = arith.addf %log3A, %broadcast_in_dim3A : vector<1000x1xf32>
    %sub3A_29 = vector.broadcast %add3A_28 : vector<1000x1xf32> to vector<1000x16xf32>
    %sub3A_30 = arith.subf %max3A_23, %sub3A_29 : vector<1000x16xf32>
    %swap3A = arith.constant 0 : index
    %swap3A_31 = arith.constant 0 : index
    %swap3A_32 = vector.load %arg5[%swap3A, %swap3A_31] : memref<1000x16xf32, #tpu.memory_space<vmem>>, vector<1000x16xf32>
    tpu.vector_store %arg5[%swap3A, %swap3A_31], %sub3A_30 {strides = array<i32>} : memref<1000x16xf32, #tpu.memory_space<vmem>>, vector<1000x16xf32>,
    return
  }
  func.func @transform_0(%arg0: i32) -> (i32, i32, i32) {
    %c0_i32 = arith.constant 0 : i32
    %c0_i32_0 = arith.constant 0 : i32
    %c0_i32_1 = arith.constant 0 : i32
    return %c0_i32, %arg0, %c0_i32_0 : i32, i32, i32
  }
  func.func @transform_1(%arg0: i32) -> (i32, i32) {
    %c0_i32 = arith.constant 0 : i32
    %c0_i32_0 = arith.constant 0 : i32
    return %arg0, %c0_i32 : i32, i32
  }
  func.func @transform_2(%arg0: i32) -> (i32, i32) {
    %c0_i32 = arith.constant 0 : i32
    %c0_i32_0 = arith.constant 0 : i32
    return %arg0, %c0_i32 : i32, i32
  }
  func.func @transform_3(%arg0: i32) -> (i32, i32) {
    %c0_i32 = arith.constant 0 : i32
    %c0_i32_0 = arith.constant 0 : i32
    %c0_i32_1 = arith.constant 0 : i32
    return %c0_i32, %c0_i32_0 : i32, i32
  }
  func.func @transform_4(%arg0: i32) -> (i32, i32) {
    %c0_i32 = arith.constant 0 : i32
    %c0_i32_0 = arith.constant 0 : i32
    return %arg0, %c0_i32 : i32, i32
  }
}

</mosaic_0001>

<sc_bundles>
// kernel: kernel.14.cloned.1.call-start
scs
__scs_entry_jumppad:
0x0: {  	(pc) =	sbr.rel $0x88, $3  }
0x1: {  	(tag) =	ssettag $0x0;
	lr =	simm.s32 $0x1  }
0x2: {  	[smem:$0x3F95] =	sst lr;
	_ =	strace $0xD0000000  }
0x3: {  	_ = 	snop  }
0x4: {  	_ = 	snop  }
0x5: {  	_ = 	snop  }
0x6: {  	_ = 	snop  }
0x7: {  	_ = 	snop  }
__scs_overlays_trampoline_lowered:
0x8: {  	[smem:$0x3FA4] =	sst s0  }
0x9: {  	[smem:$0x3FA5] =	sst s1  }
0xa: {  	[smem:$0x3FA6] =	sst s2  }
0xb: {  	[smem:$0x3FA7] =	sst s3  }
0xc: {  	[smem:$0x3FA8] =	sst s4  }
0xd: {  	[smem:$0x3FA9] =	sst s5  }
0xe: {  	[smem:$0x3FAA] =	sst s6  }
0xf: {  	[smem:$0x3FAB] =	sst s7  }
0x10: {  	[smem:$0x3FAC] =	sst s8  }
0x11: {  	[smem:$0x3FAD] =	sst s9;
	s0 =	simm.s32 @!p0 $0x0  }
0x12: {  	s1 =	sld [smem:$0x3F93];
	s0 =	simm.s32 @p0 $0x1  }
0x13: {  	[smem:$0x3FAE] =	sst s0;
	s0 =	simm.s32 @!p1 $0x0  }
0x14: {  	s2 =	sld [smem:$0x3F92];
	s0 =	simm.s32 @p1 $0x1  }
0x15: {  	[smem:$0x3FAF] =	sst s0;
	s0 =	simm.s32 @!p2 $0x0  }
0x16: {  	s3 =	sld [smem:$0x3FDB];
	s0 =	simm.s32 @p2 $0x1  }
0x17: {  	s4 =	simm.s32 $0x1BF5;
	[smem:$0x3FB1] =	sst s0  }
0x18: {  	s0 =	sld [smem:$0x3F94];
	_ =	swait.ge [sflag:s4], $0x0  }
0x19: {  	s7 =	sld [smem:$0x3F95]  }
0x1a: {  	s8 =	sadd.s32 $0xFFFFE003, lr  }
0x1b: {  	s9 =	sadd.s32 $0xFFFFFEF7, lr;
	s5 =	simm.s32 $0xFFFFFFFF;
	p2 =	slt.u32 s8, $0xFFFFF086  }
0x1c: {  	p1 =	slt.u32 s9, $0xF7A;
	s5 =	simm.s32 @!p2 $0x0  }
0x1d: {  	s5 =	simm.s32 @p1 $0x1;
	p0 =	seq.s32 s7, s2  }
0x1e: {  	s7 =	smul.u32 @!p0 $0xF7A, s2;
	p2 =	seq.s32 @!p0 s5, $0x0  }
0x1f: {  	s9 =	smul.u32 $0xF7A, s1;
	s8 =	simm.s32 @!p0 $0x1BF5;
	p2 =	por !p2, p0  }
0x20: {  	[sflag:s8] =	ssyncset.s32 @!p0 $0xFFFFF086;
	s6 =	sadd.s32 @!p0 s3, s7;
	s7 =	simm.s32 @!p0 $0x108  }
0x21: {  	s3 =	sadd.s32 s3, s9;
	s6 =	sadd.s32 @!p0 $0x88, s6;
	s7 =	simm.s32 @p2 $0x1082  }
0x22: {  	[simem:s7], [sflag:s8] =	dma.local @!p0 [hbm:s6], $0xF7A  }
0x23: {  	s9 =	sor.u32 $0xD0000000, s2;
	s6 =	simm.s32 $0x108;
	_ =	swait.ge @!p0 [sflag:s8], $0x0  }
0x24: {  	s3 =	sadd.s32 $0x88, s3;
	s6 =	simm.s32 @!p1 $0x1082;
	[sflag:s4] =	ssyncset.s32 $0xFFFFF086  }
0x25: {  	[simem:s6], [sflag:s4] =	dma.local [hbm:s3], $0xF7A  }
0x26: {  	[smem:$0x3F95] =	sst s1;
	(tag) =	ssettag s2;
	_ =	strace s9  }
0x27: {  	s1 =	sld [smem:$0x3FA5]  }
0x28: {  	s2 =	sld [smem:$0x3FA6]  }
0x29: {  	s4 =	sld [smem:$0x3FA8]  }
0x2a: {  	p0 =	seq.s32 s5, $0x0;
	s5 =	sld [smem:$0x3FA9]  }
0x2b: {  	s6 =	sld [smem:$0x3FAA]  }
0x2c: {  	s7 =	sld [smem:$0x3FAB]  }
0x2d: {  	s3 =	simm.s32 $0x108;
	s8 =	sld [smem:$0x3FAC]  }
0x2e: {  	s3 =	simm.s32 @!p0 $0x1082;
	s9 =	sld [smem:$0x3FAD]  }
0x2f: {  	lr =	sadd.s32 s0, s3;
	s0 =	sld [smem:$0x3FA4]  }
0x30: {  	s3 =	sld [smem:$0x3FA7]  }
0x31: {  	[smem:$0x3FB0] =	sst s10  }
0x32: {  	s10 =	sld [smem:$0x3FAE];
	_ =	sdelay $0x3  }
0x33: {  	p0 =	seq.s32 s10, $0x1;
	s10 =	sld [smem:$0x3FB0];
	_ =	sdelay $0x3  }
0x34: {  	[smem:$0x3FB0] =	sst s10  }
0x35: {  	s10 =	sld [smem:$0x3FAF];
	_ =	sdelay $0x3  }
0x36: {  	p1 =	seq.s32 s10, $0x1;
	s10 =	sld [smem:$0x3FB0];
	_ =	sdelay $0x3  }
0x37: {  	[smem:$0x3FB0] =	sst s10  }
0x38: {  	s10 =	sld [smem:$0x3FB1]  }
0x39: {  	_ = 	snop;
	(pc) =	sbr.ind lr, $3  }
0x3a: {  	_ = 	snop  }
0x3b: {  	_ = 	snop  }
0x3c: {  	p2 =	seq.s32 s10, $0x1;
	s10 =	sld [smem:$0x3FB0]  }
0x3d: {  	_ =	shalt  }
0x3e: {  	_ =	shalt  }
0x3f: {  	_ =	shalt  }
0x40: {  	_ =	shalt  }
0x41: {  	_ =	shalt  }
0x42: {  	_ =	shalt  }
0x43: {  	_ =	shalt  }
0x44: {  	_ =	shalt  }
0x45: {  	_ =	shalt  }
0x46: {  	_ =	shalt  }
0x47: {  	_ =	shalt  }
0x48: {  	_ =	shalt  }
0x49: {  	_ =	shalt  }
0x4a: {  	_ =	shalt  }
0x4b: {  	_ =	shalt  }
0x4c: {  	_ =	shalt  }
0x4d: {  	_ =	shalt  }
0x4e: {  	_ =	shalt  }
0x4f: {  	_ =	shalt  }
0x50: {  	_ =	shalt  }
0x51: {  	_ =	shalt  }
0x52: {  	_ =	shalt  }
0x53: {  	_ =	shalt  }
0x54: {  	_ =	shalt  }
0x55: {  	_ =	shalt  }
0x56: {  	_ =	shalt  }
0x57: {  	_ =	shalt  }
0x58: {  	_ =	shalt  }
0x59: {  	_ =	shalt  }
0x5a: {  	_ =	shalt  }
0x5b: {  	_ =	shalt  }
0x5c: {  	_ =	shalt  }
0x5d: {  	_ =	shalt  }
0x5e: {  	_ =	shalt  }
0x5f: {  	_ =	shalt  }
0x60: {  	_ =	shalt  }
0x61: {  	_ =	shalt  }
0x62: {  	_ =	shalt  }
0x63: {  	_ =	shalt  }
0x64: {  	_ =	shalt  }
0x65: {  	_ =	shalt  }
0x66: {  	_ =	shalt  }
0x67: {  	_ =	shalt  }
0x68: {  	_ =	shalt  }
0x69: {  	_ =	shalt  }
0x6a: {  	_ =	shalt  }
0x6b: {  	_ =	shalt  }
0x6c: {  	_ =	shalt  }
0x6d: {  	_ =	shalt  }
0x6e: {  	_ =	shalt  }
0x6f: {  	_ =	shalt  }
0x70: {  	_ =	shalt  }
0x71: {  	_ =	shalt  }
0x72: {  	_ =	shalt  }
0x73: {  	_ =	shalt  }
0x74: {  	_ =	shalt  }
0x75: {  	_ =	shalt  }
0x76: {  	_ =	shalt  }
0x77: {  	_ =	shalt  }
0x78: {  	_ =	shalt  }
0x79: {  	_ =	shalt  }
0x7a: {  	_ =	shalt  }
0x7b: {  	_ =	shalt  }
0x7c: {  	_ =	shalt  }
0x7d: {  	_ =	shalt  }
0x7e: {  	_ =	shalt  }
0x7f: {  	_ =	shalt  }
0x80: {  	_ =	shalt  }
0x81: {  	_ =	shalt  }
0x82: {  	_ =	shalt  }
0x83: {  	_ =	shalt  }
0x84: {  	_ =	shalt  }
0x85: {  	_ =	shalt  }
0x86: {  	_ =	shalt  }
0x87: {  	_ =	shalt  }
.Lfunc_end0:
.L_simem_size_0:
called_computation_lowered:
.L_overlay_start_0:
0x88: {  	s2 =	sld [smem:$0x3FD9]  }
0x89: {  	s3 =	sld [smem:$0x3FFE];
	_ =	sdelay $0x1  }
0x8a: {  	s1 =	srdreg.scid  }
0x8b: {  	s0 =	sand.u32 $0x1, s1  }
0x8c: {  	s17 =	sshll.u32 s0, $0xA;
	s2 =	sadd.s32 s3, s2  }
0x8d: {  	s2 =	sadd.s32 s2, s17  }
0x8e: {  	[smem:$0x3FBC] =	sst s2  }
0x8f: {  	_ = 	snop  }
0x90: {  	s2 =	sld [smem:$0x3FD0];
	(tm) =	ssettm $0x1  }
0x91: {  	s18 =	sld [smem:$0x3FFB];
	_ =	sdelay $0x3  }
0x92: {  	_ =	strace s18  }
0x93: {  	s3 =	sld [smem:$0x3FFC];
	_ =	sdelay $0x3  }
0x94: {  	_ =	strace s3  }
0x95: {  	s3 =	sld [smem:$0x3FFD];
	_ =	sdelay $0x3  }
0x96: {  	_ =	strace s3  }
0x97: {  	_ =	strace $0x8FFFFFFF  }
0x98: {  	s19 =	sld [smem:$0x3FDB];
	_ =	sdelay $0x1  }
0x99: {  	s4 =	simm.s32 $_scs_section_size  }
0x9a: {  	s5 =	simm.s32 $_size__tile_overlayer_lowered;
	s6 =	simm.s32 $_tile_overlayer_lowered  }
0x9b: {  	s22 =	simm.s32 $0x1BFF;
	s21 =	sshll.u32 s6, $0x1;
	s3 =	sadd.s32 s4, s19  }
0x9c: {  	s7 =	simm.s32 $0x0;
	s20 =	sshll.u32 s5, $0x1;
	s5 =	sadd.s32 s21, s3  }
0x9d: {  	[timem:s7], [sflag:s22] =	dma.local [hbm:s5], s20  }
0x9e: {  	_ =	swait.ge [sflag:s22], s20  }
0x9f: {  	s4 =	ssub.s32 $0x0, s20;
	[sflag:s22] =	ssyncset.done $0x0  }
0xa0: {  	[sflag:s22] =	ssyncadd.s32 s4;
	_ =	sdelay $0x1  }
0xa1: {  	s23 =	simm.s32 $0x1B8B  }
0xa2: {  	_ =	swait.ge [sflag:s23], $0x1  }
0xa3: {  	[sflag:s23] =	ssyncset.done $0x0  }
0xa4: {  	s25 =	simm.s32 $0x1B8E;
	s24 =	sld [smem:$0x3FFE];
	[sflag:s23] =	ssyncadd.s32 $0xFFFFFFFF  }
0xa5: {  	s26 =	simm.s32 $execute0_lowered;
	[smem:$0x3FD2] =	sst s25  }
0xa6: {  	s5 =	sshll.u32 s26, $0x1;
	_ =	strace $0x80000046;
	[dreg:$0x1] =	wrdreg $0xFFFFFFFF  }
0xa7: {  	s28 =	simm.s32 $_size_execute0_lowered;
	s3 =	sadd.s32 s3, s5;
	[dreg:$0x0] =	wrdreg $0x0  }
0xa8: {  	s5 =	sshll.u32 s28, $0x1;
	[dreg:$0x2] =	wrdreg s3  }
0xa9: {  	[dreg:$0x3] =	wrdreg s5  }
0xaa: {  	[dreg:$0x4] =	wrdreg $0xC0  }
0xab: {  	_ =	task [dreg:s7], $0x5FFFF  }
0xac: {  	[dreg:$0x1] =	wrdreg $0xFFFFFFFF  }
0xad: {  	[dreg:$0x0] =	wrdreg $0x60  }
0xae: {  	[dreg:$0x2] =	wrdreg s24  }
0xaf: {  	[dreg:$0x3] =	wrdreg s2  }
0xb0: {  	[dreg:$0x4] =	wrdreg $0x30000  }
0xb1: {  	[dreg:$0x5] =	wrdreg $0x9  }
0xb2: {  	_ =	task.clear_ibuf [dreg:s7], $0x6FFFF;
	_ =	strace $0x90000046  }
0xb3: {  	s29 =	simm.s32 $0x9;
	_ =	strace $0x80000048  }
0xb4: {  	_ =	swait.ge [sflag:s29], $0x1  }
0xb5: {  	[sflag:s29] =	ssyncadd.s32 $0xFFFFFFFF  }
0xb6: {  	_ =	strace $0x90000048  }
0xb7: {  	_ =	sfence  }
0xb8: {  	s30 =	sld [smem:$0x0];
	_ =	sdelay $0x2  }
0xb9: {  	s31 =	sshll.u32 s1, $0xD;
	s1 =	sshrl.u32 s1, $0x2  }
0xba: {  	s3 =	sand.u32 $0x4000, s31;
	s1 =	sadd.s32 s1, s30  }
0xbb: {  	s0 =	sor.u32 s3, s0;
	s1 =	sshll.u32 s1, $0x11  }
0xbc: {  	s0 =	sor.u32 s1, s0  }
0xbd: {  	s0 =	sadd.s32 $0x8F2B, s0  }
0xbe: {  	[sflag:s0] =	ssyncadd.remote.s32 $0x1  }
0xbf: {  	_ =	sfence.sel $0xFFFF  }
0xc0: {  	[dreg:$0x0] =	wrdreg $0xFFFFFFFF;
	(pc) =	sbr.abs _section_cstart, $3  }
0xc1: {  	[dreg:$0x1] =	wrdreg $0xFFFFFFFF  }
0xc2: {  	_ =	task.clear_ibuf [dreg:s7], $0x2FFFF;
	_ =	strace $0x9FFFFFFF  }
0xc3: {  	(tm) =	ssettm $0x7FFFFFFF  }
tec
execute0_lowered:
.L_overlay_start_1:
0x0: {  	(tag) =	ssettag $0x1  }
0x1: {  	s5 =	rddreg [dreg:$0x0]  }
0x2: {  	s6 =	rddreg [dreg:$0x1]  }
0x3: {  	s2 =	rddreg [dreg:$0x2];
	s3 =	srdreg.scid  }
0x4: {  	s1 =	stileid.u32;
	s0 =	rddreg [dreg:$0x3];
	s13 =	simm.s32 $0x80  }
0x5: {  	s14 =	simm.s32 $0x1;
	s15 =	simm.s32 $0x0;
	s7 =	sand.u32 $0x1, s3  }
0x6: {  	s8 =	smul.u32 $0x2780, s1;
	s3 =	simm.s32 $0x0;
	s4 =	sshll.u32 s1, $0x1  }
0x7: {  	s31 =	sshll.u32 s1, $0x6;
	s9 =	smul.u32 $0x27800, s7;
	[smem:$0x7FF] =	sst s3  }
0x8: {  	s4 =	sor.u32 s7, s4;
	s7 =	ssub.s32 $0x2, s7;
	_ =	strace $0x80000047  }
0x9: {  	s10 =	smul.u32 $0x500, s4;
	s4 =	sadd.s32 $0xDA00, s5;
	s29 =	sshrl.u32 s7, $0x1  }
0xa: {  	s30 =	sshrl.u32 s8, $0x3;
	s12 =	sadd.s32 s8, s2;
	s9 =	sadd.s32 s8, s9  }
0xb: {  	s11 =	ssub.s32 s7, s29;
	s9 =	sshrl.u32 s9, $0x3;
	s10 =	sadd.s32 s10, s5  }
0xc: {  	s9 =	sadd.s32 s9, s5;
	s5 =	sadd.s32 s6, s30;
	s6 =	sor.u32 $0x1C02, s31  }
0xd: {  	s7 =	sadd.s32 $0x3A00, s10;
	s10 =	sshrl.u32 s12, $0x3;
	s12 =	simm.s32 $0x2800  }
0xe: {  	s8 =	sadd.s32 $0xDC00, s9;
	s9 =	smax.u32 s11, $0x1;
	s11 =	simm.s32 $0x2  }
.LBB2_1:
0xf: {  	[spmem:s10], [sflag:s6] =	dma.local [hbm:s5], $0x4F0  }
0x10: {  	_ =	swait.ge [sflag:s11], $0x4F0  }
0x11: {  	[sflag:s11] =	ssyncset.done $0x0  }
0x12: {  	[sflag:s11] =	ssyncadd.s32 $0xFFFFFB10  }
0x13: {  	[tilespmem:s12], [sflag:$0x2] =	stream.linear.gather [hbm4b:s4+s3], $0x800, $0x38;
	[tilespmem:$0x5780] =	vst v63  }
0x14: {  	_ =	swait.ge [sflag:s11], $0x800  }
0x15: {  	[sflag:s11] =	ssyncset.done $0x0  }
0x16: {  	[sflag:s11] =	ssyncadd.s32 $0xFFFFF800  }
0x17: {  	[tilespmem:s3], [sflag:$0x2] =	stream.linear.gather [hbm4b:s7+s3], $0x2800, $0x38;
	[tilespmem:$0x5780] =	vst v63  }
0x18: {  	_ =	swait.ge [sflag:s11], $0x2800  }
0x19: {  	[sflag:s11] =	ssyncset.done $0x0  }
0x1a: {  	[sflag:s11] =	ssyncadd.s32 $0xFFFFD800  }
0x1b: {  	s16 =	simm.s32 $0x0;
	[bflag:$0x0] =	sbarrier.arrive $0xFFFF  }
0x1c: {  	[spmem:s2] =	stream.indirect.scatter.add.f32 [tilespmem:s12], [sflag:$0x1], $0x10, s16, s13, $0xb8;
	[tilespmem:$0x5780] =	vst v63  }
0x1d: {  	s24 =	simm.s32 $0x80  }
0x1e: {  	[spmem:s2] =	stream.indirect.scatter.add.f32 [tilespmem:s12], [sflag:$0x1], $0x10, s24, s13, $0xb8;
	[tilespmem:$0x5780] =	vst v63  }
0x1f: {  	s25 =	simm.s32 $0x100  }
0x20: {  	[spmem:s2] =	stream.indirect.scatter.add.f32 [tilespmem:s12], [sflag:$0x1], $0x10, s25, s13, $0xb8;
	[tilespmem:$0x5780] =	vst v63  }
0x21: {  	s26 =	simm.s32 $0x180  }
0x22: {  	[spmem:s2] =	stream.indirect.scatter.add.f32 [tilespmem:s12], [sflag:$0x1], $0x10, s26, s13, $0xb8;
	[tilespmem:$0x5780] =	vst v63  }
0x23: {  	s28 =	simm.s32 $0x200  }
0x24: {  	[spmem:s2] =	stream.indirect.scatter.add.f32 [tilespmem:s12], [sflag:$0x1], $0x10, s28, s13, $0xb8;
	[tilespmem:$0x5780] =	vst v63  }
0x25: {  	s29 =	simm.s32 $0x280  }
0x26: {  	[spmem:s2] =	stream.indirect.scatter.add.f32 [tilespmem:s12], [sflag:$0x1], $0x10, s29, s13, $0xb8;
	[tilespmem:$0x5780] =	vst v63  }
0x27: {  	s30 =	simm.s32 $0x300  }
0x28: {  	[spmem:s2] =	stream.indirect.scatter.add.f32 [tilespmem:s12], [sflag:$0x1], $0x10, s30, s13, $0xb8;
	[tilespmem:$0x5780] =	vst v63  }
0x29: {  	s31 =	simm.s32 $0x380  }
0x2a: {  	[spmem:s2] =	stream.indirect.scatter.add.f32 [tilespmem:s12], [sflag:$0x1], $0x10, s31, s13, $0xb8;
	[tilespmem:$0x5780] =	vst v63  }
0x2b: {  	_ =	swait.ge [sflag:s14], $0x800  }
0x2c: {  	[sflag:s14] =	ssyncset.done $0x0  }
0x2d: {  	[sflag:s14] =	ssyncadd.s32 $0xFFFFF800  }
0x2e: {  	_ =	swait.ge [sflag:s14], $0x800  }
0x2f: {  	[sflag:s14] =	ssyncset.done $0x0  }
0x30: {  	[sflag:s14] =	ssyncadd.s32 $0xFFFFF800  }
0x31: {  	_ =	swait.ge [sflag:s14], $0x800  }
0x32: {  	[sflag:s14] =	ssyncset.done $0x0  }
0x33: {  	[sflag:s14] =	ssyncadd.s32 $0xFFFFF800  }
0x34: {  	_ =	swait.ge [sflag:s14], $0x800  }
0x35: {  	[sflag:s14] =	ssyncset.done $0x0  }
0x36: {  	[sflag:s14] =	ssyncadd.s32 $0xFFFFF800  }
0x37: {  	_ =	swait.ge [sflag:s14], $0x800  }
0x38: {  	[sflag:s14] =	ssyncset.done $0x0  }
0x39: {  	[sflag:s14] =	ssyncadd.s32 $0xFFFFF800  }
0x3a: {  	_ =	swait.ge [sflag:s14], $0x800  }
0x3b: {  	[sflag:s14] =	ssyncset.done $0x0  }
0x3c: {  	[sflag:s14] =	ssyncadd.s32 $0xFFFFF800  }
0x3d: {  	_ =	swait.ge [sflag:s14], $0x800  }
0x3e: {  	[sflag:s14] =	ssyncset.done $0x0  }
0x3f: {  	[sflag:s14] =	ssyncadd.s32 $0xFFFFF800  }
0x40: {  	_ =	swait.ge [sflag:s14], $0x800  }
0x41: {  	s18 =	simm.s32 $0x2000;
	s16 =	simm.s32 $0x1000;
	[sflag:s14] =	ssyncset.done $0x0  }
.LBB2_2:
0x42: {  	s19 =	sshra.s32 s16, $0x2  }
0x43: {  	[sflag:s14] =	ssyncadd.s32 $0xFFFFF800;
	s16 =	smov.u32 s18;
	s17 =	sadd.s32 $0x1000, s18  }
0x44: {  	[spmem:s2] =	stream.indirect.scatter.add.f32 [tilespmem:s12], [sflag:$0x1], $0x10, s19, s13, $0xb8;
	[tilespmem:$0x5780] =	vst v63  }
0x45: {  	p0 =	sne.s32 s18, $0x9000;
	s18 =	sadd.s32 $0x80, s19  }
0x46: {  	[spmem:s2] =	stream.indirect.scatter.add.f32 [tilespmem:s12], [sflag:$0x1], $0x10, s18, s13, $0xb8;
	[tilespmem:$0x5780] =	vst v63  }
0x47: {  	s18 =	sadd.s32 $0x100, s19  }
0x48: {  	[spmem:s2] =	stream.indirect.scatter.add.f32 [tilespmem:s12], [sflag:$0x1], $0x10, s18, s13, $0xb8;
	[tilespmem:$0x5780] =	vst v63  }
0x49: {  	s18 =	sadd.s32 $0x180, s19  }
0x4a: {  	[spmem:s2] =	stream.indirect.scatter.add.f32 [tilespmem:s12], [sflag:$0x1], $0x10, s18, s13, $0xb8;
	[tilespmem:$0x5780] =	vst v63  }
0x4b: {  	s18 =	sadd.s32 $0x200, s19  }
0x4c: {  	[spmem:s2] =	stream.indirect.scatter.add.f32 [tilespmem:s12], [sflag:$0x1], $0x10, s18, s13, $0xb8;
	[tilespmem:$0x5780] =	vst v63  }
0x4d: {  	s18 =	sadd.s32 $0x280, s19  }
0x4e: {  	[spmem:s2] =	stream.indirect.scatter.add.f32 [tilespmem:s12], [sflag:$0x1], $0x10, s18, s13, $0xb8;
	[tilespmem:$0x5780] =	vst v63  }
0x4f: {  	s18 =	sadd.s32 $0x300, s19  }
0x50: {  	[spmem:s2] =	stream.indirect.scatter.add.f32 [tilespmem:s12], [sflag:$0x1], $0x10, s18, s13, $0xb8;
	[tilespmem:$0x5780] =	vst v63  }
0x51: {  	s18 =	sadd.s32 $0x380, s19  }
0x52: {  	[spmem:s2] =	stream.indirect.scatter.add.f32 [tilespmem:s12], [sflag:$0x1], $0x10, s18, s13, $0xb8;
	[tilespmem:$0x5780] =	vst v63  }
0x53: {  	_ =	swait.ge [sflag:s14], $0x800  }
0x54: {  	[sflag:s14] =	ssyncset.done $0x0  }
0x55: {  	[sflag:s14] =	ssyncadd.s32 $0xFFFFF800  }
0x56: {  	_ =	swait.ge [sflag:s14], $0x800  }
0x57: {  	[sflag:s14] =	ssyncset.done $0x0  }
0x58: {  	[sflag:s14] =	ssyncadd.s32 $0xFFFFF800  }
0x59: {  	_ =	swait.ge [sflag:s14], $0x800  }
0x5a: {  	[sflag:s14] =	ssyncset.done $0x0  }
0x5b: {  	[sflag:s14] =	ssyncadd.s32 $0xFFFFF800  }
0x5c: {  	_ =	swait.ge [sflag:s14], $0x800  }
0x5d: {  	[sflag:s14] =	ssyncset.done $0x0  }
0x5e: {  	[sflag:s14] =	ssyncadd.s32 $0xFFFFF800  }
0x5f: {  	_ =	swait.ge [sflag:s14], $0x800  }
0x60: {  	[sflag:s14] =	ssyncset.done $0x0  }
0x61: {  	[sflag:s14] =	ssyncadd.s32 $0xFFFFF800  }
0x62: {  	_ =	swait.ge [sflag:s14], $0x800  }
0x63: {  	[sflag:s14] =	ssyncset.done $0x0  }
0x64: {  	[sflag:s14] =	ssyncadd.s32 $0xFFFFF800  }
.Ltmp0:
0x65: {  	_ =	swait.ge [sflag:s14], $0x800;
	(pc) =	sbr.rel @p0 .LBB2_2-.Ltmp0, $4  }
0x66: {  	[sflag:s14] =	ssyncset.done $0x0  }
0x67: {  	[sflag:s14] =	ssyncadd.s32 $0xFFFFF800  }
0x68: {  	_ =	swait.ge [sflag:s14], $0x800  }
0x69: {  	s18 =	smov.u32 s17;
	[sflag:s14] =	ssyncset.done $0x0  }
0x6a: {  	s16 =	sshra.s32 s16, $0x2;
	[sflag:s14] =	ssyncadd.s32 $0xFFFFF800  }
0x6b: {  	[spmem:s2] =	stream.indirect.scatter.add.f32 [tilespmem:s12], [sflag:$0x1], $0x10, s16, s13, $0xb8;
	[tilespmem:$0x5780] =	vst v63  }
0x6c: {  	s17 =	sadd.s32 $0x80, s16  }
0x6d: {  	[spmem:s2] =	stream.indirect.scatter.add.f32 [tilespmem:s12], [sflag:$0x1], $0x10, s17, s13, $0xb8;
	[tilespmem:$0x5780] =	vst v63  }
0x6e: {  	s26 =	sadd.s32 $0x100, s16  }
0x6f: {  	[spmem:s2] =	stream.indirect.scatter.add.f32 [tilespmem:s12], [sflag:$0x1], $0x10, s26, s13, $0xb8;
	[tilespmem:$0x5780] =	vst v63  }
0x70: {  	s28 =	sadd.s32 $0x180, s16  }
0x71: {  	[spmem:s2] =	stream.indirect.scatter.add.f32 [tilespmem:s12], [sflag:$0x1], $0x10, s28, s13, $0xb8;
	[tilespmem:$0x5780] =	vst v63  }
0x72: {  	s29 =	sadd.s32 $0x200, s16  }
0x73: {  	[spmem:s2] =	stream.indirect.scatter.add.f32 [tilespmem:s12], [sflag:$0x1], $0x10, s29, s13, $0xb8;
	[tilespmem:$0x5780] =	vst v63  }
0x74: {  	s30 =	sadd.s32 $0x280, s16  }
0x75: {  	[spmem:s2] =	stream.indirect.scatter.add.f32 [tilespmem:s12], [sflag:$0x1], $0x10, s30, s13, $0xb8;
	[tilespmem:$0x5780] =	vst v63  }
0x76: {  	s31 =	sadd.s32 $0x300, s16  }
0x77: {  	[spmem:s2] =	stream.indirect.scatter.add.f32 [tilespmem:s12], [sflag:$0x1], $0x10, s31, s13, $0xb8;
	[tilespmem:$0x5780] =	vst v63  }
0x78: {  	s16 =	sadd.s32 $0x380, s16  }
0x79: {  	[spmem:s2] =	stream.indirect.scatter.add.f32 [tilespmem:s12], [sflag:$0x1], $0x10, s16, s13, $0xb8;
	[tilespmem:$0x5780] =	vst v63  }
0x7a: {  	_ =	swait.ge [sflag:s14], $0x800  }
0x7b: {  	[sflag:s14] =	ssyncset.done $0x0  }
0x7c: {  	[sflag:s14] =	ssyncadd.s32 $0xFFFFF800  }
0x7d: {  	_ =	swait.ge [sflag:s14], $0x800  }
0x7e: {  	[sflag:s14] =	ssyncset.done $0x0  }
0x7f: {  	[sflag:s14] =	ssyncadd.s32 $0xFFFFF800  }
0x80: {  	_ =	swait.ge [sflag:s14], $0x800  }
0x81: {  	[sflag:s14] =	ssyncset.done $0x0  }
0x82: {  	[sflag:s14] =	ssyncadd.s32 $0xFFFFF800  }
0x83: {  	_ =	swait.ge [sflag:s14], $0x800  }
0x84: {  	[sflag:s14] =	ssyncset.done $0x0  }
0x85: {  	[sflag:s14] =	ssyncadd.s32 $0xFFFFF800  }
0x86: {  	_ =	swait.ge [sflag:s14], $0x800  }
0x87: {  	[sflag:s14] =	ssyncset.done $0x0  }
0x88: {  	[sflag:s14] =	ssyncadd.s32 $0xFFFFF800  }
0x89: {  	_ =	swait.ge [sflag:s14], $0x800  }
0x8a: {  	[sflag:s14] =	ssyncset.done $0x0  }
0x8b: {  	[sflag:s14] =	ssyncadd.s32 $0xFFFFF800  }
0x8c: {  	_ =	swait.ge [sflag:s14], $0x800  }
0x8d: {  	[sflag:s14] =	ssyncset.done $0x0  }
0x8e: {  	[sflag:s14] =	ssyncadd.s32 $0xFFFFF800  }
0x8f: {  	_ =	swait.ge [sflag:s14], $0x800  }
0x90: {  	s15 =	sadd.s32 $0x1, s15;
	[sflag:s14] =	ssyncset.done $0x0  }
0x91: {  	p0 =	sne.s32 s15, s9;
	[sflag:s14] =	ssyncadd.s32 $0xFFFFF800  }
.Ltmp1:
0x92: {  	[bflag:$0x0] =	sbarrier.arrive $0xFFFF;
	(pc) =	sbr.rel @p0 .LBB2_1-.Ltmp1, $4  }
0x93: {  	[hbm:s8], [sflag:s6] =	dma.local [spmem:s10], $0x4F0  }
0x94: {  	_ =	swait.ge [sflag:s11], $0x4F0  }
0x95: {  	[sflag:s11] =	ssyncset.done $0x0  }
0x96: {  	[sflag:s11] =	ssyncadd.s32 $0xFFFFFB10  }
0x97: {  	_ =	sfence.sel $0x180000  }
0x98: {  	[bflag:$0x0] =	sbarrier.arrive $0xFFFF  }
0x99: {  	p0 =	sne.s32 s1, $0x0;
	_ =	strace $0x90000047  }
0x9a: {  	s0 =	sadd.s32 @!p0 $0x100000, s0;
	[bflag:$0x2] =	sbarrier.arrive $0xFFFF  }
0x9b: {  	[sflag:s0] =	ssyncadd.tile.s32 @!p0 $0x1;
	_ =	shalt  }
.Lfunc_end2:
_tile_overlayer_lowered:
.L_overlay_start_2:
0x9c: {  	(tag) =	ssettag $0x2  }
0x9d: {  	s0 =	rddreg [dreg:$0x0];
	s2 =	stileid.u32  }
0x9e: {  	s1 =	rddreg [dreg:$0x1];
	p0 =	sne.s32 s2, $0x0  }
0x9f: {  	s3 =	rddreg [dreg:$0x2];
	[bflag:$0x3] =	sbarrier.arrive $0xFFFF;
	s2 =	simm.s32 @!p0 $0x1C02  }
0xa0: {  	[timem:s3], [sflag:s2] =	dma.local @!p0 [hbm:s0], s1  }
0xa1: {  	s0 =	simm.s32 @!p0 $0x2  }
0xa2: {  	_ =	swait.ge @!p0 [sflag:s0], s1  }
0xa3: {  	s1 =	ssub.s32 @!p0 $0x0, s1;
	[sflag:s0] =	ssyncset.done @!p0 $0x0  }
0xa4: {  	[sflag:s0] =	ssyncadd.s32 @!p0 s1  }
0xa5: {  	[bflag:$0x3] =	sbarrier.arrive $0xFFFF  }
0xa6: {  	_ =	shalt  }

// kernel: kernel.17.cloned.1.call-start
scs
__scs_entry_jumppad:
0x0: {  	(pc) =	sbr.rel $0x88, $3  }
0x1: {  	(tag) =	ssettag $0x0;
	lr =	simm.s32 $0x1  }
0x2: {  	[smem:$0x3F95] =	sst lr;
	_ =	strace $0xD0000000  }
0x3: {  	_ = 	snop  }
0x4: {  	_ = 	snop  }
0x5: {  	_ = 	snop  }
0x6: {  	_ = 	snop  }
0x7: {  	_ = 	snop  }
__scs_overlays_trampoline_lowered:
0x8: {  	[smem:$0x3FA4] =	sst s0  }
0x9: {  	[smem:$0x3FA5] =	sst s1  }
0xa: {  	[smem:$0x3FA6] =	sst s2  }
0xb: {  	[smem:$0x3FA7] =	sst s3  }
0xc: {  	[smem:$0x3FA8] =	sst s4  }
0xd: {  	[smem:$0x3FA9] =	sst s5  }
0xe: {  	[smem:$0x3FAA] =	sst s6  }
0xf: {  	[smem:$0x3FAB] =	sst s7  }
0x10: {  	[smem:$0x3FAC] =	sst s8  }
0x11: {  	[smem:$0x3FAD] =	sst s9;
	s0 =	simm.s32 @!p0 $0x0  }
0x12: {  	s1 =	sld [smem:$0x3F93];
	s0 =	simm.s32 @p0 $0x1  }
0x13: {  	[smem:$0x3FAE] =	sst s0;
	s0 =	simm.s32 @!p1 $0x0  }
0x14: {  	s2 =	sld [smem:$0x3F92];
	s0 =	simm.s32 @p1 $0x1  }
0x15: {  	[smem:$0x3FAF] =	sst s0;
	s0 =	simm.s32 @!p2 $0x0  }
0x16: {  	s3 =	sld [smem:$0x3FDB];
	s0 =	simm.s32 @p2 $0x1  }
0x17: {  	s4 =	simm.s32 $0x1BF5;
	[smem:$0x3FB1] =	sst s0  }
0x18: {  	s0 =	sld [smem:$0x3F94];
	_ =	swait.ge [sflag:s4], $0x0  }
0x19: {  	s7 =	sld [smem:$0x3F95]  }
0x1a: {  	s8 =	sadd.s32 $0xFFFFE003, lr  }
0x1b: {  	s9 =	sadd.s32 $0xFFFFFEF7, lr;
	s5 =	simm.s32 $0xFFFFFFFF;
	p2 =	slt.u32 s8, $0xFFFFF086  }
0x1c: {  	p1 =	slt.u32 s9, $0xF7A;
	s5 =	simm.s32 @!p2 $0x0  }
0x1d: {  	s5 =	simm.s32 @p1 $0x1;
	p0 =	seq.s32 s7, s2  }
0x1e: {  	s7 =	smul.u32 @!p0 $0xF7A, s2;
	p2 =	seq.s32 @!p0 s5, $0x0  }
0x1f: {  	s9 =	smul.u32 $0xF7A, s1;
	s8 =	simm.s32 @!p0 $0x1BF5;
	p2 =	por !p2, p0  }
0x20: {  	[sflag:s8] =	ssyncset.s32 @!p0 $0xFFFFF086;
	s6 =	sadd.s32 @!p0 s3, s7;
	s7 =	simm.s32 @!p0 $0x108  }
0x21: {  	s3 =	sadd.s32 s3, s9;
	s6 =	sadd.s32 @!p0 $0x88, s6;
	s7 =	simm.s32 @p2 $0x1082  }
0x22: {  	[simem:s7], [sflag:s8] =	dma.local @!p0 [hbm:s6], $0xF7A  }
0x23: {  	s9 =	sor.u32 $0xD0000000, s2;
	s6 =	simm.s32 $0x108;
	_ =	swait.ge @!p0 [sflag:s8], $0x0  }
0x24: {  	s3 =	sadd.s32 $0x88, s3;
	s6 =	simm.s32 @!p1 $0x1082;
	[sflag:s4] =	ssyncset.s32 $0xFFFFF086  }
0x25: {  	[simem:s6], [sflag:s4] =	dma.local [hbm:s3], $0xF7A  }
0x26: {  	[smem:$0x3F95] =	sst s1;
	(tag) =	ssettag s2;
	_ =	strace s9  }
0x27: {  	s1 =	sld [smem:$0x3FA5]  }
0x28: {  	s2 =	sld [smem:$0x3FA6]  }
0x29: {  	s4 =	sld [smem:$0x3FA8]  }
0x2a: {  	p0 =	seq.s32 s5, $0x0;
	s5 =	sld [smem:$0x3FA9]  }
0x2b: {  	s6 =	sld [smem:$0x3FAA]  }
0x2c: {  	s7 =	sld [smem:$0x3FAB]  }
0x2d: {  	s3 =	simm.s32 $0x108;
	s8 =	sld [smem:$0x3FAC]  }
0x2e: {  	s3 =	simm.s32 @!p0 $0x1082;
	s9 =	sld [smem:$0x3FAD]  }
0x2f: {  	lr =	sadd.s32 s0, s3;
	s0 =	sld [smem:$0x3FA4]  }
0x30: {  	s3 =	sld [smem:$0x3FA7]  }
0x31: {  	[smem:$0x3FB0] =	sst s10  }
0x32: {  	s10 =	sld [smem:$0x3FAE];
	_ =	sdelay $0x3  }
0x33: {  	p0 =	seq.s32 s10, $0x1;
	s10 =	sld [smem:$0x3FB0];
	_ =	sdelay $0x3  }
0x34: {  	[smem:$0x3FB0] =	sst s10  }
0x35: {  	s10 =	sld [smem:$0x3FAF];
	_ =	sdelay $0x3  }
0x36: {  	p1 =	seq.s32 s10, $0x1;
	s10 =	sld [smem:$0x3FB0];
	_ =	sdelay $0x3  }
0x37: {  	[smem:$0x3FB0] =	sst s10  }
0x38: {  	s10 =	sld [smem:$0x3FB1]  }
0x39: {  	_ = 	snop;
	(pc) =	sbr.ind lr, $3  }
0x3a: {  	_ = 	snop  }
0x3b: {  	_ = 	snop  }
0x3c: {  	p2 =	seq.s32 s10, $0x1;
	s10 =	sld [smem:$0x3FB0]  }
0x3d: {  	_ =	shalt  }
0x3e: {  	_ =	shalt  }
0x3f: {  	_ =	shalt  }
0x40: {  	_ =	shalt  }
0x41: {  	_ =	shalt  }
0x42: {  	_ =	shalt  }
0x43: {  	_ =	shalt  }
0x44: {  	_ =	shalt  }
0x45: {  	_ =	shalt  }
0x46: {  	_ =	shalt  }
0x47: {  	_ =	shalt  }
0x48: {  	_ =	shalt  }
0x49: {  	_ =	shalt  }
0x4a: {  	_ =	shalt  }
0x4b: {  	_ =	shalt  }
0x4c: {  	_ =	shalt  }
0x4d: {  	_ =	shalt  }
0x4e: {  	_ =	shalt  }
0x4f: {  	_ =	shalt  }
0x50: {  	_ =	shalt  }
0x51: {  	_ =	shalt  }
0x52: {  	_ =	shalt  }
0x53: {  	_ =	shalt  }
0x54: {  	_ =	shalt  }
0x55: {  	_ =	shalt  }
0x56: {  	_ =	shalt  }
0x57: {  	_ =	shalt  }
0x58: {  	_ =	shalt  }
0x59: {  	_ =	shalt  }
0x5a: {  	_ =	shalt  }
0x5b: {  	_ =	shalt  }
0x5c: {  	_ =	shalt  }
0x5d: {  	_ =	shalt  }
0x5e: {  	_ =	shalt  }
0x5f: {  	_ =	shalt  }
0x60: {  	_ =	shalt  }
0x61: {  	_ =	shalt  }
0x62: {  	_ =	shalt  }
0x63: {  	_ =	shalt  }
0x64: {  	_ =	shalt  }
0x65: {  	_ =	shalt  }
0x66: {  	_ =	shalt  }
0x67: {  	_ =	shalt  }
0x68: {  	_ =	shalt  }
0x69: {  	_ =	shalt  }
0x6a: {  	_ =	shalt  }
0x6b: {  	_ =	shalt  }
0x6c: {  	_ =	shalt  }
0x6d: {  	_ =	shalt  }
0x6e: {  	_ =	shalt  }
0x6f: {  	_ =	shalt  }
0x70: {  	_ =	shalt  }
0x71: {  	_ =	shalt  }
0x72: {  	_ =	shalt  }
0x73: {  	_ =	shalt  }
0x74: {  	_ =	shalt  }
0x75: {  	_ =	shalt  }
0x76: {  	_ =	shalt  }
0x77: {  	_ =	shalt  }
0x78: {  	_ =	shalt  }
0x79: {  	_ =	shalt  }
0x7a: {  	_ =	shalt  }
0x7b: {  	_ =	shalt  }
0x7c: {  	_ =	shalt  }
0x7d: {  	_ =	shalt  }
0x7e: {  	_ =	shalt  }
0x7f: {  	_ =	shalt  }
0x80: {  	_ =	shalt  }
0x81: {  	_ =	shalt  }
0x82: {  	_ =	shalt  }
0x83: {  	_ =	shalt  }
0x84: {  	_ =	shalt  }
0x85: {  	_ =	shalt  }
0x86: {  	_ =	shalt  }
0x87: {  	_ =	shalt  }
.Lfunc_end0:
.L_simem_size_0:
called_computation.1_lowered:
.L_overlay_start_0:
0x88: {  	s2 =	sld [smem:$0x3FD9]  }
0x89: {  	s3 =	sld [smem:$0x3FFE];
	_ =	sdelay $0x1  }
0x8a: {  	s1 =	srdreg.scid  }
0x8b: {  	s0 =	sand.u32 $0x1, s1  }
0x8c: {  	s16 =	sshll.u32 s0, $0xA;
	s2 =	sadd.s32 s3, s2  }
0x8d: {  	s2 =	sadd.s32 s2, s16  }
0x8e: {  	[smem:$0x3FBC] =	sst s2  }
0x8f: {  	_ = 	snop  }
0x90: {  	(tm) =	ssettm $0x1  }
0x91: {  	s17 =	sld [smem:$0x3FFB];
	_ =	sdelay $0x3  }
0x92: {  	_ =	strace s17  }
0x93: {  	s2 =	sld [smem:$0x3FFC];
	_ =	sdelay $0x3  }
0x94: {  	_ =	strace s2  }
0x95: {  	s2 =	sld [smem:$0x3FFD];
	_ =	sdelay $0x3  }
0x96: {  	_ =	strace s2  }
0x97: {  	_ =	strace $0x8FFFFFFF  }
0x98: {  	s18 =	sld [smem:$0x3FDB];
	_ =	sdelay $0x1  }
0x99: {  	s19 =	simm.s32 $_scs_section_size  }
0x9a: {  	s4 =	simm.s32 $_size__tile_overlayer_lowered;
	s5 =	simm.s32 $_tile_overlayer_lowered  }
0x9b: {  	s22 =	simm.s32 $0x1BFF;
	s21 =	sshll.u32 s5, $0x1;
	s2 =	sadd.s32 s19, s18  }
0x9c: {  	s6 =	simm.s32 $0x0;
	s20 =	sshll.u32 s4, $0x1;
	s4 =	sadd.s32 s21, s2  }
0x9d: {  	[timem:s6], [sflag:s22] =	dma.local [hbm:s4], s20  }
0x9e: {  	_ =	swait.ge [sflag:s22], s20  }
0x9f: {  	s3 =	ssub.s32 $0x0, s20;
	[sflag:s22] =	ssyncset.done $0x0  }
0xa0: {  	[sflag:s22] =	ssyncadd.s32 s3;
	_ =	sdelay $0x1  }
0xa1: {  	s23 =	simm.s32 $0x1B8B  }
0xa2: {  	_ =	swait.ge [sflag:s23], $0x1  }
0xa3: {  	[sflag:s23] =	ssyncset.done $0x0  }
0xa4: {  	s25 =	simm.s32 $0x1B8E;
	s24 =	sld [smem:$0x3FFE];
	[sflag:s23] =	ssyncadd.s32 $0xFFFFFFFF  }
0xa5: {  	s26 =	simm.s32 $execute0_lowered;
	[smem:$0x3FD2] =	sst s25  }
0xa6: {  	s4 =	sshll.u32 s26, $0x1;
	_ =	strace $0x80000049;
	[dreg:$0x1] =	wrdreg $0xFFFFFFFF  }
0xa7: {  	s28 =	simm.s32 $_size_execute0_lowered;
	s2 =	sadd.s32 s2, s4;
	[dreg:$0x0] =	wrdreg $0x0  }
0xa8: {  	s4 =	sshll.u32 s28, $0x1;
	[dreg:$0x2] =	wrdreg s2  }
0xa9: {  	[dreg:$0x3] =	wrdreg s4  }
0xaa: {  	[dreg:$0x4] =	wrdreg $0xC0  }
0xab: {  	_ =	task [dreg:s6], $0x5FFFF  }
0xac: {  	[dreg:$0x1] =	wrdreg $0xFFFFFFFF  }
0xad: {  	[dreg:$0x0] =	wrdreg $0x60  }
0xae: {  	[dreg:$0x2] =	wrdreg s24  }
0xaf: {  	[dreg:$0x3] =	wrdreg $0x8F000  }
0xb0: {  	[dreg:$0x4] =	wrdreg $0x9  }
0xb1: {  	_ =	task.clear_ibuf [dreg:s6], $0x5FFFF;
	_ =	strace $0x90000049  }
0xb2: {  	s29 =	simm.s32 $0x9;
	_ =	strace $0x8000004B  }
0xb3: {  	_ =	swait.ge [sflag:s29], $0x1  }
0xb4: {  	[sflag:s29] =	ssyncadd.s32 $0xFFFFFFFF  }
0xb5: {  	_ =	strace $0x9000004B  }
0xb6: {  	_ =	sfence  }
0xb7: {  	s30 =	sld [smem:$0x0];
	_ =	sdelay $0x2  }
0xb8: {  	s31 =	sshll.u32 s1, $0xD;
	s1 =	sshrl.u32 s1, $0x2  }
0xb9: {  	s3 =	sand.u32 $0x4000, s31;
	s1 =	sadd.s32 s1, s30  }
0xba: {  	s0 =	sor.u32 s3, s0;
	s1 =	sshll.u32 s1, $0x11  }
0xbb: {  	s0 =	sor.u32 s1, s0  }
0xbc: {  	s0 =	sadd.s32 $0x8F2B, s0  }
0xbd: {  	[sflag:s0] =	ssyncadd.remote.s32 $0x1  }
0xbe: {  	_ =	sfence.sel $0xFFFF  }
0xbf: {  	[dreg:$0x0] =	wrdreg $0xFFFFFFFF;
	(pc) =	sbr.abs _section_cstart, $3  }
0xc0: {  	[dreg:$0x1] =	wrdreg $0xFFFFFFFF  }
0xc1: {  	_ =	task.clear_ibuf [dreg:s6], $0x2FFFF;
	_ =	strace $0x9FFFFFFF  }
0xc2: {  	(tm) =	ssettm $0x7FFFFFFF  }
0xc3: {  	_ =	shalt  }
tec
execute0_lowered:
.L_overlay_start_1:
0x0: {  	(tag) =	ssettag $0x1  }
0x1: {  	s1 =	srdreg.scid  }
0x2: {  	s0 =	stileid.u32;
	s6 =	rddreg [dreg:$0x0]  }
0x3: {  	s2 =	rddreg [dreg:$0x1];
	s3 =	simm.s32 $0x0;
	s14 =	simm.s32 $0x40  }
0x4: {  	s15 =	simm.s32 $0x4F00;
	s16 =	simm.s32 $0x6F00;
	s17 =	simm.s32 $0x1  }
0x5: {  	s18 =	simm.s32 $0x2;
	s19 =	simm.s32 $0x3;
	s20 =	simm.s32 $0x4  }
0x6: {  	s21 =	simm.s32 $0x4E80;
	s22 =	simm.s32 $0x4EC0;
	s23 =	simm.s32 $0x0  }
0x7: {  	s5 =	sand.u32 $0x1, s1;
	s28 =	sshll.u32 s0, $0x1;
	s8 =	smul.u32 $0x13C00, s0  }
0x8: {  	[smem:$0x7FF] =	sst s3;
	s4 =	sadd.s32 $0x2B600, s6;
	s31 =	sshll.u32 s0, $0x6  }
0x9: {  	s1 =	sor.u32 s5, s28;
	s9 =	smul.u32 $0x13C000, s5;
	s5 =	ssub.s32 $0x2, s5  }
0xa: {  	s7 =	smul.u32 $0x4F0, s1;
	s1 =	rddreg [dreg:$0x2];
	_ =	strace $0x8000004A  }
0xb: {  	s30 =	sshrl.u32 s8, $0x3;
	s11 =	sshrl.u32 s5, $0x1;
	s13 =	sadd.s32 s8, s2  }
0xc: {  	s29 =	sadd.s32 s8, s9;
	s9 =	sadd.s32 s30, s6;
	s11 =	ssub.s32 s5, s11  }
0xd: {  	s10 =	sadd.s32 s7, s6;
	s7 =	sshrl.u32 s29, $0x3;
	s5 =	sadd.s32 $0x52800, s9  }
0xe: {  	s12 =	sadd.s32 s7, s6;
	s6 =	sor.u32 $0x1C05, s31;
	s7 =	sadd.s32 $0x21800, s10  }
0xf: {  	s8 =	sadd.s32 $0x17A00, s10;
	s10 =	smax.u32 s11, $0x1;
	s11 =	sshrl.u32 s13, $0x3  }
0x10: {  	s13 =	simm.s32 $0x2780;
	s9 =	sadd.s32 $0x7A000, s12;
	s12 =	simm.s32 $0x5  }
.LBB2_1:
0x11: {  	[spmem:s11], [sflag:s6] =	dma.local [hbm:s5], $0x2780  }
0x12: {  	_ =	swait.ge [sflag:s12], $0x2780  }
0x13: {  	[sflag:s12] =	ssyncset.done $0x0  }
0x14: {  	[sflag:s12] =	ssyncadd.s32 $0xFFFFD880  }
0x15: {  	[tilespmem:s3], [sflag:$0x5] =	stream.linear.gather [hbm4b:s7+s3], $0x2780, $0x38;
	[tilespmem:$0x1CB00] =	vst v63  }
0x16: {  	_ =	swait.ge [sflag:s12], $0x2780  }
0x17: {  	[sflag:s12] =	ssyncset.done $0x0  }
0x18: {  	[sflag:s12] =	ssyncadd.s32 $0xFFFFD880  }
0x19: {  	[tilespmem:s13], [sflag:$0x5] =	stream.linear.gather [hbm4b:s8+s3], $0x2780, $0x38;
	[tilespmem:$0x1CB00] =	vst v63  }
0x1a: {  	_ =	swait.ge [sflag:s12], $0x2780  }
0x1b: {  	[sflag:s12] =	ssyncset.done $0x0  }
0x1c: {  	[sflag:s12] =	ssyncadd.s32 $0xFFFFD880  }
0x1d: {  	[bflag:$0x0] =	sbarrier.arrive $0xFFFF  }
0x1e: {  	[tilespmem:s15], [sflag:$0x1] =	stream.indirect.gather [hbm4b:s4+s14], $0x80, s3, s14, $0xb8;
	[tilespmem:$0x1CB00] =	vst v63  }
0x1f: {  	_ = 	snop  }
0x20: {  	[tilespmem:s16], [sflag:$0x2] =	stream.indirect.gather [hbm4b:s4+s14], $0x80, s14, s14, $0xb8;
	[tilespmem:$0x1CB00] =	vst v63  }
0x21: {  	_ =	swait.ge [sflag:s17], $0x2000  }
0x22: {  	[sflag:s17] =	ssyncset.done $0x0  }
0x23: {  	s24 =	simm.s32 $0x2780;
	[sflag:s17] =	ssyncadd.s32 $0xFFFFE000  }
0x24: {  	[spmem:s2] =	stream.indirect.scatter.add.f32 [tilespmem:s15], [sflag:$0x3], $0x80, s24, s14, $0xb8;
	[tilespmem:$0x1CB00] =	vst v63  }
0x25: {  	_ =	swait.ge [sflag:s18], $0x2000  }
0x26: {  	[sflag:s18] =	ssyncset.done $0x0  }
0x27: {  	s30 =	simm.s32 $0x27C0;
	[sflag:s18] =	ssyncadd.s32 $0xFFFFE000  }
0x28: {  	[spmem:s2] =	stream.indirect.scatter.add.f32 [tilespmem:s16], [sflag:$0x4], $0x80, s30, s14, $0xb8;
	[tilespmem:$0x1CB00] =	vst v63  }
0x29: {  	_ =	swait.ge [sflag:s19], $0x2000  }
0x2a: {  	[sflag:s19] =	ssyncset.done $0x0  }
0x2b: {  	s31 =	simm.s32 $0x80;
	[sflag:s19] =	ssyncadd.s32 $0xFFFFE000  }
0x2c: {  	[tilespmem:s15], [sflag:$0x1] =	stream.indirect.gather [hbm4b:s4+s14], $0x80, s31, s14, $0xb8;
	[tilespmem:$0x1CB00] =	vst v63  }
0x2d: {  	_ =	swait.ge [sflag:s20], $0x2000  }
0x2e: {  	[sflag:s20] =	ssyncset.done $0x0  }
0x2f: {  	s25 =	simm.s32 $0xC0;
	s24 =	simm.s32 $0x200;
	[sflag:s20] =	ssyncadd.s32 $0xFFFFE000  }
.LBB2_2:
0x30: {  	[tilespmem:s16], [sflag:$0x2] =	stream.indirect.gather [hbm4b:s4+s14], $0x80, s25, s14, $0xb8;
	[tilespmem:$0x1CB00] =	vst v63  }
0x31: {  	s25 =	smov.u32 s24  }
0x32: {  	p0 =	sne.s32 s24, $0x9A00;
	s24 =	sadd.s32 $0x200, s24;
	_ =	swait.ge [sflag:s17], $0x2000  }
0x33: {  	s25 =	sshra.s32 s25, $0x2;
	[sflag:s17] =	ssyncset.done $0x0  }
0x34: {  	s26 =	sadd.s32 $0x2780, s25;
	[sflag:s17] =	ssyncadd.s32 $0xFFFFE000  }
0x35: {  	[spmem:s2] =	stream.indirect.scatter.add.f32 [tilespmem:s15], [sflag:$0x3], $0x80, s26, s14, $0xb8;
	[tilespmem:$0x1CB00] =	vst v63  }
0x36: {  	_ =	swait.ge [sflag:s18], $0x2000  }
0x37: {  	[sflag:s18] =	ssyncset.done $0x0  }
0x38: {  	s26 =	sadd.s32 $0x27C0, s25;
	[sflag:s18] =	ssyncadd.s32 $0xFFFFE000  }
0x39: {  	[spmem:s2] =	stream.indirect.scatter.add.f32 [tilespmem:s16], [sflag:$0x4], $0x80, s26, s14, $0xb8;
	[tilespmem:$0x1CB00] =	vst v63  }
0x3a: {  	_ =	swait.ge [sflag:s19], $0x2000  }
0x3b: {  	[sflag:s19] =	ssyncset.done $0x0  }
.Ltmp0:
0x3c: {  	s26 =	sadd.s32 $0x80, s25;
	[sflag:s19] =	ssyncadd.s32 $0xFFFFE000;
	(pc) =	sbr.rel @p0 .LBB2_2-.Ltmp0, $4  }
0x3d: {  	[tilespmem:s15], [sflag:$0x1] =	stream.indirect.gather [hbm4b:s4+s14], $0x80, s26, s14, $0xb8;
	[tilespmem:$0x1CB00] =	vst v63  }
0x3e: {  	_ =	swait.ge [sflag:s20], $0x2000  }
0x3f: {  	[sflag:s20] =	ssyncset.done $0x0  }
0x40: {  	s25 =	sadd.s32 $0xC0, s25;
	[sflag:s20] =	ssyncadd.s32 $0xFFFFE000  }
0x41: {  	[tilespmem:s16], [sflag:$0x2] =	stream.indirect.gather [hbm4b:s4+s14], $0x80, s25, s14, $0xb8;
	[tilespmem:$0x1CB00] =	vst v63  }
0x42: {  	_ =	swait.ge [sflag:s17], $0x2000  }
0x43: {  	[sflag:s17] =	ssyncset.done $0x0  }
0x44: {  	[sflag:s17] =	ssyncadd.s32 $0xFFFFE000  }
0x45: {  	[spmem:s2] =	stream.indirect.scatter.add.f32 [tilespmem:s15], [sflag:$0x3], $0x80, s21, s14, $0xb8;
	[tilespmem:$0x1CB00] =	vst v63  }
0x46: {  	_ =	swait.ge [sflag:s18], $0x2000  }
0x47: {  	[sflag:s18] =	ssyncset.done $0x0  }
0x48: {  	[sflag:s18] =	ssyncadd.s32 $0xFFFFE000  }
0x49: {  	[spmem:s2] =	stream.indirect.scatter.add.f32 [tilespmem:s16], [sflag:$0x4], $0x80, s22, s14, $0xb8;
	[tilespmem:$0x1CB00] =	vst v63  }
0x4a: {  	_ =	swait.ge [sflag:s19], $0x2000  }
0x4b: {  	[sflag:s19] =	ssyncset.done $0x0  }
0x4c: {  	[sflag:s19] =	ssyncadd.s32 $0xFFFFE000  }
0x4d: {  	_ =	swait.ge [sflag:s20], $0x2000  }
0x4e: {  	s23 =	sadd.s32 $0x1, s23;
	[sflag:s20] =	ssyncset.done $0x0  }
0x4f: {  	p0 =	sne.s32 s23, s10;
	[sflag:s20] =	ssyncadd.s32 $0xFFFFE000  }
.Ltmp1:
0x50: {  	[bflag:$0x0] =	sbarrier.arrive $0xFFFF;
	(pc) =	sbr.rel @p0 .LBB2_1-.Ltmp1, $4  }
0x51: {  	[hbm:s9], [sflag:s6] =	dma.local [spmem:s11], $0x2780  }
0x52: {  	_ =	swait.ge [sflag:s12], $0x2780  }
0x53: {  	[sflag:s12] =	ssyncset.done $0x0  }
0x54: {  	[sflag:s12] =	ssyncadd.s32 $0xFFFFD880  }
0x55: {  	_ =	sfence.sel $0x180000  }
0x56: {  	[bflag:$0x0] =	sbarrier.arrive $0xFFFF  }
0x57: {  	p0 =	sne.s32 s0, $0x0;
	_ =	strace $0x9000004A  }
0x58: {  	s0 =	sadd.s32 @!p0 $0x100000, s1;
	[bflag:$0x2] =	sbarrier.arrive $0xFFFF  }
0x59: {  	[sflag:s0] =	ssyncadd.tile.s32 @!p0 $0x1;
	_ =	shalt  }
.Lfunc_end2:
_tile_overlayer_lowered:
.L_overlay_start_2:
0x5a: {  	(tag) =	ssettag $0x2  }
0x5b: {  	s0 =	rddreg [dreg:$0x0];
	s2 =	stileid.u32  }
0x5c: {  	s1 =	rddreg [dreg:$0x1];
	p0 =	sne.s32 s2, $0x0  }
0x5d: {  	s3 =	rddreg [dreg:$0x2];
	[bflag:$0x3] =	sbarrier.arrive $0xFFFF;
	s2 =	simm.s32 @!p0 $0x1C05  }
0x5e: {  	[timem:s3], [sflag:s2] =	dma.local @!p0 [hbm:s0], s1  }
0x5f: {  	s0 =	simm.s32 @!p0 $0x5  }
0x60: {  	_ =	swait.ge @!p0 [sflag:s0], s1  }
0x61: {  	s1 =	ssub.s32 @!p0 $0x0, s1;
	[sflag:s0] =	ssyncset.done @!p0 $0x0  }
0x62: {  	[sflag:s0] =	ssyncadd.s32 @!p0 s1  }
0x63: {  	[bflag:$0x3] =	sbarrier.arrive $0xFFFF  }
0x64: {  	_ =	shalt  }

// kernel: kernel.20.cloned.1.call-start
scs
__scs_entry_jumppad:
0x0: {  	(pc) =	sbr.rel $0x88, $3  }
0x1: {  	(tag) =	ssettag $0x0;
	lr =	simm.s32 $0x1  }
0x2: {  	[smem:$0x3F95] =	sst lr;
	_ =	strace $0xD0000000  }
0x3: {  	_ = 	snop  }
0x4: {  	_ = 	snop  }
0x5: {  	_ = 	snop  }
0x6: {  	_ = 	snop  }
0x7: {  	_ = 	snop  }
__scs_overlays_trampoline_lowered:
0x8: {  	[smem:$0x3FA4] =	sst s0  }
0x9: {  	[smem:$0x3FA5] =	sst s1  }
0xa: {  	[smem:$0x3FA6] =	sst s2  }
0xb: {  	[smem:$0x3FA7] =	sst s3  }
0xc: {  	[smem:$0x3FA8] =	sst s4  }
0xd: {  	[smem:$0x3FA9] =	sst s5  }
0xe: {  	[smem:$0x3FAA] =	sst s6  }
0xf: {  	[smem:$0x3FAB] =	sst s7  }
0x10: {  	[smem:$0x3FAC] =	sst s8  }
0x11: {  	[smem:$0x3FAD] =	sst s9;
	s0 =	simm.s32 @!p0 $0x0  }
0x12: {  	s1 =	sld [smem:$0x3F93];
	s0 =	simm.s32 @p0 $0x1  }
0x13: {  	[smem:$0x3FAE] =	sst s0;
	s0 =	simm.s32 @!p1 $0x0  }
0x14: {  	s2 =	sld [smem:$0x3F92];
	s0 =	simm.s32 @p1 $0x1  }
0x15: {  	[smem:$0x3FAF] =	sst s0;
	s0 =	simm.s32 @!p2 $0x0  }
0x16: {  	s3 =	sld [smem:$0x3FDB];
	s0 =	simm.s32 @p2 $0x1  }
0x17: {  	s4 =	simm.s32 $0x1BF5;
	[smem:$0x3FB1] =	sst s0  }
0x18: {  	s0 =	sld [smem:$0x3F94];
	_ =	swait.ge [sflag:s4], $0x0  }
0x19: {  	s7 =	sld [smem:$0x3F95]  }
0x1a: {  	s8 =	sadd.s32 $0xFFFFE003, lr  }
0x1b: {  	s9 =	sadd.s32 $0xFFFFFEF7, lr;
	s5 =	simm.s32 $0xFFFFFFFF;
	p2 =	slt.u32 s8, $0xFFFFF086  }
0x1c: {  	p1 =	slt.u32 s9, $0xF7A;
	s5 =	simm.s32 @!p2 $0x0  }
0x1d: {  	s5 =	simm.s32 @p1 $0x1;
	p0 =	seq.s32 s7, s2  }
0x1e: {  	s7 =	smul.u32 @!p0 $0xF7A, s2;
	p2 =	seq.s32 @!p0 s5, $0x0  }
0x1f: {  	s9 =	smul.u32 $0xF7A, s1;
	s8 =	simm.s32 @!p0 $0x1BF5;
	p2 =	por !p2, p0  }
0x20: {  	[sflag:s8] =	ssyncset.s32 @!p0 $0xFFFFF086;
	s6 =	sadd.s32 @!p0 s3, s7;
	s7 =	simm.s32 @!p0 $0x108  }
0x21: {  	s3 =	sadd.s32 s3, s9;
	s6 =	sadd.s32 @!p0 $0x88, s6;
	s7 =	simm.s32 @p2 $0x1082  }
0x22: {  	[simem:s7], [sflag:s8] =	dma.local @!p0 [hbm:s6], $0xF7A  }
0x23: {  	s9 =	sor.u32 $0xD0000000, s2;
	s6 =	simm.s32 $0x108;
	_ =	swait.ge @!p0 [sflag:s8], $0x0  }
0x24: {  	s3 =	sadd.s32 $0x88, s3;
	s6 =	simm.s32 @!p1 $0x1082;
	[sflag:s4] =	ssyncset.s32 $0xFFFFF086  }
0x25: {  	[simem:s6], [sflag:s4] =	dma.local [hbm:s3], $0xF7A  }
0x26: {  	[smem:$0x3F95] =	sst s1;
	(tag) =	ssettag s2;
	_ =	strace s9  }
0x27: {  	s1 =	sld [smem:$0x3FA5]  }
0x28: {  	s2 =	sld [smem:$0x3FA6]  }
0x29: {  	s4 =	sld [smem:$0x3FA8]  }
0x2a: {  	p0 =	seq.s32 s5, $0x0;
	s5 =	sld [smem:$0x3FA9]  }
0x2b: {  	s6 =	sld [smem:$0x3FAA]  }
0x2c: {  	s7 =	sld [smem:$0x3FAB]  }
0x2d: {  	s3 =	simm.s32 $0x108;
	s8 =	sld [smem:$0x3FAC]  }
0x2e: {  	s3 =	simm.s32 @!p0 $0x1082;
	s9 =	sld [smem:$0x3FAD]  }
0x2f: {  	lr =	sadd.s32 s0, s3;
	s0 =	sld [smem:$0x3FA4]  }
0x30: {  	s3 =	sld [smem:$0x3FA7]  }
0x31: {  	[smem:$0x3FB0] =	sst s10  }
0x32: {  	s10 =	sld [smem:$0x3FAE];
	_ =	sdelay $0x3  }
0x33: {  	p0 =	seq.s32 s10, $0x1;
	s10 =	sld [smem:$0x3FB0];
	_ =	sdelay $0x3  }
0x34: {  	[smem:$0x3FB0] =	sst s10  }
0x35: {  	s10 =	sld [smem:$0x3FAF];
	_ =	sdelay $0x3  }
0x36: {  	p1 =	seq.s32 s10, $0x1;
	s10 =	sld [smem:$0x3FB0];
	_ =	sdelay $0x3  }
0x37: {  	[smem:$0x3FB0] =	sst s10  }
0x38: {  	s10 =	sld [smem:$0x3FB1]  }
0x39: {  	_ = 	snop;
	(pc) =	sbr.ind lr, $3  }
0x3a: {  	_ = 	snop  }
0x3b: {  	_ = 	snop  }
0x3c: {  	p2 =	seq.s32 s10, $0x1;
	s10 =	sld [smem:$0x3FB0]  }
0x3d: {  	_ =	shalt  }
0x3e: {  	_ =	shalt  }
0x3f: {  	_ =	shalt  }
0x40: {  	_ =	shalt  }
0x41: {  	_ =	shalt  }
0x42: {  	_ =	shalt  }
0x43: {  	_ =	shalt  }
0x44: {  	_ =	shalt  }
0x45: {  	_ =	shalt  }
0x46: {  	_ =	shalt  }
0x47: {  	_ =	shalt  }
0x48: {  	_ =	shalt  }
0x49: {  	_ =	shalt  }
0x4a: {  	_ =	shalt  }
0x4b: {  	_ =	shalt  }
0x4c: {  	_ =	shalt  }
0x4d: {  	_ =	shalt  }
0x4e: {  	_ =	shalt  }
0x4f: {  	_ =	shalt  }
0x50: {  	_ =	shalt  }
0x51: {  	_ =	shalt  }
0x52: {  	_ =	shalt  }
0x53: {  	_ =	shalt  }
0x54: {  	_ =	shalt  }
0x55: {  	_ =	shalt  }
0x56: {  	_ =	shalt  }
0x57: {  	_ =	shalt  }
0x58: {  	_ =	shalt  }
0x59: {  	_ =	shalt  }
0x5a: {  	_ =	shalt  }
0x5b: {  	_ =	shalt  }
0x5c: {  	_ =	shalt  }
0x5d: {  	_ =	shalt  }
0x5e: {  	_ =	shalt  }
0x5f: {  	_ =	shalt  }
0x60: {  	_ =	shalt  }
0x61: {  	_ =	shalt  }
0x62: {  	_ =	shalt  }
0x63: {  	_ =	shalt  }
0x64: {  	_ =	shalt  }
0x65: {  	_ =	shalt  }
0x66: {  	_ =	shalt  }
0x67: {  	_ =	shalt  }
0x68: {  	_ =	shalt  }
0x69: {  	_ =	shalt  }
0x6a: {  	_ =	shalt  }
0x6b: {  	_ =	shalt  }
0x6c: {  	_ =	shalt  }
0x6d: {  	_ =	shalt  }
0x6e: {  	_ =	shalt  }
0x6f: {  	_ =	shalt  }
0x70: {  	_ =	shalt  }
0x71: {  	_ =	shalt  }
0x72: {  	_ =	shalt  }
0x73: {  	_ =	shalt  }
0x74: {  	_ =	shalt  }
0x75: {  	_ =	shalt  }
0x76: {  	_ =	shalt  }
0x77: {  	_ =	shalt  }
0x78: {  	_ =	shalt  }
0x79: {  	_ =	shalt  }
0x7a: {  	_ =	shalt  }
0x7b: {  	_ =	shalt  }
0x7c: {  	_ =	shalt  }
0x7d: {  	_ =	shalt  }
0x7e: {  	_ =	shalt  }
0x7f: {  	_ =	shalt  }
0x80: {  	_ =	shalt  }
0x81: {  	_ =	shalt  }
0x82: {  	_ =	shalt  }
0x83: {  	_ =	shalt  }
0x84: {  	_ =	shalt  }
0x85: {  	_ =	shalt  }
0x86: {  	_ =	shalt  }
0x87: {  	_ =	shalt  }
.Lfunc_end0:
.L_simem_size_0:
called_computation.2_lowered:
.L_overlay_start_0:
0x88: {  	s2 =	sld [smem:$0x3FD9]  }
0x89: {  	s3 =	sld [smem:$0x3FFE];
	_ =	sdelay $0x1  }
0x8a: {  	s1 =	srdreg.scid  }
0x8b: {  	s0 =	sand.u32 $0x1, s1  }
0x8c: {  	s16 =	sshll.u32 s0, $0xA;
	s2 =	sadd.s32 s3, s2  }
0x8d: {  	s2 =	sadd.s32 s2, s16  }
0x8e: {  	[smem:$0x3FBC] =	sst s2  }
0x8f: {  	_ = 	snop  }
0x90: {  	(tm) =	ssettm $0x1  }
0x91: {  	s17 =	sld [smem:$0x3FFB];
	_ =	sdelay $0x3  }
0x92: {  	_ =	strace s17  }
0x93: {  	s2 =	sld [smem:$0x3FFC];
	_ =	sdelay $0x3  }
0x94: {  	_ =	strace s2  }
0x95: {  	s2 =	sld [smem:$0x3FFD];
	_ =	sdelay $0x3  }
0x96: {  	_ =	strace s2  }
0x97: {  	_ =	strace $0x8FFFFFFF  }
0x98: {  	s18 =	sld [smem:$0x3FDB];
	_ =	sdelay $0x1  }
0x99: {  	s19 =	simm.s32 $_scs_section_size  }
0x9a: {  	s4 =	simm.s32 $_size__tile_overlayer_lowered;
	s5 =	simm.s32 $_tile_overlayer_lowered  }
0x9b: {  	s22 =	simm.s32 $0x1BFF;
	s21 =	sshll.u32 s5, $0x1;
	s2 =	sadd.s32 s19, s18  }
0x9c: {  	s6 =	simm.s32 $0x0;
	s20 =	sshll.u32 s4, $0x1;
	s4 =	sadd.s32 s21, s2  }
0x9d: {  	[timem:s6], [sflag:s22] =	dma.local [hbm:s4], s20  }
0x9e: {  	_ =	swait.ge [sflag:s22], s20  }
0x9f: {  	s3 =	ssub.s32 $0x0, s20;
	[sflag:s22] =	ssyncset.done $0x0  }
0xa0: {  	[sflag:s22] =	ssyncadd.s32 s3;
	_ =	sdelay $0x1  }
0xa1: {  	s23 =	simm.s32 $0x1B8B  }
0xa2: {  	_ =	swait.ge [sflag:s23], $0x1  }
0xa3: {  	[sflag:s23] =	ssyncset.done $0x0  }
0xa4: {  	s25 =	simm.s32 $0x1B8E;
	s24 =	sld [smem:$0x3FFE];
	[sflag:s23] =	ssyncadd.s32 $0xFFFFFFFF  }
0xa5: {  	s26 =	simm.s32 $execute0_lowered;
	[smem:$0x3FD2] =	sst s25  }
0xa6: {  	s4 =	sshll.u32 s26, $0x1;
	_ =	strace $0x8000004C;
	[dreg:$0x1] =	wrdreg $0xFFFFFFFF  }
0xa7: {  	s28 =	simm.s32 $_size_execute0_lowered;
	s2 =	sadd.s32 s2, s4;
	[dreg:$0x0] =	wrdreg $0x0  }
0xa8: {  	s4 =	sshll.u32 s28, $0x1;
	[dreg:$0x2] =	wrdreg s2  }
0xa9: {  	[dreg:$0x3] =	wrdreg s4  }
0xaa: {  	[dreg:$0x4] =	wrdreg $0xC0  }
0xab: {  	_ =	task [dreg:s6], $0x5FFFF  }
0xac: {  	[dreg:$0x1] =	wrdreg $0xFFFFFFFF  }
0xad: {  	[dreg:$0x0] =	wrdreg $0x60  }
0xae: {  	[dreg:$0x2] =	wrdreg s24  }
0xaf: {  	[dreg:$0x3] =	wrdreg $0x150000  }
0xb0: {  	[dreg:$0x4] =	wrdreg $0x9  }
0xb1: {  	_ =	task.clear_ibuf [dreg:s6], $0x5FFFF;
	_ =	strace $0x9000004C  }
0xb2: {  	s29 =	simm.s32 $0x9;
	_ =	strace $0x8000004E  }
0xb3: {  	_ =	swait.ge [sflag:s29], $0x1  }
0xb4: {  	[sflag:s29] =	ssyncadd.s32 $0xFFFFFFFF  }
0xb5: {  	_ =	strace $0x9000004E  }
0xb6: {  	_ =	sfence  }
0xb7: {  	s30 =	sld [smem:$0x0];
	_ =	sdelay $0x2  }
0xb8: {  	s31 =	sshll.u32 s1, $0xD;
	s1 =	sshrl.u32 s1, $0x2  }
0xb9: {  	s3 =	sand.u32 $0x4000, s31;
	s1 =	sadd.s32 s1, s30  }
0xba: {  	s0 =	sor.u32 s3, s0;
	s1 =	sshll.u32 s1, $0x11  }
0xbb: {  	s0 =	sor.u32 s1, s0  }
0xbc: {  	s0 =	sadd.s32 $0x8F2B, s0  }
0xbd: {  	[sflag:s0] =	ssyncadd.remote.s32 $0x1  }
0xbe: {  	_ =	sfence.sel $0xFFFF  }
0xbf: {  	[dreg:$0x0] =	wrdreg $0xFFFFFFFF;
	(pc) =	sbr.abs _section_cstart, $3  }
0xc0: {  	[dreg:$0x1] =	wrdreg $0xFFFFFFFF  }
0xc1: {  	_ =	task.clear_ibuf [dreg:s6], $0x2FFFF;
	_ =	strace $0x9FFFFFFF  }
0xc2: {  	(tm) =	ssettm $0x7FFFFFFF  }
0xc3: {  	_ =	shalt  }
tec
execute0_lowered:
.L_overlay_start_1:
0x0: {  	(tag) =	ssettag $0x1  }
0x1: {  	s1 =	rddreg [dreg:$0x0]  }
0x2: {  	s0 =	srdreg.scid;
	s2 =	rddreg [dreg:$0x1];
	s30 =	simm.s32 $0x0  }
0x3: {  	s7 =	stileid.u32;
	s22 =	simm.s32 $0x400;
	[smem:$0x7FF] =	sst s30  }
0x4: {  	s23 =	simm.s32 $0x2A00;
	_ =	strace $0x8000004D;
	[dreg:$0x7] =	wrdreg s22  }
0x5: {  	s24 =	simm.s32 $0x600;
	s25 =	simm.s32 $0x2C00;
	[dreg:$0x8] =	wrdreg s23  }
0x6: {  	s26 =	simm.s32 $0x800;
	s8 =	simm.s32 $0xA00;
	[dreg:$0x9] =	wrdreg s24  }
0x7: {  	s10 =	simm.s32 $0x3000;
	s11 =	simm.s32 $0xC00;
	[dreg:$0xa] =	wrdreg s25  }
0x8: {  	s13 =	simm.s32 $0x3200;
	s15 =	simm.s32 $0xE00;
	[dreg:$0xb] =	wrdreg s26  }
0x9: {  	s16 =	simm.s32 $0x3400;
	s17 =	simm.s32 $0x1000;
	[dreg:$0xd] =	wrdreg s8  }
0xa: {  	s18 =	simm.s32 $0x3600;
	s19 =	simm.s32 $0x1200;
	[dreg:$0xe] =	wrdreg s10  }
0xb: {  	s31 =	simm.s32 $0x2800;
	s29 =	simm.s32 $0x1A00;
	[dreg:$0xf] =	wrdreg s11  }
0xc: {  	s28 =	simm.s32 $0x4000;
	p0 =	por $0x0, $0x0;
	[dreg:$0x10] =	wrdreg s13  }
0xd: {  	s0 =	sand.u32 $0x1, s0;
	s3 =	sshll.u32 s7, $0x1;
	[dreg:$0x11] =	wrdreg s15  }
0xe: {  	s4 =	smul.u32 $0x9E00, s7;
	s14 =	sshll.u32 s7, $0x6;
	[dreg:$0x12] =	wrdreg s16  }
0xf: {  	s7 =	simm.s32 $0x200;
	s3 =	sor.u32 s0, s3;
	[dreg:$0x13] =	wrdreg s17  }
0x10: {  	s6 =	smul.u32 $0x9E000, s0;
	s0 =	ssub.s32 $0x2, s0;
	[dreg:$0x14] =	wrdreg s18  }
0x11: {  	[dreg:$0x15] =	wrdreg s19;
	s22 =	simm.s32 $0x3A00;
	s8 =	simm.s32 $0xD000  }
0x12: {  	s23 =	simm.s32 $0x1600;
	s13 =	simm.s32 $0x1;
	s24 =	simm.s32 $0x3C00  }
0x13: {  	s11 =	simm.s32 $0x3;
	s25 =	simm.s32 $0x1800;
	s26 =	simm.s32 $0x3E00  }
0x14: {  	s10 =	simm.s32 $0x4;
	s19 =	simm.s32 $0x2200;
	[dreg:$0x18] =	wrdreg s22  }
0x15: {  	s18 =	simm.s32 $0x2400;
	s17 =	simm.s32 $0x4A00;
	[dreg:$0x19] =	wrdreg s23  }
0x16: {  	s16 =	simm.s32 $0x2600;
	s15 =	simm.s32 $0x4C00;
	[dreg:$0x1a] =	wrdreg s24  }
0x17: {  	s3 =	smul.u32 $0x500, s3;
	s5 =	sshrl.u32 s4, $0x3;
	[dreg:$0x1b] =	wrdreg s25  }
0x18: {  	s9 =	sshrl.u32 s0, $0x1;
	s12 =	sadd.s32 s4, s2;
	[dreg:$0x1c] =	wrdreg s26  }
0x19: {  	s26 =	simm.s32 $0x1C00;
	s25 =	simm.s32 $0x4200;
	s24 =	simm.s32 $0x1E00  }
0x1a: {  	s23 =	simm.s32 $0x4400;
	s22 =	simm.s32 $0x2000;
	s5 =	sadd.s32 s5, s1  }
0x1b: {  	s6 =	sadd.s32 s4, s6;
	s0 =	ssub.s32 s0, s9;
	s4 =	sor.u32 $0x1C05, s14  }
0x1c: {  	s9 =	simm.s32 $0x5000;
	s14 =	simm.s32 $0x4E00;
	s3 =	sadd.s32 s3, s1  }
0x1d: {  	s5 =	sadd.s32 $0x2B400, s5;
	s6 =	sshrl.u32 s6, $0x3;
	s0 =	smax.u32 s0, $0x1  }
0x1e: {  	[dreg:$0x3] =	wrdreg s5;
	s20 =	sadd.s32 $0xDA00, s3;
	s6 =	sadd.s32 s6, s1  }
0x1f: {  	s3 =	sadd.s32 $0x3A00, s3;
	p1 =	sne.s32 s0, $0x1;
	[dreg:$0x4] =	wrdreg s20  }
0x20: {  	[dreg:$0x5] =	wrdreg s3;
	s21 =	sadd.s32 $0x3F000, s6;
	s3 =	sadd.s32 $0x17A00, s1  }
.Ltmp0:
0x21: {  	s1 =	sadd.s32 $0xFFFFFFFF, s0;
	s0 =	rddreg [dreg:$0x3];
	(pc) =	sbr.rel @!p1 .LBB2_3-.Ltmp0, $4  }
0x22: {  	s5 =	sshrl.u32 s12, $0x3;
	s6 =	simm.s32 $0x2E00;
	[dreg:$0x6] =	wrdreg s21  }
0x23: {  	s12 =	simm.s32 $0x2;
	s20 =	simm.s32 $0x3800;
	[dreg:$0xc] =	wrdreg s6  }
0x24: {  	s6 =	simm.s32 $0x5;
	[dreg:$0x16] =	wrdreg s20;
	s21 =	simm.s32 $0x1400  }
0x25: {  	s20 =	simm.s32 $0x4800;
	[dreg:$0x17] =	wrdreg s21;
	s21 =	simm.s32 $0x4600  }
0x26: {  	[spmem:s5], [sflag:s4] =	dma.local [hbm:s0], $0x13C0  }
0x27: {  	_ =	swait.ge [sflag:s6], $0x13C0  }
0x28: {  	[sflag:s6] =	ssyncset.done $0x0  }
0x29: {  	s0 =	rddreg [dreg:$0x4];
	[sflag:s6] =	ssyncadd.s32 $0xFFFFEC40  }
0x2a: {  	[tilespmem:s30], [sflag:$0x5] =	stream.linear.gather [hbm4b:s0+s30], $0x2800, $0x38;
	[tilespmem:$0x1EE00] =	vst v63  }
0x2b: {  	_ =	swait.ge [sflag:s6], $0x2800  }
0x2c: {  	[sflag:s6] =	ssyncset.done $0x0  }
0x2d: {  	s0 =	rddreg [dreg:$0x5];
	[sflag:s6] =	ssyncadd.s32 $0xFFFFD800  }
0x2e: {  	[tilespmem:s31], [sflag:$0x5] =	stream.linear.gather [hbm4b:s0+s30], $0x2800, $0x38;
	[tilespmem:$0x1EE00] =	vst v63  }
0x2f: {  	_ =	swait.ge [sflag:s6], $0x2800  }
0x30: {  	[sflag:s6] =	ssyncset.done $0x0  }
0x31: {  	[sflag:s6] =	ssyncadd.s32 $0xFFFFD800  }
0x32: {  	[bflag:$0x0] =	sbarrier.arrive $0xFFFF  }
0x33: {  	[tilespmem:s9], [sflag:$0x1] =	stream.indirect.gather [hbm4b:s3+s7], $0x40, s30, s7, $0xb8;
	[tilespmem:$0x1EE00] =	vst v63  }
0x34: {  	_ = 	snop  }
0x35: {  	[tilespmem:s8], [sflag:$0x2] =	stream.indirect.gather [hbm4b:s3+s7], $0x40, s7, s7, $0xb8;
	[tilespmem:$0x1EE00] =	vst v63  }
0x36: {  	_ =	swait.ge [sflag:s13], $0x8000  }
0x37: {  	[sflag:s13] =	ssyncset.done $0x0  }
0x38: {  	[sflag:s13] =	ssyncadd.s32 $0xFFFF8000  }
0x39: {  	[spmem:s2] =	stream.indirect.scatter.add.f32 [tilespmem:s9], [sflag:$0x3], $0x40, s31, s7, $0xb8;
	[tilespmem:$0x1EE00] =	vst v63  }
0x3a: {  	_ =	swait.ge [sflag:s11], $0x8000  }
0x3b: {  	[sflag:s11] =	ssyncset.done $0x0  }
0x3c: {  	s0 =	rddreg [dreg:$0x7];
	[sflag:s11] =	ssyncadd.s32 $0xFFFF8000  }
0x3d: {  	[tilespmem:s9], [sflag:$0x1] =	stream.indirect.gather [hbm4b:s3+s7], $0x40, s0, s7, $0xb8;
	[tilespmem:$0x1EE00] =	vst v63  }
0x3e: {  	_ =	swait.ge [sflag:s12], $0x8000  }
0x3f: {  	[sflag:s12] =	ssyncset.done $0x0  }
0x40: {  	s0 =	rddreg [dreg:$0x8];
	[sflag:s12] =	ssyncadd.s32 $0xFFFF8000  }
0x41: {  	[spmem:s2] =	stream.indirect.scatter.add.f32 [tilespmem:s8], [sflag:$0x4], $0x40, s0, s7, $0xb8;
	[tilespmem:$0x1EE00] =	vst v63  }
0x42: {  	_ =	swait.ge [sflag:s10], $0x8000  }
0x43: {  	[sflag:s10] =	ssyncset.done $0x0  }
0x44: {  	s0 =	rddreg [dreg:$0x9];
	[sflag:s10] =	ssyncadd.s32 $0xFFFF8000  }
0x45: {  	[tilespmem:s8], [sflag:$0x2] =	stream.indirect.gather [hbm4b:s3+s7], $0x40, s0, s7, $0xb8;
	[tilespmem:$0x1EE00] =	vst v63  }
0x46: {  	_ =	swait.ge [sflag:s13], $0x8000  }
0x47: {  	[sflag:s13] =	ssyncset.done $0x0  }
0x48: {  	s0 =	rddreg [dreg:$0xa];
	[sflag:s13] =	ssyncadd.s32 $0xFFFF8000  }
0x49: {  	[spmem:s2] =	stream.indirect.scatter.add.f32 [tilespmem:s9], [sflag:$0x3], $0x40, s0, s7, $0xb8;
	[tilespmem:$0x1EE00] =	vst v63  }
0x4a: {  	_ =	swait.ge [sflag:s11], $0x8000  }
0x4b: {  	[sflag:s11] =	ssyncset.done $0x0  }
0x4c: {  	s0 =	rddreg [dreg:$0xb];
	[sflag:s11] =	ssyncadd.s32 $0xFFFF8000  }
0x4d: {  	[tilespmem:s9], [sflag:$0x1] =	stream.indirect.gather [hbm4b:s3+s7], $0x40, s0, s7, $0xb8;
	[tilespmem:$0x1EE00] =	vst v63  }
0x4e: {  	_ =	swait.ge [sflag:s12], $0x8000  }
0x4f: {  	[sflag:s12] =	ssyncset.done $0x0  }
0x50: {  	s0 =	rddreg [dreg:$0xc];
	[sflag:s12] =	ssyncadd.s32 $0xFFFF8000  }
0x51: {  	[spmem:s2] =	stream.indirect.scatter.add.f32 [tilespmem:s8], [sflag:$0x4], $0x40, s0, s7, $0xb8;
	[tilespmem:$0x1EE00] =	vst v63  }
0x52: {  	_ =	swait.ge [sflag:s10], $0x8000  }
0x53: {  	[sflag:s10] =	ssyncset.done $0x0  }
0x54: {  	s0 =	rddreg [dreg:$0xd];
	[sflag:s10] =	ssyncadd.s32 $0xFFFF8000  }
0x55: {  	[tilespmem:s8], [sflag:$0x2] =	stream.indirect.gather [hbm4b:s3+s7], $0x40, s0, s7, $0xb8;
	[tilespmem:$0x1EE00] =	vst v63  }
0x56: {  	_ =	swait.ge [sflag:s13], $0x8000  }
0x57: {  	[sflag:s13] =	ssyncset.done $0x0  }
0x58: {  	s0 =	rddreg [dreg:$0xe];
	[sflag:s13] =	ssyncadd.s32 $0xFFFF8000  }
0x59: {  	[spmem:s2] =	stream.indirect.scatter.add.f32 [tilespmem:s9], [sflag:$0x3], $0x40, s0, s7, $0xb8;
	[tilespmem:$0x1EE00] =	vst v63  }
0x5a: {  	_ =	swait.ge [sflag:s11], $0x8000  }
0x5b: {  	[sflag:s11] =	ssyncset.done $0x0  }
0x5c: {  	s0 =	rddreg [dreg:$0xf];
	[sflag:s11] =	ssyncadd.s32 $0xFFFF8000  }
0x5d: {  	[tilespmem:s9], [sflag:$0x1] =	stream.indirect.gather [hbm4b:s3+s7], $0x40, s0, s7, $0xb8;
	[tilespmem:$0x1EE00] =	vst v63  }
0x5e: {  	_ =	swait.ge [sflag:s12], $0x8000  }
0x5f: {  	[sflag:s12] =	ssyncset.done $0x0  }
0x60: {  	s0 =	rddreg [dreg:$0x10];
	[sflag:s12] =	ssyncadd.s32 $0xFFFF8000  }
0x61: {  	[spmem:s2] =	stream.indirect.scatter.add.f32 [tilespmem:s8], [sflag:$0x4], $0x40, s0, s7, $0xb8;
	[tilespmem:$0x1EE00] =	vst v63  }
0x62: {  	_ =	swait.ge [sflag:s10], $0x8000  }
0x63: {  	[sflag:s10] =	ssyncset.done $0x0  }
0x64: {  	s0 =	rddreg [dreg:$0x11];
	[sflag:s10] =	ssyncadd.s32 $0xFFFF8000  }
0x65: {  	[tilespmem:s8], [sflag:$0x2] =	stream.indirect.gather [hbm4b:s3+s7], $0x40, s0, s7, $0xb8;
	[tilespmem:$0x1EE00] =	vst v63  }
0x66: {  	_ =	swait.ge [sflag:s13], $0x8000  }
0x67: {  	[sflag:s13] =	ssyncset.done $0x0  }
0x68: {  	s0 =	rddreg [dreg:$0x12];
	[sflag:s13] =	ssyncadd.s32 $0xFFFF8000  }
0x69: {  	[spmem:s2] =	stream.indirect.scatter.add.f32 [tilespmem:s9], [sflag:$0x3], $0x40, s0, s7, $0xb8;
	[tilespmem:$0x1EE00] =	vst v63  }
0x6a: {  	_ =	swait.ge [sflag:s11], $0x8000  }
0x6b: {  	[sflag:s11] =	ssyncset.done $0x0  }
0x6c: {  	s0 =	rddreg [dreg:$0x13];
	[sflag:s11] =	ssyncadd.s32 $0xFFFF8000  }
0x6d: {  	[tilespmem:s9], [sflag:$0x1] =	stream.indirect.gather [hbm4b:s3+s7], $0x40, s0, s7, $0xb8;
	[tilespmem:$0x1EE00] =	vst v63  }
0x6e: {  	_ =	swait.ge [sflag:s12], $0x8000  }
0x6f: {  	[sflag:s12] =	ssyncset.done $0x0  }
0x70: {  	s0 =	rddreg [dreg:$0x14];
	[sflag:s12] =	ssyncadd.s32 $0xFFFF8000  }
0x71: {  	[spmem:s2] =	stream.indirect.scatter.add.f32 [tilespmem:s8], [sflag:$0x4], $0x40, s0, s7, $0xb8;
	[tilespmem:$0x1EE00] =	vst v63  }
0x72: {  	_ =	swait.ge [sflag:s10], $0x8000  }
0x73: {  	[sflag:s10] =	ssyncset.done $0x0  }
0x74: {  	s0 =	rddreg [dreg:$0x15];
	[sflag:s10] =	ssyncadd.s32 $0xFFFF8000  }
0x75: {  	[tilespmem:s8], [sflag:$0x2] =	stream.indirect.gather [hbm4b:s3+s7], $0x40, s0, s7, $0xb8;
	[tilespmem:$0x1EE00] =	vst v63  }
0x76: {  	_ =	swait.ge [sflag:s13], $0x8000  }
0x77: {  	[sflag:s13] =	ssyncset.done $0x0  }
0x78: {  	s0 =	rddreg [dreg:$0x16];
	[sflag:s13] =	ssyncadd.s32 $0xFFFF8000  }
0x79: {  	[spmem:s2] =	stream.indirect.scatter.add.f32 [tilespmem:s9], [sflag:$0x3], $0x40, s0, s7, $0xb8;
	[tilespmem:$0x1EE00] =	vst v63  }
0x7a: {  	_ =	swait.ge [sflag:s11], $0x8000  }
0x7b: {  	[sflag:s11] =	ssyncset.done $0x0  }
0x7c: {  	s0 =	rddreg [dreg:$0x17];
	[sflag:s11] =	ssyncadd.s32 $0xFFFF8000  }
0x7d: {  	[tilespmem:s9], [sflag:$0x1] =	stream.indirect.gather [hbm4b:s3+s7], $0x40, s0, s7, $0xb8;
	[tilespmem:$0x1EE00] =	vst v63  }
0x7e: {  	_ =	swait.ge [sflag:s12], $0x8000  }
0x7f: {  	[sflag:s12] =	ssyncset.done $0x0  }
0x80: {  	s0 =	rddreg [dreg:$0x18];
	[sflag:s12] =	ssyncadd.s32 $0xFFFF8000  }
0x81: {  	[spmem:s2] =	stream.indirect.scatter.add.f32 [tilespmem:s8], [sflag:$0x4], $0x40, s0, s7, $0xb8;
	[tilespmem:$0x1EE00] =	vst v63  }
0x82: {  	_ =	swait.ge [sflag:s10], $0x8000  }
0x83: {  	[sflag:s10] =	ssyncset.done $0x0  }
0x84: {  	s0 =	rddreg [dreg:$0x19];
	[sflag:s10] =	ssyncadd.s32 $0xFFFF8000  }
0x85: {  	[tilespmem:s8], [sflag:$0x2] =	stream.indirect.gather [hbm4b:s3+s7], $0x40, s0, s7, $0xb8;
	[tilespmem:$0x1EE00] =	vst v63  }
0x86: {  	_ =	swait.ge [sflag:s13], $0x8000  }
0x87: {  	[sflag:s13] =	ssyncset.done $0x0  }
0x88: {  	s0 =	rddreg [dreg:$0x1a];
	[sflag:s13] =	ssyncadd.s32 $0xFFFF8000  }
0x89: {  	[spmem:s2] =	stream.indirect.scatter.add.f32 [tilespmem:s9], [sflag:$0x3], $0x40, s0, s7, $0xb8;
	[tilespmem:$0x1EE00] =	vst v63  }
0x8a: {  	_ =	swait.ge [sflag:s11], $0x8000  }
0x8b: {  	[sflag:s11] =	ssyncset.done $0x0  }
0x8c: {  	s0 =	rddreg [dreg:$0x1b];
	[sflag:s11] =	ssyncadd.s32 $0xFFFF8000  }
0x8d: {  	[tilespmem:s9], [sflag:$0x1] =	stream.indirect.gather [hbm4b:s3+s7], $0x40, s0, s7, $0xb8;
	[tilespmem:$0x1EE00] =	vst v63  }
0x8e: {  	_ =	swait.ge [sflag:s12], $0x8000  }
0x8f: {  	[sflag:s12] =	ssyncset.done $0x0  }
0x90: {  	s0 =	rddreg [dreg:$0x1c];
	[sflag:s12] =	ssyncadd.s32 $0xFFFF8000  }
0x91: {  	[spmem:s2] =	stream.indirect.scatter.add.f32 [tilespmem:s8], [sflag:$0x4], $0x40, s0, s7, $0xb8;
	[tilespmem:$0x1EE00] =	vst v63  }
0x92: {  	_ =	swait.ge [sflag:s10], $0x8000  }
0x93: {  	[sflag:s10] =	ssyncset.done $0x0  }
0x94: {  	[sflag:s10] =	ssyncadd.s32 $0xFFFF8000  }
0x95: {  	[tilespmem:s8], [sflag:$0x2] =	stream.indirect.gather [hbm4b:s3+s7], $0x40, s29, s7, $0xb8;
	[tilespmem:$0x1EE00] =	vst v63  }
0x96: {  	_ =	swait.ge [sflag:s13], $0x8000  }
0x97: {  	[sflag:s13] =	ssyncset.done $0x0  }
0x98: {  	[sflag:s13] =	ssyncadd.s32 $0xFFFF8000  }
0x99: {  	[spmem:s2] =	stream.indirect.scatter.add.f32 [tilespmem:s9], [sflag:$0x3], $0x40, s28, s7, $0xb8;
	[tilespmem:$0x1EE00] =	vst v63  }
0x9a: {  	_ =	swait.ge [sflag:s11], $0x8000  }
0x9b: {  	[sflag:s11] =	ssyncset.done $0x0  }
0x9c: {  	[sflag:s11] =	ssyncadd.s32 $0xFFFF8000  }
0x9d: {  	[tilespmem:s9], [sflag:$0x1] =	stream.indirect.gather [hbm4b:s3+s7], $0x40, s26, s7, $0xb8;
	[tilespmem:$0x1EE00] =	vst v63  }
0x9e: {  	_ =	swait.ge [sflag:s12], $0x8000  }
0x9f: {  	[sflag:s12] =	ssyncset.done $0x0  }
0xa0: {  	[sflag:s12] =	ssyncadd.s32 $0xFFFF8000  }
0xa1: {  	[spmem:s2] =	stream.indirect.scatter.add.f32 [tilespmem:s8], [sflag:$0x4], $0x40, s25, s7, $0xb8;
	[tilespmem:$0x1EE00] =	vst v63  }
0xa2: {  	_ =	swait.ge [sflag:s10], $0x8000  }
0xa3: {  	[sflag:s10] =	ssyncset.done $0x0  }
0xa4: {  	[sflag:s10] =	ssyncadd.s32 $0xFFFF8000  }
0xa5: {  	[tilespmem:s8], [sflag:$0x2] =	stream.indirect.gather [hbm4b:s3+s7], $0x40, s24, s7, $0xb8;
	[tilespmem:$0x1EE00] =	vst v63  }
0xa6: {  	_ =	swait.ge [sflag:s13], $0x8000  }
0xa7: {  	[sflag:s13] =	ssyncset.done $0x0  }
0xa8: {  	[sflag:s13] =	ssyncadd.s32 $0xFFFF8000  }
0xa9: {  	[spmem:s2] =	stream.indirect.scatter.add.f32 [tilespmem:s9], [sflag:$0x3], $0x40, s23, s7, $0xb8;
	[tilespmem:$0x1EE00] =	vst v63  }
0xaa: {  	_ =	swait.ge [sflag:s11], $0x8000  }
0xab: {  	[sflag:s11] =	ssyncset.done $0x0  }
0xac: {  	[sflag:s11] =	ssyncadd.s32 $0xFFFF8000  }
0xad: {  	[tilespmem:s9], [sflag:$0x1] =	stream.indirect.gather [hbm4b:s3+s7], $0x40, s22, s7, $0xb8;
	[tilespmem:$0x1EE00] =	vst v63  }
0xae: {  	_ =	swait.ge [sflag:s12], $0x8000  }
0xaf: {  	[sflag:s12] =	ssyncset.done $0x0  }
0xb0: {  	[sflag:s12] =	ssyncadd.s32 $0xFFFF8000  }
0xb1: {  	[spmem:s2] =	stream.indirect.scatter.add.f32 [tilespmem:s8], [sflag:$0x4], $0x40, s21, s7, $0xb8;
	[tilespmem:$0x1EE00] =	vst v63  }
0xb2: {  	_ =	swait.ge [sflag:s10], $0x8000  }
0xb3: {  	[sflag:s10] =	ssyncset.done $0x0  }
0xb4: {  	[sflag:s10] =	ssyncadd.s32 $0xFFFF8000  }
0xb5: {  	[tilespmem:s8], [sflag:$0x2] =	stream.indirect.gather [hbm4b:s3+s7], $0x40, s19, s7, $0xb8;
	[tilespmem:$0x1EE00] =	vst v63  }
0xb6: {  	_ =	swait.ge [sflag:s13], $0x8000  }
0xb7: {  	[sflag:s13] =	ssyncset.done $0x0  }
0xb8: {  	[sflag:s13] =	ssyncadd.s32 $0xFFFF8000  }
0xb9: {  	[spmem:s2] =	stream.indirect.scatter.add.f32 [tilespmem:s9], [sflag:$0x3], $0x40, s20, s7, $0xb8;
	[tilespmem:$0x1EE00] =	vst v63  }
0xba: {  	_ =	swait.ge [sflag:s11], $0x8000  }
0xbb: {  	[sflag:s11] =	ssyncset.done $0x0  }
0xbc: {  	[sflag:s11] =	ssyncadd.s32 $0xFFFF8000  }
0xbd: {  	[tilespmem:s9], [sflag:$0x1] =	stream.indirect.gather [hbm4b:s3+s7], $0x40, s18, s7, $0xb8;
	[tilespmem:$0x1EE00] =	vst v63  }
0xbe: {  	_ =	swait.ge [sflag:s12], $0x8000  }
0xbf: {  	[sflag:s12] =	ssyncset.done $0x0  }
0xc0: {  	[sflag:s12] =	ssyncadd.s32 $0xFFFF8000  }
0xc1: {  	[spmem:s2] =	stream.indirect.scatter.add.f32 [tilespmem:s8], [sflag:$0x4], $0x40, s17, s7, $0xb8;
	[tilespmem:$0x1EE00] =	vst v63  }
0xc2: {  	_ =	swait.ge [sflag:s10], $0x8000  }
0xc3: {  	[sflag:s10] =	ssyncset.done $0x0  }
0xc4: {  	[sflag:s10] =	ssyncadd.s32 $0xFFFF8000  }
0xc5: {  	[tilespmem:s8], [sflag:$0x2] =	stream.indirect.gather [hbm4b:s3+s7], $0x40, s16, s7, $0xb8;
	[tilespmem:$0x1EE00] =	vst v63  }
0xc6: {  	_ =	swait.ge [sflag:s13], $0x8000  }
0xc7: {  	[sflag:s13] =	ssyncset.done $0x0  }
0xc8: {  	[sflag:s13] =	ssyncadd.s32 $0xFFFF8000  }
0xc9: {  	[spmem:s2] =	stream.indirect.scatter.add.f32 [tilespmem:s9], [sflag:$0x3], $0x40, s15, s7, $0xb8;
	[tilespmem:$0x1EE00] =	vst v63  }
0xca: {  	_ =	swait.ge [sflag:s11], $0x8000  }
0xcb: {  	[sflag:s11] =	ssyncset.done $0x0  }
0xcc: {  	[sflag:s11] =	ssyncadd.s32 $0xFFFF8000  }
0xcd: {  	_ =	swait.ge [sflag:s12], $0x8000  }
0xce: {  	[sflag:s12] =	ssyncset.done $0x0  }
0xcf: {  	[sflag:s12] =	ssyncadd.s32 $0xFFFF8000  }
0xd0: {  	[spmem:s2] =	stream.indirect.scatter.add.f32 [tilespmem:s8], [sflag:$0x4], $0x40, s14, s7, $0xb8;
	[tilespmem:$0x1EE00] =	vst v63  }
0xd1: {  	_ =	swait.ge [sflag:s10], $0x8000  }
0xd2: {  	[sflag:s10] =	ssyncset.done $0x0  }
0xd3: {  	p1 =	sne.s32 s1, $0x1;
	[sflag:s10] =	ssyncadd.s32 $0xFFFF8000  }
.Ltmp1:
0xd4: {  	[bflag:$0x0] =	sbarrier.arrive $0xFFFF;
	(pc) =	sbr.rel @!p1 .LBB2_3-.Ltmp1, $4  }
0xd5: {  	s0 =	rddreg [dreg:$0x6]  }
0xd6: {  	[hbm:s0], [sflag:s4] =	dma.local [spmem:s5], $0x13C0  }
0xd7: {  	s1 =	sadd.s32 $0xFFFFFFFF, s1;
	_ =	swait.ge [sflag:s6], $0x13C0  }
0xd8: {  	p0 =	por $0x1, $0x1;
	s0 =	rddreg [dreg:$0x3];
	[sflag:s6] =	ssyncset.done $0x0  }
.LBB2_2:
0xd9: {  	[sflag:s6] =	ssyncadd.s32 $0xFFFFEC40  }
0xda: {  	[spmem:s5], [sflag:s4] =	dma.local [hbm:s0], $0x13C0  }
0xdb: {  	_ =	swait.ge [sflag:s6], $0x13C0  }
0xdc: {  	[sflag:s6] =	ssyncset.done $0x0  }
0xdd: {  	s0 =	rddreg [dreg:$0x4];
	[sflag:s6] =	ssyncadd.s32 $0xFFFFEC40  }
0xde: {  	[tilespmem:s30], [sflag:$0x5] =	stream.linear.gather [hbm4b:s0+s30], $0x2800, $0x38;
	[tilespmem:$0x1EE00] =	vst v63  }
0xdf: {  	_ =	swait.ge [sflag:s6], $0x2800  }
0xe0: {  	[sflag:s6] =	ssyncset.done $0x0  }
0xe1: {  	s0 =	rddreg [dreg:$0x5];
	[sflag:s6] =	ssyncadd.s32 $0xFFFFD800  }
0xe2: {  	[tilespmem:s31], [sflag:$0x5] =	stream.linear.gather [hbm4b:s0+s30], $0x2800, $0x38;
	[tilespmem:$0x1EE00] =	vst v63  }
0xe3: {  	_ =	swait.ge [sflag:s6], $0x2800  }
0xe4: {  	[sflag:s6] =	ssyncset.done $0x0  }
0xe5: {  	[sflag:s6] =	ssyncadd.s32 $0xFFFFD800  }
0xe6: {  	[bflag:$0x0] =	sbarrier.arrive $0xFFFF  }
0xe7: {  	[tilespmem:s9], [sflag:$0x1] =	stream.indirect.gather [hbm4b:s3+s7], $0x40, s30, s7, $0xb8;
	[tilespmem:$0x1EE00] =	vst v63  }
0xe8: {  	_ = 	snop  }
0xe9: {  	[tilespmem:s8], [sflag:$0x2] =	stream.indirect.gather [hbm4b:s3+s7], $0x40, s7, s7, $0xb8;
	[tilespmem:$0x1EE00] =	vst v63  }
0xea: {  	_ =	swait.ge [sflag:s13], $0x8000  }
0xeb: {  	[sflag:s13] =	ssyncset.done $0x0  }
0xec: {  	[sflag:s13] =	ssyncadd.s32 $0xFFFF8000  }
0xed: {  	[spmem:s2] =	stream.indirect.scatter.add.f32 [tilespmem:s9], [sflag:$0x3], $0x40, s31, s7, $0xb8;
	[tilespmem:$0x1EE00] =	vst v63  }
0xee: {  	_ =	swait.ge [sflag:s11], $0x8000  }
0xef: {  	[sflag:s11] =	ssyncset.done $0x0  }
0xf0: {  	s0 =	rddreg [dreg:$0x7];
	[sflag:s11] =	ssyncadd.s32 $0xFFFF8000  }
0xf1: {  	[tilespmem:s9], [sflag:$0x1] =	stream.indirect.gather [hbm4b:s3+s7], $0x40, s0, s7, $0xb8;
	[tilespmem:$0x1EE00] =	vst v63  }
0xf2: {  	_ =	swait.ge [sflag:s12], $0x8000  }
0xf3: {  	[sflag:s12] =	ssyncset.done $0x0  }
0xf4: {  	s0 =	rddreg [dreg:$0x8];
	[sflag:s12] =	ssyncadd.s32 $0xFFFF8000  }
0xf5: {  	[spmem:s2] =	stream.indirect.scatter.add.f32 [tilespmem:s8], [sflag:$0x4], $0x40, s0, s7, $0xb8;
	[tilespmem:$0x1EE00] =	vst v63  }
0xf6: {  	_ =	swait.ge [sflag:s10], $0x8000  }
0xf7: {  	[sflag:s10] =	ssyncset.done $0x0  }
0xf8: {  	s0 =	rddreg [dreg:$0x9];
	[sflag:s10] =	ssyncadd.s32 $0xFFFF8000  }
0xf9: {  	[tilespmem:s8], [sflag:$0x2] =	stream.indirect.gather [hbm4b:s3+s7], $0x40, s0, s7, $0xb8;
	[tilespmem:$0x1EE00] =	vst v63  }
0xfa: {  	_ =	swait.ge [sflag:s13], $0x8000  }
0xfb: {  	[sflag:s13] =	ssyncset.done $0x0  }
0xfc: {  	s0 =	rddreg [dreg:$0xa];
	[sflag:s13] =	ssyncadd.s32 $0xFFFF8000  }
0xfd: {  	[spmem:s2] =	stream.indirect.scatter.add.f32 [tilespmem:s9], [sflag:$0x3], $0x40, s0, s7, $0xb8;
	[tilespmem:$0x1EE00] =	vst v63  }
0xfe: {  	_ =	swait.ge [sflag:s11], $0x8000  }
0xff: {  	[sflag:s11] =	ssyncset.done $0x0  }
0x100: {  	s0 =	rddreg [dreg:$0xb];
	[sflag:s11] =	ssyncadd.s32 $0xFFFF8000  }
0x101: {  	[tilespmem:s9], [sflag:$0x1] =	stream.indirect.gather [hbm4b:s3+s7], $0x40, s0, s7, $0xb8;
	[tilespmem:$0x1EE00] =	vst v63  }
0x102: {  	_ =	swait.ge [sflag:s12], $0x8000  }
0x103: {  	[sflag:s12] =	ssyncset.done $0x0  }
0x104: {  	s0 =	rddreg [dreg:$0xc];
	[sflag:s12] =	ssyncadd.s32 $0xFFFF8000  }
0x105: {  	[spmem:s2] =	stream.indirect.scatter.add.f32 [tilespmem:s8], [sflag:$0x4], $0x40, s0, s7, $0xb8;
	[tilespmem:$0x1EE00] =	vst v63  }
0x106: {  	_ =	swait.ge [sflag:s10], $0x8000  }
0x107: {  	[sflag:s10] =	ssyncset.done $0x0  }
0x108: {  	s0 =	rddreg [dreg:$0xd];
	[sflag:s10] =	ssyncadd.s32 $0xFFFF8000  }
0x109: {  	[tilespmem:s8], [sflag:$0x2] =	stream.indirect.gather [hbm4b:s3+s7], $0x40, s0, s7, $0xb8;
	[tilespmem:$0x1EE00] =	vst v63  }
0x10a: {  	_ =	swait.ge [sflag:s13], $0x8000  }
0x10b: {  	[sflag:s13] =	ssyncset.done $0x0  }
0x10c: {  	s0 =	rddreg [dreg:$0xe];
	[sflag:s13] =	ssyncadd.s32 $0xFFFF8000  }
0x10d: {  	[spmem:s2] =	stream.indirect.scatter.add.f32 [tilespmem:s9], [sflag:$0x3], $0x40, s0, s7, $0xb8;
	[tilespmem:$0x1EE00] =	vst v63  }
0x10e: {  	_ =	swait.ge [sflag:s11], $0x8000  }
0x10f: {  	[sflag:s11] =	ssyncset.done $0x0  }
0x110: {  	s0 =	rddreg [dreg:$0xf];
	[sflag:s11] =	ssyncadd.s32 $0xFFFF8000  }
0x111: {  	[tilespmem:s9], [sflag:$0x1] =	stream.indirect.gather [hbm4b:s3+s7], $0x40, s0, s7, $0xb8;
	[tilespmem:$0x1EE00] =	vst v63  }
0x112: {  	_ =	swait.ge [sflag:s12], $0x8000  }
0x113: {  	[sflag:s12] =	ssyncset.done $0x0  }
0x114: {  	s0 =	rddreg [dreg:$0x10];
	[sflag:s12] =	ssyncadd.s32 $0xFFFF8000  }
0x115: {  	[spmem:s2] =	stream.indirect.scatter.add.f32 [tilespmem:s8], [sflag:$0x4], $0x40, s0, s7, $0xb8;
	[tilespmem:$0x1EE00] =	vst v63  }
0x116: {  	_ =	swait.ge [sflag:s10], $0x8000  }
0x117: {  	[sflag:s10] =	ssyncset.done $0x0  }
0x118: {  	s0 =	rddreg [dreg:$0x11];
	[sflag:s10] =	ssyncadd.s32 $0xFFFF8000  }
0x119: {  	[tilespmem:s8], [sflag:$0x2] =	stream.indirect.gather [hbm4b:s3+s7], $0x40, s0, s7, $0xb8;
	[tilespmem:$0x1EE00] =	vst v63  }
0x11a: {  	_ =	swait.ge [sflag:s13], $0x8000  }
0x11b: {  	[sflag:s13] =	ssyncset.done $0x0  }
0x11c: {  	s0 =	rddreg [dreg:$0x12];
	[sflag:s13] =	ssyncadd.s32 $0xFFFF8000  }
0x11d: {  	[spmem:s2] =	stream.indirect.scatter.add.f32 [tilespmem:s9], [sflag:$0x3], $0x40, s0, s7, $0xb8;
	[tilespmem:$0x1EE00] =	vst v63  }
0x11e: {  	_ =	swait.ge [sflag:s11], $0x8000  }
0x11f: {  	[sflag:s11] =	ssyncset.done $0x0  }
0x120: {  	s0 =	rddreg [dreg:$0x13];
	[sflag:s11] =	ssyncadd.s32 $0xFFFF8000  }
0x121: {  	[tilespmem:s9], [sflag:$0x1] =	stream.indirect.gather [hbm4b:s3+s7], $0x40, s0, s7, $0xb8;
	[tilespmem:$0x1EE00] =	vst v63  }
0x122: {  	_ =	swait.ge [sflag:s12], $0x8000  }
0x123: {  	[sflag:s12] =	ssyncset.done $0x0  }
0x124: {  	s0 =	rddreg [dreg:$0x14];
	[sflag:s12] =	ssyncadd.s32 $0xFFFF8000  }
0x125: {  	[spmem:s2] =	stream.indirect.scatter.add.f32 [tilespmem:s8], [sflag:$0x4], $0x40, s0, s7, $0xb8;
	[tilespmem:$0x1EE00] =	vst v63  }
0x126: {  	_ =	swait.ge [sflag:s10], $0x8000  }
0x127: {  	[sflag:s10] =	ssyncset.done $0x0  }
0x128: {  	s0 =	rddreg [dreg:$0x15];
	[sflag:s10] =	ssyncadd.s32 $0xFFFF8000  }
0x129: {  	[tilespmem:s8], [sflag:$0x2] =	stream.indirect.gather [hbm4b:s3+s7], $0x40, s0, s7, $0xb8;
	[tilespmem:$0x1EE00] =	vst v63  }
0x12a: {  	_ =	swait.ge [sflag:s13], $0x8000  }
0x12b: {  	[sflag:s13] =	ssyncset.done $0x0  }
0x12c: {  	s0 =	rddreg [dreg:$0x16];
	[sflag:s13] =	ssyncadd.s32 $0xFFFF8000  }
0x12d: {  	[spmem:s2] =	stream.indirect.scatter.add.f32 [tilespmem:s9], [sflag:$0x3], $0x40, s0, s7, $0xb8;
	[tilespmem:$0x1EE00] =	vst v63  }
0x12e: {  	_ =	swait.ge [sflag:s11], $0x8000  }
0x12f: {  	[sflag:s11] =	ssyncset.done $0x0  }
0x130: {  	s0 =	rddreg [dreg:$0x17];
	[sflag:s11] =	ssyncadd.s32 $0xFFFF8000  }
0x131: {  	[tilespmem:s9], [sflag:$0x1] =	stream.indirect.gather [hbm4b:s3+s7], $0x40, s0, s7, $0xb8;
	[tilespmem:$0x1EE00] =	vst v63  }
0x132: {  	_ =	swait.ge [sflag:s12], $0x8000  }
0x133: {  	[sflag:s12] =	ssyncset.done $0x0  }
0x134: {  	s0 =	rddreg [dreg:$0x18];
	[sflag:s12] =	ssyncadd.s32 $0xFFFF8000  }
0x135: {  	[spmem:s2] =	stream.indirect.scatter.add.f32 [tilespmem:s8], [sflag:$0x4], $0x40, s0, s7, $0xb8;
	[tilespmem:$0x1EE00] =	vst v63  }
0x136: {  	_ =	swait.ge [sflag:s10], $0x8000  }
0x137: {  	[sflag:s10] =	ssyncset.done $0x0  }
0x138: {  	s0 =	rddreg [dreg:$0x19];
	[sflag:s10] =	ssyncadd.s32 $0xFFFF8000  }
0x139: {  	[tilespmem:s8], [sflag:$0x2] =	stream.indirect.gather [hbm4b:s3+s7], $0x40, s0, s7, $0xb8;
	[tilespmem:$0x1EE00] =	vst v63  }
0x13a: {  	_ =	swait.ge [sflag:s13], $0x8000  }
0x13b: {  	[sflag:s13] =	ssyncset.done $0x0  }
0x13c: {  	s0 =	rddreg [dreg:$0x1a];
	[sflag:s13] =	ssyncadd.s32 $0xFFFF8000  }
0x13d: {  	[spmem:s2] =	stream.indirect.scatter.add.f32 [tilespmem:s9], [sflag:$0x3], $0x40, s0, s7, $0xb8;
	[tilespmem:$0x1EE00] =	vst v63  }
0x13e: {  	_ =	swait.ge [sflag:s11], $0x8000  }
0x13f: {  	[sflag:s11] =	ssyncset.done $0x0  }
0x140: {  	s0 =	rddreg [dreg:$0x1b];
	[sflag:s11] =	ssyncadd.s32 $0xFFFF8000  }
0x141: {  	[tilespmem:s9], [sflag:$0x1] =	stream.indirect.gather [hbm4b:s3+s7], $0x40, s0, s7, $0xb8;
	[tilespmem:$0x1EE00] =	vst v63  }
0x142: {  	_ =	swait.ge [sflag:s12], $0x8000  }
0x143: {  	[sflag:s12] =	ssyncset.done $0x0  }
0x144: {  	s0 =	rddreg [dreg:$0x1c];
	[sflag:s12] =	ssyncadd.s32 $0xFFFF8000  }
0x145: {  	[spmem:s2] =	stream.indirect.scatter.add.f32 [tilespmem:s8], [sflag:$0x4], $0x40, s0, s7, $0xb8;
	[tilespmem:$0x1EE00] =	vst v63  }
0x146: {  	_ =	swait.ge [sflag:s10], $0x8000  }
0x147: {  	[sflag:s10] =	ssyncset.done $0x0  }
0x148: {  	[sflag:s10] =	ssyncadd.s32 $0xFFFF8000  }
0x149: {  	[tilespmem:s8], [sflag:$0x2] =	stream.indirect.gather [hbm4b:s3+s7], $0x40, s29, s7, $0xb8;
	[tilespmem:$0x1EE00] =	vst v63  }
0x14a: {  	_ =	swait.ge [sflag:s13], $0x8000  }
0x14b: {  	[sflag:s13] =	ssyncset.done $0x0  }
0x14c: {  	[sflag:s13] =	ssyncadd.s32 $0xFFFF8000  }
0x14d: {  	[spmem:s2] =	stream.indirect.scatter.add.f32 [tilespmem:s9], [sflag:$0x3], $0x40, s28, s7, $0xb8;
	[tilespmem:$0x1EE00] =	vst v63  }
0x14e: {  	_ =	swait.ge [sflag:s11], $0x8000  }
0x14f: {  	[sflag:s11] =	ssyncset.done $0x0  }
0x150: {  	[sflag:s11] =	ssyncadd.s32 $0xFFFF8000  }
0x151: {  	[tilespmem:s9], [sflag:$0x1] =	stream.indirect.gather [hbm4b:s3+s7], $0x40, s26, s7, $0xb8;
	[tilespmem:$0x1EE00] =	vst v63  }
0x152: {  	_ =	swait.ge [sflag:s12], $0x8000  }
0x153: {  	[sflag:s12] =	ssyncset.done $0x0  }
0x154: {  	[sflag:s12] =	ssyncadd.s32 $0xFFFF8000  }
0x155: {  	[spmem:s2] =	stream.indirect.scatter.add.f32 [tilespmem:s8], [sflag:$0x4], $0x40, s25, s7, $0xb8;
	[tilespmem:$0x1EE00] =	vst v63  }
0x156: {  	_ =	swait.ge [sflag:s10], $0x8000  }
0x157: {  	[sflag:s10] =	ssyncset.done $0x0  }
0x158: {  	[sflag:s10] =	ssyncadd.s32 $0xFFFF8000  }
0x159: {  	[tilespmem:s8], [sflag:$0x2] =	stream.indirect.gather [hbm4b:s3+s7], $0x40, s24, s7, $0xb8;
	[tilespmem:$0x1EE00] =	vst v63  }
0x15a: {  	_ =	swait.ge [sflag:s13], $0x8000  }
0x15b: {  	[sflag:s13] =	ssyncset.done $0x0  }
0x15c: {  	[sflag:s13] =	ssyncadd.s32 $0xFFFF8000  }
0x15d: {  	[spmem:s2] =	stream.indirect.scatter.add.f32 [tilespmem:s9], [sflag:$0x3], $0x40, s23, s7, $0xb8;
	[tilespmem:$0x1EE00] =	vst v63  }
0x15e: {  	_ =	swait.ge [sflag:s11], $0x8000  }
0x15f: {  	[sflag:s11] =	ssyncset.done $0x0  }
0x160: {  	[sflag:s11] =	ssyncadd.s32 $0xFFFF8000  }
0x161: {  	[tilespmem:s9], [sflag:$0x1] =	stream.indirect.gather [hbm4b:s3+s7], $0x40, s22, s7, $0xb8;
	[tilespmem:$0x1EE00] =	vst v63  }
0x162: {  	_ =	swait.ge [sflag:s12], $0x8000  }
0x163: {  	[sflag:s12] =	ssyncset.done $0x0  }
0x164: {  	[sflag:s12] =	ssyncadd.s32 $0xFFFF8000  }
0x165: {  	[spmem:s2] =	stream.indirect.scatter.add.f32 [tilespmem:s8], [sflag:$0x4], $0x40, s21, s7, $0xb8;
	[tilespmem:$0x1EE00] =	vst v63  }
0x166: {  	_ =	swait.ge [sflag:s10], $0x8000  }
0x167: {  	[sflag:s10] =	ssyncset.done $0x0  }
0x168: {  	[sflag:s10] =	ssyncadd.s32 $0xFFFF8000  }
0x169: {  	[tilespmem:s8], [sflag:$0x2] =	stream.indirect.gather [hbm4b:s3+s7], $0x40, s19, s7, $0xb8;
	[tilespmem:$0x1EE00] =	vst v63  }
0x16a: {  	_ =	swait.ge [sflag:s13], $0x8000  }
0x16b: {  	[sflag:s13] =	ssyncset.done $0x0  }
0x16c: {  	[sflag:s13] =	ssyncadd.s32 $0xFFFF8000  }
0x16d: {  	[spmem:s2] =	stream.indirect.scatter.add.f32 [tilespmem:s9], [sflag:$0x3], $0x40, s20, s7, $0xb8;
	[tilespmem:$0x1EE00] =	vst v63  }
0x16e: {  	_ =	swait.ge [sflag:s11], $0x8000  }
0x16f: {  	[sflag:s11] =	ssyncset.done $0x0  }
0x170: {  	[sflag:s11] =	ssyncadd.s32 $0xFFFF8000  }
0x171: {  	[tilespmem:s9], [sflag:$0x1] =	stream.indirect.gather [hbm4b:s3+s7], $0x40, s18, s7, $0xb8;
	[tilespmem:$0x1EE00] =	vst v63  }
0x172: {  	_ =	swait.ge [sflag:s12], $0x8000  }
0x173: {  	[sflag:s12] =	ssyncset.done $0x0  }
0x174: {  	[sflag:s12] =	ssyncadd.s32 $0xFFFF8000  }
0x175: {  	[spmem:s2] =	stream.indirect.scatter.add.f32 [tilespmem:s8], [sflag:$0x4], $0x40, s17, s7, $0xb8;
	[tilespmem:$0x1EE00] =	vst v63  }
0x176: {  	_ =	swait.ge [sflag:s10], $0x8000  }
0x177: {  	[sflag:s10] =	ssyncset.done $0x0  }
0x178: {  	[sflag:s10] =	ssyncadd.s32 $0xFFFF8000  }
0x179: {  	[tilespmem:s8], [sflag:$0x2] =	stream.indirect.gather [hbm4b:s3+s7], $0x40, s16, s7, $0xb8;
	[tilespmem:$0x1EE00] =	vst v63  }
0x17a: {  	_ =	swait.ge [sflag:s13], $0x8000  }
0x17b: {  	[sflag:s13] =	ssyncset.done $0x0  }
0x17c: {  	[sflag:s13] =	ssyncadd.s32 $0xFFFF8000  }
0x17d: {  	[spmem:s2] =	stream.indirect.scatter.add.f32 [tilespmem:s9], [sflag:$0x3], $0x40, s15, s7, $0xb8;
	[tilespmem:$0x1EE00] =	vst v63  }
0x17e: {  	_ =	swait.ge [sflag:s11], $0x8000  }
0x17f: {  	[sflag:s11] =	ssyncset.done $0x0  }
0x180: {  	[sflag:s11] =	ssyncadd.s32 $0xFFFF8000  }
0x181: {  	_ =	swait.ge [sflag:s12], $0x8000  }
0x182: {  	[sflag:s12] =	ssyncset.done $0x0  }
0x183: {  	[sflag:s12] =	ssyncadd.s32 $0xFFFF8000  }
0x184: {  	[spmem:s2] =	stream.indirect.scatter.add.f32 [tilespmem:s8], [sflag:$0x4], $0x40, s14, s7, $0xb8;
	[tilespmem:$0x1EE00] =	vst v63  }
0x185: {  	_ =	swait.ge [sflag:s10], $0x8000  }
0x186: {  	[sflag:s10] =	ssyncset.done $0x0  }
0x187: {  	p1 =	sne.s32 s1, $0x1;
	[sflag:s10] =	ssyncadd.s32 $0xFFFF8000  }
.Ltmp2:
0x188: {  	[bflag:$0x0] =	sbarrier.arrive $0xFFFF;
	(pc) =	sbr.rel @p1 .LBB2_2-.Ltmp2, $4  }
0x189: {  	s0 =	rddreg [dreg:$0x6]  }
0x18a: {  	[hbm:s0], [sflag:s4] =	dma.local [spmem:s5], $0x13C0  }
0x18b: {  	_ =	swait.ge [sflag:s6], $0x13C0  }
0x18c: {  	s1 =	sadd.s32 $0xFFFFFFFF, s1;
	s0 =	rddreg [dreg:$0x3];
	[sflag:s6] =	ssyncset.done $0x0  }
.LBB2_3:
0x18d: {  	[sflag:s6] =	ssyncadd.s32 @p0 $0xFFFFEC40  }
0x18e: {  	[spmem:s5], [sflag:s4] =	dma.local [hbm:s0], $0x13C0  }
0x18f: {  	_ =	swait.ge [sflag:s6], $0x13C0  }
0x190: {  	[sflag:s6] =	ssyncset.done $0x0  }
0x191: {  	s1 =	rddreg [dreg:$0x4];
	[sflag:s6] =	ssyncadd.s32 $0xFFFFEC40  }
0x192: {  	[tilespmem:s30], [sflag:$0x5] =	stream.linear.gather [hbm4b:s1+s30], $0x2800, $0x38;
	[tilespmem:$0x1EE00] =	vst v63  }
0x193: {  	_ =	swait.ge [sflag:s6], $0x2800  }
0x194: {  	[sflag:s6] =	ssyncset.done $0x0  }
0x195: {  	s1 =	rddreg [dreg:$0x5];
	[sflag:s6] =	ssyncadd.s32 $0xFFFFD800  }
0x196: {  	[tilespmem:s31], [sflag:$0x5] =	stream.linear.gather [hbm4b:s1+s30], $0x2800, $0x38;
	[tilespmem:$0x1EE00] =	vst v63  }
0x197: {  	_ =	swait.ge [sflag:s6], $0x2800  }
0x198: {  	[sflag:s6] =	ssyncset.done $0x0  }
0x199: {  	[sflag:s6] =	ssyncadd.s32 $0xFFFFD800  }
0x19a: {  	[bflag:$0x0] =	sbarrier.arrive $0xFFFF  }
0x19b: {  	[tilespmem:s9], [sflag:$0x1] =	stream.indirect.gather [hbm4b:s3+s7], $0x40, s30, s7, $0xb8;
	[tilespmem:$0x1EE00] =	vst v63  }
0x19c: {  	_ = 	snop  }
0x19d: {  	[tilespmem:s8], [sflag:$0x2] =	stream.indirect.gather [hbm4b:s3+s7], $0x40, s7, s7, $0xb8;
	[tilespmem:$0x1EE00] =	vst v63  }
0x19e: {  	_ =	swait.ge [sflag:s13], $0x8000  }
0x19f: {  	[sflag:s13] =	ssyncset.done $0x0  }
0x1a0: {  	[sflag:s13] =	ssyncadd.s32 $0xFFFF8000  }
0x1a1: {  	[spmem:s2] =	stream.indirect.scatter.add.f32 [tilespmem:s9], [sflag:$0x3], $0x40, s31, s7, $0xb8;
	[tilespmem:$0x1EE00] =	vst v63  }
0x1a2: {  	_ =	swait.ge [sflag:s11], $0x8000  }
0x1a3: {  	[sflag:s11] =	ssyncset.done $0x0  }
0x1a4: {  	s1 =	rddreg [dreg:$0x7];
	[sflag:s11] =	ssyncadd.s32 $0xFFFF8000  }
0x1a5: {  	[tilespmem:s9], [sflag:$0x1] =	stream.indirect.gather [hbm4b:s3+s7], $0x40, s1, s7, $0xb8;
	[tilespmem:$0x1EE00] =	vst v63  }
0x1a6: {  	_ =	swait.ge [sflag:s12], $0x8000  }
0x1a7: {  	[sflag:s12] =	ssyncset.done $0x0  }
0x1a8: {  	s30 =	rddreg [dreg:$0x8];
	[sflag:s12] =	ssyncadd.s32 $0xFFFF8000  }
0x1a9: {  	[spmem:s2] =	stream.indirect.scatter.add.f32 [tilespmem:s8], [sflag:$0x4], $0x40, s30, s7, $0xb8;
	[tilespmem:$0x1EE00] =	vst v63  }
0x1aa: {  	_ =	swait.ge [sflag:s10], $0x8000  }
0x1ab: {  	[sflag:s10] =	ssyncset.done $0x0  }
0x1ac: {  	s31 =	rddreg [dreg:$0x9];
	[sflag:s10] =	ssyncadd.s32 $0xFFFF8000  }
0x1ad: {  	[tilespmem:s8], [sflag:$0x2] =	stream.indirect.gather [hbm4b:s3+s7], $0x40, s31, s7, $0xb8;
	[tilespmem:$0x1EE00] =	vst v63  }
0x1ae: {  	_ =	swait.ge [sflag:s13], $0x8000  }
0x1af: {  	[sflag:s13] =	ssyncset.done $0x0  }
0x1b0: {  	s1 =	rddreg [dreg:$0xa];
	[sflag:s13] =	ssyncadd.s32 $0xFFFF8000  }
0x1b1: {  	[spmem:s2] =	stream.indirect.scatter.add.f32 [tilespmem:s9], [sflag:$0x3], $0x40, s1, s7, $0xb8;
	[tilespmem:$0x1EE00] =	vst v63  }
0x1b2: {  	_ =	swait.ge [sflag:s11], $0x8000  }
0x1b3: {  	[sflag:s11] =	ssyncset.done $0x0  }
0x1b4: {  	s30 =	rddreg [dreg:$0xb];
	[sflag:s11] =	ssyncadd.s32 $0xFFFF8000  }
0x1b5: {  	[tilespmem:s9], [sflag:$0x1] =	stream.indirect.gather [hbm4b:s3+s7], $0x40, s30, s7, $0xb8;
	[tilespmem:$0x1EE00] =	vst v63  }
0x1b6: {  	_ =	swait.ge [sflag:s12], $0x8000  }
0x1b7: {  	[sflag:s12] =	ssyncset.done $0x0  }
0x1b8: {  	s31 =	rddreg [dreg:$0xc];
	[sflag:s12] =	ssyncadd.s32 $0xFFFF8000  }
0x1b9: {  	[spmem:s2] =	stream.indirect.scatter.add.f32 [tilespmem:s8], [sflag:$0x4], $0x40, s31, s7, $0xb8;
	[tilespmem:$0x1EE00] =	vst v63  }
0x1ba: {  	_ =	swait.ge [sflag:s10], $0x8000  }
0x1bb: {  	[sflag:s10] =	ssyncset.done $0x0  }
0x1bc: {  	s1 =	rddreg [dreg:$0xd];
	[sflag:s10] =	ssyncadd.s32 $0xFFFF8000  }
0x1bd: {  	[tilespmem:s8], [sflag:$0x2] =	stream.indirect.gather [hbm4b:s3+s7], $0x40, s1, s7, $0xb8;
	[tilespmem:$0x1EE00] =	vst v63  }
0x1be: {  	_ =	swait.ge [sflag:s13], $0x8000  }
0x1bf: {  	[sflag:s13] =	ssyncset.done $0x0  }
0x1c0: {  	s30 =	rddreg [dreg:$0xe];
	[sflag:s13] =	ssyncadd.s32 $0xFFFF8000  }
0x1c1: {  	[spmem:s2] =	stream.indirect.scatter.add.f32 [tilespmem:s9], [sflag:$0x3], $0x40, s30, s7, $0xb8;
	[tilespmem:$0x1EE00] =	vst v63  }
0x1c2: {  	_ =	swait.ge [sflag:s11], $0x8000  }
0x1c3: {  	[sflag:s11] =	ssyncset.done $0x0  }
0x1c4: {  	s31 =	rddreg [dreg:$0xf];
	[sflag:s11] =	ssyncadd.s32 $0xFFFF8000  }
0x1c5: {  	[tilespmem:s9], [sflag:$0x1] =	stream.indirect.gather [hbm4b:s3+s7], $0x40, s31, s7, $0xb8;
	[tilespmem:$0x1EE00] =	vst v63  }
0x1c6: {  	_ =	swait.ge [sflag:s12], $0x8000  }
0x1c7: {  	[sflag:s12] =	ssyncset.done $0x0  }
0x1c8: {  	s1 =	rddreg [dreg:$0x10];
	[sflag:s12] =	ssyncadd.s32 $0xFFFF8000  }
0x1c9: {  	[spmem:s2] =	stream.indirect.scatter.add.f32 [tilespmem:s8], [sflag:$0x4], $0x40, s1, s7, $0xb8;
	[tilespmem:$0x1EE00] =	vst v63  }
0x1ca: {  	_ =	swait.ge [sflag:s10], $0x8000  }
0x1cb: {  	[sflag:s10] =	ssyncset.done $0x0  }
0x1cc: {  	s30 =	rddreg [dreg:$0x11];
	[sflag:s10] =	ssyncadd.s32 $0xFFFF8000  }
0x1cd: {  	[tilespmem:s8], [sflag:$0x2] =	stream.indirect.gather [hbm4b:s3+s7], $0x40, s30, s7, $0xb8;
	[tilespmem:$0x1EE00] =	vst v63  }
0x1ce: {  	_ =	swait.ge [sflag:s13], $0x8000  }
0x1cf: {  	[sflag:s13] =	ssyncset.done $0x0  }
0x1d0: {  	s31 =	rddreg [dreg:$0x12];
	[sflag:s13] =	ssyncadd.s32 $0xFFFF8000  }
0x1d1: {  	[spmem:s2] =	stream.indirect.scatter.add.f32 [tilespmem:s9], [sflag:$0x3], $0x40, s31, s7, $0xb8;
	[tilespmem:$0x1EE00] =	vst v63  }
0x1d2: {  	_ =	swait.ge [sflag:s11], $0x8000  }
0x1d3: {  	[sflag:s11] =	ssyncset.done $0x0  }
0x1d4: {  	s1 =	rddreg [dreg:$0x13];
	[sflag:s11] =	ssyncadd.s32 $0xFFFF8000  }
0x1d5: {  	[tilespmem:s9], [sflag:$0x1] =	stream.indirect.gather [hbm4b:s3+s7], $0x40, s1, s7, $0xb8;
	[tilespmem:$0x1EE00] =	vst v63  }
0x1d6: {  	_ =	swait.ge [sflag:s12], $0x8000  }
0x1d7: {  	[sflag:s12] =	ssyncset.done $0x0  }
0x1d8: {  	s30 =	rddreg [dreg:$0x14];
	[sflag:s12] =	ssyncadd.s32 $0xFFFF8000  }
0x1d9: {  	[spmem:s2] =	stream.indirect.scatter.add.f32 [tilespmem:s8], [sflag:$0x4], $0x40, s30, s7, $0xb8;
	[tilespmem:$0x1EE00] =	vst v63  }
0x1da: {  	_ =	swait.ge [sflag:s10], $0x8000  }
0x1db: {  	[sflag:s10] =	ssyncset.done $0x0  }
0x1dc: {  	s31 =	rddreg [dreg:$0x15];
	[sflag:s10] =	ssyncadd.s32 $0xFFFF8000  }
0x1dd: {  	[tilespmem:s8], [sflag:$0x2] =	stream.indirect.gather [hbm4b:s3+s7], $0x40, s31, s7, $0xb8;
	[tilespmem:$0x1EE00] =	vst v63  }
0x1de: {  	_ =	swait.ge [sflag:s13], $0x8000  }
0x1df: {  	[sflag:s13] =	ssyncset.done $0x0  }
0x1e0: {  	s1 =	rddreg [dreg:$0x16];
	[sflag:s13] =	ssyncadd.s32 $0xFFFF8000  }
0x1e1: {  	[spmem:s2] =	stream.indirect.scatter.add.f32 [tilespmem:s9], [sflag:$0x3], $0x40, s1, s7, $0xb8;
	[tilespmem:$0x1EE00] =	vst v63  }
0x1e2: {  	_ =	swait.ge [sflag:s11], $0x8000  }
0x1e3: {  	[sflag:s11] =	ssyncset.done $0x0  }
0x1e4: {  	s30 =	rddreg [dreg:$0x17];
	[sflag:s11] =	ssyncadd.s32 $0xFFFF8000  }
0x1e5: {  	[tilespmem:s9], [sflag:$0x1] =	stream.indirect.gather [hbm4b:s3+s7], $0x40, s30, s7, $0xb8;
	[tilespmem:$0x1EE00] =	vst v63  }
0x1e6: {  	_ =	swait.ge [sflag:s12], $0x8000  }
0x1e7: {  	[sflag:s12] =	ssyncset.done $0x0  }
0x1e8: {  	s31 =	rddreg [dreg:$0x18];
	[sflag:s12] =	ssyncadd.s32 $0xFFFF8000  }
0x1e9: {  	[spmem:s2] =	stream.indirect.scatter.add.f32 [tilespmem:s8], [sflag:$0x4], $0x40, s31, s7, $0xb8;
	[tilespmem:$0x1EE00] =	vst v63  }
0x1ea: {  	_ =	swait.ge [sflag:s10], $0x8000  }
0x1eb: {  	[sflag:s10] =	ssyncset.done $0x0  }
0x1ec: {  	s1 =	rddreg [dreg:$0x19];
	[sflag:s10] =	ssyncadd.s32 $0xFFFF8000  }
0x1ed: {  	[tilespmem:s8], [sflag:$0x2] =	stream.indirect.gather [hbm4b:s3+s7], $0x40, s1, s7, $0xb8;
	[tilespmem:$0x1EE00] =	vst v63  }
0x1ee: {  	_ =	swait.ge [sflag:s13], $0x8000  }
0x1ef: {  	[sflag:s13] =	ssyncset.done $0x0  }
0x1f0: {  	s30 =	rddreg [dreg:$0x1a];
	[sflag:s13] =	ssyncadd.s32 $0xFFFF8000  }
0x1f1: {  	[spmem:s2] =	stream.indirect.scatter.add.f32 [tilespmem:s9], [sflag:$0x3], $0x40, s30, s7, $0xb8;
	[tilespmem:$0x1EE00] =	vst v63  }
0x1f2: {  	_ =	swait.ge [sflag:s11], $0x8000  }
0x1f3: {  	[sflag:s11] =	ssyncset.done $0x0  }
0x1f4: {  	s31 =	rddreg [dreg:$0x1b];
	[sflag:s11] =	ssyncadd.s32 $0xFFFF8000  }
0x1f5: {  	[tilespmem:s9], [sflag:$0x1] =	stream.indirect.gather [hbm4b:s3+s7], $0x40, s31, s7, $0xb8;
	[tilespmem:$0x1EE00] =	vst v63  }
0x1f6: {  	_ =	swait.ge [sflag:s12], $0x8000  }
0x1f7: {  	[sflag:s12] =	ssyncset.done $0x0  }
0x1f8: {  	s1 =	rddreg [dreg:$0x1c];
	[sflag:s12] =	ssyncadd.s32 $0xFFFF8000  }
0x1f9: {  	[spmem:s2] =	stream.indirect.scatter.add.f32 [tilespmem:s8], [sflag:$0x4], $0x40, s1, s7, $0xb8;
	[tilespmem:$0x1EE00] =	vst v63  }
0x1fa: {  	_ =	swait.ge [sflag:s10], $0x8000  }
0x1fb: {  	[sflag:s10] =	ssyncset.done $0x0  }
0x1fc: {  	[sflag:s10] =	ssyncadd.s32 $0xFFFF8000  }
0x1fd: {  	[tilespmem:s8], [sflag:$0x2] =	stream.indirect.gather [hbm4b:s3+s7], $0x40, s29, s7, $0xb8;
	[tilespmem:$0x1EE00] =	vst v63  }
0x1fe: {  	_ =	swait.ge [sflag:s13], $0x8000  }
0x1ff: {  	[sflag:s13] =	ssyncset.done $0x0  }
0x200: {  	[sflag:s13] =	ssyncadd.s32 $0xFFFF8000  }
0x201: {  	[spmem:s2] =	stream.indirect.scatter.add.f32 [tilespmem:s9], [sflag:$0x3], $0x40, s28, s7, $0xb8;
	[tilespmem:$0x1EE00] =	vst v63  }
0x202: {  	_ =	swait.ge [sflag:s11], $0x8000  }
0x203: {  	[sflag:s11] =	ssyncset.done $0x0  }
0x204: {  	[sflag:s11] =	ssyncadd.s32 $0xFFFF8000  }
0x205: {  	[tilespmem:s9], [sflag:$0x1] =	stream.indirect.gather [hbm4b:s3+s7], $0x40, s26, s7, $0xb8;
	[tilespmem:$0x1EE00] =	vst v63  }
0x206: {  	_ =	swait.ge [sflag:s12], $0x8000  }
0x207: {  	[sflag:s12] =	ssyncset.done $0x0  }
0x208: {  	[sflag:s12] =	ssyncadd.s32 $0xFFFF8000  }
0x209: {  	[spmem:s2] =	stream.indirect.scatter.add.f32 [tilespmem:s8], [sflag:$0x4], $0x40, s25, s7, $0xb8;
	[tilespmem:$0x1EE00] =	vst v63  }
0x20a: {  	_ =	swait.ge [sflag:s10], $0x8000  }
0x20b: {  	[sflag:s10] =	ssyncset.done $0x0  }
0x20c: {  	[sflag:s10] =	ssyncadd.s32 $0xFFFF8000  }
0x20d: {  	[tilespmem:s8], [sflag:$0x2] =	stream.indirect.gather [hbm4b:s3+s7], $0x40, s24, s7, $0xb8;
	[tilespmem:$0x1EE00] =	vst v63  }
0x20e: {  	_ =	swait.ge [sflag:s13], $0x8000  }
0x20f: {  	[sflag:s13] =	ssyncset.done $0x0  }
0x210: {  	[sflag:s13] =	ssyncadd.s32 $0xFFFF8000  }
0x211: {  	[spmem:s2] =	stream.indirect.scatter.add.f32 [tilespmem:s9], [sflag:$0x3], $0x40, s23, s7, $0xb8;
	[tilespmem:$0x1EE00] =	vst v63  }
0x212: {  	_ =	swait.ge [sflag:s11], $0x8000  }
0x213: {  	[sflag:s11] =	ssyncset.done $0x0  }
0x214: {  	[sflag:s11] =	ssyncadd.s32 $0xFFFF8000  }
0x215: {  	[tilespmem:s9], [sflag:$0x1] =	stream.indirect.gather [hbm4b:s3+s7], $0x40, s22, s7, $0xb8;
	[tilespmem:$0x1EE00] =	vst v63  }
0x216: {  	_ =	swait.ge [sflag:s12], $0x8000  }
0x217: {  	[sflag:s12] =	ssyncset.done $0x0  }
0x218: {  	[sflag:s12] =	ssyncadd.s32 $0xFFFF8000  }
0x219: {  	[spmem:s2] =	stream.indirect.scatter.add.f32 [tilespmem:s8], [sflag:$0x4], $0x40, s21, s7, $0xb8;
	[tilespmem:$0x1EE00] =	vst v63  }
0x21a: {  	_ =	swait.ge [sflag:s10], $0x8000  }
0x21b: {  	[sflag:s10] =	ssyncset.done $0x0  }
0x21c: {  	[sflag:s10] =	ssyncadd.s32 $0xFFFF8000  }
0x21d: {  	[tilespmem:s8], [sflag:$0x2] =	stream.indirect.gather [hbm4b:s3+s7], $0x40, s19, s7, $0xb8;
	[tilespmem:$0x1EE00] =	vst v63  }
0x21e: {  	_ =	swait.ge [sflag:s13], $0x8000  }
0x21f: {  	[sflag:s13] =	ssyncset.done $0x0  }
0x220: {  	[sflag:s13] =	ssyncadd.s32 $0xFFFF8000  }
0x221: {  	[spmem:s2] =	stream.indirect.scatter.add.f32 [tilespmem:s9], [sflag:$0x3], $0x40, s20, s7, $0xb8;
	[tilespmem:$0x1EE00] =	vst v63  }
0x222: {  	_ =	swait.ge [sflag:s11], $0x8000  }
0x223: {  	[sflag:s11] =	ssyncset.done $0x0  }
0x224: {  	[sflag:s11] =	ssyncadd.s32 $0xFFFF8000  }
0x225: {  	[tilespmem:s9], [sflag:$0x1] =	stream.indirect.gather [hbm4b:s3+s7], $0x40, s18, s7, $0xb8;
	[tilespmem:$0x1EE00] =	vst v63  }
0x226: {  	_ =	swait.ge [sflag:s12], $0x8000  }
0x227: {  	[sflag:s12] =	ssyncset.done $0x0  }
0x228: {  	[sflag:s12] =	ssyncadd.s32 $0xFFFF8000  }
0x229: {  	[spmem:s2] =	stream.indirect.scatter.add.f32 [tilespmem:s8], [sflag:$0x4], $0x40, s17, s7, $0xb8;
	[tilespmem:$0x1EE00] =	vst v63  }
0x22a: {  	_ =	swait.ge [sflag:s10], $0x8000  }
0x22b: {  	[sflag:s10] =	ssyncset.done $0x0  }
0x22c: {  	[sflag:s10] =	ssyncadd.s32 $0xFFFF8000  }
0x22d: {  	[tilespmem:s8], [sflag:$0x2] =	stream.indirect.gather [hbm4b:s3+s7], $0x40, s16, s7, $0xb8;
	[tilespmem:$0x1EE00] =	vst v63  }
0x22e: {  	_ =	swait.ge [sflag:s13], $0x8000  }
0x22f: {  	[sflag:s13] =	ssyncset.done $0x0  }
0x230: {  	[sflag:s13] =	ssyncadd.s32 $0xFFFF8000  }
0x231: {  	[spmem:s2] =	stream.indirect.scatter.add.f32 [tilespmem:s9], [sflag:$0x3], $0x40, s15, s7, $0xb8;
	[tilespmem:$0x1EE00] =	vst v63  }
0x232: {  	_ =	swait.ge [sflag:s11], $0x8000  }
0x233: {  	[sflag:s11] =	ssyncset.done $0x0  }
0x234: {  	[sflag:s11] =	ssyncadd.s32 $0xFFFF8000  }
0x235: {  	_ =	swait.ge [sflag:s12], $0x8000  }
0x236: {  	[sflag:s12] =	ssyncset.done $0x0  }
0x237: {  	[sflag:s12] =	ssyncadd.s32 $0xFFFF8000  }
0x238: {  	[spmem:s2] =	stream.indirect.scatter.add.f32 [tilespmem:s8], [sflag:$0x4], $0x40, s14, s7, $0xb8;
	[tilespmem:$0x1EE00] =	vst v63  }
0x239: {  	_ =	swait.ge [sflag:s10], $0x8000  }
0x23a: {  	[sflag:s10] =	ssyncset.done $0x0  }
0x23b: {  	[sflag:s10] =	ssyncadd.s32 $0xFFFF8000  }
0x23c: {  	[bflag:$0x0] =	sbarrier.arrive $0xFFFF  }
0x23d: {  	s30 =	rddreg [dreg:$0x6]  }
0x23e: {  	[hbm:s30], [sflag:s4] =	dma.local [spmem:s5], $0x13C0  }
0x23f: {  	_ =	swait.ge [sflag:s6], $0x13C0  }
0x240: {  	[sflag:s6] =	ssyncset.done $0x0  }
0x241: {  	[sflag:s6] =	ssyncadd.s32 $0xFFFFEC40  }
0x242: {  	_ =	sfence.sel $0x180000  }
0x243: {  	[bflag:$0x0] =	sbarrier.arrive $0xFFFF  }
0x244: {  	_ =	strace $0x9000004D  }
0x245: {  	s31 =	stileid.u32;
	[bflag:$0x2] =	sbarrier.arrive $0xFFFF  }
0x246: {  	p0 =	sne.s32 s31, $0x0;
	s0 =	rddreg [dreg:$0x2]  }
0x247: {  	s0 =	sadd.s32 @!p0 $0x100000, s0  }
0x248: {  	[sflag:s0] =	ssyncadd.tile.s32 @!p0 $0x1;
	_ =	shalt  }
.Lfunc_end2:
_tile_overlayer_lowered:
.L_overlay_start_2:
0x249: {  	(tag) =	ssettag $0x2  }
0x24a: {  	s0 =	rddreg [dreg:$0x0];
	s2 =	stileid.u32  }
0x24b: {  	s1 =	rddreg [dreg:$0x1];
	p0 =	sne.s32 s2, $0x0  }
0x24c: {  	s3 =	rddreg [dreg:$0x2];
	[bflag:$0x3] =	sbarrier.arrive $0xFFFF;
	s2 =	simm.s32 @!p0 $0x1C05  }
0x24d: {  	[timem:s3], [sflag:s2] =	dma.local @!p0 [hbm:s0], s1  }
0x24e: {  	s0 =	simm.s32 @!p0 $0x5  }
0x24f: {  	_ =	swait.ge @!p0 [sflag:s0], s1  }
0x250: {  	s1 =	ssub.s32 @!p0 $0x0, s1;
	[sflag:s0] =	ssyncset.done @!p0 $0x0  }
0x251: {  	[sflag:s0] =	ssyncadd.s32 @!p0 s1  }
0x252: {  	[bflag:$0x3] =	sbarrier.arrive $0xFFFF  }
0x253: {  	_ =	shalt  }

// kernel: kernel.23.cloned.1.call-start
scs
__scs_entry_jumppad:
0x0: {  	(pc) =	sbr.rel $0x88, $3  }
0x1: {  	(tag) =	ssettag $0x0;
	lr =	simm.s32 $0x1  }
0x2: {  	[smem:$0x3F95] =	sst lr;
	_ =	strace $0xD0000000  }
0x3: {  	_ = 	snop  }
0x4: {  	_ = 	snop  }
0x5: {  	_ = 	snop  }
0x6: {  	_ = 	snop  }
0x7: {  	_ = 	snop  }
__scs_overlays_trampoline_lowered:
0x8: {  	[smem:$0x3FA4] =	sst s0  }
0x9: {  	[smem:$0x3FA5] =	sst s1  }
0xa: {  	[smem:$0x3FA6] =	sst s2  }
0xb: {  	[smem:$0x3FA7] =	sst s3  }
0xc: {  	[smem:$0x3FA8] =	sst s4  }
0xd: {  	[smem:$0x3FA9] =	sst s5  }
0xe: {  	[smem:$0x3FAA] =	sst s6  }
0xf: {  	[smem:$0x3FAB] =	sst s7  }
0x10: {  	[smem:$0x3FAC] =	sst s8  }
0x11: {  	[smem:$0x3FAD] =	sst s9;
	s0 =	simm.s32 @!p0 $0x0  }
0x12: {  	s1 =	sld [smem:$0x3F93];
	s0 =	simm.s32 @p0 $0x1  }
0x13: {  	[smem:$0x3FAE] =	sst s0;
	s0 =	simm.s32 @!p1 $0x0  }
0x14: {  	s2 =	sld [smem:$0x3F92];
	s0 =	simm.s32 @p1 $0x1  }
0x15: {  	[smem:$0x3FAF] =	sst s0;
	s0 =	simm.s32 @!p2 $0x0  }
0x16: {  	s3 =	sld [smem:$0x3FDB];
	s0 =	simm.s32 @p2 $0x1  }
0x17: {  	s4 =	simm.s32 $0x1BF5;
	[smem:$0x3FB1] =	sst s0  }
0x18: {  	s0 =	sld [smem:$0x3F94];
	_ =	swait.ge [sflag:s4], $0x0  }
0x19: {  	s7 =	sld [smem:$0x3F95]  }
0x1a: {  	s8 =	sadd.s32 $0xFFFFE003, lr  }
0x1b: {  	s9 =	sadd.s32 $0xFFFFFEF7, lr;
	s5 =	simm.s32 $0xFFFFFFFF;
	p2 =	slt.u32 s8, $0xFFFFF086  }
0x1c: {  	p1 =	slt.u32 s9, $0xF7A;
	s5 =	simm.s32 @!p2 $0x0  }
0x1d: {  	s5 =	simm.s32 @p1 $0x1;
	p0 =	seq.s32 s7, s2  }
0x1e: {  	s7 =	smul.u32 @!p0 $0xF7A, s2;
	p2 =	seq.s32 @!p0 s5, $0x0  }
0x1f: {  	s9 =	smul.u32 $0xF7A, s1;
	s8 =	simm.s32 @!p0 $0x1BF5;
	p2 =	por !p2, p0  }
0x20: {  	[sflag:s8] =	ssyncset.s32 @!p0 $0xFFFFF086;
	s6 =	sadd.s32 @!p0 s3, s7;
	s7 =	simm.s32 @!p0 $0x108  }
0x21: {  	s3 =	sadd.s32 s3, s9;
	s6 =	sadd.s32 @!p0 $0x88, s6;
	s7 =	simm.s32 @p2 $0x1082  }
0x22: {  	[simem:s7], [sflag:s8] =	dma.local @!p0 [hbm:s6], $0xF7A  }
0x23: {  	s9 =	sor.u32 $0xD0000000, s2;
	s6 =	simm.s32 $0x108;
	_ =	swait.ge @!p0 [sflag:s8], $0x0  }
0x24: {  	s3 =	sadd.s32 $0x88, s3;
	s6 =	simm.s32 @!p1 $0x1082;
	[sflag:s4] =	ssyncset.s32 $0xFFFFF086  }
0x25: {  	[simem:s6], [sflag:s4] =	dma.local [hbm:s3], $0xF7A  }
0x26: {  	[smem:$0x3F95] =	sst s1;
	(tag) =	ssettag s2;
	_ =	strace s9  }
0x27: {  	s1 =	sld [smem:$0x3FA5]  }
0x28: {  	s2 =	sld [smem:$0x3FA6]  }
0x29: {  	s4 =	sld [smem:$0x3FA8]  }
0x2a: {  	p0 =	seq.s32 s5, $0x0;
	s5 =	sld [smem:$0x3FA9]  }
0x2b: {  	s6 =	sld [smem:$0x3FAA]  }
0x2c: {  	s7 =	sld [smem:$0x3FAB]  }
0x2d: {  	s3 =	simm.s32 $0x108;
	s8 =	sld [smem:$0x3FAC]  }
0x2e: {  	s3 =	simm.s32 @!p0 $0x1082;
	s9 =	sld [smem:$0x3FAD]  }
0x2f: {  	lr =	sadd.s32 s0, s3;
	s0 =	sld [smem:$0x3FA4]  }
0x30: {  	s3 =	sld [smem:$0x3FA7]  }
0x31: {  	[smem:$0x3FB0] =	sst s10  }
0x32: {  	s10 =	sld [smem:$0x3FAE];
	_ =	sdelay $0x3  }
0x33: {  	p0 =	seq.s32 s10, $0x1;
	s10 =	sld [smem:$0x3FB0];
	_ =	sdelay $0x3  }
0x34: {  	[smem:$0x3FB0] =	sst s10  }
0x35: {  	s10 =	sld [smem:$0x3FAF];
	_ =	sdelay $0x3  }
0x36: {  	p1 =	seq.s32 s10, $0x1;
	s10 =	sld [smem:$0x3FB0];
	_ =	sdelay $0x3  }
0x37: {  	[smem:$0x3FB0] =	sst s10  }
0x38: {  	s10 =	sld [smem:$0x3FB1]  }
0x39: {  	_ = 	snop;
	(pc) =	sbr.ind lr, $3  }
0x3a: {  	_ = 	snop  }
0x3b: {  	_ = 	snop  }
0x3c: {  	p2 =	seq.s32 s10, $0x1;
	s10 =	sld [smem:$0x3FB0]  }
0x3d: {  	_ =	shalt  }
0x3e: {  	_ =	shalt  }
0x3f: {  	_ =	shalt  }
0x40: {  	_ =	shalt  }
0x41: {  	_ =	shalt  }
0x42: {  	_ =	shalt  }
0x43: {  	_ =	shalt  }
0x44: {  	_ =	shalt  }
0x45: {  	_ =	shalt  }
0x46: {  	_ =	shalt  }
0x47: {  	_ =	shalt  }
0x48: {  	_ =	shalt  }
0x49: {  	_ =	shalt  }
0x4a: {  	_ =	shalt  }
0x4b: {  	_ =	shalt  }
0x4c: {  	_ =	shalt  }
0x4d: {  	_ =	shalt  }
0x4e: {  	_ =	shalt  }
0x4f: {  	_ =	shalt  }
0x50: {  	_ =	shalt  }
0x51: {  	_ =	shalt  }
0x52: {  	_ =	shalt  }
0x53: {  	_ =	shalt  }
0x54: {  	_ =	shalt  }
0x55: {  	_ =	shalt  }
0x56: {  	_ =	shalt  }
0x57: {  	_ =	shalt  }
0x58: {  	_ =	shalt  }
0x59: {  	_ =	shalt  }
0x5a: {  	_ =	shalt  }
0x5b: {  	_ =	shalt  }
0x5c: {  	_ =	shalt  }
0x5d: {  	_ =	shalt  }
0x5e: {  	_ =	shalt  }
0x5f: {  	_ =	shalt  }
0x60: {  	_ =	shalt  }
0x61: {  	_ =	shalt  }
0x62: {  	_ =	shalt  }
0x63: {  	_ =	shalt  }
0x64: {  	_ =	shalt  }
0x65: {  	_ =	shalt  }
0x66: {  	_ =	shalt  }
0x67: {  	_ =	shalt  }
0x68: {  	_ =	shalt  }
0x69: {  	_ =	shalt  }
0x6a: {  	_ =	shalt  }
0x6b: {  	_ =	shalt  }
0x6c: {  	_ =	shalt  }
0x6d: {  	_ =	shalt  }
0x6e: {  	_ =	shalt  }
0x6f: {  	_ =	shalt  }
0x70: {  	_ =	shalt  }
0x71: {  	_ =	shalt  }
0x72: {  	_ =	shalt  }
0x73: {  	_ =	shalt  }
0x74: {  	_ =	shalt  }
0x75: {  	_ =	shalt  }
0x76: {  	_ =	shalt  }
0x77: {  	_ =	shalt  }
0x78: {  	_ =	shalt  }
0x79: {  	_ =	shalt  }
0x7a: {  	_ =	shalt  }
0x7b: {  	_ =	shalt  }
0x7c: {  	_ =	shalt  }
0x7d: {  	_ =	shalt  }
0x7e: {  	_ =	shalt  }
0x7f: {  	_ =	shalt  }
0x80: {  	_ =	shalt  }
0x81: {  	_ =	shalt  }
0x82: {  	_ =	shalt  }
0x83: {  	_ =	shalt  }
0x84: {  	_ =	shalt  }
0x85: {  	_ =	shalt  }
0x86: {  	_ =	shalt  }
0x87: {  	_ =	shalt  }
.Lfunc_end0:
.L_simem_size_0:
called_computation.3_lowered:
.L_overlay_start_0:
0x88: {  	s2 =	sld [smem:$0x3FD9]  }
0x89: {  	s3 =	sld [smem:$0x3FFE];
	_ =	sdelay $0x1  }
0x8a: {  	s1 =	srdreg.scid  }
0x8b: {  	s0 =	sand.u32 $0x1, s1  }
0x8c: {  	s16 =	sshll.u32 s0, $0xA;
	s2 =	sadd.s32 s3, s2  }
0x8d: {  	s2 =	sadd.s32 s2, s16  }
0x8e: {  	[smem:$0x3FBC] =	sst s2  }
0x8f: {  	_ = 	snop  }
0x90: {  	(tm) =	ssettm $0x1  }
0x91: {  	s17 =	sld [smem:$0x3FFB];
	_ =	sdelay $0x3  }
0x92: {  	_ =	strace s17  }
0x93: {  	s2 =	sld [smem:$0x3FFC];
	_ =	sdelay $0x3  }
0x94: {  	_ =	strace s2  }
0x95: {  	s2 =	sld [smem:$0x3FFD];
	_ =	sdelay $0x3  }
0x96: {  	_ =	strace s2  }
0x97: {  	_ =	strace $0x8FFFFFFF  }
0x98: {  	s18 =	sld [smem:$0x3FDB];
	_ =	sdelay $0x1  }
0x99: {  	s19 =	simm.s32 $_scs_section_size  }
0x9a: {  	s4 =	simm.s32 $_size__tile_overlayer_lowered;
	s5 =	simm.s32 $_tile_overlayer_lowered  }
0x9b: {  	s22 =	simm.s32 $0x1BFF;
	s21 =	sshll.u32 s5, $0x1;
	s2 =	sadd.s32 s19, s18  }
0x9c: {  	s6 =	simm.s32 $0x0;
	s20 =	sshll.u32 s4, $0x1;
	s4 =	sadd.s32 s21, s2  }
0x9d: {  	[timem:s6], [sflag:s22] =	dma.local [hbm:s4], s20  }
0x9e: {  	_ =	swait.ge [sflag:s22], s20  }
0x9f: {  	s3 =	ssub.s32 $0x0, s20;
	[sflag:s22] =	ssyncset.done $0x0  }
0xa0: {  	[sflag:s22] =	ssyncadd.s32 s3;
	_ =	sdelay $0x1  }
0xa1: {  	s23 =	simm.s32 $0x1B8B  }
0xa2: {  	_ =	swait.ge [sflag:s23], $0x1  }
0xa3: {  	[sflag:s23] =	ssyncset.done $0x0  }
0xa4: {  	s25 =	simm.s32 $0x1B8E;
	s24 =	sld [smem:$0x3FFE];
	[sflag:s23] =	ssyncadd.s32 $0xFFFFFFFF  }
0xa5: {  	s26 =	simm.s32 $execute0_lowered;
	[smem:$0x3FD2] =	sst s25  }
0xa6: {  	s4 =	sshll.u32 s26, $0x1;
	_ =	strace $0x8000004F;
	[dreg:$0x1] =	wrdreg $0xFFFFFFFF  }
0xa7: {  	s28 =	simm.s32 $_size_execute0_lowered;
	s2 =	sadd.s32 s2, s4;
	[dreg:$0x0] =	wrdreg $0x0  }
0xa8: {  	s4 =	sshll.u32 s28, $0x1;
	[dreg:$0x2] =	wrdreg s2  }
0xa9: {  	[dreg:$0x3] =	wrdreg s4  }
0xaa: {  	[dreg:$0x4] =	wrdreg $0xC0  }
0xab: {  	_ =	task [dreg:s6], $0x5FFFF  }
0xac: {  	[dreg:$0x1] =	wrdreg $0xFFFFFFFF  }
0xad: {  	[dreg:$0x0] =	wrdreg $0x60  }
0xae: {  	[dreg:$0x2] =	wrdreg s24  }
0xaf: {  	[dreg:$0x3] =	wrdreg $0x150000  }
0xb0: {  	[dreg:$0x4] =	wrdreg $0x9  }
0xb1: {  	_ =	task.clear_ibuf [dreg:s6], $0x5FFFF;
	_ =	strace $0x9000004F  }
0xb2: {  	s29 =	simm.s32 $0x9;
	_ =	strace $0x80000051  }
0xb3: {  	_ =	swait.ge [sflag:s29], $0x1  }
0xb4: {  	[sflag:s29] =	ssyncadd.s32 $0xFFFFFFFF  }
0xb5: {  	_ =	strace $0x90000051  }
0xb6: {  	_ =	sfence  }
0xb7: {  	s30 =	sld [smem:$0x0];
	_ =	sdelay $0x2  }
0xb8: {  	s31 =	sshll.u32 s1, $0xD;
	s1 =	sshrl.u32 s1, $0x2  }
0xb9: {  	s3 =	sand.u32 $0x4000, s31;
	s1 =	sadd.s32 s1, s30  }
0xba: {  	s0 =	sor.u32 s3, s0;
	s1 =	sshll.u32 s1, $0x11  }
0xbb: {  	s0 =	sor.u32 s1, s0  }
0xbc: {  	s0 =	sadd.s32 $0x8F2B, s0  }
0xbd: {  	[sflag:s0] =	ssyncadd.remote.s32 $0x1  }
0xbe: {  	_ =	sfence.sel $0xFFFF  }
0xbf: {  	[dreg:$0x0] =	wrdreg $0xFFFFFFFF;
	(pc) =	sbr.abs _section_cstart, $3  }
0xc0: {  	[dreg:$0x1] =	wrdreg $0xFFFFFFFF  }
0xc1: {  	_ =	task.clear_ibuf [dreg:s6], $0x2FFFF;
	_ =	strace $0x9FFFFFFF  }
0xc2: {  	(tm) =	ssettm $0x7FFFFFFF  }
0xc3: {  	_ =	shalt  }
tec
execute0_lowered:
.L_overlay_start_1:
0x0: {  	(tag) =	ssettag $0x1  }
0x1: {  	s1 =	srdreg.scid;
	s8 =	rddreg [dreg:$0x0]  }
0x2: {  	s0 =	stileid.u32;
	s2 =	rddreg [dreg:$0x1]  }
0x3: {  	s23 =	simm.s32 $0x800;
	s9 =	simm.s32 $0x2C00;
	s1 =	sand.u32 $0x1, s1  }
0x4: {  	s3 =	sshll.u32 s0, $0x1;
	s5 =	smul.u32 $0x4F00, s0;
	s22 =	sshll.u32 s0, $0x6  }
0x5: {  	s4 =	sor.u32 s1, s3;
	s3 =	simm.s32 $0x0;
	s7 =	smul.u32 $0x4F000, s1  }
0x6: {  	s4 =	smul.u32 $0x500, s4;
	[smem:$0x7FF] =	sst s3;
	s6 =	sshrl.u32 s5, $0x3  }
0x7: {  	_ =	strace $0x80000050;
	s6 =	sadd.s32 s6, s8;
	[dreg:$0x7] =	wrdreg s23  }
0x8: {  	[dreg:$0x8] =	wrdreg s9;
	s4 =	sadd.s32 s4, s8;
	s6 =	sadd.s32 $0x21800, s6  }
0x9: {  	s7 =	sadd.s32 s5, s7;
	[dreg:$0x3] =	wrdreg s6;
	s20 =	sadd.s32 $0xDA00, s4  }
0xa: {  	s7 =	sshrl.u32 s7, $0x3;
	s4 =	sadd.s32 $0x3A00, s4;
	[dreg:$0x4] =	wrdreg s20  }
0xb: {  	s5 =	sadd.s32 s5, s2;
	s7 =	sadd.s32 s7, s8;
	[dreg:$0x5] =	wrdreg s4  }
0xc: {  	s6 =	sshrl.u32 s5, $0x3;
	s21 =	sadd.s32 $0x2B600, s7;
	s24 =	rddreg [dreg:$0x3]  }
0xd: {  	s5 =	simm.s32 $0x5;
	s4 =	sor.u32 $0x1C05, s22;
	[dreg:$0x6] =	wrdreg s21  }
0xe: {  	[spmem:s6], [sflag:s4] =	dma.local [hbm:s24], $0x9E0  }
0xf: {  	_ =	swait.ge [sflag:s5], $0x9E0  }
0x10: {  	[sflag:s5] =	ssyncset.done $0x0  }
0x11: {  	s25 =	rddreg [dreg:$0x4];
	[sflag:s5] =	ssyncadd.s32 $0xFFFFF620  }
0x12: {  	[tilespmem:s3], [sflag:$0x5] =	stream.linear.gather [hbm4b:s25+s3], $0x2800, $0x38;
	[tilespmem:$0x19F00] =	vst v63  }
0x13: {  	_ =	swait.ge [sflag:s5], $0x2800  }
0x14: {  	[sflag:s5] =	ssyncset.done $0x0  }
0x15: {  	s7 =	simm.s32 $0x2800;
	s26 =	rddreg [dreg:$0x5];
	[sflag:s5] =	ssyncadd.s32 $0xFFFFD800  }
0x16: {  	[tilespmem:s7], [sflag:$0x5] =	stream.linear.gather [hbm4b:s26+s3], $0x2800, $0x38;
	[tilespmem:$0x19F00] =	vst v63  }
0x17: {  	_ =	swait.ge [sflag:s5], $0x2800  }
0x18: {  	[sflag:s5] =	ssyncset.done $0x0  }
0x19: {  	s10 =	simm.s32 $0x5000;
	[sflag:s5] =	ssyncadd.s32 $0xFFFFD800  }
0x1a: {  	s9 =	simm.s32 $0x400;
	s8 =	sadd.s32 $0x17A00, s8;
	[bflag:$0x0] =	sbarrier.arrive $0xFFFF  }
0x1b: {  	[tilespmem:s10], [sflag:$0x1] =	stream.indirect.gather [hbm4b:s8+s9], $0x20, s3, s9, $0xb8;
	[tilespmem:$0x19F00] =	vst v63  }
0x1c: {  	s11 =	simm.s32 $0xD000;
	s12 =	simm.s32 $0x1  }
0x1d: {  	[tilespmem:s11], [sflag:$0x2] =	stream.indirect.gather [hbm4b:s8+s9], $0x20, s9, s9, $0xb8;
	[tilespmem:$0x19F00] =	vst v63  }
0x1e: {  	_ =	swait.ge [sflag:s12], $0x8000  }
0x1f: {  	[sflag:s12] =	ssyncset.done $0x0  }
0x20: {  	s13 =	simm.s32 $0x3;
	[sflag:s12] =	ssyncadd.s32 $0xFFFF8000  }
0x21: {  	[spmem:s2] =	stream.indirect.scatter.add.f32 [tilespmem:s10], [sflag:$0x3], $0x20, s7, s9, $0xb8;
	[tilespmem:$0x19F00] =	vst v63  }
0x22: {  	_ =	swait.ge [sflag:s13], $0x8000  }
0x23: {  	[sflag:s13] =	ssyncset.done $0x0  }
0x24: {  	s14 =	simm.s32 $0x2;
	s15 =	rddreg [dreg:$0x7];
	[sflag:s13] =	ssyncadd.s32 $0xFFFF8000  }
0x25: {  	[tilespmem:s10], [sflag:$0x1] =	stream.indirect.gather [hbm4b:s8+s9], $0x20, s15, s9, $0xb8;
	[tilespmem:$0x19F00] =	vst v63  }
0x26: {  	_ =	swait.ge [sflag:s14], $0x8000  }
0x27: {  	[sflag:s14] =	ssyncset.done $0x0  }
0x28: {  	s15 =	simm.s32 $0x4;
	s16 =	rddreg [dreg:$0x8];
	[sflag:s14] =	ssyncadd.s32 $0xFFFF8000  }
0x29: {  	[spmem:s2] =	stream.indirect.scatter.add.f32 [tilespmem:s11], [sflag:$0x4], $0x20, s16, s9, $0xb8;
	[tilespmem:$0x19F00] =	vst v63  }
0x2a: {  	_ =	swait.ge [sflag:s15], $0x8000  }
0x2b: {  	[sflag:s15] =	ssyncset.done $0x0  }
0x2c: {  	s16 =	simm.s32 $0xC00;
	[sflag:s15] =	ssyncadd.s32 $0xFFFF8000  }
0x2d: {  	[tilespmem:s11], [sflag:$0x2] =	stream.indirect.gather [hbm4b:s8+s9], $0x20, s16, s9, $0xb8;
	[tilespmem:$0x19F00] =	vst v63  }
0x2e: {  	_ =	swait.ge [sflag:s12], $0x8000  }
0x2f: {  	[sflag:s12] =	ssyncset.done $0x0  }
0x30: {  	s17 =	simm.s32 $0x3000;
	[sflag:s12] =	ssyncadd.s32 $0xFFFF8000  }
0x31: {  	[spmem:s2] =	stream.indirect.scatter.add.f32 [tilespmem:s10], [sflag:$0x3], $0x20, s17, s9, $0xb8;
	[tilespmem:$0x19F00] =	vst v63  }
0x32: {  	_ =	swait.ge [sflag:s13], $0x8000  }
0x33: {  	[sflag:s13] =	ssyncset.done $0x0  }
0x34: {  	s18 =	simm.s32 $0x1000;
	[sflag:s13] =	ssyncadd.s32 $0xFFFF8000  }
0x35: {  	[tilespmem:s10], [sflag:$0x1] =	stream.indirect.gather [hbm4b:s8+s9], $0x20, s18, s9, $0xb8;
	[tilespmem:$0x19F00] =	vst v63  }
0x36: {  	_ =	swait.ge [sflag:s14], $0x8000  }
0x37: {  	[sflag:s14] =	ssyncset.done $0x0  }
0x38: {  	s19 =	simm.s32 $0x3400;
	[sflag:s14] =	ssyncadd.s32 $0xFFFF8000  }
0x39: {  	[spmem:s2] =	stream.indirect.scatter.add.f32 [tilespmem:s11], [sflag:$0x4], $0x20, s19, s9, $0xb8;
	[tilespmem:$0x19F00] =	vst v63  }
0x3a: {  	_ =	swait.ge [sflag:s15], $0x8000  }
0x3b: {  	[sflag:s15] =	ssyncset.done $0x0  }
0x3c: {  	s20 =	simm.s32 $0x1400;
	[sflag:s15] =	ssyncadd.s32 $0xFFFF8000  }
0x3d: {  	[tilespmem:s11], [sflag:$0x2] =	stream.indirect.gather [hbm4b:s8+s9], $0x20, s20, s9, $0xb8;
	[tilespmem:$0x19F00] =	vst v63  }
0x3e: {  	_ =	swait.ge [sflag:s12], $0x8000  }
0x3f: {  	[sflag:s12] =	ssyncset.done $0x0  }
0x40: {  	s21 =	simm.s32 $0x3800;
	[sflag:s12] =	ssyncadd.s32 $0xFFFF8000  }
0x41: {  	[spmem:s2] =	stream.indirect.scatter.add.f32 [tilespmem:s10], [sflag:$0x3], $0x20, s21, s9, $0xb8;
	[tilespmem:$0x19F00] =	vst v63  }
0x42: {  	_ =	swait.ge [sflag:s13], $0x8000  }
0x43: {  	[sflag:s13] =	ssyncset.done $0x0  }
0x44: {  	s22 =	simm.s32 $0x1800;
	[sflag:s13] =	ssyncadd.s32 $0xFFFF8000  }
0x45: {  	[tilespmem:s10], [sflag:$0x1] =	stream.indirect.gather [hbm4b:s8+s9], $0x20, s22, s9, $0xb8;
	[tilespmem:$0x19F00] =	vst v63  }
0x46: {  	_ =	swait.ge [sflag:s14], $0x8000  }
0x47: {  	[sflag:s14] =	ssyncset.done $0x0  }
0x48: {  	s23 =	simm.s32 $0x3C00;
	[sflag:s14] =	ssyncadd.s32 $0xFFFF8000  }
0x49: {  	[spmem:s2] =	stream.indirect.scatter.add.f32 [tilespmem:s11], [sflag:$0x4], $0x20, s23, s9, $0xb8;
	[tilespmem:$0x19F00] =	vst v63  }
0x4a: {  	_ =	swait.ge [sflag:s15], $0x8000  }
0x4b: {  	[sflag:s15] =	ssyncset.done $0x0  }
0x4c: {  	s24 =	simm.s32 $0x1C00;
	[sflag:s15] =	ssyncadd.s32 $0xFFFF8000  }
0x4d: {  	[tilespmem:s11], [sflag:$0x2] =	stream.indirect.gather [hbm4b:s8+s9], $0x20, s24, s9, $0xb8;
	[tilespmem:$0x19F00] =	vst v63  }
0x4e: {  	_ =	swait.ge [sflag:s12], $0x8000  }
0x4f: {  	[sflag:s12] =	ssyncset.done $0x0  }
0x50: {  	s25 =	simm.s32 $0x4000;
	[sflag:s12] =	ssyncadd.s32 $0xFFFF8000  }
0x51: {  	[spmem:s2] =	stream.indirect.scatter.add.f32 [tilespmem:s10], [sflag:$0x3], $0x20, s25, s9, $0xb8;
	[tilespmem:$0x19F00] =	vst v63  }
0x52: {  	_ =	swait.ge [sflag:s13], $0x8000  }
0x53: {  	[sflag:s13] =	ssyncset.done $0x0  }
0x54: {  	s26 =	simm.s32 $0x2000;
	[sflag:s13] =	ssyncadd.s32 $0xFFFF8000  }
0x55: {  	[tilespmem:s10], [sflag:$0x1] =	stream.indirect.gather [hbm4b:s8+s9], $0x20, s26, s9, $0xb8;
	[tilespmem:$0x19F00] =	vst v63  }
0x56: {  	_ =	swait.ge [sflag:s14], $0x8000  }
0x57: {  	[sflag:s14] =	ssyncset.done $0x0  }
0x58: {  	s28 =	simm.s32 $0x4400;
	[sflag:s14] =	ssyncadd.s32 $0xFFFF8000  }
0x59: {  	[spmem:s2] =	stream.indirect.scatter.add.f32 [tilespmem:s11], [sflag:$0x4], $0x20, s28, s9, $0xb8;
	[tilespmem:$0x19F00] =	vst v63  }
0x5a: {  	_ =	swait.ge [sflag:s15], $0x8000  }
0x5b: {  	[sflag:s15] =	ssyncset.done $0x0  }
0x5c: {  	s29 =	simm.s32 $0x2400;
	[sflag:s15] =	ssyncadd.s32 $0xFFFF8000  }
0x5d: {  	[tilespmem:s11], [sflag:$0x2] =	stream.indirect.gather [hbm4b:s8+s9], $0x20, s29, s9, $0xb8;
	[tilespmem:$0x19F00] =	vst v63  }
0x5e: {  	_ =	swait.ge [sflag:s12], $0x8000  }
0x5f: {  	[sflag:s12] =	ssyncset.done $0x0  }
0x60: {  	s30 =	simm.s32 $0x4800;
	[sflag:s12] =	ssyncadd.s32 $0xFFFF8000  }
0x61: {  	[spmem:s2] =	stream.indirect.scatter.add.f32 [tilespmem:s10], [sflag:$0x3], $0x20, s30, s9, $0xb8;
	[tilespmem:$0x19F00] =	vst v63  }
0x62: {  	_ =	swait.ge [sflag:s13], $0x8000  }
0x63: {  	[sflag:s13] =	ssyncset.done $0x0  }
0x64: {  	[sflag:s13] =	ssyncadd.s32 $0xFFFF8000  }
0x65: {  	_ =	swait.ge [sflag:s14], $0x8000  }
0x66: {  	[sflag:s14] =	ssyncset.done $0x0  }
0x67: {  	s31 =	simm.s32 $0x4C00;
	[sflag:s14] =	ssyncadd.s32 $0xFFFF8000  }
0x68: {  	[spmem:s2] =	stream.indirect.scatter.add.f32 [tilespmem:s11], [sflag:$0x4], $0x20, s31, s9, $0xb8;
	[tilespmem:$0x19F00] =	vst v63  }
0x69: {  	_ =	swait.ge [sflag:s15], $0x8000  }
0x6a: {  	[sflag:s15] =	ssyncset.done $0x0  }
0x6b: {  	[sflag:s15] =	ssyncadd.s32 $0xFFFF8000  }
0x6c: {  	[bflag:$0x0] =	sbarrier.arrive $0xFFFF  }
0x6d: {  	s1 =	ssub.s32 $0x2, s1;
	s0 =	rddreg [dreg:$0x6]  }
0x6e: {  	[dreg:$0x9] =	wrdreg s0;
	s0 =	sshrl.u32 s1, $0x1  }
0x6f: {  	s0 =	ssub.s32 s1, s0  }
0x70: {  	s0 =	smax.u32 s0, $0x1  }
0x71: {  	p0 =	sne.s32 s0, $0x1  }
.Ltmp0:
0x72: {  	_ = 	snop;
	(pc) =	sbr.rel @!p0 .LBB2_2-.Ltmp0, $4  }
0x73: {  	_ = 	snop  }
0x74: {  	s1 =	rddreg [dreg:$0x9]  }
0x75: {  	[hbm:s1], [sflag:s4] =	dma.local [spmem:s6], $0x9E0  }
0x76: {  	s1 =	sadd.s32 $0xFFFFFFFF, s0;
	_ =	swait.ge [sflag:s5], $0x9E0  }
.LBB2_1:
0x77: {  	[sflag:s5] =	ssyncset.done $0x0  }
0x78: {  	s0 =	rddreg [dreg:$0x3];
	[sflag:s5] =	ssyncadd.s32 $0xFFFFF620  }
0x79: {  	[spmem:s6], [sflag:s4] =	dma.local [hbm:s0], $0x9E0  }
0x7a: {  	_ =	swait.ge [sflag:s5], $0x9E0  }
0x7b: {  	[sflag:s5] =	ssyncset.done $0x0  }
0x7c: {  	s0 =	rddreg [dreg:$0x4];
	[sflag:s5] =	ssyncadd.s32 $0xFFFFF620  }
0x7d: {  	[tilespmem:s3], [sflag:$0x5] =	stream.linear.gather [hbm4b:s0+s3], $0x2800, $0x38;
	[tilespmem:$0x19F00] =	vst v63  }
0x7e: {  	_ =	swait.ge [sflag:s5], $0x2800  }
0x7f: {  	[sflag:s5] =	ssyncset.done $0x0  }
0x80: {  	s0 =	rddreg [dreg:$0x5];
	[sflag:s5] =	ssyncadd.s32 $0xFFFFD800  }
0x81: {  	[tilespmem:s7], [sflag:$0x5] =	stream.linear.gather [hbm4b:s0+s3], $0x2800, $0x38;
	[tilespmem:$0x19F00] =	vst v63  }
0x82: {  	_ =	swait.ge [sflag:s5], $0x2800  }
0x83: {  	[sflag:s5] =	ssyncset.done $0x0  }
0x84: {  	[sflag:s5] =	ssyncadd.s32 $0xFFFFD800  }
0x85: {  	[bflag:$0x0] =	sbarrier.arrive $0xFFFF  }
0x86: {  	[tilespmem:s10], [sflag:$0x1] =	stream.indirect.gather [hbm4b:s8+s9], $0x20, s3, s9, $0xb8;
	[tilespmem:$0x19F00] =	vst v63  }
0x87: {  	_ = 	snop  }
0x88: {  	[tilespmem:s11], [sflag:$0x2] =	stream.indirect.gather [hbm4b:s8+s9], $0x20, s9, s9, $0xb8;
	[tilespmem:$0x19F00] =	vst v63  }
0x89: {  	_ =	swait.ge [sflag:s12], $0x8000  }
0x8a: {  	[sflag:s12] =	ssyncset.done $0x0  }
0x8b: {  	[sflag:s12] =	ssyncadd.s32 $0xFFFF8000  }
0x8c: {  	[spmem:s2] =	stream.indirect.scatter.add.f32 [tilespmem:s10], [sflag:$0x3], $0x20, s7, s9, $0xb8;
	[tilespmem:$0x19F00] =	vst v63  }
0x8d: {  	_ =	swait.ge [sflag:s13], $0x8000  }
0x8e: {  	[sflag:s13] =	ssyncset.done $0x0  }
0x8f: {  	s0 =	rddreg [dreg:$0x7];
	[sflag:s13] =	ssyncadd.s32 $0xFFFF8000  }
0x90: {  	[tilespmem:s10], [sflag:$0x1] =	stream.indirect.gather [hbm4b:s8+s9], $0x20, s0, s9, $0xb8;
	[tilespmem:$0x19F00] =	vst v63  }
0x91: {  	_ =	swait.ge [sflag:s14], $0x8000  }
0x92: {  	[sflag:s14] =	ssyncset.done $0x0  }
0x93: {  	s0 =	rddreg [dreg:$0x8];
	[sflag:s14] =	ssyncadd.s32 $0xFFFF8000  }
0x94: {  	[spmem:s2] =	stream.indirect.scatter.add.f32 [tilespmem:s11], [sflag:$0x4], $0x20, s0, s9, $0xb8;
	[tilespmem:$0x19F00] =	vst v63  }
0x95: {  	_ =	swait.ge [sflag:s15], $0x8000  }
0x96: {  	[sflag:s15] =	ssyncset.done $0x0  }
0x97: {  	[sflag:s15] =	ssyncadd.s32 $0xFFFF8000  }
0x98: {  	[tilespmem:s11], [sflag:$0x2] =	stream.indirect.gather [hbm4b:s8+s9], $0x20, s16, s9, $0xb8;
	[tilespmem:$0x19F00] =	vst v63  }
0x99: {  	_ =	swait.ge [sflag:s12], $0x8000  }
0x9a: {  	[sflag:s12] =	ssyncset.done $0x0  }
0x9b: {  	[sflag:s12] =	ssyncadd.s32 $0xFFFF8000  }
0x9c: {  	[spmem:s2] =	stream.indirect.scatter.add.f32 [tilespmem:s10], [sflag:$0x3], $0x20, s17, s9, $0xb8;
	[tilespmem:$0x19F00] =	vst v63  }
0x9d: {  	_ =	swait.ge [sflag:s13], $0x8000  }
0x9e: {  	[sflag:s13] =	ssyncset.done $0x0  }
0x9f: {  	[sflag:s13] =	ssyncadd.s32 $0xFFFF8000  }
0xa0: {  	[tilespmem:s10], [sflag:$0x1] =	stream.indirect.gather [hbm4b:s8+s9], $0x20, s18, s9, $0xb8;
	[tilespmem:$0x19F00] =	vst v63  }
0xa1: {  	_ =	swait.ge [sflag:s14], $0x8000  }
0xa2: {  	[sflag:s14] =	ssyncset.done $0x0  }
0xa3: {  	[sflag:s14] =	ssyncadd.s32 $0xFFFF8000  }
0xa4: {  	[spmem:s2] =	stream.indirect.scatter.add.f32 [tilespmem:s11], [sflag:$0x4], $0x20, s19, s9, $0xb8;
	[tilespmem:$0x19F00] =	vst v63  }
0xa5: {  	_ =	swait.ge [sflag:s15], $0x8000  }
0xa6: {  	[sflag:s15] =	ssyncset.done $0x0  }
0xa7: {  	[sflag:s15] =	ssyncadd.s32 $0xFFFF8000  }
0xa8: {  	[tilespmem:s11], [sflag:$0x2] =	stream.indirect.gather [hbm4b:s8+s9], $0x20, s20, s9, $0xb8;
	[tilespmem:$0x19F00] =	vst v63  }
0xa9: {  	_ =	swait.ge [sflag:s12], $0x8000  }
0xaa: {  	[sflag:s12] =	ssyncset.done $0x0  }
0xab: {  	[sflag:s12] =	ssyncadd.s32 $0xFFFF8000  }
0xac: {  	[spmem:s2] =	stream.indirect.scatter.add.f32 [tilespmem:s10], [sflag:$0x3], $0x20, s21, s9, $0xb8;
	[tilespmem:$0x19F00] =	vst v63  }
0xad: {  	_ =	swait.ge [sflag:s13], $0x8000  }
0xae: {  	[sflag:s13] =	ssyncset.done $0x0  }
0xaf: {  	[sflag:s13] =	ssyncadd.s32 $0xFFFF8000  }
0xb0: {  	[tilespmem:s10], [sflag:$0x1] =	stream.indirect.gather [hbm4b:s8+s9], $0x20, s22, s9, $0xb8;
	[tilespmem:$0x19F00] =	vst v63  }
0xb1: {  	_ =	swait.ge [sflag:s14], $0x8000  }
0xb2: {  	[sflag:s14] =	ssyncset.done $0x0  }
0xb3: {  	[sflag:s14] =	ssyncadd.s32 $0xFFFF8000  }
0xb4: {  	[spmem:s2] =	stream.indirect.scatter.add.f32 [tilespmem:s11], [sflag:$0x4], $0x20, s23, s9, $0xb8;
	[tilespmem:$0x19F00] =	vst v63  }
0xb5: {  	_ =	swait.ge [sflag:s15], $0x8000  }
0xb6: {  	[sflag:s15] =	ssyncset.done $0x0  }
0xb7: {  	[sflag:s15] =	ssyncadd.s32 $0xFFFF8000  }
0xb8: {  	[tilespmem:s11], [sflag:$0x2] =	stream.indirect.gather [hbm4b:s8+s9], $0x20, s24, s9, $0xb8;
	[tilespmem:$0x19F00] =	vst v63  }
0xb9: {  	_ =	swait.ge [sflag:s12], $0x8000  }
0xba: {  	[sflag:s12] =	ssyncset.done $0x0  }
0xbb: {  	[sflag:s12] =	ssyncadd.s32 $0xFFFF8000  }
0xbc: {  	[spmem:s2] =	stream.indirect.scatter.add.f32 [tilespmem:s10], [sflag:$0x3], $0x20, s25, s9, $0xb8;
	[tilespmem:$0x19F00] =	vst v63  }
0xbd: {  	_ =	swait.ge [sflag:s13], $0x8000  }
0xbe: {  	[sflag:s13] =	ssyncset.done $0x0  }
0xbf: {  	[sflag:s13] =	ssyncadd.s32 $0xFFFF8000  }
0xc0: {  	[tilespmem:s10], [sflag:$0x1] =	stream.indirect.gather [hbm4b:s8+s9], $0x20, s26, s9, $0xb8;
	[tilespmem:$0x19F00] =	vst v63  }
0xc1: {  	_ =	swait.ge [sflag:s14], $0x8000  }
0xc2: {  	[sflag:s14] =	ssyncset.done $0x0  }
0xc3: {  	[sflag:s14] =	ssyncadd.s32 $0xFFFF8000  }
0xc4: {  	[spmem:s2] =	stream.indirect.scatter.add.f32 [tilespmem:s11], [sflag:$0x4], $0x20, s28, s9, $0xb8;
	[tilespmem:$0x19F00] =	vst v63  }
0xc5: {  	_ =	swait.ge [sflag:s15], $0x8000  }
0xc6: {  	[sflag:s15] =	ssyncset.done $0x0  }
0xc7: {  	[sflag:s15] =	ssyncadd.s32 $0xFFFF8000  }
0xc8: {  	[tilespmem:s11], [sflag:$0x2] =	stream.indirect.gather [hbm4b:s8+s9], $0x20, s29, s9, $0xb8;
	[tilespmem:$0x19F00] =	vst v63  }
0xc9: {  	_ =	swait.ge [sflag:s12], $0x8000  }
0xca: {  	[sflag:s12] =	ssyncset.done $0x0  }
0xcb: {  	[sflag:s12] =	ssyncadd.s32 $0xFFFF8000  }
0xcc: {  	[spmem:s2] =	stream.indirect.scatter.add.f32 [tilespmem:s10], [sflag:$0x3], $0x20, s30, s9, $0xb8;
	[tilespmem:$0x19F00] =	vst v63  }
0xcd: {  	_ =	swait.ge [sflag:s13], $0x8000  }
0xce: {  	[sflag:s13] =	ssyncset.done $0x0  }
0xcf: {  	[sflag:s13] =	ssyncadd.s32 $0xFFFF8000  }
0xd0: {  	_ =	swait.ge [sflag:s14], $0x8000  }
0xd1: {  	[sflag:s14] =	ssyncset.done $0x0  }
0xd2: {  	[sflag:s14] =	ssyncadd.s32 $0xFFFF8000  }
0xd3: {  	[spmem:s2] =	stream.indirect.scatter.add.f32 [tilespmem:s11], [sflag:$0x4], $0x20, s31, s9, $0xb8;
	[tilespmem:$0x19F00] =	vst v63  }
0xd4: {  	_ =	swait.ge [sflag:s15], $0x8000  }
0xd5: {  	p0 =	sne.s32 s1, $0x1;
	[sflag:s15] =	ssyncset.done $0x0  }
.Ltmp1:
0xd6: {  	[sflag:s15] =	ssyncadd.s32 $0xFFFF8000;
	(pc) =	sbr.rel @p0 .LBB2_1-.Ltmp1, $4  }
0xd7: {  	[bflag:$0x0] =	sbarrier.arrive $0xFFFF  }
0xd8: {  	s0 =	rddreg [dreg:$0x6]  }
0xd9: {  	[hbm:s0], [sflag:s4] =	dma.local [spmem:s6], $0x9E0  }
0xda: {  	s1 =	sadd.s32 $0xFFFFFFFF, s1;
	_ =	swait.ge [sflag:s5], $0x9E0  }
.LBB2_2:
0xdb: {  	[sflag:s5] =	ssyncset.done $0x0  }
0xdc: {  	[sflag:s5] =	ssyncadd.s32 $0xFFFFF620  }
0xdd: {  	_ =	sfence.sel $0x180000  }
0xde: {  	[bflag:$0x0] =	sbarrier.arrive $0xFFFF  }
0xdf: {  	_ =	strace $0x90000050  }
0xe0: {  	s0 =	stileid.u32;
	[bflag:$0x2] =	sbarrier.arrive $0xFFFF  }
0xe1: {  	p0 =	sne.s32 s0, $0x0;
	s0 =	rddreg [dreg:$0x2]  }
0xe2: {  	s0 =	sadd.s32 @!p0 $0x100000, s0  }
0xe3: {  	[sflag:s0] =	ssyncadd.tile.s32 @!p0 $0x1;
	_ =	shalt  }
.Lfunc_end2:
_tile_overlayer_lowered:
.L_overlay_start_2:
0xe4: {  	(tag) =	ssettag $0x2  }
0xe5: {  	s0 =	rddreg [dreg:$0x0];
	s2 =	stileid.u32  }
0xe6: {  	s1 =	rddreg [dreg:$0x1];
	p0 =	sne.s32 s2, $0x0  }
0xe7: {  	s3 =	rddreg [dreg:$0x2];
	[bflag:$0x3] =	sbarrier.arrive $0xFFFF;
	s2 =	simm.s32 @!p0 $0x1C05  }
0xe8: {  	[timem:s3], [sflag:s2] =	dma.local @!p0 [hbm:s0], s1  }
0xe9: {  	s0 =	simm.s32 @!p0 $0x5  }
0xea: {  	_ =	swait.ge @!p0 [sflag:s0], s1  }
0xeb: {  	s1 =	ssub.s32 @!p0 $0x0, s1;
	[sflag:s0] =	ssyncset.done @!p0 $0x0  }
0xec: {  	[sflag:s0] =	ssyncadd.s32 @!p0 s1  }
0xed: {  	[bflag:$0x3] =	sbarrier.arrive $0xFFFF  }
0xee: {  	_ =	shalt  }

// kernel: kernel.26.cloned.1.call-start
scs
__scs_entry_jumppad:
0x0: {  	(pc) =	sbr.rel $0x88, $3  }
0x1: {  	(tag) =	ssettag $0x0;
	lr =	simm.s32 $0x1  }
0x2: {  	[smem:$0x3F95] =	sst lr;
	_ =	strace $0xD0000000  }
0x3: {  	_ = 	snop  }
0x4: {  	_ = 	snop  }
0x5: {  	_ = 	snop  }
0x6: {  	_ = 	snop  }
0x7: {  	_ = 	snop  }
__scs_overlays_trampoline_lowered:
0x8: {  	[smem:$0x3FA4] =	sst s0  }
0x9: {  	[smem:$0x3FA5] =	sst s1  }
0xa: {  	[smem:$0x3FA6] =	sst s2  }
0xb: {  	[smem:$0x3FA7] =	sst s3  }
0xc: {  	[smem:$0x3FA8] =	sst s4  }
0xd: {  	[smem:$0x3FA9] =	sst s5  }
0xe: {  	[smem:$0x3FAA] =	sst s6  }
0xf: {  	[smem:$0x3FAB] =	sst s7  }
0x10: {  	[smem:$0x3FAC] =	sst s8  }
0x11: {  	[smem:$0x3FAD] =	sst s9;
	s0 =	simm.s32 @!p0 $0x0  }
0x12: {  	s1 =	sld [smem:$0x3F93];
	s0 =	simm.s32 @p0 $0x1  }
0x13: {  	[smem:$0x3FAE] =	sst s0;
	s0 =	simm.s32 @!p1 $0x0  }
0x14: {  	s2 =	sld [smem:$0x3F92];
	s0 =	simm.s32 @p1 $0x1  }
0x15: {  	[smem:$0x3FAF] =	sst s0;
	s0 =	simm.s32 @!p2 $0x0  }
0x16: {  	s3 =	sld [smem:$0x3FDB];
	s0 =	simm.s32 @p2 $0x1  }
0x17: {  	s4 =	simm.s32 $0x1BF5;
	[smem:$0x3FB1] =	sst s0  }
0x18: {  	s0 =	sld [smem:$0x3F94];
	_ =	swait.ge [sflag:s4], $0x0  }
0x19: {  	s7 =	sld [smem:$0x3F95]  }
0x1a: {  	s8 =	sadd.s32 $0xFFFFE003, lr  }
0x1b: {  	s9 =	sadd.s32 $0xFFFFFEF7, lr;
	s5 =	simm.s32 $0xFFFFFFFF;
	p2 =	slt.u32 s8, $0xFFFFF086  }
0x1c: {  	p1 =	slt.u32 s9, $0xF7A;
	s5 =	simm.s32 @!p2 $0x0  }
0x1d: {  	s5 =	simm.s32 @p1 $0x1;
	p0 =	seq.s32 s7, s2  }
0x1e: {  	s7 =	smul.u32 @!p0 $0xF7A, s2;
	p2 =	seq.s32 @!p0 s5, $0x0  }
0x1f: {  	s9 =	smul.u32 $0xF7A, s1;
	s8 =	simm.s32 @!p0 $0x1BF5;
	p2 =	por !p2, p0  }
0x20: {  	[sflag:s8] =	ssyncset.s32 @!p0 $0xFFFFF086;
	s6 =	sadd.s32 @!p0 s3, s7;
	s7 =	simm.s32 @!p0 $0x108  }
0x21: {  	s3 =	sadd.s32 s3, s9;
	s6 =	sadd.s32 @!p0 $0x88, s6;
	s7 =	simm.s32 @p2 $0x1082  }
0x22: {  	[simem:s7], [sflag:s8] =	dma.local @!p0 [hbm:s6], $0xF7A  }
0x23: {  	s9 =	sor.u32 $0xD0000000, s2;
	s6 =	simm.s32 $0x108;
	_ =	swait.ge @!p0 [sflag:s8], $0x0  }
0x24: {  	s3 =	sadd.s32 $0x88, s3;
	s6 =	simm.s32 @!p1 $0x1082;
	[sflag:s4] =	ssyncset.s32 $0xFFFFF086  }
0x25: {  	[simem:s6], [sflag:s4] =	dma.local [hbm:s3], $0xF7A  }
0x26: {  	[smem:$0x3F95] =	sst s1;
	(tag) =	ssettag s2;
	_ =	strace s9  }
0x27: {  	s1 =	sld [smem:$0x3FA5]  }
0x28: {  	s2 =	sld [smem:$0x3FA6]  }
0x29: {  	s4 =	sld [smem:$0x3FA8]  }
0x2a: {  	p0 =	seq.s32 s5, $0x0;
	s5 =	sld [smem:$0x3FA9]  }
0x2b: {  	s6 =	sld [smem:$0x3FAA]  }
0x2c: {  	s7 =	sld [smem:$0x3FAB]  }
0x2d: {  	s3 =	simm.s32 $0x108;
	s8 =	sld [smem:$0x3FAC]  }
0x2e: {  	s3 =	simm.s32 @!p0 $0x1082;
	s9 =	sld [smem:$0x3FAD]  }
0x2f: {  	lr =	sadd.s32 s0, s3;
	s0 =	sld [smem:$0x3FA4]  }
0x30: {  	s3 =	sld [smem:$0x3FA7]  }
0x31: {  	[smem:$0x3FB0] =	sst s10  }
0x32: {  	s10 =	sld [smem:$0x3FAE];
	_ =	sdelay $0x3  }
0x33: {  	p0 =	seq.s32 s10, $0x1;
	s10 =	sld [smem:$0x3FB0];
	_ =	sdelay $0x3  }
0x34: {  	[smem:$0x3FB0] =	sst s10  }
0x35: {  	s10 =	sld [smem:$0x3FAF];
	_ =	sdelay $0x3  }
0x36: {  	p1 =	seq.s32 s10, $0x1;
	s10 =	sld [smem:$0x3FB0];
	_ =	sdelay $0x3  }
0x37: {  	[smem:$0x3FB0] =	sst s10  }
0x38: {  	s10 =	sld [smem:$0x3FB1]  }
0x39: {  	_ = 	snop;
	(pc) =	sbr.ind lr, $3  }
0x3a: {  	_ = 	snop  }
0x3b: {  	_ = 	snop  }
0x3c: {  	p2 =	seq.s32 s10, $0x1;
	s10 =	sld [smem:$0x3FB0]  }
0x3d: {  	_ =	shalt  }
0x3e: {  	_ =	shalt  }
0x3f: {  	_ =	shalt  }
0x40: {  	_ =	shalt  }
0x41: {  	_ =	shalt  }
0x42: {  	_ =	shalt  }
0x43: {  	_ =	shalt  }
0x44: {  	_ =	shalt  }
0x45: {  	_ =	shalt  }
0x46: {  	_ =	shalt  }
0x47: {  	_ =	shalt  }
0x48: {  	_ =	shalt  }
0x49: {  	_ =	shalt  }
0x4a: {  	_ =	shalt  }
0x4b: {  	_ =	shalt  }
0x4c: {  	_ =	shalt  }
0x4d: {  	_ =	shalt  }
0x4e: {  	_ =	shalt  }
0x4f: {  	_ =	shalt  }
0x50: {  	_ =	shalt  }
0x51: {  	_ =	shalt  }
0x52: {  	_ =	shalt  }
0x53: {  	_ =	shalt  }
0x54: {  	_ =	shalt  }
0x55: {  	_ =	shalt  }
0x56: {  	_ =	shalt  }
0x57: {  	_ =	shalt  }
0x58: {  	_ =	shalt  }
0x59: {  	_ =	shalt  }
0x5a: {  	_ =	shalt  }
0x5b: {  	_ =	shalt  }
0x5c: {  	_ =	shalt  }
0x5d: {  	_ =	shalt  }
0x5e: {  	_ =	shalt  }
0x5f: {  	_ =	shalt  }
0x60: {  	_ =	shalt  }
0x61: {  	_ =	shalt  }
0x62: {  	_ =	shalt  }
0x63: {  	_ =	shalt  }
0x64: {  	_ =	shalt  }
0x65: {  	_ =	shalt  }
0x66: {  	_ =	shalt  }
0x67: {  	_ =	shalt  }
0x68: {  	_ =	shalt  }
0x69: {  	_ =	shalt  }
0x6a: {  	_ =	shalt  }
0x6b: {  	_ =	shalt  }
0x6c: {  	_ =	shalt  }
0x6d: {  	_ =	shalt  }
0x6e: {  	_ =	shalt  }
0x6f: {  	_ =	shalt  }
0x70: {  	_ =	shalt  }
0x71: {  	_ =	shalt  }
0x72: {  	_ =	shalt  }
0x73: {  	_ =	shalt  }
0x74: {  	_ =	shalt  }
0x75: {  	_ =	shalt  }
0x76: {  	_ =	shalt  }
0x77: {  	_ =	shalt  }
0x78: {  	_ =	shalt  }
0x79: {  	_ =	shalt  }
0x7a: {  	_ =	shalt  }
0x7b: {  	_ =	shalt  }
0x7c: {  	_ =	shalt  }
0x7d: {  	_ =	shalt  }
0x7e: {  	_ =	shalt  }
0x7f: {  	_ =	shalt  }
0x80: {  	_ =	shalt  }
0x81: {  	_ =	shalt  }
0x82: {  	_ =	shalt  }
0x83: {  	_ =	shalt  }
0x84: {  	_ =	shalt  }
0x85: {  	_ =	shalt  }
0x86: {  	_ =	shalt  }
0x87: {  	_ =	shalt  }
.Lfunc_end0:
.L_simem_size_0:
called_computation.4_lowered:
.L_overlay_start_0:
0x88: {  	s2 =	sld [smem:$0x3FD9]  }
0x89: {  	s3 =	sld [smem:$0x3FFE];
	_ =	sdelay $0x1  }
0x8a: {  	s1 =	srdreg.scid  }
0x8b: {  	s0 =	sand.u32 $0x1, s1  }
0x8c: {  	s17 =	sshll.u32 s0, $0xA;
	s2 =	sadd.s32 s3, s2  }
0x8d: {  	s2 =	sadd.s32 s2, s17  }
0x8e: {  	[smem:$0x3FBC] =	sst s2  }
0x8f: {  	_ = 	snop  }
0x90: {  	s2 =	sld [smem:$0x3FD0];
	(tm) =	ssettm $0x1  }
0x91: {  	s18 =	sld [smem:$0x3FFB];
	_ =	sdelay $0x3  }
0x92: {  	_ =	strace s18  }
0x93: {  	s3 =	sld [smem:$0x3FFC];
	_ =	sdelay $0x3  }
0x94: {  	_ =	strace s3  }
0x95: {  	s3 =	sld [smem:$0x3FFD];
	_ =	sdelay $0x3  }
0x96: {  	_ =	strace s3  }
0x97: {  	_ =	strace $0x8FFFFFFF  }
0x98: {  	s19 =	sld [smem:$0x3FDB];
	_ =	sdelay $0x1  }
0x99: {  	s4 =	simm.s32 $_scs_section_size  }
0x9a: {  	s5 =	simm.s32 $_size__tile_overlayer_lowered;
	s6 =	simm.s32 $_tile_overlayer_lowered  }
0x9b: {  	s22 =	simm.s32 $0x1BFF;
	s21 =	sshll.u32 s6, $0x1;
	s3 =	sadd.s32 s4, s19  }
0x9c: {  	s7 =	simm.s32 $0x0;
	s20 =	sshll.u32 s5, $0x1;
	s5 =	sadd.s32 s21, s3  }
0x9d: {  	[timem:s7], [sflag:s22] =	dma.local [hbm:s5], s20  }
0x9e: {  	_ =	swait.ge [sflag:s22], s20  }
0x9f: {  	s4 =	ssub.s32 $0x0, s20;
	[sflag:s22] =	ssyncset.done $0x0  }
0xa0: {  	[sflag:s22] =	ssyncadd.s32 s4;
	_ =	sdelay $0x1  }
0xa1: {  	s23 =	simm.s32 $0x1B8B  }
0xa2: {  	_ =	swait.ge [sflag:s23], $0x1  }
0xa3: {  	[sflag:s23] =	ssyncset.done $0x0  }
0xa4: {  	s25 =	simm.s32 $0x1B8E;
	s24 =	sld [smem:$0x3FFE];
	[sflag:s23] =	ssyncadd.s32 $0xFFFFFFFF  }
0xa5: {  	s26 =	simm.s32 $execute0_lowered;
	[smem:$0x3FD2] =	sst s25  }
0xa6: {  	s5 =	sshll.u32 s26, $0x1;
	_ =	strace $0x80000052;
	[dreg:$0x1] =	wrdreg $0xFFFFFFFF  }
0xa7: {  	s28 =	simm.s32 $_size_execute0_lowered;
	s3 =	sadd.s32 s3, s5;
	[dreg:$0x0] =	wrdreg $0x0  }
0xa8: {  	s5 =	sshll.u32 s28, $0x1;
	[dreg:$0x2] =	wrdreg s3  }
0xa9: {  	[dreg:$0x3] =	wrdreg s5  }
0xaa: {  	[dreg:$0x4] =	wrdreg $0xC0  }
0xab: {  	_ =	task [dreg:s7], $0x5FFFF  }
0xac: {  	[dreg:$0x1] =	wrdreg $0xFFFFFFFF  }
0xad: {  	[dreg:$0x0] =	wrdreg $0x60  }
0xae: {  	[dreg:$0x2] =	wrdreg s24  }
0xaf: {  	[dreg:$0x3] =	wrdreg s2  }
0xb0: {  	[dreg:$0x4] =	wrdreg $0x150000  }
0xb1: {  	[dreg:$0x5] =	wrdreg $0x9  }
0xb2: {  	_ =	task.clear_ibuf [dreg:s7], $0x6FFFF;
	_ =	strace $0x90000052  }
0xb3: {  	s29 =	simm.s32 $0x9;
	_ =	strace $0x80000054  }
0xb4: {  	_ =	swait.ge [sflag:s29], $0x1  }
0xb5: {  	[sflag:s29] =	ssyncadd.s32 $0xFFFFFFFF  }
0xb6: {  	_ =	strace $0x90000054  }
0xb7: {  	_ =	sfence  }
0xb8: {  	s30 =	sld [smem:$0x0];
	_ =	sdelay $0x2  }
0xb9: {  	s31 =	sshll.u32 s1, $0xD;
	s1 =	sshrl.u32 s1, $0x2  }
0xba: {  	s3 =	sand.u32 $0x4000, s31;
	s1 =	sadd.s32 s1, s30  }
0xbb: {  	s0 =	sor.u32 s3, s0;
	s1 =	sshll.u32 s1, $0x11  }
0xbc: {  	s0 =	sor.u32 s1, s0  }
0xbd: {  	s0 =	sadd.s32 $0x8F2B, s0  }
0xbe: {  	[sflag:s0] =	ssyncadd.remote.s32 $0x1  }
0xbf: {  	_ =	sfence.sel $0xFFFF  }
0xc0: {  	[dreg:$0x0] =	wrdreg $0xFFFFFFFF;
	(pc) =	sbr.abs _section_cstart, $3  }
0xc1: {  	[dreg:$0x1] =	wrdreg $0xFFFFFFFF  }
0xc2: {  	_ =	task.clear_ibuf [dreg:s7], $0x2FFFF;
	_ =	strace $0x9FFFFFFF  }
0xc3: {  	(tm) =	ssettm $0x7FFFFFFF  }
tec
execute0_lowered:
.L_overlay_start_1:
0x0: {  	(tag) =	ssettag $0x1  }
0x1: {  	s26 =	rddreg [dreg:$0x0]  }
0x2: {  	s4 =	rddreg [dreg:$0x1]  }
0x3: {  	s2 =	rddreg [dreg:$0x2]  }
0x4: {  	s0 =	rddreg [dreg:$0x3]  }
0x5: {  	s5 =	srdreg.scid;
	s1 =	stileid.u32  }
0x6: {  	s3 =	simm.s32 $0x0;
	s28 =	sand.u32 $0x1, s5;
	s24 =	sshll.u32 s1, $0x1  }
0x7: {  	s29 =	smul.u32 $0x2780, s1;
	[smem:$0x7FF] =	sst s3;
	s5 =	sor.u32 s28, s24  }
0x8: {  	s30 =	sshll.u32 s1, $0x6;
	_ =	strace $0x80000053;
	s8 =	smul.u32 $0x500, s5  }
0x9: {  	s25 =	sshrl.u32 s29, $0x3;
	s6 =	sadd.s32 s29, s2;
	s5 =	sor.u32 $0x1C05, s30  }
0xa: {  	s4 =	sadd.s32 s4, s25;
	s7 =	sshrl.u32 s6, $0x3;
	s6 =	simm.s32 $0x5  }
0xb: {  	[spmem:s7], [sflag:s5] =	dma.local [hbm:s4], $0x4F0  }
0xc: {  	_ =	swait.ge [sflag:s6], $0x4F0  }
0xd: {  	s9 =	sadd.s32 s8, s26;
	[sflag:s6] =	ssyncset.done $0x0  }
0xe: {  	s8 =	sadd.s32 $0xDA00, s9;
	[sflag:s6] =	ssyncadd.s32 $0xFFFFFB10  }
0xf: {  	[tilespmem:s3], [sflag:$0x5] =	stream.linear.gather [hbm4b:s8+s3], $0x2800, $0x38;
	[tilespmem:$0x17780] =	vst v63  }
0x10: {  	_ =	swait.ge [sflag:s6], $0x2800  }
0x11: {  	[sflag:s6] =	ssyncset.done $0x0  }
0x12: {  	s10 =	simm.s32 $0x2800;
	s9 =	sadd.s32 $0x3A00, s9;
	[sflag:s6] =	ssyncadd.s32 $0xFFFFD800  }
0x13: {  	[tilespmem:s10], [sflag:$0x5] =	stream.linear.gather [hbm4b:s9+s3], $0x2800, $0x38;
	[tilespmem:$0x17780] =	vst v63  }
0x14: {  	_ =	swait.ge [sflag:s6], $0x2800  }
0x15: {  	[sflag:s6] =	ssyncset.done $0x0  }
0x16: {  	s12 =	simm.s32 $0x800;
	[sflag:s6] =	ssyncadd.s32 $0xFFFFD800  }
0x17: {  	s13 =	simm.s32 $0x5000;
	s11 =	sadd.s32 $0x17A00, s26;
	[bflag:$0x0] =	sbarrier.arrive $0xFFFF  }
0x18: {  	[tilespmem:s13], [sflag:$0x1] =	stream.indirect.gather [hbm4b:s11+s12], $0x10, s3, s12, $0xb8;
	[tilespmem:$0x17780] =	vst v63  }
0x19: {  	s14 =	simm.s32 $0xD000;
	s15 =	simm.s32 $0x1  }
0x1a: {  	[tilespmem:s14], [sflag:$0x2] =	stream.indirect.gather [hbm4b:s11+s12], $0x10, s12, s12, $0xb8;
	[tilespmem:$0x17780] =	vst v63  }
0x1b: {  	_ =	swait.ge [sflag:s15], $0x8000  }
0x1c: {  	[sflag:s15] =	ssyncset.done $0x0  }
0x1d: {  	s16 =	simm.s32 $0x3;
	[sflag:s15] =	ssyncadd.s32 $0xFFFF8000  }
0x1e: {  	[spmem:s2] =	stream.indirect.scatter.add.f32 [tilespmem:s13], [sflag:$0x3], $0x10, s10, s12, $0xb8;
	[tilespmem:$0x17780] =	vst v63  }
0x1f: {  	_ =	swait.ge [sflag:s16], $0x8000  }
0x20: {  	[sflag:s16] =	ssyncset.done $0x0  }
0x21: {  	s17 =	simm.s32 $0x1000;
	s18 =	simm.s32 $0x2;
	[sflag:s16] =	ssyncadd.s32 $0xFFFF8000  }
0x22: {  	[tilespmem:s13], [sflag:$0x1] =	stream.indirect.gather [hbm4b:s11+s12], $0x10, s17, s12, $0xb8;
	[tilespmem:$0x17780] =	vst v63  }
0x23: {  	_ =	swait.ge [sflag:s18], $0x8000  }
0x24: {  	[sflag:s18] =	ssyncset.done $0x0  }
0x25: {  	s19 =	simm.s32 $0x3000;
	s20 =	simm.s32 $0x4;
	[sflag:s18] =	ssyncadd.s32 $0xFFFF8000  }
0x26: {  	[spmem:s2] =	stream.indirect.scatter.add.f32 [tilespmem:s14], [sflag:$0x4], $0x10, s19, s12, $0xb8;
	[tilespmem:$0x17780] =	vst v63  }
0x27: {  	_ =	swait.ge [sflag:s20], $0x8000  }
0x28: {  	[sflag:s20] =	ssyncset.done $0x0  }
0x29: {  	s21 =	simm.s32 $0x1800;
	[sflag:s20] =	ssyncadd.s32 $0xFFFF8000  }
0x2a: {  	[tilespmem:s14], [sflag:$0x2] =	stream.indirect.gather [hbm4b:s11+s12], $0x10, s21, s12, $0xb8;
	[tilespmem:$0x17780] =	vst v63  }
0x2b: {  	_ =	swait.ge [sflag:s15], $0x8000  }
0x2c: {  	[sflag:s15] =	ssyncset.done $0x0  }
0x2d: {  	s22 =	simm.s32 $0x3800;
	[sflag:s15] =	ssyncadd.s32 $0xFFFF8000  }
0x2e: {  	[spmem:s2] =	stream.indirect.scatter.add.f32 [tilespmem:s13], [sflag:$0x3], $0x10, s22, s12, $0xb8;
	[tilespmem:$0x17780] =	vst v63  }
0x2f: {  	_ =	swait.ge [sflag:s16], $0x8000  }
0x30: {  	[sflag:s16] =	ssyncset.done $0x0  }
0x31: {  	s23 =	simm.s32 $0x2000;
	[sflag:s16] =	ssyncadd.s32 $0xFFFF8000  }
0x32: {  	[tilespmem:s13], [sflag:$0x1] =	stream.indirect.gather [hbm4b:s11+s12], $0x10, s23, s12, $0xb8;
	[tilespmem:$0x17780] =	vst v63  }
0x33: {  	_ =	swait.ge [sflag:s18], $0x8000  }
0x34: {  	[sflag:s18] =	ssyncset.done $0x0  }
0x35: {  	s24 =	simm.s32 $0x4000;
	[sflag:s18] =	ssyncadd.s32 $0xFFFF8000  }
0x36: {  	[spmem:s2] =	stream.indirect.scatter.add.f32 [tilespmem:s14], [sflag:$0x4], $0x10, s24, s12, $0xb8;
	[tilespmem:$0x17780] =	vst v63  }
0x37: {  	_ =	swait.ge [sflag:s20], $0x8000  }
0x38: {  	[sflag:s20] =	ssyncset.done $0x0  }
0x39: {  	[sflag:s20] =	ssyncadd.s32 $0xFFFF8000  }
0x3a: {  	s30 =	smul.u32 $0x27800, s28;
	s28 =	ssub.s32 $0x2, s28;
	_ =	swait.ge [sflag:s15], $0x8000  }
0x3b: {  	s31 =	sshrl.u32 s28, $0x1;
	[sflag:s15] =	ssyncset.done $0x0  }
0x3c: {  	s25 =	simm.s32 $0x4800;
	s28 =	ssub.s32 s28, s31;
	[sflag:s15] =	ssyncadd.s32 $0xFFFF8000  }
0x3d: {  	[spmem:s2] =	stream.indirect.scatter.add.f32 [tilespmem:s13], [sflag:$0x3], $0x10, s25, s12, $0xb8;
	[tilespmem:$0x17780] =	vst v63  }
0x3e: {  	s29 =	sadd.s32 s29, s30;
	s28 =	smax.u32 s28, $0x1;
	_ =	swait.ge [sflag:s16], $0x8000  }
0x3f: {  	s29 =	sshrl.u32 s29, $0x3;
	p0 =	sne.s32 s28, $0x1;
	[sflag:s16] =	ssyncset.done $0x0  }
.Ltmp0:
0x40: {  	s26 =	sadd.s32 s29, s26;
	[sflag:s16] =	ssyncadd.s32 $0xFFFF8000;
	(pc) =	sbr.rel @!p0 .LBB2_2-.Ltmp0, $4  }
0x41: {  	s26 =	sadd.s32 $0x1CA00, s26;
	[bflag:$0x0] =	sbarrier.arrive $0xFFFF  }
0x42: {  	[hbm:s26], [sflag:s5] =	dma.local [spmem:s7], $0x4F0  }
0x43: {  	_ =	swait.ge [sflag:s6], $0x4F0  }
0x44: {  	s28 =	sadd.s32 $0xFFFFFFFF, s28;
	[sflag:s6] =	ssyncset.done $0x0  }
.LBB2_1:
0x45: {  	p0 =	sne.s32 s28, $0x1;
	s28 =	sadd.s32 $0xFFFFFFFF, s28;
	[sflag:s6] =	ssyncadd.s32 $0xFFFFFB10  }
0x46: {  	[spmem:s7], [sflag:s5] =	dma.local [hbm:s4], $0x4F0  }
0x47: {  	_ =	swait.ge [sflag:s6], $0x4F0  }
0x48: {  	[sflag:s6] =	ssyncset.done $0x0  }
0x49: {  	[sflag:s6] =	ssyncadd.s32 $0xFFFFFB10  }
0x4a: {  	[tilespmem:s3], [sflag:$0x5] =	stream.linear.gather [hbm4b:s8+s3], $0x2800, $0x38;
	[tilespmem:$0x17780] =	vst v63  }
0x4b: {  	_ =	swait.ge [sflag:s6], $0x2800  }
0x4c: {  	[sflag:s6] =	ssyncset.done $0x0  }
0x4d: {  	[sflag:s6] =	ssyncadd.s32 $0xFFFFD800  }
0x4e: {  	[tilespmem:s10], [sflag:$0x5] =	stream.linear.gather [hbm4b:s9+s3], $0x2800, $0x38;
	[tilespmem:$0x17780] =	vst v63  }
0x4f: {  	_ =	swait.ge [sflag:s6], $0x2800  }
0x50: {  	[sflag:s6] =	ssyncset.done $0x0  }
0x51: {  	[sflag:s6] =	ssyncadd.s32 $0xFFFFD800  }
0x52: {  	[bflag:$0x0] =	sbarrier.arrive $0xFFFF  }
0x53: {  	[tilespmem:s13], [sflag:$0x1] =	stream.indirect.gather [hbm4b:s11+s12], $0x10, s3, s12, $0xb8;
	[tilespmem:$0x17780] =	vst v63  }
0x54: {  	_ = 	snop  }
0x55: {  	[tilespmem:s14], [sflag:$0x2] =	stream.indirect.gather [hbm4b:s11+s12], $0x10, s12, s12, $0xb8;
	[tilespmem:$0x17780] =	vst v63  }
0x56: {  	_ =	swait.ge [sflag:s15], $0x8000  }
0x57: {  	[sflag:s15] =	ssyncset.done $0x0  }
0x58: {  	[sflag:s15] =	ssyncadd.s32 $0xFFFF8000  }
0x59: {  	[spmem:s2] =	stream.indirect.scatter.add.f32 [tilespmem:s13], [sflag:$0x3], $0x10, s10, s12, $0xb8;
	[tilespmem:$0x17780] =	vst v63  }
0x5a: {  	_ =	swait.ge [sflag:s16], $0x8000  }
0x5b: {  	[sflag:s16] =	ssyncset.done $0x0  }
0x5c: {  	[sflag:s16] =	ssyncadd.s32 $0xFFFF8000  }
0x5d: {  	[tilespmem:s13], [sflag:$0x1] =	stream.indirect.gather [hbm4b:s11+s12], $0x10, s17, s12, $0xb8;
	[tilespmem:$0x17780] =	vst v63  }
0x5e: {  	_ =	swait.ge [sflag:s18], $0x8000  }
0x5f: {  	[sflag:s18] =	ssyncset.done $0x0  }
0x60: {  	[sflag:s18] =	ssyncadd.s32 $0xFFFF8000  }
0x61: {  	[spmem:s2] =	stream.indirect.scatter.add.f32 [tilespmem:s14], [sflag:$0x4], $0x10, s19, s12, $0xb8;
	[tilespmem:$0x17780] =	vst v63  }
0x62: {  	_ =	swait.ge [sflag:s20], $0x8000  }
0x63: {  	[sflag:s20] =	ssyncset.done $0x0  }
0x64: {  	[sflag:s20] =	ssyncadd.s32 $0xFFFF8000  }
0x65: {  	[tilespmem:s14], [sflag:$0x2] =	stream.indirect.gather [hbm4b:s11+s12], $0x10, s21, s12, $0xb8;
	[tilespmem:$0x17780] =	vst v63  }
0x66: {  	_ =	swait.ge [sflag:s15], $0x8000  }
0x67: {  	[sflag:s15] =	ssyncset.done $0x0  }
0x68: {  	[sflag:s15] =	ssyncadd.s32 $0xFFFF8000  }
0x69: {  	[spmem:s2] =	stream.indirect.scatter.add.f32 [tilespmem:s13], [sflag:$0x3], $0x10, s22, s12, $0xb8;
	[tilespmem:$0x17780] =	vst v63  }
0x6a: {  	_ =	swait.ge [sflag:s16], $0x8000  }
0x6b: {  	[sflag:s16] =	ssyncset.done $0x0  }
0x6c: {  	[sflag:s16] =	ssyncadd.s32 $0xFFFF8000  }
0x6d: {  	[tilespmem:s13], [sflag:$0x1] =	stream.indirect.gather [hbm4b:s11+s12], $0x10, s23, s12, $0xb8;
	[tilespmem:$0x17780] =	vst v63  }
0x6e: {  	_ =	swait.ge [sflag:s18], $0x8000  }
0x6f: {  	[sflag:s18] =	ssyncset.done $0x0  }
0x70: {  	[sflag:s18] =	ssyncadd.s32 $0xFFFF8000  }
0x71: {  	[spmem:s2] =	stream.indirect.scatter.add.f32 [tilespmem:s14], [sflag:$0x4], $0x10, s24, s12, $0xb8;
	[tilespmem:$0x17780] =	vst v63  }
0x72: {  	_ =	swait.ge [sflag:s20], $0x8000  }
0x73: {  	[sflag:s20] =	ssyncset.done $0x0  }
0x74: {  	[sflag:s20] =	ssyncadd.s32 $0xFFFF8000  }
0x75: {  	_ =	swait.ge [sflag:s15], $0x8000  }
0x76: {  	[sflag:s15] =	ssyncset.done $0x0  }
0x77: {  	[sflag:s15] =	ssyncadd.s32 $0xFFFF8000  }
0x78: {  	[spmem:s2] =	stream.indirect.scatter.add.f32 [tilespmem:s13], [sflag:$0x3], $0x10, s25, s12, $0xb8;
	[tilespmem:$0x17780] =	vst v63  }
0x79: {  	_ =	swait.ge [sflag:s16], $0x8000  }
0x7a: {  	[sflag:s16] =	ssyncset.done $0x0  }
.Ltmp1:
0x7b: {  	[sflag:s16] =	ssyncadd.s32 $0xFFFF8000;
	(pc) =	sbr.rel @p0 .LBB2_1-.Ltmp1, $4  }
0x7c: {  	[bflag:$0x0] =	sbarrier.arrive $0xFFFF  }
0x7d: {  	[hbm:s26], [sflag:s5] =	dma.local [spmem:s7], $0x4F0  }
0x7e: {  	_ =	swait.ge [sflag:s6], $0x4F0  }
0x7f: {  	[sflag:s6] =	ssyncset.done $0x0  }
.LBB2_2:
0x80: {  	[sflag:s6] =	ssyncadd.s32 $0xFFFFFB10  }
0x81: {  	_ =	sfence.sel $0x180000  }
0x82: {  	[bflag:$0x0] =	sbarrier.arrive $0xFFFF  }
0x83: {  	p0 =	sne.s32 s1, $0x0;
	_ =	strace $0x90000053  }
0x84: {  	s0 =	sadd.s32 @!p0 $0x100000, s0;
	[bflag:$0x2] =	sbarrier.arrive $0xFFFF  }
0x85: {  	[sflag:s0] =	ssyncadd.tile.s32 @!p0 $0x1;
	_ =	shalt  }
.Lfunc_end2:
_tile_overlayer_lowered:
.L_overlay_start_2:
0x86: {  	(tag) =	ssettag $0x2  }
0x87: {  	s0 =	rddreg [dreg:$0x0];
	s2 =	stileid.u32  }
0x88: {  	s1 =	rddreg [dreg:$0x1];
	p0 =	sne.s32 s2, $0x0  }
0x89: {  	s3 =	rddreg [dreg:$0x2];
	[bflag:$0x3] =	sbarrier.arrive $0xFFFF;
	s2 =	simm.s32 @!p0 $0x1C05  }
0x8a: {  	[timem:s3], [sflag:s2] =	dma.local @!p0 [hbm:s0], s1  }
0x8b: {  	s0 =	simm.s32 @!p0 $0x5  }
0x8c: {  	_ =	swait.ge @!p0 [sflag:s0], s1  }
0x8d: {  	s1 =	ssub.s32 @!p0 $0x0, s1;
	[sflag:s0] =	ssyncset.done @!p0 $0x0  }
0x8e: {  	[sflag:s0] =	ssyncadd.s32 @!p0 s1  }
0x8f: {  	[bflag:$0x3] =	sbarrier.arrive $0xFFFF  }
0x90: {  	_ =	shalt  }

// kernel: kernel.29.cloned.1.call-start
scs
__scs_entry_jumppad:
0x0: {  	(pc) =	sbr.rel $0x88, $3  }
0x1: {  	(tag) =	ssettag $0x0;
	lr =	simm.s32 $0x1  }
0x2: {  	[smem:$0x3F95] =	sst lr;
	_ =	strace $0xD0000000  }
0x3: {  	_ = 	snop  }
0x4: {  	_ = 	snop  }
0x5: {  	_ = 	snop  }
0x6: {  	_ = 	snop  }
0x7: {  	_ = 	snop  }
__scs_overlays_trampoline_lowered:
0x8: {  	[smem:$0x3FA4] =	sst s0  }
0x9: {  	[smem:$0x3FA5] =	sst s1  }
0xa: {  	[smem:$0x3FA6] =	sst s2  }
0xb: {  	[smem:$0x3FA7] =	sst s3  }
0xc: {  	[smem:$0x3FA8] =	sst s4  }
0xd: {  	[smem:$0x3FA9] =	sst s5  }
0xe: {  	[smem:$0x3FAA] =	sst s6  }
0xf: {  	[smem:$0x3FAB] =	sst s7  }
0x10: {  	[smem:$0x3FAC] =	sst s8  }
0x11: {  	[smem:$0x3FAD] =	sst s9;
	s0 =	simm.s32 @!p0 $0x0  }
0x12: {  	s1 =	sld [smem:$0x3F93];
	s0 =	simm.s32 @p0 $0x1  }
0x13: {  	[smem:$0x3FAE] =	sst s0;
	s0 =	simm.s32 @!p1 $0x0  }
0x14: {  	s2 =	sld [smem:$0x3F92];
	s0 =	simm.s32 @p1 $0x1  }
0x15: {  	[smem:$0x3FAF] =	sst s0;
	s0 =	simm.s32 @!p2 $0x0  }
0x16: {  	s3 =	sld [smem:$0x3FDB];
	s0 =	simm.s32 @p2 $0x1  }
0x17: {  	s4 =	simm.s32 $0x1BF5;
	[smem:$0x3FB1] =	sst s0  }
0x18: {  	s0 =	sld [smem:$0x3F94];
	_ =	swait.ge [sflag:s4], $0x0  }
0x19: {  	s7 =	sld [smem:$0x3F95]  }
0x1a: {  	s8 =	sadd.s32 $0xFFFFE003, lr  }
0x1b: {  	s9 =	sadd.s32 $0xFFFFFEF7, lr;
	s5 =	simm.s32 $0xFFFFFFFF;
	p2 =	slt.u32 s8, $0xFFFFF086  }
0x1c: {  	p1 =	slt.u32 s9, $0xF7A;
	s5 =	simm.s32 @!p2 $0x0  }
0x1d: {  	s5 =	simm.s32 @p1 $0x1;
	p0 =	seq.s32 s7, s2  }
0x1e: {  	s7 =	smul.u32 @!p0 $0xF7A, s2;
	p2 =	seq.s32 @!p0 s5, $0x0  }
0x1f: {  	s9 =	smul.u32 $0xF7A, s1;
	s8 =	simm.s32 @!p0 $0x1BF5;
	p2 =	por !p2, p0  }
0x20: {  	[sflag:s8] =	ssyncset.s32 @!p0 $0xFFFFF086;
	s6 =	sadd.s32 @!p0 s3, s7;
	s7 =	simm.s32 @!p0 $0x108  }
0x21: {  	s3 =	sadd.s32 s3, s9;
	s6 =	sadd.s32 @!p0 $0x88, s6;
	s7 =	simm.s32 @p2 $0x1082  }
0x22: {  	[simem:s7], [sflag:s8] =	dma.local @!p0 [hbm:s6], $0xF7A  }
0x23: {  	s9 =	sor.u32 $0xD0000000, s2;
	s6 =	simm.s32 $0x108;
	_ =	swait.ge @!p0 [sflag:s8], $0x0  }
0x24: {  	s3 =	sadd.s32 $0x88, s3;
	s6 =	simm.s32 @!p1 $0x1082;
	[sflag:s4] =	ssyncset.s32 $0xFFFFF086  }
0x25: {  	[simem:s6], [sflag:s4] =	dma.local [hbm:s3], $0xF7A  }
0x26: {  	[smem:$0x3F95] =	sst s1;
	(tag) =	ssettag s2;
	_ =	strace s9  }
0x27: {  	s1 =	sld [smem:$0x3FA5]  }
0x28: {  	s2 =	sld [smem:$0x3FA6]  }
0x29: {  	s4 =	sld [smem:$0x3FA8]  }
0x2a: {  	p0 =	seq.s32 s5, $0x0;
	s5 =	sld [smem:$0x3FA9]  }
0x2b: {  	s6 =	sld [smem:$0x3FAA]  }
0x2c: {  	s7 =	sld [smem:$0x3FAB]  }
0x2d: {  	s3 =	simm.s32 $0x108;
	s8 =	sld [smem:$0x3FAC]  }
0x2e: {  	s3 =	simm.s32 @!p0 $0x1082;
	s9 =	sld [smem:$0x3FAD]  }
0x2f: {  	lr =	sadd.s32 s0, s3;
	s0 =	sld [smem:$0x3FA4]  }
0x30: {  	s3 =	sld [smem:$0x3FA7]  }
0x31: {  	[smem:$0x3FB0] =	sst s10  }
0x32: {  	s10 =	sld [smem:$0x3FAE];
	_ =	sdelay $0x3  }
0x33: {  	p0 =	seq.s32 s10, $0x1;
	s10 =	sld [smem:$0x3FB0];
	_ =	sdelay $0x3  }
0x34: {  	[smem:$0x3FB0] =	sst s10  }
0x35: {  	s10 =	sld [smem:$0x3FAF];
	_ =	sdelay $0x3  }
0x36: {  	p1 =	seq.s32 s10, $0x1;
	s10 =	sld [smem:$0x3FB0];
	_ =	sdelay $0x3  }
0x37: {  	[smem:$0x3FB0] =	sst s10  }
0x38: {  	s10 =	sld [smem:$0x3FB1]  }
0x39: {  	_ = 	snop;
	(pc) =	sbr.ind lr, $3  }
0x3a: {  	_ = 	snop  }
0x3b: {  	_ = 	snop  }
0x3c: {  	p2 =	seq.s32 s10, $0x1;
	s10 =	sld [smem:$0x3FB0]  }
0x3d: {  	_ =	shalt  }
0x3e: {  	_ =	shalt  }
0x3f: {  	_ =	shalt  }
0x40: {  	_ =	shalt  }
0x41: {  	_ =	shalt  }
0x42: {  	_ =	shalt  }
0x43: {  	_ =	shalt  }
0x44: {  	_ =	shalt  }
0x45: {  	_ =	shalt  }
0x46: {  	_ =	shalt  }
0x47: {  	_ =	shalt  }
0x48: {  	_ =	shalt  }
0x49: {  	_ =	shalt  }
0x4a: {  	_ =	shalt  }
0x4b: {  	_ =	shalt  }
0x4c: {  	_ =	shalt  }
0x4d: {  	_ =	shalt  }
0x4e: {  	_ =	shalt  }
0x4f: {  	_ =	shalt  }
0x50: {  	_ =	shalt  }
0x51: {  	_ =	shalt  }
0x52: {  	_ =	shalt  }
0x53: {  	_ =	shalt  }
0x54: {  	_ =	shalt  }
0x55: {  	_ =	shalt  }
0x56: {  	_ =	shalt  }
0x57: {  	_ =	shalt  }
0x58: {  	_ =	shalt  }
0x59: {  	_ =	shalt  }
0x5a: {  	_ =	shalt  }
0x5b: {  	_ =	shalt  }
0x5c: {  	_ =	shalt  }
0x5d: {  	_ =	shalt  }
0x5e: {  	_ =	shalt  }
0x5f: {  	_ =	shalt  }
0x60: {  	_ =	shalt  }
0x61: {  	_ =	shalt  }
0x62: {  	_ =	shalt  }
0x63: {  	_ =	shalt  }
0x64: {  	_ =	shalt  }
0x65: {  	_ =	shalt  }
0x66: {  	_ =	shalt  }
0x67: {  	_ =	shalt  }
0x68: {  	_ =	shalt  }
0x69: {  	_ =	shalt  }
0x6a: {  	_ =	shalt  }
0x6b: {  	_ =	shalt  }
0x6c: {  	_ =	shalt  }
0x6d: {  	_ =	shalt  }
0x6e: {  	_ =	shalt  }
0x6f: {  	_ =	shalt  }
0x70: {  	_ =	shalt  }
0x71: {  	_ =	shalt  }
0x72: {  	_ =	shalt  }
0x73: {  	_ =	shalt  }
0x74: {  	_ =	shalt  }
0x75: {  	_ =	shalt  }
0x76: {  	_ =	shalt  }
0x77: {  	_ =	shalt  }
0x78: {  	_ =	shalt  }
0x79: {  	_ =	shalt  }
0x7a: {  	_ =	shalt  }
0x7b: {  	_ =	shalt  }
0x7c: {  	_ =	shalt  }
0x7d: {  	_ =	shalt  }
0x7e: {  	_ =	shalt  }
0x7f: {  	_ =	shalt  }
0x80: {  	_ =	shalt  }
0x81: {  	_ =	shalt  }
0x82: {  	_ =	shalt  }
0x83: {  	_ =	shalt  }
0x84: {  	_ =	shalt  }
0x85: {  	_ =	shalt  }
0x86: {  	_ =	shalt  }
0x87: {  	_ =	shalt  }
.Lfunc_end0:
.L_simem_size_0:
called_computation.5_lowered:
.L_overlay_start_0:
0x88: {  	s2 =	sld [smem:$0x3FD9]  }
0x89: {  	s3 =	sld [smem:$0x3FFE];
	_ =	sdelay $0x1  }
0x8a: {  	s1 =	srdreg.scid  }
0x8b: {  	s0 =	sand.u32 $0x1, s1  }
0x8c: {  	s17 =	sshll.u32 s0, $0xA;
	s2 =	sadd.s32 s3, s2  }
0x8d: {  	s2 =	sadd.s32 s2, s17  }
0x8e: {  	[smem:$0x3FBC] =	sst s2  }
0x8f: {  	_ = 	snop  }
0x90: {  	s2 =	sld [smem:$0x3FD0];
	(tm) =	ssettm $0x1  }
0x91: {  	s18 =	sld [smem:$0x3FFB];
	_ =	sdelay $0x3  }
0x92: {  	_ =	strace s18  }
0x93: {  	s3 =	sld [smem:$0x3FFC];
	_ =	sdelay $0x3  }
0x94: {  	_ =	strace s3  }
0x95: {  	s3 =	sld [smem:$0x3FFD];
	_ =	sdelay $0x3  }
0x96: {  	_ =	strace s3  }
0x97: {  	_ =	strace $0x8FFFFFFF  }
0x98: {  	s19 =	sld [smem:$0x3FDB];
	_ =	sdelay $0x1  }
0x99: {  	s4 =	simm.s32 $_scs_section_size  }
0x9a: {  	s5 =	simm.s32 $_size__tile_overlayer_lowered;
	s6 =	simm.s32 $_tile_overlayer_lowered  }
0x9b: {  	s22 =	simm.s32 $0x1BFF;
	s21 =	sshll.u32 s6, $0x1;
	s3 =	sadd.s32 s4, s19  }
0x9c: {  	s7 =	simm.s32 $0x0;
	s20 =	sshll.u32 s5, $0x1;
	s5 =	sadd.s32 s21, s3  }
0x9d: {  	[timem:s7], [sflag:s22] =	dma.local [hbm:s5], s20  }
0x9e: {  	_ =	swait.ge [sflag:s22], s20  }
0x9f: {  	s4 =	ssub.s32 $0x0, s20;
	[sflag:s22] =	ssyncset.done $0x0  }
0xa0: {  	[sflag:s22] =	ssyncadd.s32 s4;
	_ =	sdelay $0x1  }
0xa1: {  	s23 =	simm.s32 $0x1B8B  }
0xa2: {  	_ =	swait.ge [sflag:s23], $0x1  }
0xa3: {  	[sflag:s23] =	ssyncset.done $0x0  }
0xa4: {  	s25 =	simm.s32 $0x1B8E;
	s24 =	sld [smem:$0x3FFE];
	[sflag:s23] =	ssyncadd.s32 $0xFFFFFFFF  }
0xa5: {  	s26 =	simm.s32 $execute0_lowered;
	[smem:$0x3FD2] =	sst s25  }
0xa6: {  	s5 =	sshll.u32 s26, $0x1;
	_ =	strace $0x80000055;
	[dreg:$0x1] =	wrdreg $0xFFFFFFFF  }
0xa7: {  	s28 =	simm.s32 $_size_execute0_lowered;
	s3 =	sadd.s32 s3, s5;
	[dreg:$0x0] =	wrdreg $0x0  }
0xa8: {  	s5 =	sshll.u32 s28, $0x1;
	[dreg:$0x2] =	wrdreg s3  }
0xa9: {  	[dreg:$0x3] =	wrdreg s5  }
0xaa: {  	[dreg:$0x4] =	wrdreg $0xC0  }
0xab: {  	_ =	task [dreg:s7], $0x5FFFF  }
0xac: {  	[dreg:$0x1] =	wrdreg $0xFFFFFFFF  }
0xad: {  	[dreg:$0x0] =	wrdreg $0x60  }
0xae: {  	[dreg:$0x2] =	wrdreg s24  }
0xaf: {  	[dreg:$0x3] =	wrdreg s2  }
0xb0: {  	[dreg:$0x4] =	wrdreg $0x150000  }
0xb1: {  	[dreg:$0x5] =	wrdreg $0x9  }
0xb2: {  	_ =	task.clear_ibuf [dreg:s7], $0x6FFFF;
	_ =	strace $0x90000055  }
0xb3: {  	s29 =	simm.s32 $0x9;
	_ =	strace $0x80000057  }
0xb4: {  	_ =	swait.ge [sflag:s29], $0x1  }
0xb5: {  	[sflag:s29] =	ssyncadd.s32 $0xFFFFFFFF  }
0xb6: {  	_ =	strace $0x90000057  }
0xb7: {  	_ =	sfence  }
0xb8: {  	s30 =	sld [smem:$0x0];
	_ =	sdelay $0x2  }
0xb9: {  	s31 =	sshll.u32 s1, $0xD;
	s1 =	sshrl.u32 s1, $0x2  }
0xba: {  	s3 =	sand.u32 $0x4000, s31;
	s1 =	sadd.s32 s1, s30  }
0xbb: {  	s0 =	sor.u32 s3, s0;
	s1 =	sshll.u32 s1, $0x11  }
0xbc: {  	s0 =	sor.u32 s1, s0  }
0xbd: {  	s0 =	sadd.s32 $0x8F2B, s0  }
0xbe: {  	[sflag:s0] =	ssyncadd.remote.s32 $0x1  }
0xbf: {  	_ =	sfence.sel $0xFFFF  }
0xc0: {  	[dreg:$0x0] =	wrdreg $0xFFFFFFFF;
	(pc) =	sbr.abs _section_cstart, $3  }
0xc1: {  	[dreg:$0x1] =	wrdreg $0xFFFFFFFF  }
0xc2: {  	_ =	task.clear_ibuf [dreg:s7], $0x2FFFF;
	_ =	strace $0x9FFFFFFF  }
0xc3: {  	(tm) =	ssettm $0x7FFFFFFF  }
tec
execute0_lowered:
.L_overlay_start_1:
0x0: {  	(tag) =	ssettag $0x1  }
0x1: {  	s26 =	rddreg [dreg:$0x0]  }
0x2: {  	s4 =	rddreg [dreg:$0x1]  }
0x3: {  	s2 =	rddreg [dreg:$0x2]  }
0x4: {  	s0 =	rddreg [dreg:$0x3]  }
0x5: {  	s5 =	srdreg.scid;
	s1 =	stileid.u32  }
0x6: {  	s3 =	simm.s32 $0x0;
	s28 =	sand.u32 $0x1, s5;
	s24 =	sshll.u32 s1, $0x1  }
0x7: {  	s29 =	smul.u32 $0x2780, s1;
	[smem:$0x7FF] =	sst s3;
	s5 =	sor.u32 s28, s24  }
0x8: {  	s30 =	sshll.u32 s1, $0x6;
	_ =	strace $0x80000056;
	s8 =	smul.u32 $0x500, s5  }
0x9: {  	s25 =	sshrl.u32 s29, $0x3;
	s6 =	sadd.s32 s29, s2;
	s5 =	sor.u32 $0x1C05, s30  }
0xa: {  	s4 =	sadd.s32 s4, s25;
	s7 =	sshrl.u32 s6, $0x3;
	s6 =	simm.s32 $0x5  }
0xb: {  	[spmem:s7], [sflag:s5] =	dma.local [hbm:s4], $0x4F0  }
0xc: {  	_ =	swait.ge [sflag:s6], $0x4F0  }
0xd: {  	s9 =	sadd.s32 s8, s26;
	[sflag:s6] =	ssyncset.done $0x0  }
0xe: {  	s8 =	sadd.s32 $0xDA00, s9;
	[sflag:s6] =	ssyncadd.s32 $0xFFFFFB10  }
0xf: {  	[tilespmem:s3], [sflag:$0x5] =	stream.linear.gather [hbm4b:s8+s3], $0x2800, $0x38;
	[tilespmem:$0x17780] =	vst v63  }
0x10: {  	_ =	swait.ge [sflag:s6], $0x2800  }
0x11: {  	[sflag:s6] =	ssyncset.done $0x0  }
0x12: {  	s10 =	simm.s32 $0x2800;
	s9 =	sadd.s32 $0x3A00, s9;
	[sflag:s6] =	ssyncadd.s32 $0xFFFFD800  }
0x13: {  	[tilespmem:s10], [sflag:$0x5] =	stream.linear.gather [hbm4b:s9+s3], $0x2800, $0x38;
	[tilespmem:$0x17780] =	vst v63  }
0x14: {  	_ =	swait.ge [sflag:s6], $0x2800  }
0x15: {  	[sflag:s6] =	ssyncset.done $0x0  }
0x16: {  	s12 =	simm.s32 $0x800;
	[sflag:s6] =	ssyncadd.s32 $0xFFFFD800  }
0x17: {  	s13 =	simm.s32 $0x5000;
	s11 =	sadd.s32 $0x17A00, s26;
	[bflag:$0x0] =	sbarrier.arrive $0xFFFF  }
0x18: {  	[tilespmem:s13], [sflag:$0x1] =	stream.indirect.gather [hbm4b:s11+s12], $0x10, s3, s12, $0xb8;
	[tilespmem:$0x17780] =	vst v63  }
0x19: {  	s14 =	simm.s32 $0xD000;
	s15 =	simm.s32 $0x1  }
0x1a: {  	[tilespmem:s14], [sflag:$0x2] =	stream.indirect.gather [hbm4b:s11+s12], $0x10, s12, s12, $0xb8;
	[tilespmem:$0x17780] =	vst v63  }
0x1b: {  	_ =	swait.ge [sflag:s15], $0x8000  }
0x1c: {  	[sflag:s15] =	ssyncset.done $0x0  }
0x1d: {  	s16 =	simm.s32 $0x3;
	[sflag:s15] =	ssyncadd.s32 $0xFFFF8000  }
0x1e: {  	[spmem:s2] =	stream.indirect.scatter.add.f32 [tilespmem:s13], [sflag:$0x3], $0x10, s10, s12, $0xb8;
	[tilespmem:$0x17780] =	vst v63  }
0x1f: {  	_ =	swait.ge [sflag:s16], $0x8000  }
0x20: {  	[sflag:s16] =	ssyncset.done $0x0  }
0x21: {  	s17 =	simm.s32 $0x1000;
	s18 =	simm.s32 $0x2;
	[sflag:s16] =	ssyncadd.s32 $0xFFFF8000  }
0x22: {  	[tilespmem:s13], [sflag:$0x1] =	stream.indirect.gather [hbm4b:s11+s12], $0x10, s17, s12, $0xb8;
	[tilespmem:$0x17780] =	vst v63  }
0x23: {  	_ =	swait.ge [sflag:s18], $0x8000  }
0x24: {  	[sflag:s18] =	ssyncset.done $0x0  }
0x25: {  	s19 =	simm.s32 $0x3000;
	s20 =	simm.s32 $0x4;
	[sflag:s18] =	ssyncadd.s32 $0xFFFF8000  }
0x26: {  	[spmem:s2] =	stream.indirect.scatter.add.f32 [tilespmem:s14], [sflag:$0x4], $0x10, s19, s12, $0xb8;
	[tilespmem:$0x17780] =	vst v63  }
0x27: {  	_ =	swait.ge [sflag:s20], $0x8000  }
0x28: {  	[sflag:s20] =	ssyncset.done $0x0  }
0x29: {  	s21 =	simm.s32 $0x1800;
	[sflag:s20] =	ssyncadd.s32 $0xFFFF8000  }
0x2a: {  	[tilespmem:s14], [sflag:$0x2] =	stream.indirect.gather [hbm4b:s11+s12], $0x10, s21, s12, $0xb8;
	[tilespmem:$0x17780] =	vst v63  }
0x2b: {  	_ =	swait.ge [sflag:s15], $0x8000  }
0x2c: {  	[sflag:s15] =	ssyncset.done $0x0  }
0x2d: {  	s22 =	simm.s32 $0x3800;
	[sflag:s15] =	ssyncadd.s32 $0xFFFF8000  }
0x2e: {  	[spmem:s2] =	stream.indirect.scatter.add.f32 [tilespmem:s13], [sflag:$0x3], $0x10, s22, s12, $0xb8;
	[tilespmem:$0x17780] =	vst v63  }
0x2f: {  	_ =	swait.ge [sflag:s16], $0x8000  }
0x30: {  	[sflag:s16] =	ssyncset.done $0x0  }
0x31: {  	s23 =	simm.s32 $0x2000;
	[sflag:s16] =	ssyncadd.s32 $0xFFFF8000  }
0x32: {  	[tilespmem:s13], [sflag:$0x1] =	stream.indirect.gather [hbm4b:s11+s12], $0x10, s23, s12, $0xb8;
	[tilespmem:$0x17780] =	vst v63  }
0x33: {  	_ =	swait.ge [sflag:s18], $0x8000  }
0x34: {  	[sflag:s18] =	ssyncset.done $0x0  }
0x35: {  	s24 =	simm.s32 $0x4000;
	[sflag:s18] =	ssyncadd.s32 $0xFFFF8000  }
0x36: {  	[spmem:s2] =	stream.indirect.scatter.add.f32 [tilespmem:s14], [sflag:$0x4], $0x10, s24, s12, $0xb8;
	[tilespmem:$0x17780] =	vst v63  }
0x37: {  	_ =	swait.ge [sflag:s20], $0x8000  }
0x38: {  	[sflag:s20] =	ssyncset.done $0x0  }
0x39: {  	[sflag:s20] =	ssyncadd.s32 $0xFFFF8000  }
0x3a: {  	s30 =	smul.u32 $0x27800, s28;
	s28 =	ssub.s32 $0x2, s28;
	_ =	swait.ge [sflag:s15], $0x8000  }
0x3b: {  	s31 =	sshrl.u32 s28, $0x1;
	[sflag:s15] =	ssyncset.done $0x0  }
0x3c: {  	s25 =	simm.s32 $0x4800;
	s28 =	ssub.s32 s28, s31;
	[sflag:s15] =	ssyncadd.s32 $0xFFFF8000  }
0x3d: {  	[spmem:s2] =	stream.indirect.scatter.add.f32 [tilespmem:s13], [sflag:$0x3], $0x10, s25, s12, $0xb8;
	[tilespmem:$0x17780] =	vst v63  }
0x3e: {  	s29 =	sadd.s32 s29, s30;
	s28 =	smax.u32 s28, $0x1;
	_ =	swait.ge [sflag:s16], $0x8000  }
0x3f: {  	s29 =	sshrl.u32 s29, $0x3;
	p0 =	sne.s32 s28, $0x1;
	[sflag:s16] =	ssyncset.done $0x0  }
.Ltmp0:
0x40: {  	s26 =	sadd.s32 s29, s26;
	[sflag:s16] =	ssyncadd.s32 $0xFFFF8000;
	(pc) =	sbr.rel @!p0 .LBB2_2-.Ltmp0, $4  }
0x41: {  	s26 =	sadd.s32 $0x1CA00, s26;
	[bflag:$0x0] =	sbarrier.arrive $0xFFFF  }
0x42: {  	[hbm:s26], [sflag:s5] =	dma.local [spmem:s7], $0x4F0  }
0x43: {  	_ =	swait.ge [sflag:s6], $0x4F0  }
0x44: {  	s28 =	sadd.s32 $0xFFFFFFFF, s28;
	[sflag:s6] =	ssyncset.done $0x0  }
.LBB2_1:
0x45: {  	p0 =	sne.s32 s28, $0x1;
	s28 =	sadd.s32 $0xFFFFFFFF, s28;
	[sflag:s6] =	ssyncadd.s32 $0xFFFFFB10  }
0x46: {  	[spmem:s7], [sflag:s5] =	dma.local [hbm:s4], $0x4F0  }
0x47: {  	_ =	swait.ge [sflag:s6], $0x4F0  }
0x48: {  	[sflag:s6] =	ssyncset.done $0x0  }
0x49: {  	[sflag:s6] =	ssyncadd.s32 $0xFFFFFB10  }
0x4a: {  	[tilespmem:s3], [sflag:$0x5] =	stream.linear.gather [hbm4b:s8+s3], $0x2800, $0x38;
	[tilespmem:$0x17780] =	vst v63  }
0x4b: {  	_ =	swait.ge [sflag:s6], $0x2800  }
0x4c: {  	[sflag:s6] =	ssyncset.done $0x0  }
0x4d: {  	[sflag:s6] =	ssyncadd.s32 $0xFFFFD800  }
0x4e: {  	[tilespmem:s10], [sflag:$0x5] =	stream.linear.gather [hbm4b:s9+s3], $0x2800, $0x38;
	[tilespmem:$0x17780] =	vst v63  }
0x4f: {  	_ =	swait.ge [sflag:s6], $0x2800  }
0x50: {  	[sflag:s6] =	ssyncset.done $0x0  }
0x51: {  	[sflag:s6] =	ssyncadd.s32 $0xFFFFD800  }
0x52: {  	[bflag:$0x0] =	sbarrier.arrive $0xFFFF  }
0x53: {  	[tilespmem:s13], [sflag:$0x1] =	stream.indirect.gather [hbm4b:s11+s12], $0x10, s3, s12, $0xb8;
	[tilespmem:$0x17780] =	vst v63  }
0x54: {  	_ = 	snop  }
0x55: {  	[tilespmem:s14], [sflag:$0x2] =	stream.indirect.gather [hbm4b:s11+s12], $0x10, s12, s12, $0xb8;
	[tilespmem:$0x17780] =	vst v63  }
0x56: {  	_ =	swait.ge [sflag:s15], $0x8000  }
0x57: {  	[sflag:s15] =	ssyncset.done $0x0  }
0x58: {  	[sflag:s15] =	ssyncadd.s32 $0xFFFF8000  }
0x59: {  	[spmem:s2] =	stream.indirect.scatter.add.f32 [tilespmem:s13], [sflag:$0x3], $0x10, s10, s12, $0xb8;
	[tilespmem:$0x17780] =	vst v63  }
0x5a: {  	_ =	swait.ge [sflag:s16], $0x8000  }
0x5b: {  	[sflag:s16] =	ssyncset.done $0x0  }
0x5c: {  	[sflag:s16] =	ssyncadd.s32 $0xFFFF8000  }
0x5d: {  	[tilespmem:s13], [sflag:$0x1] =	stream.indirect.gather [hbm4b:s11+s12], $0x10, s17, s12, $0xb8;
	[tilespmem:$0x17780] =	vst v63  }
0x5e: {  	_ =	swait.ge [sflag:s18], $0x8000  }
0x5f: {  	[sflag:s18] =	ssyncset.done $0x0  }
0x60: {  	[sflag:s18] =	ssyncadd.s32 $0xFFFF8000  }
0x61: {  	[spmem:s2] =	stream.indirect.scatter.add.f32 [tilespmem:s14], [sflag:$0x4], $0x10, s19, s12, $0xb8;
	[tilespmem:$0x17780] =	vst v63  }
0x62: {  	_ =	swait.ge [sflag:s20], $0x8000  }
0x63: {  	[sflag:s20] =	ssyncset.done $0x0  }
0x64: {  	[sflag:s20] =	ssyncadd.s32 $0xFFFF8000  }
0x65: {  	[tilespmem:s14], [sflag:$0x2] =	stream.indirect.gather [hbm4b:s11+s12], $0x10, s21, s12, $0xb8;
	[tilespmem:$0x17780] =	vst v63  }
0x66: {  	_ =	swait.ge [sflag:s15], $0x8000  }
0x67: {  	[sflag:s15] =	ssyncset.done $0x0  }
0x68: {  	[sflag:s15] =	ssyncadd.s32 $0xFFFF8000  }
0x69: {  	[spmem:s2] =	stream.indirect.scatter.add.f32 [tilespmem:s13], [sflag:$0x3], $0x10, s22, s12, $0xb8;
	[tilespmem:$0x17780] =	vst v63  }
0x6a: {  	_ =	swait.ge [sflag:s16], $0x8000  }
0x6b: {  	[sflag:s16] =	ssyncset.done $0x0  }
0x6c: {  	[sflag:s16] =	ssyncadd.s32 $0xFFFF8000  }
0x6d: {  	[tilespmem:s13], [sflag:$0x1] =	stream.indirect.gather [hbm4b:s11+s12], $0x10, s23, s12, $0xb8;
	[tilespmem:$0x17780] =	vst v63  }
0x6e: {  	_ =	swait.ge [sflag:s18], $0x8000  }
0x6f: {  	[sflag:s18] =	ssyncset.done $0x0  }
0x70: {  	[sflag:s18] =	ssyncadd.s32 $0xFFFF8000  }
0x71: {  	[spmem:s2] =	stream.indirect.scatter.add.f32 [tilespmem:s14], [sflag:$0x4], $0x10, s24, s12, $0xb8;
	[tilespmem:$0x17780] =	vst v63  }
0x72: {  	_ =	swait.ge [sflag:s20], $0x8000  }
0x73: {  	[sflag:s20] =	ssyncset.done $0x0  }
0x74: {  	[sflag:s20] =	ssyncadd.s32 $0xFFFF8000  }
0x75: {  	_ =	swait.ge [sflag:s15], $0x8000  }
0x76: {  	[sflag:s15] =	ssyncset.done $0x0  }
0x77: {  	[sflag:s15] =	ssyncadd.s32 $0xFFFF8000  }
0x78: {  	[spmem:s2] =	stream.indirect.scatter.add.f32 [tilespmem:s13], [sflag:$0x3], $0x10, s25, s12, $0xb8;
	[tilespmem:$0x17780] =	vst v63  }
0x79: {  	_ =	swait.ge [sflag:s16], $0x8000  }
0x7a: {  	[sflag:s16] =	ssyncset.done $0x0  }
.Ltmp1:
0x7b: {  	[sflag:s16] =	ssyncadd.s32 $0xFFFF8000;
	(pc) =	sbr.rel @p0 .LBB2_1-.Ltmp1, $4  }
0x7c: {  	[bflag:$0x0] =	sbarrier.arrive $0xFFFF  }
0x7d: {  	[hbm:s26], [sflag:s5] =	dma.local [spmem:s7], $0x4F0  }
0x7e: {  	_ =	swait.ge [sflag:s6], $0x4F0  }
0x7f: {  	[sflag:s6] =	ssyncset.done $0x0  }
.LBB2_2:
0x80: {  	[sflag:s6] =	ssyncadd.s32 $0xFFFFFB10  }
0x81: {  	_ =	sfence.sel $0x180000  }
0x82: {  	[bflag:$0x0] =	sbarrier.arrive $0xFFFF  }
0x83: {  	p0 =	sne.s32 s1, $0x0;
	_ =	strace $0x90000056  }
0x84: {  	s0 =	sadd.s32 @!p0 $0x100000, s0;
	[bflag:$0x2] =	sbarrier.arrive $0xFFFF  }
0x85: {  	[sflag:s0] =	ssyncadd.tile.s32 @!p0 $0x1;
	_ =	shalt  }
.Lfunc_end2:
_tile_overlayer_lowered:
.L_overlay_start_2:
0x86: {  	(tag) =	ssettag $0x2  }
0x87: {  	s0 =	rddreg [dreg:$0x0];
	s2 =	stileid.u32  }
0x88: {  	s1 =	rddreg [dreg:$0x1];
	p0 =	sne.s32 s2, $0x0  }
0x89: {  	s3 =	rddreg [dreg:$0x2];
	[bflag:$0x3] =	sbarrier.arrive $0xFFFF;
	s2 =	simm.s32 @!p0 $0x1C05  }
0x8a: {  	[timem:s3], [sflag:s2] =	dma.local @!p0 [hbm:s0], s1  }
0x8b: {  	s0 =	simm.s32 @!p0 $0x5  }
0x8c: {  	_ =	swait.ge @!p0 [sflag:s0], s1  }
0x8d: {  	s1 =	ssub.s32 @!p0 $0x0, s1;
	[sflag:s0] =	ssyncset.done @!p0 $0x0  }
0x8e: {  	[sflag:s0] =	ssyncadd.s32 @!p0 s1  }
0x8f: {  	[bflag:$0x3] =	sbarrier.arrive $0xFFFF  }
0x90: {  	_ =	shalt  }

</sc_bundles>
